<compile_context>
chip_gen: v7x
topology: tpu7x:2x2x1
jax: 0.10.2.dev20260603
libtpu: 0.0.44.dev20260713+nightly
codegen_flags: <defaults>
</compile_context>

<pallas_src>
import functools

import jax
import jax.numpy as jnp
from jax import lax
from jax.experimental import pallas as pl
from jax.experimental.pallas import tpu as pltpu
from jax.experimental.pallas import tpu_sc as plsc

N = 10000
E = 320000
F = 128
H = 32
G = 64
K = 50
NITER = 3

NC = 2
NS = 16
NW = NC * NS
LANES = 16

NPAD = 10240
CH = 128
NCHUNK = 79
EPT = CH * NCHUNK
EPAD = EPT * NW
TRASH = N

RT = 256
NRT = NPAD // RT

PSLOT = G * K
PROWS = PSLOT * 3
PTRASH = PROWS
PSP = PROWS + LANES

@functools.cache
def _sc_kernels():
    mesh = plsc.VectorSubcoreMesh(
        core_axis_name="c", subcore_axis_name="s",
        num_cores=NC, num_subcores=NS)
    params = pltpu.CompilerParams(use_tc_tiling_on_sc=False)
    deg_k = functools.partial(
        pl.kernel,
        out_type=(
            jax.ShapeDtypeStruct((EPAD,), jnp.int32),
            jax.ShapeDtypeStruct((NC, NPAD), jnp.float32),
        ),
        mesh=mesh,
        scratch_types=[
            pltpu.VMEM((1, CH), jnp.int32),
            pltpu.VMEM((1, CH), jnp.int32),
            pltpu.VMEM((1, CH), jnp.float32),
            pltpu.VMEM_SHARED((NPAD,), jnp.float32),
        ],
        compiler_params=params,
    )(_sc_deg_body)
    prop_k = functools.partial(
        pl.kernel,
        out_type=jax.ShapeDtypeStruct((NC, NPAD, H), jnp.float32),
        mesh=mesh,
        scratch_types=[
            pltpu.VMEM((1, CH), jnp.int32),
            pltpu.VMEM((1, CH), jnp.int32),
            pltpu.VMEM((CH, H), jnp.float32),
            pltpu.VMEM_SHARED((NPAD, H), jnp.float32),
            pltpu.SemaphoreType.DMA,
        ],
        compiler_params=params,
    )(_sc_prop_body)
    pool_k = functools.partial(
        pl.kernel,
        out_type=jax.ShapeDtypeStruct((NC, PROWS, H), jnp.float32),
        mesh=mesh,
        scratch_types=[
            pltpu.VMEM((1, 80), jnp.int32),
            pltpu.VMEM((1, 80), jnp.int32),
            pltpu.VMEM((80, H), jnp.float32),
            pltpu.VMEM_SHARED((PSP, H), jnp.float32),
        ],
        compiler_params=params,
    )(_sc_pool_body)
    return deg_k, prop_k, pool_k


def _sc_deg(src, dst, zeros1):
    return _sc_kernels()[0](src, dst, zeros1)


def _sc_prop(hp, src, dstm, zeros2):
    return _sc_kernels()[1](hp, src, dstm, zeros2)


def _sc_pool(x1, x2, x3, bpad, rank, zeros2):
    return _sc_kernels()[2](x1, x2, x3, bpad, rank, zeros2)


def _sc_deg_body(src_hbm, dst_hbm, zeros1_hbm, dstm_hbm, deg_hbm,
                 sbuf, dbuf, ones, deg_sp):
    cid = lax.axis_index("c")
    sid = lax.axis_index("s")
    wid = sid * NC + cid
    pltpu.sync_copy(zeros1_hbm.at[pl.ds(sid * (NPAD // NS), NPAD // NS)],
                    deg_sp.at[pl.ds(sid * (NPAD // NS), NPAD // NS)])
    for g in range(CH // LANES):
        ones[0, pl.ds(g * LANES, LANES)] = jnp.ones((LANES,), jnp.float32)
    plsc.subcore_barrier()

    def body(j, carry):
        base = wid * EPT + j * CH
        pltpu.sync_copy(src_hbm.at[pl.ds(base, CH)], sbuf.at[0])
        pltpu.sync_copy(dst_hbm.at[pl.ds(base, CH)], dbuf.at[0])
        for g in range(CH // LANES):
            s = sbuf[0, pl.ds(g * LANES, LANES)]
            d = dbuf[0, pl.ds(g * LANES, LANES)]
            dbuf[0, pl.ds(g * LANES, LANES)] = jnp.where(
                s == d, jnp.full((LANES,), TRASH, jnp.int32), d)
        pltpu.sync_copy(dbuf.at[0], dstm_hbm.at[pl.ds(base, CH)])
        pltpu.sync_copy(ones.at[0], deg_sp.at[dbuf.at[0]], add=True)
        return carry

    lax.fori_loop(0, NCHUNK, body, 0)
    plsc.subcore_barrier()
    rpt = NPAD // NS
    pltpu.sync_copy(deg_sp.at[pl.ds(sid * rpt, rpt)],
                    deg_hbm.at[cid, pl.ds(sid * rpt, rpt)])


def _sc_prop_body(hp_hbm, src_hbm, dstm_hbm, zeros2_hbm, agg_hbm,
                  sbuf, dbuf, rows, acc_sp, sem):
    cid = lax.axis_index("c")
    sid = lax.axis_index("s")
    wid = sid * NC + cid
    rpt = NPAD // NS
    pltpu.sync_copy(zeros2_hbm.at[pl.ds(sid * rpt, rpt)],
                    acc_sp.at[pl.ds(sid * rpt, rpt)])
    plsc.subcore_barrier()

    def body(j, carry):
        base = wid * EPT + j * CH
        pltpu.sync_copy(src_hbm.at[pl.ds(base, CH)], sbuf.at[0])
        pltpu.sync_copy(dstm_hbm.at[pl.ds(base, CH)], dbuf.at[0])
        pltpu.async_copy(hp_hbm.at[sbuf.at[0]], rows, sem).wait()
        pltpu.sync_copy(rows, acc_sp.at[dbuf.at[0]], add=True)
        return carry

    lax.fori_loop(0, NCHUNK, body, 0)
    plsc.subcore_barrier()
    pltpu.sync_copy(acc_sp.at[pl.ds(sid * rpt, rpt)],
                    agg_hbm.at[cid, pl.ds(sid * rpt, rpt)])


def _sc_pool_body(x1_hbm, x2_hbm, x3_hbm, batch_hbm, rank_hbm, zeros2_hbm,
                  pooled_hbm, bbuf, ibuf, rows, pool_sp):
    cid = lax.axis_index("c")
    sid = lax.axis_index("s")
    wid = sid * NC + cid
    rpt = PROWS // NS
    pltpu.sync_copy(zeros2_hbm.at[pl.ds(sid * rpt, rpt)],
                    pool_sp.at[pl.ds(sid * rpt, rpt)])
    plsc.subcore_barrier()

    npt = NPAD // NW
    for c in range(4):
        base = wid * npt + c * 80
        pltpu.sync_copy(batch_hbm.at[pl.ds(base, 80)], bbuf.at[0])
        pltpu.sync_copy(rank_hbm.at[pl.ds(base, 80)], ibuf.at[0])
        for g in range(5):
            b = bbuf[0, pl.ds(g * LANES, LANES)]
            r = ibuf[0, pl.ds(g * LANES, LANES)]
            node = base + g * LANES + lax.iota(jnp.int32, LANES)
            ok = (r < K) & (node < N)
            slot3 = jnp.where(ok, (r * G + b) * 3,
                              jnp.full((LANES,), PTRASH, jnp.int32))
            ibuf[0, pl.ds(g * LANES, LANES)] = slot3
        for p, tab in ((0, x1_hbm), (1, x2_hbm), (2, x3_hbm)):
            pltpu.sync_copy(tab.at[pl.ds(base, 80)], rows)
            if p:
                for g in range(5):
                    ibuf[0, pl.ds(g * LANES, LANES)] = (
                        ibuf[0, pl.ds(g * LANES, LANES)] + 1)
            pltpu.sync_copy(rows, pool_sp.at[ibuf.at[0]], add=True)
    plsc.subcore_barrier()
    pltpu.sync_copy(pool_sp.at[pl.ds(sid * rpt, rpt)],
                    pooled_hbm.at[cid, pl.ds(sid * rpt, rpt)])


def _tc_pre_body(x_ref, w_ref, d0_ref, d1_ref, h_ref, hp_ref, dis_ref):
    deg = d0_ref[...] + d1_ref[...] + 1.0
    dis = 1.0 / jnp.sqrt(deg)
    h = jnp.dot(x_ref[...], w_ref[...], preferred_element_type=jnp.float32)
    h_ref[...] = h
    hp_ref[...] = h * dis
    dis_ref[...] = dis


def _tc_combine_body(has_next, a0_ref, a1_ref, h_ref, dis_ref, b_ref, wn_ref,
                     *out_refs):
    dis = dis_ref[...]
    agg = a0_ref[...] + a1_ref[...]
    xl = jnp.tanh(agg * dis + h_ref[...] * (dis * dis) + b_ref[...])
    out_refs[0][...] = xl
    if has_next:
        hn = jnp.dot(xl, wn_ref[...], preferred_element_type=jnp.float32)
        out_refs[1][...] = hn
        out_refs[2][...] = hn * dis


def _tc_rank_body(kcol_ref, bcol_ref, k2d_ref, b2d_ref, jlo_ref, jhi_ref,
                  rank_ref):
    i = pl.program_id(0)
    kcol = kcol_ref[...]
    bcol = bcol_ref[...]
    icol = (i * RT + lax.broadcasted_iota(jnp.int32, (RT, 1), 0))

    def body(j, acc):
        krow = k2d_ref[pl.ds(j, 1), :]
        brow = b2d_ref[pl.ds(j, 1), :]
        jrow = j * RT + lax.broadcasted_iota(jnp.int32, (1, RT), 1)
        beq = bcol == brow
        ahead = (krow > kcol) | ((krow == kcol) & (jrow < icol))
        cnt = jnp.sum((beq & ahead).astype(jnp.int32), axis=1, keepdims=True)
        return acc + cnt

    acc0 = jnp.zeros((RT, 1), jnp.int32)
    rank_ref[...] = lax.fori_loop(jlo_ref[i], jhi_ref[i], body, acc0)


def _tc_priors1_body(p0_ref, p1_ref, w1_ref, out_ref, ssum_ref):
    i = pl.program_id(0)
    u = p0_ref[0] + p1_ref[0]
    p = jnp.dot(u, w1_ref[0], preferred_element_type=jnp.float32,
                precision=lax.Precision.HIGHEST)
    out_ref[0] = p

    @pl.when(i == 0)
    def _():
        ssum_ref[...] = jnp.zeros_like(ssum_ref)

    ssum_ref[...] += p


def _squash_flat(s, m, mt):
    n2 = jnp.dot(s * s, m, preferred_element_type=jnp.float32, precision=lax.Precision.HIGHEST)
    f = (n2 / (1.0 + n2)) / jnp.sqrt(n2 + 1e-16)
    return s * jnp.dot(f, mt, preferred_element_type=jnp.float32, precision=lax.Precision.HIGHEST)


def _softmax(l):
    e = jnp.exp(l - jnp.max(l, axis=-1, keepdims=True))
    return e / jnp.sum(e, axis=-1, keepdims=True)


def _tc_squash_body(scale, ssum_ref, m_ref, mt_ref, out_ref):
    out_ref[...] = _squash_flat(ssum_ref[...] * scale, m_ref[...], mt_ref[...])


def _tc_route_step_body(first, p_ref, lprev_ref, out_prev_ref, m_ref, mt_ref,
                        lnew_ref, ssum_ref):
    i = pl.program_id(0)
    p = p_ref[0]
    d = jnp.dot(p * out_prev_ref[...], m_ref[...],
                preferred_element_type=jnp.float32, precision=lax.Precision.HIGHEST)
    l = d if first else lprev_ref[0] + d
    lnew_ref[0] = l
    probs = _softmax(l)
    contrib = p * jnp.dot(probs, mt_ref[...], preferred_element_type=jnp.float32, precision=lax.Precision.HIGHEST)

    @pl.when(i == 0)
    def _():
        ssum_ref[...] = jnp.zeros_like(ssum_ref)

    ssum_ref[...] += contrib


def _tc_caps2_body(ssum_ref, w2_ref, m_ref, mt_ref, m2_ref, mt2_ref, out_ref):
    u2f = _squash_flat(ssum_ref[...], m_ref[...], mt_ref[...])
    u2 = u2f.reshape(G, 16, H)
    pr2 = []
    for i in range(16):
        pr2.append(jnp.dot(u2[:, i, :], w2_ref[i],
                           preferred_element_type=jnp.float32, precision=lax.Precision.HIGHEST))
    p2 = jnp.stack(pr2)
    m2 = m2_ref[...]
    mt2 = mt2_ref[...]
    logits = jnp.zeros((16, G, 10), jnp.float32)
    out = None
    for it in range(NITER):
        probs = _softmax(logits)
        pe = jnp.dot(probs.reshape(16 * G, 10), mt2,
                     preferred_element_type=jnp.float32, precision=lax.Precision.HIGHEST).reshape(16, G, 160)
        s = jnp.sum(pe * p2, axis=0)
        out = _squash_flat(s, m2, mt2)
        if it != NITER - 1:
            d = jnp.dot((p2 * out[None]).reshape(16 * G, 160), m2,
                        preferred_element_type=jnp.float32, precision=lax.Precision.HIGHEST)
            logits = logits + d.reshape(16, G, 10)
    out_ref[...] = jnp.sqrt(jnp.dot(out * out, m2_ref[...],
                                    preferred_element_type=jnp.float32, precision=lax.Precision.HIGHEST))


def _row_spec(cols):
    return pl.BlockSpec((RT, cols), lambda i: (i, 0))


def _full_spec():
    return pl.BlockSpec(memory_space=pltpu.ANY)


def kernel(x, edge_index, batch, W1, b1, W2, b2, W3, b3, Wc1, Wc2):
    f32 = jnp.float32
    src = jnp.concatenate([edge_index[0],
                           jnp.full((EPAD - E,), TRASH, jnp.int32)])
    dst = jnp.concatenate([edge_index[1],
                           jnp.full((EPAD - E,), TRASH, jnp.int32)])
    zeros1 = jnp.zeros((NPAD,), f32)
    zeros2 = jnp.zeros((NPAD, H), f32)
    xpad = jnp.zeros((NPAD, F), f32).at[:N].set(x)
    bpad = jnp.concatenate([batch, jnp.full((NPAD - N,), 1 << 20, jnp.int32)])

    dstm, deg = _sc_deg(src, dst, zeros1)

    h1, h1p, dis = pl.pallas_call(
        _tc_pre_body,
        grid=(NRT,),
        in_specs=[_row_spec(F),
                  pl.BlockSpec((F, H), lambda i: (0, 0)),
                  _row_spec(1), _row_spec(1)],
        out_specs=[_row_spec(H), _row_spec(H), _row_spec(1)],
        out_shape=[jax.ShapeDtypeStruct((NPAD, H), f32),
                   jax.ShapeDtypeStruct((NPAD, H), f32),
                   jax.ShapeDtypeStruct((NPAD, 1), f32)],
    )(xpad, W1, deg[0][:, None], deg[1][:, None])

    def combine(agg, h, b, wn, has_next):
        outs = [jax.ShapeDtypeStruct((NPAD, H), f32)]
        out_specs = [_row_spec(H)]
        if has_next:
            outs += [jax.ShapeDtypeStruct((NPAD, H), f32),
                     jax.ShapeDtypeStruct((NPAD, H), f32)]
            out_specs += [_row_spec(H), _row_spec(H)]
        res = pl.pallas_call(
            functools.partial(_tc_combine_body, has_next),
            grid=(NRT,),
            in_specs=[_row_spec(H), _row_spec(H), _row_spec(H), _row_spec(1),
                      pl.BlockSpec((1, H), lambda i: (0, 0)),
                      pl.BlockSpec((H, H), lambda i: (0, 0))],
            out_specs=out_specs,
            out_shape=outs,
        )(agg[0], agg[1], h, dis, b[None, :], wn)
        return res if has_next else (res[0], None, None)

    agg1 = _sc_prop(h1p, src, dstm, zeros2)
    x1, h2, h2p = combine(agg1, h1, b1, W2, True)
    agg2 = _sc_prop(h2p, src, dstm, zeros2)
    x2, h3, h3p = combine(agg2, h2, b2, W3, True)
    agg3 = _sc_prop(h3p, src, dstm, zeros2)
    x3, _, _ = combine(agg3, h3, b3, W3, False)

    keys = x3[:, H - 1]
    k2d = keys.reshape(NRT, RT)
    b2d = bpad.reshape(NRT, RT)
    blo = bpad[::RT]
    bhi = bpad[RT - 1::RT]
    jlo = (jnp.searchsorted(bpad, blo, side="left") // RT).astype(jnp.int32)
    jhi = (-(-jnp.searchsorted(bpad, bhi, side="right") // RT)).astype(
        jnp.int32)
    rank = pl.pallas_call(
        _tc_rank_body,
        grid=(NRT,),
        in_specs=[_row_spec(1), _row_spec(1),
                  pl.BlockSpec((NRT, RT), lambda i: (0, 0)),
                  pl.BlockSpec((NRT, RT), lambda i: (0, 0)),
                  pl.BlockSpec(memory_space=pltpu.SMEM),
                  pl.BlockSpec(memory_space=pltpu.SMEM)],
        out_specs=_row_spec(1),
        out_shape=jax.ShapeDtypeStruct((NPAD, 1), jnp.int32),
    )(keys[:, None], bpad[:, None], k2d, b2d, jlo, jhi)

    pooled = _sc_pool(x1, x2, x3, bpad, rank[:, 0], zeros2)

    w1r = jnp.transpose(Wc1, (1, 3, 0, 2)).reshape(K, 96, 512)
    w2r = jnp.transpose(Wc2, (1, 3, 0, 2)).reshape(16, H, 160)
    p0 = pooled[0].reshape(K, G, 96)
    p1 = pooled[1].reshape(K, G, 96)
    m1 = jnp.kron(jnp.eye(16, dtype=f32), jnp.ones((H, 1), f32))
    m2 = jnp.kron(jnp.eye(10, dtype=f32), jnp.ones((16, 1), f32))
    mt1 = m1.T
    mt2 = m2.T

    pblk = pl.BlockSpec((1, G, 512), lambda i: (i, 0, 0))
    lblk = pl.BlockSpec((1, G, 16), lambda i: (i, 0, 0))
    sblk = pl.BlockSpec((G, 512), lambda i: (0, 0))
    mspec = pl.BlockSpec((512, 16), lambda i: (0, 0))
    mtspec = pl.BlockSpec((16, 512), lambda i: (0, 0))

    priors, ssum0 = pl.pallas_call(
        _tc_priors1_body,
        grid=(K,),
        in_specs=[pl.BlockSpec((1, G, 96), lambda i: (i, 0, 0)),
                  pl.BlockSpec((1, G, 96), lambda i: (i, 0, 0)),
                  pl.BlockSpec((1, 96, 512), lambda i: (i, 0, 0))],
        out_specs=[pblk, sblk],
        out_shape=[jax.ShapeDtypeStruct((K, G, 512), f32),
                   jax.ShapeDtypeStruct((G, 512), f32)],
    )(p0, p1, w1r)

    def squash_call(ssum, scale):
        return pl.pallas_call(
            functools.partial(_tc_squash_body, scale),
            out_shape=jax.ShapeDtypeStruct((G, 512), f32),
        )(ssum, m1, mt1)

    def route_step(first, lprev, out_prev):
        return pl.pallas_call(
            functools.partial(_tc_route_step_body, first),
            grid=(K,),
            in_specs=[pblk, lblk, sblk, mspec, mtspec],
            out_specs=[lblk, sblk],
            out_shape=[jax.ShapeDtypeStruct((K, G, 16), f32),
                       jax.ShapeDtypeStruct((G, 512), f32)],
        )(priors, lprev, out_prev, m1, mt1)

    out0 = squash_call(ssum0, 1.0 / 16.0)
    l1, ssum1 = route_step(True, jnp.zeros((K, G, 16), f32), out0)
    out1 = squash_call(ssum1, 1.0)
    _, ssum2 = route_step(False, l1, out1)
    out = pl.pallas_call(
        _tc_caps2_body,
        out_shape=jax.ShapeDtypeStruct((G, 10), f32),
    )(ssum2, w2r, m1, mt1, m2, mt2)
    return out

# --- scband reference (transcript-rebuilt; emitter-appended) ---
"""Pipeline reference for scband-model-49718541418915 (READ-ONLY COPY).

The authoritative reference and input builder live on the scoring server;
editing this copy changes nothing except your own understanding.
"""

import jax, jax.numpy as jnp
import numpy as np

N_NODES = 10000
N_EDGES = 320000
NUM_FEATURES = 128
NUM_GRAPHS = 64
NUM_CLASSES = 10
NUM_ITERATIONS = 3
K_POOL = 50


def setup_inputs(seed: int = 0):
    key = jax.random.key(seed)
    ks = jax.random.split(key, 12)
    x = jax.random.normal(ks[0], (N_NODES, NUM_FEATURES), dtype=jnp.float32)
    edge_index = jax.random.randint(ks[1], (2, N_EDGES), 0, N_NODES, dtype=jnp.int32)
    batch = jnp.sort(jax.random.randint(ks[2], (N_NODES,), 0, NUM_GRAPHS, dtype=jnp.int32))
    W1 = jax.random.normal(ks[3], (NUM_FEATURES, 32), dtype=jnp.float32) * 0.08
    b1 = jnp.zeros((32,), jnp.float32)
    W2 = jax.random.normal(ks[4], (32, 32), dtype=jnp.float32) * 0.17
    b2 = jnp.zeros((32,), jnp.float32)
    W3 = jax.random.normal(ks[5], (32, 32), dtype=jnp.float32) * 0.17
    b3 = jnp.zeros((32,), jnp.float32)
    Wc1 = jax.random.normal(ks[6], (16, K_POOL, 32, 96), dtype=jnp.float32) * 0.05
    Wc2 = jax.random.normal(ks[7], (NUM_CLASSES, 16, 16, 32), dtype=jnp.float32) * 0.05
    return {"x": x, "edge_index": edge_index, "batch": batch, "W1": W1, "b1": b1, "W2": W2, "b2": b2, "W3": W3, "b3": b3, "Wc1": Wc1, "Wc2": Wc2}


def _gcn(h_in, W, b, src, dst, w, dis):
    # PyG GCNConv: linear transform, then symmetric-normalized propagation with self-loops
    h = h_in @ W
    norm = dis[src] * dis[dst] * w
    out = jnp.zeros_like(h).at[dst].add(h[src] * norm[:, None])
    out = out + h * (dis * dis)[:, None]  # self-loop contribution
    return out + b


def _squash(s):
    n2 = jnp.sum(s * s, axis=-1, keepdims=True)
    return (n2 / (1.0 + n2)) * s / jnp.sqrt(n2 + 1e-16)


def _capsule_linear(u, W, num_iterations):
    # u: [B, in_caps, in_len]; W: [out_caps, in_caps, out_len, in_len] (share_weight=False)
    priors = jnp.einsum('oivl,bil->boiv', W, u)  # [B, out_caps, in_caps, out_len]
    logits = jnp.zeros(priors.shape[:-1], priors.dtype)
    out = None
    for i in range(num_iterations):
        probs = jax.nn.softmax(logits, axis=1)
        s = jnp.sum(probs[..., None] * priors, axis=2)
        out = _squash(s)
        if i != num_iterations - 1:
            logits = logits + jnp.sum(priors * out[:, :, None, :], axis=-1)
    return out


def _global_sort_pool(x, batch, num_graphs, k):
    # Faithful to torch_geometric.nn.global_sort_pool
    N, D = x.shape
    counts = jnp.bincount(batch, length=num_graphs)
    starts = jnp.concatenate([jnp.zeros((1,), counts.dtype), jnp.cumsum(counts)[:-1]])
    perm = jnp.lexsort((-x[:, -1], batch))  # stable per-graph descending sort by last channel
    xs = x[perm]
    bs = batch[perm]
    rank = jnp.arange(N) - starts[bs]
    out = jnp.zeros((num_graphs, k, D), x.dtype).at[bs, rank].set(xs, mode='drop')
    return out.reshape(num_graphs, k * D)


def reference(x, edge_index, batch, W1, b1, W2, b2, W3, b3, Wc1, Wc2):
    N = x.shape[0]
    src, dst = edge_index[0], edge_index[1]
    # remove_self_loops followed by GCNConv's add_self_loops => mask original self-loops
    w = (src != dst).astype(jnp.float32)
    deg = jnp.zeros((N,), jnp.float32).at[dst].add(w) + 1.0
    dis = 1.0 / jnp.sqrt(deg)
    x1 = jnp.tanh(_gcn(x, W1, b1, src, dst, w, dis))
    x2 = jnp.tanh(_gcn(x1, W2, b2, src, dst, w, dis))
    x3 = jnp.tanh(_gcn(x2, W3, b3, src, dst, w, dis))
    xc = jnp.concatenate([x1, x2, x3], axis=-1)
    pooled = _global_sort_pool(xc, batch, NUM_GRAPHS, K_POOL)
    caps = pooled.reshape(NUM_GRAPHS, K_POOL, 96)
    out = _capsule_linear(caps, Wc1, NUM_ITERATIONS)
    out = _capsule_linear(out, Wc2, NUM_ITERATIONS)
    return jnp.linalg.norm(out, axis=-1)

if __name__ == "__main__":
    import jax
    _d = setup_inputs()
    print(jax.jit(kernel)(*tuple(_d.values())))

</pallas_src>

<mosaic_0001>
#map = affine_map<(d0, d1) -> (0, 0)>
#map1 = affine_map<(d0, d1) -> (0)>
#map2 = affine_map<(d0, d1) -> (0, 0, 0)>
module attributes {stable_mosaic.version = 14 : i64} {
  func.func @_sc_prop_body(%arg0: i32, %arg1: i32, %arg2: memref<10240x32xf32, #tpu.memory_space<hbm>>, %arg3: memref<323584xi32, #tpu.memory_space<hbm>>, %arg4: memref<323584xi32, #tpu.memory_space<hbm>>, %arg5: memref<10240x32xf32, #tpu.memory_space<hbm>>, %arg6: memref<2x10240x32xf32, #tpu.memory_space<hbm>>, %arg7: memref<1x128xi32, #tpu.memory_space<vmem>>, %arg8: memref<1x128xi32, #tpu.memory_space<vmem>>, %arg9: memref<128x32xf32, #tpu.memory_space<vmem>>, %arg10: memref<10240x32xf32, #tpu.memory_space<vmem_shared>>, %arg11: memref<!tpu.dma_semaphore, #tpu.memory_space<semaphore_mem>>) attributes {dimension_semantics = [#tpu.dimension_semantics<core_parallel>, #tpu.dimension_semantics<subcore_parallel>], iteration_bounds = array<i64: 2, 16>, scalar_prefetch = 0 : i64, scratch_operands = 5 : i64, tpu.core_type = #tpu.core_type<sc_vector_subcore>, window_params = [{transform_indices = #map}, {transform_indices = #map1}, {transform_indices = #map1}, {transform_indices = #map}, {transform_indices = #map2}]} {
    %mul3A = arith.constant 2 : i32
    %mul3A_0 = arith.muli %arg1, %mul3A : i32
    %add3A = arith.addi %mul3A_0, %arg0 : i32
    %mul3A_1 = arith.constant 640 : i32
    %mul3A_2 = arith.muli %arg1, %mul3A_1 : i32
    %mul3A_3 = arith.constant 640 : i32
    %mul3A_4 = arith.muli %arg1, %mul3A_3 : i32
    "tpu.region"() ({
      %run_scoped3A = tpu.sem_alloc : memref<!tpu.dma_semaphore, #tpu.memory_space<semaphore_mem>>
      %dma_start3A = arith.constant 0 : i32
      %dma_start3A_15 = tpu.memref_slice %arg10[%mul3A_4, %dma_start3A] : memref<10240x32xf32, #tpu.memory_space<vmem_shared>> -> memref<640x32xf32, #tpu.memory_space<vmem_shared>>
      %dma_start3A_16 = arith.constant 0 : i32
      %dma_start3A_17 = tpu.memref_slice %arg5[%mul3A_2, %dma_start3A_16] : memref<10240x32xf32, #tpu.memory_space<hbm>> -> memref<640x32xf32, #tpu.memory_space<hbm>>
      tpu.enqueue_dma source(%dma_start3A_17 : memref<640x32xf32, #tpu.memory_space<hbm>>) target(%dma_start3A_15 : memref<640x32xf32, #tpu.memory_space<vmem_shared>>) target_semaphore(%run_scoped3A : memref<!tpu.dma_semaphore, #tpu.memory_space<semaphore_mem>>)
      %dma_wait3A = arith.constant 0 : i32
      %dma_wait3A_18 = tpu.memref_slice %arg10[%mul3A_4, %dma_wait3A] : memref<10240x32xf32, #tpu.memory_space<vmem_shared>> -> memref<640x32xf32, #tpu.memory_space<vmem_shared>>
      %dma_wait3A_19 = arith.constant 0 : i32
      %dma_wait3A_20 = tpu.memref_slice %arg5[%mul3A_2, %dma_wait3A_19] : memref<10240x32xf32, #tpu.memory_space<hbm>> -> memref<640x32xf32, #tpu.memory_space<hbm>>
      tpu.wait_dma2 semaphore(%run_scoped3A : memref<!tpu.dma_semaphore, #tpu.memory_space<semaphore_mem>>) src(%dma_wait3A_20 : memref<640x32xf32, #tpu.memory_space<hbm>>) dst(%dma_wait3A_18 : memref<640x32xf32, #tpu.memory_space<vmem_shared>>)
      tpu.yield
    }) : () -> ()
    %barrier3A = arith.constant 0 : index
    tpu.barrier barrier_id(%barrier3A)
    %scan3A = arith.constant 0 : i32
    %scan3A_5 = arith.constant 0 : i32
    %scan3A_6 = arith.constant 79 : i32
    %scan3A_7 = arith.addi %scan3A_5, %scan3A_6 : i32
    %scan3A_8 = arith.constant 1 : i32
    scf.for %scan3A_15 = %scan3A_5 to %scan3A_7 step %scan3A_8  : i32 {
      %mul3A_16 = arith.constant 10112 : i32
      %mul3A_17 = arith.muli %add3A, %mul3A_16 : i32
      %mul3A_18 = arith.constant 128 : i32
      %mul3A_19 = arith.muli %scan3A_15, %mul3A_18 : i32
      %add3A_20 = arith.addi %mul3A_17, %mul3A_19 : i32
      %run_scoped3A = arith.constant 0 : i32
      "tpu.region"() ({
        %run_scoped3A_35 = tpu.sem_alloc : memref<!tpu.dma_semaphore, #tpu.memory_space<semaphore_mem>>
        %dma_start3A_36 = arith.constant 0 : i32
        %dma_start3A_37 = tpu.memref_slice %arg7[%run_scoped3A, %dma_start3A_36] : memref<1x128xi32, #tpu.memory_space<vmem>> -> memref<1x128xi32, #tpu.memory_space<vmem>>
        %dma_start3A_38 = tpu.memref_squeeze %dma_start3A_37 : memref<1x128xi32, #tpu.memory_space<vmem>> -> memref<128xi32, #tpu.memory_space<vmem>>
        %dma_start3A_39 = tpu.memref_slice %arg3[%add3A_20] : memref<323584xi32, #tpu.memory_space<hbm>> -> memref<128xi32, #tpu.memory_space<hbm>>
        %dma_start3A_40 = arith.constant 0 : i32
        %dma_start3A_41 = tpu.memref_slice %arg7[%run_scoped3A, %dma_start3A_40] : memref<1x128xi32, #tpu.memory_space<vmem>> -> memref<1x128xi32, #tpu.memory_space<vmem>>
        %dma_start3A_42 = tpu.memref_squeeze %dma_start3A_41 : memref<1x128xi32, #tpu.memory_space<vmem>> -> memref<128xi32, #tpu.memory_space<vmem>>
        %dma_start3A_43 = tpu.memref_slice %arg3[%add3A_20] : memref<323584xi32, #tpu.memory_space<hbm>> -> memref<128xi32, #tpu.memory_space<hbm>>
        tpu.enqueue_dma source(%dma_start3A_43 : memref<128xi32, #tpu.memory_space<hbm>>) target(%dma_start3A_42 : memref<128xi32, #tpu.memory_space<vmem>>) target_semaphore(%run_scoped3A_35 : memref<!tpu.dma_semaphore, #tpu.memory_space<semaphore_mem>>)
        %dma_wait3A_44 = arith.constant 0 : i32
        %dma_wait3A_45 = tpu.memref_slice %arg7[%run_scoped3A, %dma_wait3A_44] : memref<1x128xi32, #tpu.memory_space<vmem>> -> memref<1x128xi32, #tpu.memory_space<vmem>>
        %dma_wait3A_46 = tpu.memref_squeeze %dma_wait3A_45 : memref<1x128xi32, #tpu.memory_space<vmem>> -> memref<128xi32, #tpu.memory_space<vmem>>
        %dma_wait3A_47 = tpu.memref_slice %arg3[%add3A_20] : memref<323584xi32, #tpu.memory_space<hbm>> -> memref<128xi32, #tpu.memory_space<hbm>>
        %dma_wait3A_48 = arith.constant 0 : i32
        %dma_wait3A_49 = tpu.memref_slice %arg7[%run_scoped3A, %dma_wait3A_48] : memref<1x128xi32, #tpu.memory_space<vmem>> -> memref<1x128xi32, #tpu.memory_space<vmem>>
        %dma_wait3A_50 = tpu.memref_squeeze %dma_wait3A_49 : memref<1x128xi32, #tpu.memory_space<vmem>> -> memref<128xi32, #tpu.memory_space<vmem>>
        %dma_wait3A_51 = tpu.memref_slice %arg3[%add3A_20] : memref<323584xi32, #tpu.memory_space<hbm>> -> memref<128xi32, #tpu.memory_space<hbm>>
        tpu.wait_dma2 semaphore(%run_scoped3A_35 : memref<!tpu.dma_semaphore, #tpu.memory_space<semaphore_mem>>) src(%dma_wait3A_51 : memref<128xi32, #tpu.memory_space<hbm>>) dst(%dma_wait3A_50 : memref<128xi32, #tpu.memory_space<vmem>>)
        tpu.yield
      }) : () -> ()
      %run_scoped3A_21 = arith.constant 0 : i32
      "tpu.region"() ({
        %run_scoped3A_35 = tpu.sem_alloc : memref<!tpu.dma_semaphore, #tpu.memory_space<semaphore_mem>>
        %dma_start3A_36 = arith.constant 0 : i32
        %dma_start3A_37 = tpu.memref_slice %arg8[%run_scoped3A_21, %dma_start3A_36] : memref<1x128xi32, #tpu.memory_space<vmem>> -> memref<1x128xi32, #tpu.memory_space<vmem>>
        %dma_start3A_38 = tpu.memref_squeeze %dma_start3A_37 : memref<1x128xi32, #tpu.memory_space<vmem>> -> memref<128xi32, #tpu.memory_space<vmem>>
        %dma_start3A_39 = tpu.memref_slice %arg4[%add3A_20] : memref<323584xi32, #tpu.memory_space<hbm>> -> memref<128xi32, #tpu.memory_space<hbm>>
        %dma_start3A_40 = arith.constant 0 : i32
        %dma_start3A_41 = tpu.memref_slice %arg8[%run_scoped3A_21, %dma_start3A_40] : memref<1x128xi32, #tpu.memory_space<vmem>> -> memref<1x128xi32, #tpu.memory_space<vmem>>
        %dma_start3A_42 = tpu.memref_squeeze %dma_start3A_41 : memref<1x128xi32, #tpu.memory_space<vmem>> -> memref<128xi32, #tpu.memory_space<vmem>>
        %dma_start3A_43 = tpu.memref_slice %arg4[%add3A_20] : memref<323584xi32, #tpu.memory_space<hbm>> -> memref<128xi32, #tpu.memory_space<hbm>>
        tpu.enqueue_dma source(%dma_start3A_43 : memref<128xi32, #tpu.memory_space<hbm>>) target(%dma_start3A_42 : memref<128xi32, #tpu.memory_space<vmem>>) target_semaphore(%run_scoped3A_35 : memref<!tpu.dma_semaphore, #tpu.memory_space<semaphore_mem>>)
        %dma_wait3A_44 = arith.constant 0 : i32
        %dma_wait3A_45 = tpu.memref_slice %arg8[%run_scoped3A_21, %dma_wait3A_44] : memref<1x128xi32, #tpu.memory_space<vmem>> -> memref<1x128xi32, #tpu.memory_space<vmem>>
        %dma_wait3A_46 = tpu.memref_squeeze %dma_wait3A_45 : memref<1x128xi32, #tpu.memory_space<vmem>> -> memref<128xi32, #tpu.memory_space<vmem>>
        %dma_wait3A_47 = tpu.memref_slice %arg4[%add3A_20] : memref<323584xi32, #tpu.memory_space<hbm>> -> memref<128xi32, #tpu.memory_space<hbm>>
        %dma_wait3A_48 = arith.constant 0 : i32
        %dma_wait3A_49 = tpu.memref_slice %arg8[%run_scoped3A_21, %dma_wait3A_48] : memref<1x128xi32, #tpu.memory_space<vmem>> -> memref<1x128xi32, #tpu.memory_space<vmem>>
        %dma_wait3A_50 = tpu.memref_squeeze %dma_wait3A_49 : memref<1x128xi32, #tpu.memory_space<vmem>> -> memref<128xi32, #tpu.memory_space<vmem>>
        %dma_wait3A_51 = tpu.memref_slice %arg4[%add3A_20] : memref<323584xi32, #tpu.memory_space<hbm>> -> memref<128xi32, #tpu.memory_space<hbm>>
        tpu.wait_dma2 semaphore(%run_scoped3A_35 : memref<!tpu.dma_semaphore, #tpu.memory_space<semaphore_mem>>) src(%dma_wait3A_51 : memref<128xi32, #tpu.memory_space<hbm>>) dst(%dma_wait3A_50 : memref<128xi32, #tpu.memory_space<vmem>>)
        tpu.yield
      }) : () -> ()
      %dma_start3A = arith.constant 0 : i32
      %dma_start3A_22 = arith.constant 0 : i32
      %dma_start3A_23 = tpu.memref_slice %arg7[%dma_start3A, %dma_start3A_22] : memref<1x128xi32, #tpu.memory_space<vmem>> -> memref<1x128xi32, #tpu.memory_space<vmem>>
      %dma_start3A_24 = tpu.memref_squeeze %dma_start3A_23 : memref<1x128xi32, #tpu.memory_space<vmem>> -> memref<128xi32, #tpu.memory_space<vmem>>
      %dma_start3A_25 = arith.constant 0 : i32
      %dma_start3A_26 = arith.constant 0 : i32
      %dma_start3A_27 = tpu.memref_slice %arg2[%dma_start3A_25, %dma_start3A_26] : memref<10240x32xf32, #tpu.memory_space<hbm>> -> memref<10240x32xf32, #tpu.memory_space<hbm>>
      tpu.enqueue_indirect_dma source(%dma_start3A_27 : memref<10240x32xf32, #tpu.memory_space<hbm>>) target(%arg9 : memref<128x32xf32, #tpu.memory_space<vmem>>) offsets(%dma_start3A_24 : memref<128xi32, #tpu.memory_space<vmem>>) semaphore(%arg11 : memref<!tpu.dma_semaphore, #tpu.memory_space<semaphore_mem>>)
      %dma_wait3A = arith.constant 0 : i32
      %dma_wait3A_28 = arith.constant 0 : i32
      %dma_wait3A_29 = tpu.memref_slice %arg7[%dma_wait3A, %dma_wait3A_28] : memref<1x128xi32, #tpu.memory_space<vmem>> -> memref<1x128xi32, #tpu.memory_space<vmem>>
      %dma_wait3A_30 = tpu.memref_squeeze %dma_wait3A_29 : memref<1x128xi32, #tpu.memory_space<vmem>> -> memref<128xi32, #tpu.memory_space<vmem>>
      %dma_wait3A_31 = arith.constant 0 : i32
      %dma_wait3A_32 = arith.constant 0 : i32
      %dma_wait3A_33 = tpu.memref_slice %arg2[%dma_wait3A_31, %dma_wait3A_32] : memref<10240x32xf32, #tpu.memory_space<hbm>> -> memref<10240x32xf32, #tpu.memory_space<hbm>>
      tpu.wait_indirect_dma semaphore(%arg11 : memref<!tpu.dma_semaphore, #tpu.memory_space<semaphore_mem>>) src(%dma_wait3A_33 : memref<10240x32xf32, #tpu.memory_space<hbm>>) dst(%arg9 : memref<128x32xf32, #tpu.memory_space<vmem>>)
      %run_scoped3A_34 = arith.constant 0 : i32
      "tpu.region"() ({
        %run_scoped3A_35 = tpu.sem_alloc : memref<!tpu.dma_semaphore, #tpu.memory_space<semaphore_mem>>
        %dma_start3A_36 = arith.constant 0 : i32
        %dma_start3A_37 = tpu.memref_slice %arg8[%run_scoped3A_34, %dma_start3A_36] : memref<1x128xi32, #tpu.memory_space<vmem>> -> memref<1x128xi32, #tpu.memory_space<vmem>>
        %dma_start3A_38 = tpu.memref_squeeze %dma_start3A_37 : memref<1x128xi32, #tpu.memory_space<vmem>> -> memref<128xi32, #tpu.memory_space<vmem>>
        %dma_start3A_39 = arith.constant 0 : i32
        %dma_start3A_40 = arith.constant 0 : i32
        %dma_start3A_41 = tpu.memref_slice %arg10[%dma_start3A_39, %dma_start3A_40] : memref<10240x32xf32, #tpu.memory_space<vmem_shared>> -> memref<10240x32xf32, #tpu.memory_space<vmem_shared>>
        tpu.enqueue_indirect_dma source(%arg9 : memref<128x32xf32, #tpu.memory_space<vmem>>) target(%dma_start3A_41 : memref<10240x32xf32, #tpu.memory_space<vmem_shared>>) offsets(%dma_start3A_38 : memref<128xi32, #tpu.memory_space<vmem>>) semaphore(%run_scoped3A_35 : memref<!tpu.dma_semaphore, #tpu.memory_space<semaphore_mem>>) {add = true}
        %dma_wait3A_42 = arith.constant 0 : i32
        %dma_wait3A_43 = tpu.memref_slice %arg8[%run_scoped3A_34, %dma_wait3A_42] : memref<1x128xi32, #tpu.memory_space<vmem>> -> memref<1x128xi32, #tpu.memory_space<vmem>>
        %dma_wait3A_44 = tpu.memref_squeeze %dma_wait3A_43 : memref<1x128xi32, #tpu.memory_space<vmem>> -> memref<128xi32, #tpu.memory_space<vmem>>
        %dma_wait3A_45 = arith.constant 0 : i32
        %dma_wait3A_46 = arith.constant 0 : i32
        %dma_wait3A_47 = tpu.memref_slice %arg10[%dma_wait3A_45, %dma_wait3A_46] : memref<10240x32xf32, #tpu.memory_space<vmem_shared>> -> memref<10240x32xf32, #tpu.memory_space<vmem_shared>>
        tpu.wait_indirect_dma semaphore(%run_scoped3A_35 : memref<!tpu.dma_semaphore, #tpu.memory_space<semaphore_mem>>) src(%arg9 : memref<128x32xf32, #tpu.memory_space<vmem>>) dst(%dma_wait3A_47 : memref<10240x32xf32, #tpu.memory_space<vmem_shared>>)
        tpu.yield
      }) : () -> ()
    }
    %scan3A_9 = arith.constant 79 : i32
    %barrier3A_10 = arith.constant 0 : index
    tpu.barrier barrier_id(%barrier3A_10)
    %mul3A_11 = arith.constant 640 : i32
    %mul3A_12 = arith.muli %arg1, %mul3A_11 : i32
    %mul3A_13 = arith.constant 640 : i32
    %mul3A_14 = arith.muli %arg1, %mul3A_13 : i32
    "tpu.region"() ({
      %run_scoped3A = tpu.sem_alloc : memref<!tpu.dma_semaphore, #tpu.memory_space<semaphore_mem>>
      %dma_start3A = arith.constant 0 : i32
      %dma_start3A_15 = tpu.memref_slice %arg6[%arg0, %mul3A_14, %dma_start3A] : memref<2x10240x32xf32, #tpu.memory_space<hbm>> -> memref<1x640x32xf32, #tpu.memory_space<hbm>>
      %dma_start3A_16 = tpu.memref_squeeze %dma_start3A_15 : memref<1x640x32xf32, #tpu.memory_space<hbm>> -> memref<640x32xf32, #tpu.memory_space<hbm>>
      %dma_start3A_17 = arith.constant 0 : i32
      %dma_start3A_18 = tpu.memref_slice %arg10[%mul3A_12, %dma_start3A_17] : memref<10240x32xf32, #tpu.memory_space<vmem_shared>> -> memref<640x32xf32, #tpu.memory_space<vmem_shared>>
      tpu.enqueue_dma source(%dma_start3A_18 : memref<640x32xf32, #tpu.memory_space<vmem_shared>>) target(%dma_start3A_16 : memref<640x32xf32, #tpu.memory_space<hbm>>) target_semaphore(%run_scoped3A : memref<!tpu.dma_semaphore, #tpu.memory_space<semaphore_mem>>)
      %dma_wait3A = arith.constant 0 : i32
      %dma_wait3A_19 = tpu.memref_slice %arg6[%arg0, %mul3A_14, %dma_wait3A] : memref<2x10240x32xf32, #tpu.memory_space<hbm>> -> memref<1x640x32xf32, #tpu.memory_space<hbm>>
      %dma_wait3A_20 = tpu.memref_squeeze %dma_wait3A_19 : memref<1x640x32xf32, #tpu.memory_space<hbm>> -> memref<640x32xf32, #tpu.memory_space<hbm>>
      %dma_wait3A_21 = arith.constant 0 : i32
      %dma_wait3A_22 = tpu.memref_slice %arg10[%mul3A_12, %dma_wait3A_21] : memref<10240x32xf32, #tpu.memory_space<vmem_shared>> -> memref<640x32xf32, #tpu.memory_space<vmem_shared>>
      tpu.wait_dma2 semaphore(%run_scoped3A : memref<!tpu.dma_semaphore, #tpu.memory_space<semaphore_mem>>) src(%dma_wait3A_22 : memref<640x32xf32, #tpu.memory_space<vmem_shared>>) dst(%dma_wait3A_20 : memref<640x32xf32, #tpu.memory_space<hbm>>)
      tpu.yield
    }) : () -> ()
    return
  }
}

#map = affine_map<(d0, d1) -> (0, 0)>
#map1 = affine_map<(d0, d1) -> (0)>
#map2 = affine_map<(d0, d1) -> (0, 0, 0)>
module attributes {stable_mosaic.version = 14 : i64} {
  func.func @_sc_prop_body(%arg0: i32, %arg1: i32, %arg2: memref<10240x32xf32, #tpu.memory_space<hbm>>, %arg3: memref<323584xi32, #tpu.memory_space<hbm>>, %arg4: memref<323584xi32, #tpu.memory_space<hbm>>, %arg5: memref<10240x32xf32, #tpu.memory_space<hbm>>, %arg6: memref<2x10240x32xf32, #tpu.memory_space<hbm>>, %arg7: memref<1x128xi32, #tpu.memory_space<vmem>>, %arg8: memref<1x128xi32, #tpu.memory_space<vmem>>, %arg9: memref<128x32xf32, #tpu.memory_space<vmem>>, %arg10: memref<10240x32xf32, #tpu.memory_space<vmem_shared>>, %arg11: memref<!tpu.dma_semaphore, #tpu.memory_space<semaphore_mem>>) attributes {dimension_semantics = [#tpu.dimension_semantics<core_parallel>, #tpu.dimension_semantics<subcore_parallel>], iteration_bounds = array<i64: 2, 16>, scalar_prefetch = 0 : i64, scratch_operands = 5 : i64, tpu.core_type = #tpu.core_type<sc_vector_subcore>, window_params = [{transform_indices = #map}, {transform_indices = #map1}, {transform_indices = #map1}, {transform_indices = #map}, {transform_indices = #map2}]} {
    %mul3A = arith.constant 2 : i32
    %mul3A_0 = arith.muli %arg1, %mul3A : i32
    %add3A = arith.addi %mul3A_0, %arg0 : i32
    %mul3A_1 = arith.constant 640 : i32
    %mul3A_2 = arith.muli %arg1, %mul3A_1 : i32
    %mul3A_3 = arith.constant 640 : i32
    %mul3A_4 = arith.muli %arg1, %mul3A_3 : i32
    "tpu.region"() ({
      %run_scoped3A = tpu.sem_alloc : memref<!tpu.dma_semaphore, #tpu.memory_space<semaphore_mem>>
      %dma_start3A = arith.constant 0 : i32
      %dma_start3A_15 = tpu.memref_slice %arg10[%mul3A_4, %dma_start3A] : memref<10240x32xf32, #tpu.memory_space<vmem_shared>> -> memref<640x32xf32, #tpu.memory_space<vmem_shared>>
      %dma_start3A_16 = arith.constant 0 : i32
      %dma_start3A_17 = tpu.memref_slice %arg5[%mul3A_2, %dma_start3A_16] : memref<10240x32xf32, #tpu.memory_space<hbm>> -> memref<640x32xf32, #tpu.memory_space<hbm>>
      tpu.enqueue_dma source(%dma_start3A_17 : memref<640x32xf32, #tpu.memory_space<hbm>>) target(%dma_start3A_15 : memref<640x32xf32, #tpu.memory_space<vmem_shared>>) target_semaphore(%run_scoped3A : memref<!tpu.dma_semaphore, #tpu.memory_space<semaphore_mem>>)
      %dma_wait3A = arith.constant 0 : i32
      %dma_wait3A_18 = tpu.memref_slice %arg10[%mul3A_4, %dma_wait3A] : memref<10240x32xf32, #tpu.memory_space<vmem_shared>> -> memref<640x32xf32, #tpu.memory_space<vmem_shared>>
      %dma_wait3A_19 = arith.constant 0 : i32
      %dma_wait3A_20 = tpu.memref_slice %arg5[%mul3A_2, %dma_wait3A_19] : memref<10240x32xf32, #tpu.memory_space<hbm>> -> memref<640x32xf32, #tpu.memory_space<hbm>>
      tpu.wait_dma2 semaphore(%run_scoped3A : memref<!tpu.dma_semaphore, #tpu.memory_space<semaphore_mem>>) src(%dma_wait3A_20 : memref<640x32xf32, #tpu.memory_space<hbm>>) dst(%dma_wait3A_18 : memref<640x32xf32, #tpu.memory_space<vmem_shared>>)
      tpu.yield
    }) : () -> ()
    %barrier3A = arith.constant 0 : index
    tpu.barrier barrier_id(%barrier3A)
    %scan3A = arith.constant 0 : i32
    %scan3A_5 = arith.constant 0 : i32
    %scan3A_6 = arith.constant 79 : i32
    %scan3A_7 = arith.addi %scan3A_5, %scan3A_6 : i32
    %scan3A_8 = arith.constant 1 : i32
    scf.for %scan3A_15 = %scan3A_5 to %scan3A_7 step %scan3A_8  : i32 {
      %mul3A_16 = arith.constant 10112 : i32
      %mul3A_17 = arith.muli %add3A, %mul3A_16 : i32
      %mul3A_18 = arith.constant 128 : i32
      %mul3A_19 = arith.muli %scan3A_15, %mul3A_18 : i32
      %add3A_20 = arith.addi %mul3A_17, %mul3A_19 : i32
      %run_scoped3A = arith.constant 0 : i32
      "tpu.region"() ({
        %run_scoped3A_35 = tpu.sem_alloc : memref<!tpu.dma_semaphore, #tpu.memory_space<semaphore_mem>>
        %dma_start3A_36 = arith.constant 0 : i32
        %dma_start3A_37 = tpu.memref_slice %arg7[%run_scoped3A, %dma_start3A_36] : memref<1x128xi32, #tpu.memory_space<vmem>> -> memref<1x128xi32, #tpu.memory_space<vmem>>
        %dma_start3A_38 = tpu.memref_squeeze %dma_start3A_37 : memref<1x128xi32, #tpu.memory_space<vmem>> -> memref<128xi32, #tpu.memory_space<vmem>>
        %dma_start3A_39 = tpu.memref_slice %arg3[%add3A_20] : memref<323584xi32, #tpu.memory_space<hbm>> -> memref<128xi32, #tpu.memory_space<hbm>>
        %dma_start3A_40 = arith.constant 0 : i32
        %dma_start3A_41 = tpu.memref_slice %arg7[%run_scoped3A, %dma_start3A_40] : memref<1x128xi32, #tpu.memory_space<vmem>> -> memref<1x128xi32, #tpu.memory_space<vmem>>
        %dma_start3A_42 = tpu.memref_squeeze %dma_start3A_41 : memref<1x128xi32, #tpu.memory_space<vmem>> -> memref<128xi32, #tpu.memory_space<vmem>>
        %dma_start3A_43 = tpu.memref_slice %arg3[%add3A_20] : memref<323584xi32, #tpu.memory_space<hbm>> -> memref<128xi32, #tpu.memory_space<hbm>>
        tpu.enqueue_dma source(%dma_start3A_43 : memref<128xi32, #tpu.memory_space<hbm>>) target(%dma_start3A_42 : memref<128xi32, #tpu.memory_space<vmem>>) target_semaphore(%run_scoped3A_35 : memref<!tpu.dma_semaphore, #tpu.memory_space<semaphore_mem>>)
        %dma_wait3A_44 = arith.constant 0 : i32
        %dma_wait3A_45 = tpu.memref_slice %arg7[%run_scoped3A, %dma_wait3A_44] : memref<1x128xi32, #tpu.memory_space<vmem>> -> memref<1x128xi32, #tpu.memory_space<vmem>>
        %dma_wait3A_46 = tpu.memref_squeeze %dma_wait3A_45 : memref<1x128xi32, #tpu.memory_space<vmem>> -> memref<128xi32, #tpu.memory_space<vmem>>
        %dma_wait3A_47 = tpu.memref_slice %arg3[%add3A_20] : memref<323584xi32, #tpu.memory_space<hbm>> -> memref<128xi32, #tpu.memory_space<hbm>>
        %dma_wait3A_48 = arith.constant 0 : i32
        %dma_wait3A_49 = tpu.memref_slice %arg7[%run_scoped3A, %dma_wait3A_48] : memref<1x128xi32, #tpu.memory_space<vmem>> -> memref<1x128xi32, #tpu.memory_space<vmem>>
        %dma_wait3A_50 = tpu.memref_squeeze %dma_wait3A_49 : memref<1x128xi32, #tpu.memory_space<vmem>> -> memref<128xi32, #tpu.memory_space<vmem>>
        %dma_wait3A_51 = tpu.memref_slice %arg3[%add3A_20] : memref<323584xi32, #tpu.memory_space<hbm>> -> memref<128xi32, #tpu.memory_space<hbm>>
        tpu.wait_dma2 semaphore(%run_scoped3A_35 : memref<!tpu.dma_semaphore, #tpu.memory_space<semaphore_mem>>) src(%dma_wait3A_51 : memref<128xi32, #tpu.memory_space<hbm>>) dst(%dma_wait3A_50 : memref<128xi32, #tpu.memory_space<vmem>>)
        tpu.yield
      }) : () -> ()
      %run_scoped3A_21 = arith.constant 0 : i32
      "tpu.region"() ({
        %run_scoped3A_35 = tpu.sem_alloc : memref<!tpu.dma_semaphore, #tpu.memory_space<semaphore_mem>>
        %dma_start3A_36 = arith.constant 0 : i32
        %dma_start3A_37 = tpu.memref_slice %arg8[%run_scoped3A_21, %dma_start3A_36] : memref<1x128xi32, #tpu.memory_space<vmem>> -> memref<1x128xi32, #tpu.memory_space<vmem>>
        %dma_start3A_38 = tpu.memref_squeeze %dma_start3A_37 : memref<1x128xi32, #tpu.memory_space<vmem>> -> memref<128xi32, #tpu.memory_space<vmem>>
        %dma_start3A_39 = tpu.memref_slice %arg4[%add3A_20] : memref<323584xi32, #tpu.memory_space<hbm>> -> memref<128xi32, #tpu.memory_space<hbm>>
        %dma_start3A_40 = arith.constant 0 : i32
        %dma_start3A_41 = tpu.memref_slice %arg8[%run_scoped3A_21, %dma_start3A_40] : memref<1x128xi32, #tpu.memory_space<vmem>> -> memref<1x128xi32, #tpu.memory_space<vmem>>
        %dma_start3A_42 = tpu.memref_squeeze %dma_start3A_41 : memref<1x128xi32, #tpu.memory_space<vmem>> -> memref<128xi32, #tpu.memory_space<vmem>>
        %dma_start3A_43 = tpu.memref_slice %arg4[%add3A_20] : memref<323584xi32, #tpu.memory_space<hbm>> -> memref<128xi32, #tpu.memory_space<hbm>>
        tpu.enqueue_dma source(%dma_start3A_43 : memref<128xi32, #tpu.memory_space<hbm>>) target(%dma_start3A_42 : memref<128xi32, #tpu.memory_space<vmem>>) target_semaphore(%run_scoped3A_35 : memref<!tpu.dma_semaphore, #tpu.memory_space<semaphore_mem>>)
        %dma_wait3A_44 = arith.constant 0 : i32
        %dma_wait3A_45 = tpu.memref_slice %arg8[%run_scoped3A_21, %dma_wait3A_44] : memref<1x128xi32, #tpu.memory_space<vmem>> -> memref<1x128xi32, #tpu.memory_space<vmem>>
        %dma_wait3A_46 = tpu.memref_squeeze %dma_wait3A_45 : memref<1x128xi32, #tpu.memory_space<vmem>> -> memref<128xi32, #tpu.memory_space<vmem>>
        %dma_wait3A_47 = tpu.memref_slice %arg4[%add3A_20] : memref<323584xi32, #tpu.memory_space<hbm>> -> memref<128xi32, #tpu.memory_space<hbm>>
        %dma_wait3A_48 = arith.constant 0 : i32
        %dma_wait3A_49 = tpu.memref_slice %arg8[%run_scoped3A_21, %dma_wait3A_48] : memref<1x128xi32, #tpu.memory_space<vmem>> -> memref<1x128xi32, #tpu.memory_space<vmem>>
        %dma_wait3A_50 = tpu.memref_squeeze %dma_wait3A_49 : memref<1x128xi32, #tpu.memory_space<vmem>> -> memref<128xi32, #tpu.memory_space<vmem>>
        %dma_wait3A_51 = tpu.memref_slice %arg4[%add3A_20] : memref<323584xi32, #tpu.memory_space<hbm>> -> memref<128xi32, #tpu.memory_space<hbm>>
        tpu.wait_dma2 semaphore(%run_scoped3A_35 : memref<!tpu.dma_semaphore, #tpu.memory_space<semaphore_mem>>) src(%dma_wait3A_51 : memref<128xi32, #tpu.memory_space<hbm>>) dst(%dma_wait3A_50 : memref<128xi32, #tpu.memory_space<vmem>>)
        tpu.yield
      }) : () -> ()
      %dma_start3A = arith.constant 0 : i32
      %dma_start3A_22 = arith.constant 0 : i32
      %dma_start3A_23 = tpu.memref_slice %arg7[%dma_start3A, %dma_start3A_22] : memref<1x128xi32, #tpu.memory_space<vmem>> -> memref<1x128xi32, #tpu.memory_space<vmem>>
      %dma_start3A_24 = tpu.memref_squeeze %dma_start3A_23 : memref<1x128xi32, #tpu.memory_space<vmem>> -> memref<128xi32, #tpu.memory_space<vmem>>
      %dma_start3A_25 = arith.constant 0 : i32
      %dma_start3A_26 = arith.constant 0 : i32
      %dma_start3A_27 = tpu.memref_slice %arg2[%dma_start3A_25, %dma_start3A_26] : memref<10240x32xf32, #tpu.memory_space<hbm>> -> memref<10240x32xf32, #tpu.memory_space<hbm>>
      tpu.enqueue_indirect_dma source(%dma_start3A_27 : memref<10240x32xf32, #tpu.memory_space<hbm>>) target(%arg9 : memref<128x32xf32, #tpu.memory_space<vmem>>) offsets(%dma_start3A_24 : memref<128xi32, #tpu.memory_space<vmem>>) semaphore(%arg11 : memref<!tpu.dma_semaphore, #tpu.memory_space<semaphore_mem>>)
      %dma_wait3A = arith.constant 0 : i32
      %dma_wait3A_28 = arith.constant 0 : i32
      %dma_wait3A_29 = tpu.memref_slice %arg7[%dma_wait3A, %dma_wait3A_28] : memref<1x128xi32, #tpu.memory_space<vmem>> -> memref<1x128xi32, #tpu.memory_space<vmem>>
      %dma_wait3A_30 = tpu.memref_squeeze %dma_wait3A_29 : memref<1x128xi32, #tpu.memory_space<vmem>> -> memref<128xi32, #tpu.memory_space<vmem>>
      %dma_wait3A_31 = arith.constant 0 : i32
      %dma_wait3A_32 = arith.constant 0 : i32
      %dma_wait3A_33 = tpu.memref_slice %arg2[%dma_wait3A_31, %dma_wait3A_32] : memref<10240x32xf32, #tpu.memory_space<hbm>> -> memref<10240x32xf32, #tpu.memory_space<hbm>>
      tpu.wait_indirect_dma semaphore(%arg11 : memref<!tpu.dma_semaphore, #tpu.memory_space<semaphore_mem>>) src(%dma_wait3A_33 : memref<10240x32xf32, #tpu.memory_space<hbm>>) dst(%arg9 : memref<128x32xf32, #tpu.memory_space<vmem>>)
      %run_scoped3A_34 = arith.constant 0 : i32
      "tpu.region"() ({
        %run_scoped3A_35 = tpu.sem_alloc : memref<!tpu.dma_semaphore, #tpu.memory_space<semaphore_mem>>
        %dma_start3A_36 = arith.constant 0 : i32
        %dma_start3A_37 = tpu.memref_slice %arg8[%run_scoped3A_34, %dma_start3A_36] : memref<1x128xi32, #tpu.memory_space<vmem>> -> memref<1x128xi32, #tpu.memory_space<vmem>>
        %dma_start3A_38 = tpu.memref_squeeze %dma_start3A_37 : memref<1x128xi32, #tpu.memory_space<vmem>> -> memref<128xi32, #tpu.memory_space<vmem>>
        %dma_start3A_39 = arith.constant 0 : i32
        %dma_start3A_40 = arith.constant 0 : i32
        %dma_start3A_41 = tpu.memref_slice %arg10[%dma_start3A_39, %dma_start3A_40] : memref<10240x32xf32, #tpu.memory_space<vmem_shared>> -> memref<10240x32xf32, #tpu.memory_space<vmem_shared>>
        tpu.enqueue_indirect_dma source(%arg9 : memref<128x32xf32, #tpu.memory_space<vmem>>) target(%dma_start3A_41 : memref<10240x32xf32, #tpu.memory_space<vmem_shared>>) offsets(%dma_start3A_38 : memref<128xi32, #tpu.memory_space<vmem>>) semaphore(%run_scoped3A_35 : memref<!tpu.dma_semaphore, #tpu.memory_space<semaphore_mem>>) {add = true}
        %dma_wait3A_42 = arith.constant 0 : i32
        %dma_wait3A_43 = tpu.memref_slice %arg8[%run_scoped3A_34, %dma_wait3A_42] : memref<1x128xi32, #tpu.memory_space<vmem>> -> memref<1x128xi32, #tpu.memory_space<vmem>>
        %dma_wait3A_44 = tpu.memref_squeeze %dma_wait3A_43 : memref<1x128xi32, #tpu.memory_space<vmem>> -> memref<128xi32, #tpu.memory_space<vmem>>
        %dma_wait3A_45 = arith.constant 0 : i32
        %dma_wait3A_46 = arith.constant 0 : i32
        %dma_wait3A_47 = tpu.memref_slice %arg10[%dma_wait3A_45, %dma_wait3A_46] : memref<10240x32xf32, #tpu.memory_space<vmem_shared>> -> memref<10240x32xf32, #tpu.memory_space<vmem_shared>>
        tpu.wait_indirect_dma semaphore(%run_scoped3A_35 : memref<!tpu.dma_semaphore, #tpu.memory_space<semaphore_mem>>) src(%arg9 : memref<128x32xf32, #tpu.memory_space<vmem>>) dst(%dma_wait3A_47 : memref<10240x32xf32, #tpu.memory_space<vmem_shared>>)
        tpu.yield
      }) : () -> ()
    }
    %scan3A_9 = arith.constant 79 : i32
    %barrier3A_10 = arith.constant 0 : index
    tpu.barrier barrier_id(%barrier3A_10)
    %mul3A_11 = arith.constant 640 : i32
    %mul3A_12 = arith.muli %arg1, %mul3A_11 : i32
    %mul3A_13 = arith.constant 640 : i32
    %mul3A_14 = arith.muli %arg1, %mul3A_13 : i32
    "tpu.region"() ({
      %run_scoped3A = tpu.sem_alloc : memref<!tpu.dma_semaphore, #tpu.memory_space<semaphore_mem>>
      %dma_start3A = arith.constant 0 : i32
      %dma_start3A_15 = tpu.memref_slice %arg6[%arg0, %mul3A_14, %dma_start3A] : memref<2x10240x32xf32, #tpu.memory_space<hbm>> -> memref<1x640x32xf32, #tpu.memory_space<hbm>>
      %dma_start3A_16 = tpu.memref_squeeze %dma_start3A_15 : memref<1x640x32xf32, #tpu.memory_space<hbm>> -> memref<640x32xf32, #tpu.memory_space<hbm>>
      %dma_start3A_17 = arith.constant 0 : i32
      %dma_start3A_18 = tpu.memref_slice %arg10[%mul3A_12, %dma_start3A_17] : memref<10240x32xf32, #tpu.memory_space<vmem_shared>> -> memref<640x32xf32, #tpu.memory_space<vmem_shared>>
      tpu.enqueue_dma source(%dma_start3A_18 : memref<640x32xf32, #tpu.memory_space<vmem_shared>>) target(%dma_start3A_16 : memref<640x32xf32, #tpu.memory_space<hbm>>) target_semaphore(%run_scoped3A : memref<!tpu.dma_semaphore, #tpu.memory_space<semaphore_mem>>)
      %dma_wait3A = arith.constant 0 : i32
      %dma_wait3A_19 = tpu.memref_slice %arg6[%arg0, %mul3A_14, %dma_wait3A] : memref<2x10240x32xf32, #tpu.memory_space<hbm>> -> memref<1x640x32xf32, #tpu.memory_space<hbm>>
      %dma_wait3A_20 = tpu.memref_squeeze %dma_wait3A_19 : memref<1x640x32xf32, #tpu.memory_space<hbm>> -> memref<640x32xf32, #tpu.memory_space<hbm>>
      %dma_wait3A_21 = arith.constant 0 : i32
      %dma_wait3A_22 = tpu.memref_slice %arg10[%mul3A_12, %dma_wait3A_21] : memref<10240x32xf32, #tpu.memory_space<vmem_shared>> -> memref<640x32xf32, #tpu.memory_space<vmem_shared>>
      tpu.wait_dma2 semaphore(%run_scoped3A : memref<!tpu.dma_semaphore, #tpu.memory_space<semaphore_mem>>) src(%dma_wait3A_22 : memref<640x32xf32, #tpu.memory_space<vmem_shared>>) dst(%dma_wait3A_20 : memref<640x32xf32, #tpu.memory_space<hbm>>)
      tpu.yield
    }) : () -> ()
    return
  }
}

#map = affine_map<(d0, d1) -> (0)>
#map1 = affine_map<(d0, d1) -> (0, 0)>
module attributes {stable_mosaic.version = 14 : i64} {
  func.func @_sc_deg_body(%arg0: i32, %arg1: i32, %arg2: memref<323584xi32, #tpu.memory_space<hbm>>, %arg3: memref<323584xi32, #tpu.memory_space<hbm>>, %arg4: memref<10240xf32, #tpu.memory_space<hbm>>, %arg5: memref<323584xi32, #tpu.memory_space<hbm>>, %arg6: memref<2x10240xf32, #tpu.memory_space<hbm>>, %arg7: memref<1x128xi32, #tpu.memory_space<vmem>>, %arg8: memref<1x128xi32, #tpu.memory_space<vmem>>, %arg9: memref<1x128xf32, #tpu.memory_space<vmem>>, %arg10: memref<10240xf32, #tpu.memory_space<vmem_shared>>) attributes {dimension_semantics = [#tpu.dimension_semantics<core_parallel>, #tpu.dimension_semantics<subcore_parallel>], iteration_bounds = array<i64: 2, 16>, scalar_prefetch = 0 : i64, scratch_operands = 4 : i64, tpu.core_type = #tpu.core_type<sc_vector_subcore>, window_params = [{transform_indices = #map}, {transform_indices = #map}, {transform_indices = #map}, {transform_indices = #map}, {transform_indices = #map1}]} {
    %mul3A = arith.constant 2 : i32
    %mul3A_0 = arith.muli %arg1, %mul3A : i32
    %add3A = arith.addi %mul3A_0, %arg0 : i32
    %mul3A_1 = arith.constant 640 : i32
    %mul3A_2 = arith.muli %arg1, %mul3A_1 : i32
    %mul3A_3 = arith.constant 640 : i32
    %mul3A_4 = arith.muli %arg1, %mul3A_3 : i32
    "tpu.region"() ({
      %run_scoped3A = tpu.sem_alloc : memref<!tpu.dma_semaphore, #tpu.memory_space<semaphore_mem>>
      %dma_start3A = tpu.memref_slice %arg10[%mul3A_4] : memref<10240xf32, #tpu.memory_space<vmem_shared>> -> memref<640xf32, #tpu.memory_space<vmem_shared>>
      %dma_start3A_77 = tpu.memref_slice %arg4[%mul3A_2] : memref<10240xf32, #tpu.memory_space<hbm>> -> memref<640xf32, #tpu.memory_space<hbm>>
      tpu.enqueue_dma source(%dma_start3A_77 : memref<640xf32, #tpu.memory_space<hbm>>) target(%dma_start3A : memref<640xf32, #tpu.memory_space<vmem_shared>>) target_semaphore(%run_scoped3A : memref<!tpu.dma_semaphore, #tpu.memory_space<semaphore_mem>>)
      %dma_wait3A = tpu.memref_slice %arg10[%mul3A_4] : memref<10240xf32, #tpu.memory_space<vmem_shared>> -> memref<640xf32, #tpu.memory_space<vmem_shared>>
      %dma_wait3A_78 = tpu.memref_slice %arg4[%mul3A_2] : memref<10240xf32, #tpu.memory_space<hbm>> -> memref<640xf32, #tpu.memory_space<hbm>>
      tpu.wait_dma2 semaphore(%run_scoped3A : memref<!tpu.dma_semaphore, #tpu.memory_space<semaphore_mem>>) src(%dma_wait3A_78 : memref<640xf32, #tpu.memory_space<hbm>>) dst(%dma_wait3A : memref<640xf32, #tpu.memory_space<vmem_shared>>)
      tpu.yield
    }) : () -> ()
    %broadcast_in_dim3A = arith.constant 1.000000e+00 : f32
    %broadcast_in_dim3A_5 = vector.broadcast %broadcast_in_dim3A : f32 to vector<16xf32>
    %swap3A = arith.constant 0 : i32
    %swap3A_6 = arith.index_cast %swap3A : i32 to index
    %swap3A_7 = arith.constant 0 : index
    %swap3A_8 = tpu.vector_load %arg9[%swap3A_6, %swap3A_7] {strides = array<i32>} : memref<1x128xf32, #tpu.memory_space<vmem>>, vector<1x16xf32>,
    %swap3A_9 = vector.shape_cast %swap3A_8 : vector<1x16xf32> to vector<16xf32>
    %swap3A_10 = vector.shape_cast %broadcast_in_dim3A_5 : vector<16xf32> to vector<1x16xf32>
    tpu.vector_store %arg9[%swap3A_6, %swap3A_7], %swap3A_10 {strides = array<i32>} : memref<1x128xf32, #tpu.memory_space<vmem>>, vector<1x16xf32>,
    %broadcast_in_dim3A_11 = arith.constant 1.000000e+00 : f32
    %broadcast_in_dim3A_12 = vector.broadcast %broadcast_in_dim3A_11 : f32 to vector<16xf32>
    %swap3A_13 = arith.constant 0 : i32
    %swap3A_14 = arith.index_cast %swap3A_13 : i32 to index
    %swap3A_15 = arith.constant 16 : index
    %swap3A_16 = tpu.vector_load %arg9[%swap3A_14, %swap3A_15] {strides = array<i32>} : memref<1x128xf32, #tpu.memory_space<vmem>>, vector<1x16xf32>,
    %swap3A_17 = vector.shape_cast %swap3A_16 : vector<1x16xf32> to vector<16xf32>
    %swap3A_18 = vector.shape_cast %broadcast_in_dim3A_12 : vector<16xf32> to vector<1x16xf32>
    tpu.vector_store %arg9[%swap3A_14, %swap3A_15], %swap3A_18 {strides = array<i32>} : memref<1x128xf32, #tpu.memory_space<vmem>>, vector<1x16xf32>,
    %broadcast_in_dim3A_19 = arith.constant 1.000000e+00 : f32
    %broadcast_in_dim3A_20 = vector.broadcast %broadcast_in_dim3A_19 : f32 to vector<16xf32>
    %swap3A_21 = arith.constant 0 : i32
    %swap3A_22 = arith.index_cast %swap3A_21 : i32 to index
    %swap3A_23 = arith.constant 32 : index
    %swap3A_24 = tpu.vector_load %arg9[%swap3A_22, %swap3A_23] {strides = array<i32>} : memref<1x128xf32, #tpu.memory_space<vmem>>, vector<1x16xf32>,
    %swap3A_25 = vector.shape_cast %swap3A_24 : vector<1x16xf32> to vector<16xf32>
    %swap3A_26 = vector.shape_cast %broadcast_in_dim3A_20 : vector<16xf32> to vector<1x16xf32>
    tpu.vector_store %arg9[%swap3A_22, %swap3A_23], %swap3A_26 {strides = array<i32>} : memref<1x128xf32, #tpu.memory_space<vmem>>, vector<1x16xf32>,
    %broadcast_in_dim3A_27 = arith.constant 1.000000e+00 : f32
    %broadcast_in_dim3A_28 = vector.broadcast %broadcast_in_dim3A_27 : f32 to vector<16xf32>
    %swap3A_29 = arith.constant 0 : i32
    %swap3A_30 = arith.index_cast %swap3A_29 : i32 to index
    %swap3A_31 = arith.constant 48 : index
    %swap3A_32 = tpu.vector_load %arg9[%swap3A_30, %swap3A_31] {strides = array<i32>} : memref<1x128xf32, #tpu.memory_space<vmem>>, vector<1x16xf32>,
    %swap3A_33 = vector.shape_cast %swap3A_32 : vector<1x16xf32> to vector<16xf32>
    %swap3A_34 = vector.shape_cast %broadcast_in_dim3A_28 : vector<16xf32> to vector<1x16xf32>
    tpu.vector_store %arg9[%swap3A_30, %swap3A_31], %swap3A_34 {strides = array<i32>} : memref<1x128xf32, #tpu.memory_space<vmem>>, vector<1x16xf32>,
    %broadcast_in_dim3A_35 = arith.constant 1.000000e+00 : f32
    %broadcast_in_dim3A_36 = vector.broadcast %broadcast_in_dim3A_35 : f32 to vector<16xf32>
    %swap3A_37 = arith.constant 0 : i32
    %swap3A_38 = arith.index_cast %swap3A_37 : i32 to index
    %swap3A_39 = arith.constant 64 : index
    %swap3A_40 = tpu.vector_load %arg9[%swap3A_38, %swap3A_39] {strides = array<i32>} : memref<1x128xf32, #tpu.memory_space<vmem>>, vector<1x16xf32>,
    %swap3A_41 = vector.shape_cast %swap3A_40 : vector<1x16xf32> to vector<16xf32>
    %swap3A_42 = vector.shape_cast %broadcast_in_dim3A_36 : vector<16xf32> to vector<1x16xf32>
    tpu.vector_store %arg9[%swap3A_38, %swap3A_39], %swap3A_42 {strides = array<i32>} : memref<1x128xf32, #tpu.memory_space<vmem>>, vector<1x16xf32>,
    %broadcast_in_dim3A_43 = arith.constant 1.000000e+00 : f32
    %broadcast_in_dim3A_44 = vector.broadcast %broadcast_in_dim3A_43 : f32 to vector<16xf32>
    %swap3A_45 = arith.constant 0 : i32
    %swap3A_46 = arith.index_cast %swap3A_45 : i32 to index
    %swap3A_47 = arith.constant 80 : index
    %swap3A_48 = tpu.vector_load %arg9[%swap3A_46, %swap3A_47] {strides = array<i32>} : memref<1x128xf32, #tpu.memory_space<vmem>>, vector<1x16xf32>,
    %swap3A_49 = vector.shape_cast %swap3A_48 : vector<1x16xf32> to vector<16xf32>
    %swap3A_50 = vector.shape_cast %broadcast_in_dim3A_44 : vector<16xf32> to vector<1x16xf32>
    tpu.vector_store %arg9[%swap3A_46, %swap3A_47], %swap3A_50 {strides = array<i32>} : memref<1x128xf32, #tpu.memory_space<vmem>>, vector<1x16xf32>,
    %broadcast_in_dim3A_51 = arith.constant 1.000000e+00 : f32
    %broadcast_in_dim3A_52 = vector.broadcast %broadcast_in_dim3A_51 : f32 to vector<16xf32>
    %swap3A_53 = arith.constant 0 : i32
    %swap3A_54 = arith.index_cast %swap3A_53 : i32 to index
    %swap3A_55 = arith.constant 96 : index
    %swap3A_56 = tpu.vector_load %arg9[%swap3A_54, %swap3A_55] {strides = array<i32>} : memref<1x128xf32, #tpu.memory_space<vmem>>, vector<1x16xf32>,
    %swap3A_57 = vector.shape_cast %swap3A_56 : vector<1x16xf32> to vector<16xf32>
    %swap3A_58 = vector.shape_cast %broadcast_in_dim3A_52 : vector<16xf32> to vector<1x16xf32>
    tpu.vector_store %arg9[%swap3A_54, %swap3A_55], %swap3A_58 {strides = array<i32>} : memref<1x128xf32, #tpu.memory_space<vmem>>, vector<1x16xf32>,
    %broadcast_in_dim3A_59 = arith.constant 1.000000e+00 : f32
    %broadcast_in_dim3A_60 = vector.broadcast %broadcast_in_dim3A_59 : f32 to vector<16xf32>
    %swap3A_61 = arith.constant 0 : i32
    %swap3A_62 = arith.index_cast %swap3A_61 : i32 to index
    %swap3A_63 = arith.constant 112 : index
    %swap3A_64 = tpu.vector_load %arg9[%swap3A_62, %swap3A_63] {strides = array<i32>} : memref<1x128xf32, #tpu.memory_space<vmem>>, vector<1x16xf32>,
    %swap3A_65 = vector.shape_cast %swap3A_64 : vector<1x16xf32> to vector<16xf32>
    %swap3A_66 = vector.shape_cast %broadcast_in_dim3A_60 : vector<16xf32> to vector<1x16xf32>
    tpu.vector_store %arg9[%swap3A_62, %swap3A_63], %swap3A_66 {strides = array<i32>} : memref<1x128xf32, #tpu.memory_space<vmem>>, vector<1x16xf32>,
    %barrier3A = arith.constant 0 : index
    tpu.barrier barrier_id(%barrier3A)
    %scan3A = arith.constant 0 : i32
    %scan3A_67 = arith.constant 0 : i32
    %scan3A_68 = arith.constant 79 : i32
    %scan3A_69 = arith.addi %scan3A_67, %scan3A_68 : i32
    %scan3A_70 = arith.constant 1 : i32
    scf.for %scan3A_77 = %scan3A_67 to %scan3A_69 step %scan3A_70  : i32 {
      %mul3A_78 = arith.constant 10112 : i32
      %mul3A_79 = arith.muli %add3A, %mul3A_78 : i32
      %mul3A_80 = arith.constant 128 : i32
      %mul3A_81 = arith.muli %scan3A_77, %mul3A_80 : i32
      %add3A_82 = arith.addi %mul3A_79, %mul3A_81 : i32
      %run_scoped3A = arith.constant 0 : i32
      "tpu.region"() ({
        %run_scoped3A_244 = tpu.sem_alloc : memref<!tpu.dma_semaphore, #tpu.memory_space<semaphore_mem>>
        %dma_start3A = arith.constant 0 : i32
        %dma_start3A_245 = tpu.memref_slice %arg7[%run_scoped3A, %dma_start3A] : memref<1x128xi32, #tpu.memory_space<vmem>> -> memref<1x128xi32, #tpu.memory_space<vmem>>
        %dma_start3A_246 = tpu.memref_squeeze %dma_start3A_245 : memref<1x128xi32, #tpu.memory_space<vmem>> -> memref<128xi32, #tpu.memory_space<vmem>>
        %dma_start3A_247 = tpu.memref_slice %arg2[%add3A_82] : memref<323584xi32, #tpu.memory_space<hbm>> -> memref<128xi32, #tpu.memory_space<hbm>>
        %dma_start3A_248 = arith.constant 0 : i32
        %dma_start3A_249 = tpu.memref_slice %arg7[%run_scoped3A, %dma_start3A_248] : memref<1x128xi32, #tpu.memory_space<vmem>> -> memref<1x128xi32, #tpu.memory_space<vmem>>
        %dma_start3A_250 = tpu.memref_squeeze %dma_start3A_249 : memref<1x128xi32, #tpu.memory_space<vmem>> -> memref<128xi32, #tpu.memory_space<vmem>>
        %dma_start3A_251 = tpu.memref_slice %arg2[%add3A_82] : memref<323584xi32, #tpu.memory_space<hbm>> -> memref<128xi32, #tpu.memory_space<hbm>>
        tpu.enqueue_dma source(%dma_start3A_251 : memref<128xi32, #tpu.memory_space<hbm>>) target(%dma_start3A_250 : memref<128xi32, #tpu.memory_space<vmem>>) target_semaphore(%run_scoped3A_244 : memref<!tpu.dma_semaphore, #tpu.memory_space<semaphore_mem>>)
        %dma_wait3A = arith.constant 0 : i32
        %dma_wait3A_252 = tpu.memref_slice %arg7[%run_scoped3A, %dma_wait3A] : memref<1x128xi32, #tpu.memory_space<vmem>> -> memref<1x128xi32, #tpu.memory_space<vmem>>
        %dma_wait3A_253 = tpu.memref_squeeze %dma_wait3A_252 : memref<1x128xi32, #tpu.memory_space<vmem>> -> memref<128xi32, #tpu.memory_space<vmem>>
        %dma_wait3A_254 = tpu.memref_slice %arg2[%add3A_82] : memref<323584xi32, #tpu.memory_space<hbm>> -> memref<128xi32, #tpu.memory_space<hbm>>
        %dma_wait3A_255 = arith.constant 0 : i32
        %dma_wait3A_256 = tpu.memref_slice %arg7[%run_scoped3A, %dma_wait3A_255] : memref<1x128xi32, #tpu.memory_space<vmem>> -> memref<1x128xi32, #tpu.memory_space<vmem>>
        %dma_wait3A_257 = tpu.memref_squeeze %dma_wait3A_256 : memref<1x128xi32, #tpu.memory_space<vmem>> -> memref<128xi32, #tpu.memory_space<vmem>>
        %dma_wait3A_258 = tpu.memref_slice %arg2[%add3A_82] : memref<323584xi32, #tpu.memory_space<hbm>> -> memref<128xi32, #tpu.memory_space<hbm>>
        tpu.wait_dma2 semaphore(%run_scoped3A_244 : memref<!tpu.dma_semaphore, #tpu.memory_space<semaphore_mem>>) src(%dma_wait3A_258 : memref<128xi32, #tpu.memory_space<hbm>>) dst(%dma_wait3A_257 : memref<128xi32, #tpu.memory_space<vmem>>)
        tpu.yield
      }) : () -> ()
      %run_scoped3A_83 = arith.constant 0 : i32
      "tpu.region"() ({
        %run_scoped3A_244 = tpu.sem_alloc : memref<!tpu.dma_semaphore, #tpu.memory_space<semaphore_mem>>
        %dma_start3A = arith.constant 0 : i32
        %dma_start3A_245 = tpu.memref_slice %arg8[%run_scoped3A_83, %dma_start3A] : memref<1x128xi32, #tpu.memory_space<vmem>> -> memref<1x128xi32, #tpu.memory_space<vmem>>
        %dma_start3A_246 = tpu.memref_squeeze %dma_start3A_245 : memref<1x128xi32, #tpu.memory_space<vmem>> -> memref<128xi32, #tpu.memory_space<vmem>>
        %dma_start3A_247 = tpu.memref_slice %arg3[%add3A_82] : memref<323584xi32, #tpu.memory_space<hbm>> -> memref<128xi32, #tpu.memory_space<hbm>>
        %dma_start3A_248 = arith.constant 0 : i32
        %dma_start3A_249 = tpu.memref_slice %arg8[%run_scoped3A_83, %dma_start3A_248] : memref<1x128xi32, #tpu.memory_space<vmem>> -> memref<1x128xi32, #tpu.memory_space<vmem>>
        %dma_start3A_250 = tpu.memref_squeeze %dma_start3A_249 : memref<1x128xi32, #tpu.memory_space<vmem>> -> memref<128xi32, #tpu.memory_space<vmem>>
        %dma_start3A_251 = tpu.memref_slice %arg3[%add3A_82] : memref<323584xi32, #tpu.memory_space<hbm>> -> memref<128xi32, #tpu.memory_space<hbm>>
        tpu.enqueue_dma source(%dma_start3A_251 : memref<128xi32, #tpu.memory_space<hbm>>) target(%dma_start3A_250 : memref<128xi32, #tpu.memory_space<vmem>>) target_semaphore(%run_scoped3A_244 : memref<!tpu.dma_semaphore, #tpu.memory_space<semaphore_mem>>)
        %dma_wait3A = arith.constant 0 : i32
        %dma_wait3A_252 = tpu.memref_slice %arg8[%run_scoped3A_83, %dma_wait3A] : memref<1x128xi32, #tpu.memory_space<vmem>> -> memref<1x128xi32, #tpu.memory_space<vmem>>
        %dma_wait3A_253 = tpu.memref_squeeze %dma_wait3A_252 : memref<1x128xi32, #tpu.memory_space<vmem>> -> memref<128xi32, #tpu.memory_space<vmem>>
        %dma_wait3A_254 = tpu.memref_slice %arg3[%add3A_82] : memref<323584xi32, #tpu.memory_space<hbm>> -> memref<128xi32, #tpu.memory_space<hbm>>
        %dma_wait3A_255 = arith.constant 0 : i32
        %dma_wait3A_256 = tpu.memref_slice %arg8[%run_scoped3A_83, %dma_wait3A_255] : memref<1x128xi32, #tpu.memory_space<vmem>> -> memref<1x128xi32, #tpu.memory_space<vmem>>
        %dma_wait3A_257 = tpu.memref_squeeze %dma_wait3A_256 : memref<1x128xi32, #tpu.memory_space<vmem>> -> memref<128xi32, #tpu.memory_space<vmem>>
        %dma_wait3A_258 = tpu.memref_slice %arg3[%add3A_82] : memref<323584xi32, #tpu.memory_space<hbm>> -> memref<128xi32, #tpu.memory_space<hbm>>
        tpu.wait_dma2 semaphore(%run_scoped3A_244 : memref<!tpu.dma_semaphore, #tpu.memory_space<semaphore_mem>>) src(%dma_wait3A_258 : memref<128xi32, #tpu.memory_space<hbm>>) dst(%dma_wait3A_257 : memref<128xi32, #tpu.memory_space<vmem>>)
        tpu.yield
      }) : () -> ()
      %get3A = arith.constant 0 : i32
      %get3A_84 = arith.index_cast %get3A : i32 to index
      %get3A_85 = arith.constant 0 : index
      %get3A_86 = tpu.vector_load %arg7[%get3A_84, %get3A_85] {strides = array<i32>} : memref<1x128xi32, #tpu.memory_space<vmem>>, vector<1x16xi32>,
      %get3A_87 = vector.shape_cast %get3A_86 : vector<1x16xi32> to vector<16xi32>
      %get3A_88 = arith.constant 0 : i32
      %get3A_89 = arith.index_cast %get3A_88 : i32 to index
      %get3A_90 = arith.constant 0 : index
      %get3A_91 = tpu.vector_load %arg8[%get3A_89, %get3A_90] {strides = array<i32>} : memref<1x128xi32, #tpu.memory_space<vmem>>, vector<1x16xi32>,
      %get3A_92 = vector.shape_cast %get3A_91 : vector<1x16xi32> to vector<16xi32>
      %eq3A = arith.cmpi eq, %get3A_87, %get3A_92 : vector<16xi32>
      %broadcast_in_dim3A_93 = arith.constant 10000 : i32
      %broadcast_in_dim3A_94 = vector.broadcast %broadcast_in_dim3A_93 : i32 to vector<16xi32>
      %select_n3A = arith.select %eq3A, %broadcast_in_dim3A_94, %get3A_92 : vector<16xi1>, vector<16xi32>
      %swap3A_95 = arith.constant 0 : i32
      %swap3A_96 = arith.index_cast %swap3A_95 : i32 to index
      %swap3A_97 = arith.constant 0 : index
      %swap3A_98 = tpu.vector_load %arg8[%swap3A_96, %swap3A_97] {strides = array<i32>} : memref<1x128xi32, #tpu.memory_space<vmem>>, vector<1x16xi32>,
      %swap3A_99 = vector.shape_cast %swap3A_98 : vector<1x16xi32> to vector<16xi32>
      %swap3A_100 = vector.shape_cast %select_n3A : vector<16xi32> to vector<1x16xi32>
      tpu.vector_store %arg8[%swap3A_96, %swap3A_97], %swap3A_100 {strides = array<i32>} : memref<1x128xi32, #tpu.memory_space<vmem>>, vector<1x16xi32>,
      %get3A_101 = arith.constant 0 : i32
      %get3A_102 = arith.index_cast %get3A_101 : i32 to index
      %get3A_103 = arith.constant 16 : index
      %get3A_104 = tpu.vector_load %arg7[%get3A_102, %get3A_103] {strides = array<i32>} : memref<1x128xi32, #tpu.memory_space<vmem>>, vector<1x16xi32>,
      %get3A_105 = vector.shape_cast %get3A_104 : vector<1x16xi32> to vector<16xi32>
      %get3A_106 = arith.constant 0 : i32
      %get3A_107 = arith.index_cast %get3A_106 : i32 to index
      %get3A_108 = arith.constant 16 : index
      %get3A_109 = tpu.vector_load %arg8[%get3A_107, %get3A_108] {strides = array<i32>} : memref<1x128xi32, #tpu.memory_space<vmem>>, vector<1x16xi32>,
      %get3A_110 = vector.shape_cast %get3A_109 : vector<1x16xi32> to vector<16xi32>
      %eq3A_111 = arith.cmpi eq, %get3A_105, %get3A_110 : vector<16xi32>
      %broadcast_in_dim3A_112 = arith.constant 10000 : i32
      %broadcast_in_dim3A_113 = vector.broadcast %broadcast_in_dim3A_112 : i32 to vector<16xi32>
      %select_n3A_114 = arith.select %eq3A_111, %broadcast_in_dim3A_113, %get3A_110 : vector<16xi1>, vector<16xi32>
      %swap3A_115 = arith.constant 0 : i32
      %swap3A_116 = arith.index_cast %swap3A_115 : i32 to index
      %swap3A_117 = arith.constant 16 : index
      %swap3A_118 = tpu.vector_load %arg8[%swap3A_116, %swap3A_117] {strides = array<i32>} : memref<1x128xi32, #tpu.memory_space<vmem>>, vector<1x16xi32>,
      %swap3A_119 = vector.shape_cast %swap3A_118 : vector<1x16xi32> to vector<16xi32>
      %swap3A_120 = vector.shape_cast %select_n3A_114 : vector<16xi32> to vector<1x16xi32>
      tpu.vector_store %arg8[%swap3A_116, %swap3A_117], %swap3A_120 {strides = array<i32>} : memref<1x128xi32, #tpu.memory_space<vmem>>, vector<1x16xi32>,
      %get3A_121 = arith.constant 0 : i32
      %get3A_122 = arith.index_cast %get3A_121 : i32 to index
      %get3A_123 = arith.constant 32 : index
      %get3A_124 = tpu.vector_load %arg7[%get3A_122, %get3A_123] {strides = array<i32>} : memref<1x128xi32, #tpu.memory_space<vmem>>, vector<1x16xi32>,
      %get3A_125 = vector.shape_cast %get3A_124 : vector<1x16xi32> to vector<16xi32>
      %get3A_126 = arith.constant 0 : i32
      %get3A_127 = arith.index_cast %get3A_126 : i32 to index
      %get3A_128 = arith.constant 32 : index
      %get3A_129 = tpu.vector_load %arg8[%get3A_127, %get3A_128] {strides = array<i32>} : memref<1x128xi32, #tpu.memory_space<vmem>>, vector<1x16xi32>,
      %get3A_130 = vector.shape_cast %get3A_129 : vector<1x16xi32> to vector<16xi32>
      %eq3A_131 = arith.cmpi eq, %get3A_125, %get3A_130 : vector<16xi32>
      %broadcast_in_dim3A_132 = arith.constant 10000 : i32
      %broadcast_in_dim3A_133 = vector.broadcast %broadcast_in_dim3A_132 : i32 to vector<16xi32>
      %select_n3A_134 = arith.select %eq3A_131, %broadcast_in_dim3A_133, %get3A_130 : vector<16xi1>, vector<16xi32>
      %swap3A_135 = arith.constant 0 : i32
      %swap3A_136 = arith.index_cast %swap3A_135 : i32 to index
      %swap3A_137 = arith.constant 32 : index
      %swap3A_138 = tpu.vector_load %arg8[%swap3A_136, %swap3A_137] {strides = array<i32>} : memref<1x128xi32, #tpu.memory_space<vmem>>, vector<1x16xi32>,
      %swap3A_139 = vector.shape_cast %swap3A_138 : vector<1x16xi32> to vector<16xi32>
      %swap3A_140 = vector.shape_cast %select_n3A_134 : vector<16xi32> to vector<1x16xi32>
      tpu.vector_store %arg8[%swap3A_136, %swap3A_137], %swap3A_140 {strides = array<i32>} : memref<1x128xi32, #tpu.memory_space<vmem>>, vector<1x16xi32>,
      %get3A_141 = arith.constant 0 : i32
      %get3A_142 = arith.index_cast %get3A_141 : i32 to index
      %get3A_143 = arith.constant 48 : index
      %get3A_144 = tpu.vector_load %arg7[%get3A_142, %get3A_143] {strides = array<i32>} : memref<1x128xi32, #tpu.memory_space<vmem>>, vector<1x16xi32>,
      %get3A_145 = vector.shape_cast %get3A_144 : vector<1x16xi32> to vector<16xi32>
      %get3A_146 = arith.constant 0 : i32
      %get3A_147 = arith.index_cast %get3A_146 : i32 to index
      %get3A_148 = arith.constant 48 : index
      %get3A_149 = tpu.vector_load %arg8[%get3A_147, %get3A_148] {strides = array<i32>} : memref<1x128xi32, #tpu.memory_space<vmem>>, vector<1x16xi32>,
      %get3A_150 = vector.shape_cast %get3A_149 : vector<1x16xi32> to vector<16xi32>
      %eq3A_151 = arith.cmpi eq, %get3A_145, %get3A_150 : vector<16xi32>
      %broadcast_in_dim3A_152 = arith.constant 10000 : i32
      %broadcast_in_dim3A_153 = vector.broadcast %broadcast_in_dim3A_152 : i32 to vector<16xi32>
      %select_n3A_154 = arith.select %eq3A_151, %broadcast_in_dim3A_153, %get3A_150 : vector<16xi1>, vector<16xi32>
      %swap3A_155 = arith.constant 0 : i32
      %swap3A_156 = arith.index_cast %swap3A_155 : i32 to index
      %swap3A_157 = arith.constant 48 : index
      %swap3A_158 = tpu.vector_load %arg8[%swap3A_156, %swap3A_157] {strides = array<i32>} : memref<1x128xi32, #tpu.memory_space<vmem>>, vector<1x16xi32>,
      %swap3A_159 = vector.shape_cast %swap3A_158 : vector<1x16xi32> to vector<16xi32>
      %swap3A_160 = vector.shape_cast %select_n3A_154 : vector<16xi32> to vector<1x16xi32>
      tpu.vector_store %arg8[%swap3A_156, %swap3A_157], %swap3A_160 {strides = array<i32>} : memref<1x128xi32, #tpu.memory_space<vmem>>, vector<1x16xi32>,
      %get3A_161 = arith.constant 0 : i32
      %get3A_162 = arith.index_cast %get3A_161 : i32 to index
      %get3A_163 = arith.constant 64 : index
      %get3A_164 = tpu.vector_load %arg7[%get3A_162, %get3A_163] {strides = array<i32>} : memref<1x128xi32, #tpu.memory_space<vmem>>, vector<1x16xi32>,
      %get3A_165 = vector.shape_cast %get3A_164 : vector<1x16xi32> to vector<16xi32>
      %get3A_166 = arith.constant 0 : i32
      %get3A_167 = arith.index_cast %get3A_166 : i32 to index
      %get3A_168 = arith.constant 64 : index
      %get3A_169 = tpu.vector_load %arg8[%get3A_167, %get3A_168] {strides = array<i32>} : memref<1x128xi32, #tpu.memory_space<vmem>>, vector<1x16xi32>,
      %get3A_170 = vector.shape_cast %get3A_169 : vector<1x16xi32> to vector<16xi32>
      %eq3A_171 = arith.cmpi eq, %get3A_165, %get3A_170 : vector<16xi32>
      %broadcast_in_dim3A_172 = arith.constant 10000 : i32
      %broadcast_in_dim3A_173 = vector.broadcast %broadcast_in_dim3A_172 : i32 to vector<16xi32>
      %select_n3A_174 = arith.select %eq3A_171, %broadcast_in_dim3A_173, %get3A_170 : vector<16xi1>, vector<16xi32>
      %swap3A_175 = arith.constant 0 : i32
      %swap3A_176 = arith.index_cast %swap3A_175 : i32 to index
      %swap3A_177 = arith.constant 64 : index
      %swap3A_178 = tpu.vector_load %arg8[%swap3A_176, %swap3A_177] {strides = array<i32>} : memref<1x128xi32, #tpu.memory_space<vmem>>, vector<1x16xi32>,
      %swap3A_179 = vector.shape_cast %swap3A_178 : vector<1x16xi32> to vector<16xi32>
      %swap3A_180 = vector.shape_cast %select_n3A_174 : vector<16xi32> to vector<1x16xi32>
      tpu.vector_store %arg8[%swap3A_176, %swap3A_177], %swap3A_180 {strides = array<i32>} : memref<1x128xi32, #tpu.memory_space<vmem>>, vector<1x16xi32>,
      %get3A_181 = arith.constant 0 : i32
      %get3A_182 = arith.index_cast %get3A_181 : i32 to index
      %get3A_183 = arith.constant 80 : index
      %get3A_184 = tpu.vector_load %arg7[%get3A_182, %get3A_183] {strides = array<i32>} : memref<1x128xi32, #tpu.memory_space<vmem>>, vector<1x16xi32>,
      %get3A_185 = vector.shape_cast %get3A_184 : vector<1x16xi32> to vector<16xi32>
      %get3A_186 = arith.constant 0 : i32
      %get3A_187 = arith.index_cast %get3A_186 : i32 to index
      %get3A_188 = arith.constant 80 : index
      %get3A_189 = tpu.vector_load %arg8[%get3A_187, %get3A_188] {strides = array<i32>} : memref<1x128xi32, #tpu.memory_space<vmem>>, vector<1x16xi32>,
      %get3A_190 = vector.shape_cast %get3A_189 : vector<1x16xi32> to vector<16xi32>
      %eq3A_191 = arith.cmpi eq, %get3A_185, %get3A_190 : vector<16xi32>
      %broadcast_in_dim3A_192 = arith.constant 10000 : i32
      %broadcast_in_dim3A_193 = vector.broadcast %broadcast_in_dim3A_192 : i32 to vector<16xi32>
      %select_n3A_194 = arith.select %eq3A_191, %broadcast_in_dim3A_193, %get3A_190 : vector<16xi1>, vector<16xi32>
      %swap3A_195 = arith.constant 0 : i32
      %swap3A_196 = arith.index_cast %swap3A_195 : i32 to index
      %swap3A_197 = arith.constant 80 : index
      %swap3A_198 = tpu.vector_load %arg8[%swap3A_196, %swap3A_197] {strides = array<i32>} : memref<1x128xi32, #tpu.memory_space<vmem>>, vector<1x16xi32>,
      %swap3A_199 = vector.shape_cast %swap3A_198 : vector<1x16xi32> to vector<16xi32>
      %swap3A_200 = vector.shape_cast %select_n3A_194 : vector<16xi32> to vector<1x16xi32>
      tpu.vector_store %arg8[%swap3A_196, %swap3A_197], %swap3A_200 {strides = array<i32>} : memref<1x128xi32, #tpu.memory_space<vmem>>, vector<1x16xi32>,
      %get3A_201 = arith.constant 0 : i32
      %get3A_202 = arith.index_cast %get3A_201 : i32 to index
      %get3A_203 = arith.constant 96 : index
      %get3A_204 = tpu.vector_load %arg7[%get3A_202, %get3A_203] {strides = array<i32>} : memref<1x128xi32, #tpu.memory_space<vmem>>, vector<1x16xi32>,
      %get3A_205 = vector.shape_cast %get3A_204 : vector<1x16xi32> to vector<16xi32>
      %get3A_206 = arith.constant 0 : i32
      %get3A_207 = arith.index_cast %get3A_206 : i32 to index
      %get3A_208 = arith.constant 96 : index
      %get3A_209 = tpu.vector_load %arg8[%get3A_207, %get3A_208] {strides = array<i32>} : memref<1x128xi32, #tpu.memory_space<vmem>>, vector<1x16xi32>,
      %get3A_210 = vector.shape_cast %get3A_209 : vector<1x16xi32> to vector<16xi32>
      %eq3A_211 = arith.cmpi eq, %get3A_205, %get3A_210 : vector<16xi32>
      %broadcast_in_dim3A_212 = arith.constant 10000 : i32
      %broadcast_in_dim3A_213 = vector.broadcast %broadcast_in_dim3A_212 : i32 to vector<16xi32>
      %select_n3A_214 = arith.select %eq3A_211, %broadcast_in_dim3A_213, %get3A_210 : vector<16xi1>, vector<16xi32>
      %swap3A_215 = arith.constant 0 : i32
      %swap3A_216 = arith.index_cast %swap3A_215 : i32 to index
      %swap3A_217 = arith.constant 96 : index
      %swap3A_218 = tpu.vector_load %arg8[%swap3A_216, %swap3A_217] {strides = array<i32>} : memref<1x128xi32, #tpu.memory_space<vmem>>, vector<1x16xi32>,
      %swap3A_219 = vector.shape_cast %swap3A_218 : vector<1x16xi32> to vector<16xi32>
      %swap3A_220 = vector.shape_cast %select_n3A_214 : vector<16xi32> to vector<1x16xi32>
      tpu.vector_store %arg8[%swap3A_216, %swap3A_217], %swap3A_220 {strides = array<i32>} : memref<1x128xi32, #tpu.memory_space<vmem>>, vector<1x16xi32>,
      %get3A_221 = arith.constant 0 : i32
      %get3A_222 = arith.index_cast %get3A_221 : i32 to index
      %get3A_223 = arith.constant 112 : index
      %get3A_224 = tpu.vector_load %arg7[%get3A_222, %get3A_223] {strides = array<i32>} : memref<1x128xi32, #tpu.memory_space<vmem>>, vector<1x16xi32>,
      %get3A_225 = vector.shape_cast %get3A_224 : vector<1x16xi32> to vector<16xi32>
      %get3A_226 = arith.constant 0 : i32
      %get3A_227 = arith.index_cast %get3A_226 : i32 to index
      %get3A_228 = arith.constant 112 : index
      %get3A_229 = tpu.vector_load %arg8[%get3A_227, %get3A_228] {strides = array<i32>} : memref<1x128xi32, #tpu.memory_space<vmem>>, vector<1x16xi32>,
      %get3A_230 = vector.shape_cast %get3A_229 : vector<1x16xi32> to vector<16xi32>
      %eq3A_231 = arith.cmpi eq, %get3A_225, %get3A_230 : vector<16xi32>
      %broadcast_in_dim3A_232 = arith.constant 10000 : i32
      %broadcast_in_dim3A_233 = vector.broadcast %broadcast_in_dim3A_232 : i32 to vector<16xi32>
      %select_n3A_234 = arith.select %eq3A_231, %broadcast_in_dim3A_233, %get3A_230 : vector<16xi1>, vector<16xi32>
      %swap3A_235 = arith.constant 0 : i32
      %swap3A_236 = arith.index_cast %swap3A_235 : i32 to index
      %swap3A_237 = arith.constant 112 : index
      %swap3A_238 = tpu.vector_load %arg8[%swap3A_236, %swap3A_237] {strides = array<i32>} : memref<1x128xi32, #tpu.memory_space<vmem>>, vector<1x16xi32>,
      %swap3A_239 = vector.shape_cast %swap3A_238 : vector<1x16xi32> to vector<16xi32>
      %swap3A_240 = vector.shape_cast %select_n3A_234 : vector<16xi32> to vector<1x16xi32>
      tpu.vector_store %arg8[%swap3A_236, %swap3A_237], %swap3A_240 {strides = array<i32>} : memref<1x128xi32, #tpu.memory_space<vmem>>, vector<1x16xi32>,
      %run_scoped3A_241 = arith.constant 0 : i32
      "tpu.region"() ({
        %run_scoped3A_244 = tpu.sem_alloc : memref<!tpu.dma_semaphore, #tpu.memory_space<semaphore_mem>>
        %dma_start3A = arith.constant 0 : i32
        %dma_start3A_245 = tpu.memref_slice %arg8[%run_scoped3A_241, %dma_start3A] : memref<1x128xi32, #tpu.memory_space<vmem>> -> memref<1x128xi32, #tpu.memory_space<vmem>>
        %dma_start3A_246 = tpu.memref_squeeze %dma_start3A_245 : memref<1x128xi32, #tpu.memory_space<vmem>> -> memref<128xi32, #tpu.memory_space<vmem>>
        %dma_start3A_247 = tpu.memref_slice %arg5[%add3A_82] : memref<323584xi32, #tpu.memory_space<hbm>> -> memref<128xi32, #tpu.memory_space<hbm>>
        %dma_start3A_248 = tpu.memref_slice %arg5[%add3A_82] : memref<323584xi32, #tpu.memory_space<hbm>> -> memref<128xi32, #tpu.memory_space<hbm>>
        %dma_start3A_249 = arith.constant 0 : i32
        %dma_start3A_250 = tpu.memref_slice %arg8[%run_scoped3A_241, %dma_start3A_249] : memref<1x128xi32, #tpu.memory_space<vmem>> -> memref<1x128xi32, #tpu.memory_space<vmem>>
        %dma_start3A_251 = tpu.memref_squeeze %dma_start3A_250 : memref<1x128xi32, #tpu.memory_space<vmem>> -> memref<128xi32, #tpu.memory_space<vmem>>
        tpu.enqueue_dma source(%dma_start3A_251 : memref<128xi32, #tpu.memory_space<vmem>>) target(%dma_start3A_248 : memref<128xi32, #tpu.memory_space<hbm>>) target_semaphore(%run_scoped3A_244 : memref<!tpu.dma_semaphore, #tpu.memory_space<semaphore_mem>>)
        %dma_wait3A = arith.constant 0 : i32
        %dma_wait3A_252 = tpu.memref_slice %arg8[%run_scoped3A_241, %dma_wait3A] : memref<1x128xi32, #tpu.memory_space<vmem>> -> memref<1x128xi32, #tpu.memory_space<vmem>>
        %dma_wait3A_253 = tpu.memref_squeeze %dma_wait3A_252 : memref<1x128xi32, #tpu.memory_space<vmem>> -> memref<128xi32, #tpu.memory_space<vmem>>
        %dma_wait3A_254 = tpu.memref_slice %arg5[%add3A_82] : memref<323584xi32, #tpu.memory_space<hbm>> -> memref<128xi32, #tpu.memory_space<hbm>>
        %dma_wait3A_255 = tpu.memref_slice %arg5[%add3A_82] : memref<323584xi32, #tpu.memory_space<hbm>> -> memref<128xi32, #tpu.memory_space<hbm>>
        %dma_wait3A_256 = arith.constant 0 : i32
        %dma_wait3A_257 = tpu.memref_slice %arg8[%run_scoped3A_241, %dma_wait3A_256] : memref<1x128xi32, #tpu.memory_space<vmem>> -> memref<1x128xi32, #tpu.memory_space<vmem>>
        %dma_wait3A_258 = tpu.memref_squeeze %dma_wait3A_257 : memref<1x128xi32, #tpu.memory_space<vmem>> -> memref<128xi32, #tpu.memory_space<vmem>>
        tpu.wait_dma2 semaphore(%run_scoped3A_244 : memref<!tpu.dma_semaphore, #tpu.memory_space<semaphore_mem>>) src(%dma_wait3A_258 : memref<128xi32, #tpu.memory_space<vmem>>) dst(%dma_wait3A_255 : memref<128xi32, #tpu.memory_space<hbm>>)
        tpu.yield
      }) : () -> ()
      %run_scoped3A_242 = arith.constant 0 : i32
      %run_scoped3A_243 = arith.constant 0 : i32
      "tpu.region"() ({
        %run_scoped3A_244 = tpu.sem_alloc : memref<!tpu.dma_semaphore, #tpu.memory_space<semaphore_mem>>
        %dma_start3A = arith.constant 0 : i32
        %dma_start3A_245 = tpu.memref_slice %arg9[%run_scoped3A_242, %dma_start3A] : memref<1x128xf32, #tpu.memory_space<vmem>> -> memref<1x128xf32, #tpu.memory_space<vmem>>
        %dma_start3A_246 = tpu.memref_squeeze %dma_start3A_245 : memref<1x128xf32, #tpu.memory_space<vmem>> -> memref<128xf32, #tpu.memory_space<vmem>>
        %dma_start3A_247 = arith.constant 0 : i32
        %dma_start3A_248 = tpu.memref_slice %arg8[%run_scoped3A_243, %dma_start3A_247] : memref<1x128xi32, #tpu.memory_space<vmem>> -> memref<1x128xi32, #tpu.memory_space<vmem>>
        %dma_start3A_249 = tpu.memref_squeeze %dma_start3A_248 : memref<1x128xi32, #tpu.memory_space<vmem>> -> memref<128xi32, #tpu.memory_space<vmem>>
        %dma_start3A_250 = arith.constant 0 : i32
        %dma_start3A_251 = tpu.memref_slice %arg10[%dma_start3A_250] : memref<10240xf32, #tpu.memory_space<vmem_shared>> -> memref<10240xf32, #tpu.memory_space<vmem_shared>>
        tpu.enqueue_indirect_dma source(%dma_start3A_246 : memref<128xf32, #tpu.memory_space<vmem>>) target(%dma_start3A_251 : memref<10240xf32, #tpu.memory_space<vmem_shared>>) offsets(%dma_start3A_249 : memref<128xi32, #tpu.memory_space<vmem>>) semaphore(%run_scoped3A_244 : memref<!tpu.dma_semaphore, #tpu.memory_space<semaphore_mem>>) {add = true}
        %dma_wait3A = arith.constant 0 : i32
        %dma_wait3A_252 = tpu.memref_slice %arg9[%run_scoped3A_242, %dma_wait3A] : memref<1x128xf32, #tpu.memory_space<vmem>> -> memref<1x128xf32, #tpu.memory_space<vmem>>
        %dma_wait3A_253 = tpu.memref_squeeze %dma_wait3A_252 : memref<1x128xf32, #tpu.memory_space<vmem>> -> memref<128xf32, #tpu.memory_space<vmem>>
        %dma_wait3A_254 = arith.constant 0 : i32
        %dma_wait3A_255 = tpu.memref_slice %arg8[%run_scoped3A_243, %dma_wait3A_254] : memref<1x128xi32, #tpu.memory_space<vmem>> -> memref<1x128xi32, #tpu.memory_space<vmem>>
        %dma_wait3A_256 = tpu.memref_squeeze %dma_wait3A_255 : memref<1x128xi32, #tpu.memory_space<vmem>> -> memref<128xi32, #tpu.memory_space<vmem>>
        %dma_wait3A_257 = arith.constant 0 : i32
        %dma_wait3A_258 = tpu.memref_slice %arg10[%dma_wait3A_257] : memref<10240xf32, #tpu.memory_space<vmem_shared>> -> memref<10240xf32, #tpu.memory_space<vmem_shared>>
        tpu.wait_indirect_dma semaphore(%run_scoped3A_244 : memref<!tpu.dma_semaphore, #tpu.memory_space<semaphore_mem>>) src(%dma_wait3A_253 : memref<128xf32, #tpu.memory_space<vmem>>) dst(%dma_wait3A_258 : memref<10240xf32, #tpu.memory_space<vmem_shared>>)
        tpu.yield
      }) : () -> ()
    }
    %scan3A_71 = arith.constant 79 : i32
    %barrier3A_72 = arith.constant 0 : index
    tpu.barrier barrier_id(%barrier3A_72)
    %mul3A_73 = arith.constant 640 : i32
    %mul3A_74 = arith.muli %arg1, %mul3A_73 : i32
    %mul3A_75 = arith.constant 640 : i32
    %mul3A_76 = arith.muli %arg1, %mul3A_75 : i32
    "tpu.region"() ({
      %run_scoped3A = tpu.sem_alloc : memref<!tpu.dma_semaphore, #tpu.memory_space<semaphore_mem>>
      %dma_start3A = tpu.memref_slice %arg6[%arg0, %mul3A_76] : memref<2x10240xf32, #tpu.memory_space<hbm>> -> memref<1x640xf32, #tpu.memory_space<hbm>>
      %dma_start3A_77 = tpu.memref_squeeze %dma_start3A : memref<1x640xf32, #tpu.memory_space<hbm>> -> memref<640xf32, #tpu.memory_space<hbm>>
      %dma_start3A_78 = tpu.memref_slice %arg10[%mul3A_74] : memref<10240xf32, #tpu.memory_space<vmem_shared>> -> memref<640xf32, #tpu.memory_space<vmem_shared>>
      tpu.enqueue_dma source(%dma_start3A_78 : memref<640xf32, #tpu.memory_space<vmem_shared>>) target(%dma_start3A_77 : memref<640xf32, #tpu.memory_space<hbm>>) target_semaphore(%run_scoped3A : memref<!tpu.dma_semaphore, #tpu.memory_space<semaphore_mem>>)
      %dma_wait3A = tpu.memref_slice %arg6[%arg0, %mul3A_76] : memref<2x10240xf32, #tpu.memory_space<hbm>> -> memref<1x640xf32, #tpu.memory_space<hbm>>
      %dma_wait3A_79 = tpu.memref_squeeze %dma_wait3A : memref<1x640xf32, #tpu.memory_space<hbm>> -> memref<640xf32, #tpu.memory_space<hbm>>
      %dma_wait3A_80 = tpu.memref_slice %arg10[%mul3A_74] : memref<10240xf32, #tpu.memory_space<vmem_shared>> -> memref<640xf32, #tpu.memory_space<vmem_shared>>
      tpu.wait_dma2 semaphore(%run_scoped3A : memref<!tpu.dma_semaphore, #tpu.memory_space<semaphore_mem>>) src(%dma_wait3A_80 : memref<640xf32, #tpu.memory_space<vmem_shared>>) dst(%dma_wait3A_79 : memref<640xf32, #tpu.memory_space<hbm>>)
      tpu.yield
    }) : () -> ()
    return
  }
}

#map = affine_map<(d0, d1) -> (0, 0)>
#map1 = affine_map<(d0, d1) -> (0)>
#map2 = affine_map<(d0, d1) -> (0, 0, 0)>
module attributes {stable_mosaic.version = 14 : i64} {
  func.func @_sc_prop_body(%arg0: i32, %arg1: i32, %arg2: memref<10240x32xf32, #tpu.memory_space<hbm>>, %arg3: memref<323584xi32, #tpu.memory_space<hbm>>, %arg4: memref<323584xi32, #tpu.memory_space<hbm>>, %arg5: memref<10240x32xf32, #tpu.memory_space<hbm>>, %arg6: memref<2x10240x32xf32, #tpu.memory_space<hbm>>, %arg7: memref<1x128xi32, #tpu.memory_space<vmem>>, %arg8: memref<1x128xi32, #tpu.memory_space<vmem>>, %arg9: memref<128x32xf32, #tpu.memory_space<vmem>>, %arg10: memref<10240x32xf32, #tpu.memory_space<vmem_shared>>, %arg11: memref<!tpu.dma_semaphore, #tpu.memory_space<semaphore_mem>>) attributes {dimension_semantics = [#tpu.dimension_semantics<core_parallel>, #tpu.dimension_semantics<subcore_parallel>], iteration_bounds = array<i64: 2, 16>, scalar_prefetch = 0 : i64, scratch_operands = 5 : i64, tpu.core_type = #tpu.core_type<sc_vector_subcore>, window_params = [{transform_indices = #map}, {transform_indices = #map1}, {transform_indices = #map1}, {transform_indices = #map}, {transform_indices = #map2}]} {
    %mul3A = arith.constant 2 : i32
    %mul3A_0 = arith.muli %arg1, %mul3A : i32
    %add3A = arith.addi %mul3A_0, %arg0 : i32
    %mul3A_1 = arith.constant 640 : i32
    %mul3A_2 = arith.muli %arg1, %mul3A_1 : i32
    %mul3A_3 = arith.constant 640 : i32
    %mul3A_4 = arith.muli %arg1, %mul3A_3 : i32
    "tpu.region"() ({
      %run_scoped3A = tpu.sem_alloc : memref<!tpu.dma_semaphore, #tpu.memory_space<semaphore_mem>>
      %dma_start3A = arith.constant 0 : i32
      %dma_start3A_15 = tpu.memref_slice %arg10[%mul3A_4, %dma_start3A] : memref<10240x32xf32, #tpu.memory_space<vmem_shared>> -> memref<640x32xf32, #tpu.memory_space<vmem_shared>>
      %dma_start3A_16 = arith.constant 0 : i32
      %dma_start3A_17 = tpu.memref_slice %arg5[%mul3A_2, %dma_start3A_16] : memref<10240x32xf32, #tpu.memory_space<hbm>> -> memref<640x32xf32, #tpu.memory_space<hbm>>
      tpu.enqueue_dma source(%dma_start3A_17 : memref<640x32xf32, #tpu.memory_space<hbm>>) target(%dma_start3A_15 : memref<640x32xf32, #tpu.memory_space<vmem_shared>>) target_semaphore(%run_scoped3A : memref<!tpu.dma_semaphore, #tpu.memory_space<semaphore_mem>>)
      %dma_wait3A = arith.constant 0 : i32
      %dma_wait3A_18 = tpu.memref_slice %arg10[%mul3A_4, %dma_wait3A] : memref<10240x32xf32, #tpu.memory_space<vmem_shared>> -> memref<640x32xf32, #tpu.memory_space<vmem_shared>>
      %dma_wait3A_19 = arith.constant 0 : i32
      %dma_wait3A_20 = tpu.memref_slice %arg5[%mul3A_2, %dma_wait3A_19] : memref<10240x32xf32, #tpu.memory_space<hbm>> -> memref<640x32xf32, #tpu.memory_space<hbm>>
      tpu.wait_dma2 semaphore(%run_scoped3A : memref<!tpu.dma_semaphore, #tpu.memory_space<semaphore_mem>>) src(%dma_wait3A_20 : memref<640x32xf32, #tpu.memory_space<hbm>>) dst(%dma_wait3A_18 : memref<640x32xf32, #tpu.memory_space<vmem_shared>>)
      tpu.yield
    }) : () -> ()
    %barrier3A = arith.constant 0 : index
    tpu.barrier barrier_id(%barrier3A)
    %scan3A = arith.constant 0 : i32
    %scan3A_5 = arith.constant 0 : i32
    %scan3A_6 = arith.constant 79 : i32
    %scan3A_7 = arith.addi %scan3A_5, %scan3A_6 : i32
    %scan3A_8 = arith.constant 1 : i32
    scf.for %scan3A_15 = %scan3A_5 to %scan3A_7 step %scan3A_8  : i32 {
      %mul3A_16 = arith.constant 10112 : i32
      %mul3A_17 = arith.muli %add3A, %mul3A_16 : i32
      %mul3A_18 = arith.constant 128 : i32
      %mul3A_19 = arith.muli %scan3A_15, %mul3A_18 : i32
      %add3A_20 = arith.addi %mul3A_17, %mul3A_19 : i32
      %run_scoped3A = arith.constant 0 : i32
      "tpu.region"() ({
        %run_scoped3A_35 = tpu.sem_alloc : memref<!tpu.dma_semaphore, #tpu.memory_space<semaphore_mem>>
        %dma_start3A_36 = arith.constant 0 : i32
        %dma_start3A_37 = tpu.memref_slice %arg7[%run_scoped3A, %dma_start3A_36] : memref<1x128xi32, #tpu.memory_space<vmem>> -> memref<1x128xi32, #tpu.memory_space<vmem>>
        %dma_start3A_38 = tpu.memref_squeeze %dma_start3A_37 : memref<1x128xi32, #tpu.memory_space<vmem>> -> memref<128xi32, #tpu.memory_space<vmem>>
        %dma_start3A_39 = tpu.memref_slice %arg3[%add3A_20] : memref<323584xi32, #tpu.memory_space<hbm>> -> memref<128xi32, #tpu.memory_space<hbm>>
        %dma_start3A_40 = arith.constant 0 : i32
        %dma_start3A_41 = tpu.memref_slice %arg7[%run_scoped3A, %dma_start3A_40] : memref<1x128xi32, #tpu.memory_space<vmem>> -> memref<1x128xi32, #tpu.memory_space<vmem>>
        %dma_start3A_42 = tpu.memref_squeeze %dma_start3A_41 : memref<1x128xi32, #tpu.memory_space<vmem>> -> memref<128xi32, #tpu.memory_space<vmem>>
        %dma_start3A_43 = tpu.memref_slice %arg3[%add3A_20] : memref<323584xi32, #tpu.memory_space<hbm>> -> memref<128xi32, #tpu.memory_space<hbm>>
        tpu.enqueue_dma source(%dma_start3A_43 : memref<128xi32, #tpu.memory_space<hbm>>) target(%dma_start3A_42 : memref<128xi32, #tpu.memory_space<vmem>>) target_semaphore(%run_scoped3A_35 : memref<!tpu.dma_semaphore, #tpu.memory_space<semaphore_mem>>)
        %dma_wait3A_44 = arith.constant 0 : i32
        %dma_wait3A_45 = tpu.memref_slice %arg7[%run_scoped3A, %dma_wait3A_44] : memref<1x128xi32, #tpu.memory_space<vmem>> -> memref<1x128xi32, #tpu.memory_space<vmem>>
        %dma_wait3A_46 = tpu.memref_squeeze %dma_wait3A_45 : memref<1x128xi32, #tpu.memory_space<vmem>> -> memref<128xi32, #tpu.memory_space<vmem>>
        %dma_wait3A_47 = tpu.memref_slice %arg3[%add3A_20] : memref<323584xi32, #tpu.memory_space<hbm>> -> memref<128xi32, #tpu.memory_space<hbm>>
        %dma_wait3A_48 = arith.constant 0 : i32
        %dma_wait3A_49 = tpu.memref_slice %arg7[%run_scoped3A, %dma_wait3A_48] : memref<1x128xi32, #tpu.memory_space<vmem>> -> memref<1x128xi32, #tpu.memory_space<vmem>>
        %dma_wait3A_50 = tpu.memref_squeeze %dma_wait3A_49 : memref<1x128xi32, #tpu.memory_space<vmem>> -> memref<128xi32, #tpu.memory_space<vmem>>
        %dma_wait3A_51 = tpu.memref_slice %arg3[%add3A_20] : memref<323584xi32, #tpu.memory_space<hbm>> -> memref<128xi32, #tpu.memory_space<hbm>>
        tpu.wait_dma2 semaphore(%run_scoped3A_35 : memref<!tpu.dma_semaphore, #tpu.memory_space<semaphore_mem>>) src(%dma_wait3A_51 : memref<128xi32, #tpu.memory_space<hbm>>) dst(%dma_wait3A_50 : memref<128xi32, #tpu.memory_space<vmem>>)
        tpu.yield
      }) : () -> ()
      %run_scoped3A_21 = arith.constant 0 : i32
      "tpu.region"() ({
        %run_scoped3A_35 = tpu.sem_alloc : memref<!tpu.dma_semaphore, #tpu.memory_space<semaphore_mem>>
        %dma_start3A_36 = arith.constant 0 : i32
        %dma_start3A_37 = tpu.memref_slice %arg8[%run_scoped3A_21, %dma_start3A_36] : memref<1x128xi32, #tpu.memory_space<vmem>> -> memref<1x128xi32, #tpu.memory_space<vmem>>
        %dma_start3A_38 = tpu.memref_squeeze %dma_start3A_37 : memref<1x128xi32, #tpu.memory_space<vmem>> -> memref<128xi32, #tpu.memory_space<vmem>>
        %dma_start3A_39 = tpu.memref_slice %arg4[%add3A_20] : memref<323584xi32, #tpu.memory_space<hbm>> -> memref<128xi32, #tpu.memory_space<hbm>>
        %dma_start3A_40 = arith.constant 0 : i32
        %dma_start3A_41 = tpu.memref_slice %arg8[%run_scoped3A_21, %dma_start3A_40] : memref<1x128xi32, #tpu.memory_space<vmem>> -> memref<1x128xi32, #tpu.memory_space<vmem>>
        %dma_start3A_42 = tpu.memref_squeeze %dma_start3A_41 : memref<1x128xi32, #tpu.memory_space<vmem>> -> memref<128xi32, #tpu.memory_space<vmem>>
        %dma_start3A_43 = tpu.memref_slice %arg4[%add3A_20] : memref<323584xi32, #tpu.memory_space<hbm>> -> memref<128xi32, #tpu.memory_space<hbm>>
        tpu.enqueue_dma source(%dma_start3A_43 : memref<128xi32, #tpu.memory_space<hbm>>) target(%dma_start3A_42 : memref<128xi32, #tpu.memory_space<vmem>>) target_semaphore(%run_scoped3A_35 : memref<!tpu.dma_semaphore, #tpu.memory_space<semaphore_mem>>)
        %dma_wait3A_44 = arith.constant 0 : i32
        %dma_wait3A_45 = tpu.memref_slice %arg8[%run_scoped3A_21, %dma_wait3A_44] : memref<1x128xi32, #tpu.memory_space<vmem>> -> memref<1x128xi32, #tpu.memory_space<vmem>>
        %dma_wait3A_46 = tpu.memref_squeeze %dma_wait3A_45 : memref<1x128xi32, #tpu.memory_space<vmem>> -> memref<128xi32, #tpu.memory_space<vmem>>
        %dma_wait3A_47 = tpu.memref_slice %arg4[%add3A_20] : memref<323584xi32, #tpu.memory_space<hbm>> -> memref<128xi32, #tpu.memory_space<hbm>>
        %dma_wait3A_48 = arith.constant 0 : i32
        %dma_wait3A_49 = tpu.memref_slice %arg8[%run_scoped3A_21, %dma_wait3A_48] : memref<1x128xi32, #tpu.memory_space<vmem>> -> memref<1x128xi32, #tpu.memory_space<vmem>>
        %dma_wait3A_50 = tpu.memref_squeeze %dma_wait3A_49 : memref<1x128xi32, #tpu.memory_space<vmem>> -> memref<128xi32, #tpu.memory_space<vmem>>
        %dma_wait3A_51 = tpu.memref_slice %arg4[%add3A_20] : memref<323584xi32, #tpu.memory_space<hbm>> -> memref<128xi32, #tpu.memory_space<hbm>>
        tpu.wait_dma2 semaphore(%run_scoped3A_35 : memref<!tpu.dma_semaphore, #tpu.memory_space<semaphore_mem>>) src(%dma_wait3A_51 : memref<128xi32, #tpu.memory_space<hbm>>) dst(%dma_wait3A_50 : memref<128xi32, #tpu.memory_space<vmem>>)
        tpu.yield
      }) : () -> ()
      %dma_start3A = arith.constant 0 : i32
      %dma_start3A_22 = arith.constant 0 : i32
      %dma_start3A_23 = tpu.memref_slice %arg7[%dma_start3A, %dma_start3A_22] : memref<1x128xi32, #tpu.memory_space<vmem>> -> memref<1x128xi32, #tpu.memory_space<vmem>>
      %dma_start3A_24 = tpu.memref_squeeze %dma_start3A_23 : memref<1x128xi32, #tpu.memory_space<vmem>> -> memref<128xi32, #tpu.memory_space<vmem>>
      %dma_start3A_25 = arith.constant 0 : i32
      %dma_start3A_26 = arith.constant 0 : i32
      %dma_start3A_27 = tpu.memref_slice %arg2[%dma_start3A_25, %dma_start3A_26] : memref<10240x32xf32, #tpu.memory_space<hbm>> -> memref<10240x32xf32, #tpu.memory_space<hbm>>
      tpu.enqueue_indirect_dma source(%dma_start3A_27 : memref<10240x32xf32, #tpu.memory_space<hbm>>) target(%arg9 : memref<128x32xf32, #tpu.memory_space<vmem>>) offsets(%dma_start3A_24 : memref<128xi32, #tpu.memory_space<vmem>>) semaphore(%arg11 : memref<!tpu.dma_semaphore, #tpu.memory_space<semaphore_mem>>)
      %dma_wait3A = arith.constant 0 : i32
      %dma_wait3A_28 = arith.constant 0 : i32
      %dma_wait3A_29 = tpu.memref_slice %arg7[%dma_wait3A, %dma_wait3A_28] : memref<1x128xi32, #tpu.memory_space<vmem>> -> memref<1x128xi32, #tpu.memory_space<vmem>>
      %dma_wait3A_30 = tpu.memref_squeeze %dma_wait3A_29 : memref<1x128xi32, #tpu.memory_space<vmem>> -> memref<128xi32, #tpu.memory_space<vmem>>
      %dma_wait3A_31 = arith.constant 0 : i32
      %dma_wait3A_32 = arith.constant 0 : i32
      %dma_wait3A_33 = tpu.memref_slice %arg2[%dma_wait3A_31, %dma_wait3A_32] : memref<10240x32xf32, #tpu.memory_space<hbm>> -> memref<10240x32xf32, #tpu.memory_space<hbm>>
      tpu.wait_indirect_dma semaphore(%arg11 : memref<!tpu.dma_semaphore, #tpu.memory_space<semaphore_mem>>) src(%dma_wait3A_33 : memref<10240x32xf32, #tpu.memory_space<hbm>>) dst(%arg9 : memref<128x32xf32, #tpu.memory_space<vmem>>)
      %run_scoped3A_34 = arith.constant 0 : i32
      "tpu.region"() ({
        %run_scoped3A_35 = tpu.sem_alloc : memref<!tpu.dma_semaphore, #tpu.memory_space<semaphore_mem>>
        %dma_start3A_36 = arith.constant 0 : i32
        %dma_start3A_37 = tpu.memref_slice %arg8[%run_scoped3A_34, %dma_start3A_36] : memref<1x128xi32, #tpu.memory_space<vmem>> -> memref<1x128xi32, #tpu.memory_space<vmem>>
        %dma_start3A_38 = tpu.memref_squeeze %dma_start3A_37 : memref<1x128xi32, #tpu.memory_space<vmem>> -> memref<128xi32, #tpu.memory_space<vmem>>
        %dma_start3A_39 = arith.constant 0 : i32
        %dma_start3A_40 = arith.constant 0 : i32
        %dma_start3A_41 = tpu.memref_slice %arg10[%dma_start3A_39, %dma_start3A_40] : memref<10240x32xf32, #tpu.memory_space<vmem_shared>> -> memref<10240x32xf32, #tpu.memory_space<vmem_shared>>
        tpu.enqueue_indirect_dma source(%arg9 : memref<128x32xf32, #tpu.memory_space<vmem>>) target(%dma_start3A_41 : memref<10240x32xf32, #tpu.memory_space<vmem_shared>>) offsets(%dma_start3A_38 : memref<128xi32, #tpu.memory_space<vmem>>) semaphore(%run_scoped3A_35 : memref<!tpu.dma_semaphore, #tpu.memory_space<semaphore_mem>>) {add = true}
        %dma_wait3A_42 = arith.constant 0 : i32
        %dma_wait3A_43 = tpu.memref_slice %arg8[%run_scoped3A_34, %dma_wait3A_42] : memref<1x128xi32, #tpu.memory_space<vmem>> -> memref<1x128xi32, #tpu.memory_space<vmem>>
        %dma_wait3A_44 = tpu.memref_squeeze %dma_wait3A_43 : memref<1x128xi32, #tpu.memory_space<vmem>> -> memref<128xi32, #tpu.memory_space<vmem>>
        %dma_wait3A_45 = arith.constant 0 : i32
        %dma_wait3A_46 = arith.constant 0 : i32
        %dma_wait3A_47 = tpu.memref_slice %arg10[%dma_wait3A_45, %dma_wait3A_46] : memref<10240x32xf32, #tpu.memory_space<vmem_shared>> -> memref<10240x32xf32, #tpu.memory_space<vmem_shared>>
        tpu.wait_indirect_dma semaphore(%run_scoped3A_35 : memref<!tpu.dma_semaphore, #tpu.memory_space<semaphore_mem>>) src(%arg9 : memref<128x32xf32, #tpu.memory_space<vmem>>) dst(%dma_wait3A_47 : memref<10240x32xf32, #tpu.memory_space<vmem_shared>>)
        tpu.yield
      }) : () -> ()
    }
    %scan3A_9 = arith.constant 79 : i32
    %barrier3A_10 = arith.constant 0 : index
    tpu.barrier barrier_id(%barrier3A_10)
    %mul3A_11 = arith.constant 640 : i32
    %mul3A_12 = arith.muli %arg1, %mul3A_11 : i32
    %mul3A_13 = arith.constant 640 : i32
    %mul3A_14 = arith.muli %arg1, %mul3A_13 : i32
    "tpu.region"() ({
      %run_scoped3A = tpu.sem_alloc : memref<!tpu.dma_semaphore, #tpu.memory_space<semaphore_mem>>
      %dma_start3A = arith.constant 0 : i32
      %dma_start3A_15 = tpu.memref_slice %arg6[%arg0, %mul3A_14, %dma_start3A] : memref<2x10240x32xf32, #tpu.memory_space<hbm>> -> memref<1x640x32xf32, #tpu.memory_space<hbm>>
      %dma_start3A_16 = tpu.memref_squeeze %dma_start3A_15 : memref<1x640x32xf32, #tpu.memory_space<hbm>> -> memref<640x32xf32, #tpu.memory_space<hbm>>
      %dma_start3A_17 = arith.constant 0 : i32
      %dma_start3A_18 = tpu.memref_slice %arg10[%mul3A_12, %dma_start3A_17] : memref<10240x32xf32, #tpu.memory_space<vmem_shared>> -> memref<640x32xf32, #tpu.memory_space<vmem_shared>>
      tpu.enqueue_dma source(%dma_start3A_18 : memref<640x32xf32, #tpu.memory_space<vmem_shared>>) target(%dma_start3A_16 : memref<640x32xf32, #tpu.memory_space<hbm>>) target_semaphore(%run_scoped3A : memref<!tpu.dma_semaphore, #tpu.memory_space<semaphore_mem>>)
      %dma_wait3A = arith.constant 0 : i32
      %dma_wait3A_19 = tpu.memref_slice %arg6[%arg0, %mul3A_14, %dma_wait3A] : memref<2x10240x32xf32, #tpu.memory_space<hbm>> -> memref<1x640x32xf32, #tpu.memory_space<hbm>>
      %dma_wait3A_20 = tpu.memref_squeeze %dma_wait3A_19 : memref<1x640x32xf32, #tpu.memory_space<hbm>> -> memref<640x32xf32, #tpu.memory_space<hbm>>
      %dma_wait3A_21 = arith.constant 0 : i32
      %dma_wait3A_22 = tpu.memref_slice %arg10[%mul3A_12, %dma_wait3A_21] : memref<10240x32xf32, #tpu.memory_space<vmem_shared>> -> memref<640x32xf32, #tpu.memory_space<vmem_shared>>
      tpu.wait_dma2 semaphore(%run_scoped3A : memref<!tpu.dma_semaphore, #tpu.memory_space<semaphore_mem>>) src(%dma_wait3A_22 : memref<640x32xf32, #tpu.memory_space<vmem_shared>>) dst(%dma_wait3A_20 : memref<640x32xf32, #tpu.memory_space<hbm>>)
      tpu.yield
    }) : () -> ()
    return
  }
}

#map = affine_map<(d0, d1) -> (0, 0)>
#map1 = affine_map<(d0, d1) -> (0)>
#map2 = affine_map<(d0, d1) -> (0, 0, 0)>
module attributes {stable_mosaic.version = 14 : i64} {
  func.func @_sc_pool_body(%arg0: i32, %arg1: i32, %arg2: memref<10240x32xf32, #tpu.memory_space<hbm>>, %arg3: memref<10240x32xf32, #tpu.memory_space<hbm>>, %arg4: memref<10240x32xf32, #tpu.memory_space<hbm>>, %arg5: memref<10240xi32, #tpu.memory_space<hbm>>, %arg6: memref<10240xi32, #tpu.memory_space<hbm>>, %arg7: memref<10240x32xf32, #tpu.memory_space<hbm>>, %arg8: memref<2x9600x32xf32, #tpu.memory_space<hbm>>, %arg9: memref<1x80xi32, #tpu.memory_space<vmem>>, %arg10: memref<1x80xi32, #tpu.memory_space<vmem>>, %arg11: memref<80x32xf32, #tpu.memory_space<vmem>>, %arg12: memref<9616x32xf32, #tpu.memory_space<vmem_shared>>) attributes {dimension_semantics = [#tpu.dimension_semantics<core_parallel>, #tpu.dimension_semantics<subcore_parallel>], iteration_bounds = array<i64: 2, 16>, scalar_prefetch = 0 : i64, scratch_operands = 4 : i64, tpu.core_type = #tpu.core_type<sc_vector_subcore>, window_params = [{transform_indices = #map}, {transform_indices = #map}, {transform_indices = #map}, {transform_indices = #map1}, {transform_indices = #map1}, {transform_indices = #map}, {transform_indices = #map2}]} {
    %mul3A = arith.constant 2 : i32
    %mul3A_0 = arith.muli %arg1, %mul3A : i32
    %add3A = arith.addi %mul3A_0, %arg0 : i32
    %mul3A_1 = arith.constant 600 : i32
    %mul3A_2 = arith.muli %arg1, %mul3A_1 : i32
    %mul3A_3 = arith.constant 600 : i32
    %mul3A_4 = arith.muli %arg1, %mul3A_3 : i32
    "tpu.region"() ({
      %run_scoped3A_1358 = tpu.sem_alloc : memref<!tpu.dma_semaphore, #tpu.memory_space<semaphore_mem>>
      %dma_start3A = arith.constant 0 : i32
      %dma_start3A_1359 = tpu.memref_slice %arg12[%mul3A_4, %dma_start3A] : memref<9616x32xf32, #tpu.memory_space<vmem_shared>> -> memref<600x32xf32, #tpu.memory_space<vmem_shared>>
      %dma_start3A_1360 = arith.constant 0 : i32
      %dma_start3A_1361 = tpu.memref_slice %arg7[%mul3A_2, %dma_start3A_1360] : memref<10240x32xf32, #tpu.memory_space<hbm>> -> memref<600x32xf32, #tpu.memory_space<hbm>>
      tpu.enqueue_dma source(%dma_start3A_1361 : memref<600x32xf32, #tpu.memory_space<hbm>>) target(%dma_start3A_1359 : memref<600x32xf32, #tpu.memory_space<vmem_shared>>) target_semaphore(%run_scoped3A_1358 : memref<!tpu.dma_semaphore, #tpu.memory_space<semaphore_mem>>)
      %dma_wait3A = arith.constant 0 : i32
      %dma_wait3A_1362 = tpu.memref_slice %arg12[%mul3A_4, %dma_wait3A] : memref<9616x32xf32, #tpu.memory_space<vmem_shared>> -> memref<600x32xf32, #tpu.memory_space<vmem_shared>>
      %dma_wait3A_1363 = arith.constant 0 : i32
      %dma_wait3A_1364 = tpu.memref_slice %arg7[%mul3A_2, %dma_wait3A_1363] : memref<10240x32xf32, #tpu.memory_space<hbm>> -> memref<600x32xf32, #tpu.memory_space<hbm>>
      tpu.wait_dma2 semaphore(%run_scoped3A_1358 : memref<!tpu.dma_semaphore, #tpu.memory_space<semaphore_mem>>) src(%dma_wait3A_1364 : memref<600x32xf32, #tpu.memory_space<hbm>>) dst(%dma_wait3A_1362 : memref<600x32xf32, #tpu.memory_space<vmem_shared>>)
      tpu.yield
    }) : () -> ()
    %barrier3A = arith.constant 0 : index
    tpu.barrier barrier_id(%barrier3A)
    %mul3A_5 = arith.constant 320 : i32
    %mul3A_6 = arith.muli %add3A, %mul3A_5 : i32
    %add3A_7 = arith.constant 0 : i32
    %add3A_8 = arith.addi %mul3A_6, %add3A_7 : i32
    %run_scoped3A = arith.constant 0 : i32
    "tpu.region"() ({
      %run_scoped3A_1358 = tpu.sem_alloc : memref<!tpu.dma_semaphore, #tpu.memory_space<semaphore_mem>>
      %dma_start3A = arith.constant 0 : i32
      %dma_start3A_1359 = tpu.memref_slice %arg9[%run_scoped3A, %dma_start3A] : memref<1x80xi32, #tpu.memory_space<vmem>> -> memref<1x80xi32, #tpu.memory_space<vmem>>
      %dma_start3A_1360 = tpu.memref_squeeze %dma_start3A_1359 : memref<1x80xi32, #tpu.memory_space<vmem>> -> memref<80xi32, #tpu.memory_space<vmem>>
      %dma_start3A_1361 = tpu.memref_slice %arg5[%add3A_8] : memref<10240xi32, #tpu.memory_space<hbm>> -> memref<80xi32, #tpu.memory_space<hbm>>
      %dma_start3A_1362 = arith.constant 0 : i32
      %dma_start3A_1363 = tpu.memref_slice %arg9[%run_scoped3A, %dma_start3A_1362] : memref<1x80xi32, #tpu.memory_space<vmem>> -> memref<1x80xi32, #tpu.memory_space<vmem>>
      %dma_start3A_1364 = tpu.memref_squeeze %dma_start3A_1363 : memref<1x80xi32, #tpu.memory_space<vmem>> -> memref<80xi32, #tpu.memory_space<vmem>>
      %dma_start3A_1365 = tpu.memref_slice %arg5[%add3A_8] : memref<10240xi32, #tpu.memory_space<hbm>> -> memref<80xi32, #tpu.memory_space<hbm>>
      tpu.enqueue_dma source(%dma_start3A_1365 : memref<80xi32, #tpu.memory_space<hbm>>) target(%dma_start3A_1364 : memref<80xi32, #tpu.memory_space<vmem>>) target_semaphore(%run_scoped3A_1358 : memref<!tpu.dma_semaphore, #tpu.memory_space<semaphore_mem>>)
      %dma_wait3A = arith.constant 0 : i32
      %dma_wait3A_1366 = tpu.memref_slice %arg9[%run_scoped3A, %dma_wait3A] : memref<1x80xi32, #tpu.memory_space<vmem>> -> memref<1x80xi32, #tpu.memory_space<vmem>>
      %dma_wait3A_1367 = tpu.memref_squeeze %dma_wait3A_1366 : memref<1x80xi32, #tpu.memory_space<vmem>> -> memref<80xi32, #tpu.memory_space<vmem>>
      %dma_wait3A_1368 = tpu.memref_slice %arg5[%add3A_8] : memref<10240xi32, #tpu.memory_space<hbm>> -> memref<80xi32, #tpu.memory_space<hbm>>
      %dma_wait3A_1369 = arith.constant 0 : i32
      %dma_wait3A_1370 = tpu.memref_slice %arg9[%run_scoped3A, %dma_wait3A_1369] : memref<1x80xi32, #tpu.memory_space<vmem>> -> memref<1x80xi32, #tpu.memory_space<vmem>>
      %dma_wait3A_1371 = tpu.memref_squeeze %dma_wait3A_1370 : memref<1x80xi32, #tpu.memory_space<vmem>> -> memref<80xi32, #tpu.memory_space<vmem>>
      %dma_wait3A_1372 = tpu.memref_slice %arg5[%add3A_8] : memref<10240xi32, #tpu.memory_space<hbm>> -> memref<80xi32, #tpu.memory_space<hbm>>
      tpu.wait_dma2 semaphore(%run_scoped3A_1358 : memref<!tpu.dma_semaphore, #tpu.memory_space<semaphore_mem>>) src(%dma_wait3A_1372 : memref<80xi32, #tpu.memory_space<hbm>>) dst(%dma_wait3A_1371 : memref<80xi32, #tpu.memory_space<vmem>>)
      tpu.yield
    }) : () -> ()
    %run_scoped3A_9 = arith.constant 0 : i32
    "tpu.region"() ({
      %run_scoped3A_1358 = tpu.sem_alloc : memref<!tpu.dma_semaphore, #tpu.memory_space<semaphore_mem>>
      %dma_start3A = arith.constant 0 : i32
      %dma_start3A_1359 = tpu.memref_slice %arg10[%run_scoped3A_9, %dma_start3A] : memref<1x80xi32, #tpu.memory_space<vmem>> -> memref<1x80xi32, #tpu.memory_space<vmem>>
      %dma_start3A_1360 = tpu.memref_squeeze %dma_start3A_1359 : memref<1x80xi32, #tpu.memory_space<vmem>> -> memref<80xi32, #tpu.memory_space<vmem>>
      %dma_start3A_1361 = tpu.memref_slice %arg6[%add3A_8] : memref<10240xi32, #tpu.memory_space<hbm>> -> memref<80xi32, #tpu.memory_space<hbm>>
      %dma_start3A_1362 = arith.constant 0 : i32
      %dma_start3A_1363 = tpu.memref_slice %arg10[%run_scoped3A_9, %dma_start3A_1362] : memref<1x80xi32, #tpu.memory_space<vmem>> -> memref<1x80xi32, #tpu.memory_space<vmem>>
      %dma_start3A_1364 = tpu.memref_squeeze %dma_start3A_1363 : memref<1x80xi32, #tpu.memory_space<vmem>> -> memref<80xi32, #tpu.memory_space<vmem>>
      %dma_start3A_1365 = tpu.memref_slice %arg6[%add3A_8] : memref<10240xi32, #tpu.memory_space<hbm>> -> memref<80xi32, #tpu.memory_space<hbm>>
      tpu.enqueue_dma source(%dma_start3A_1365 : memref<80xi32, #tpu.memory_space<hbm>>) target(%dma_start3A_1364 : memref<80xi32, #tpu.memory_space<vmem>>) target_semaphore(%run_scoped3A_1358 : memref<!tpu.dma_semaphore, #tpu.memory_space<semaphore_mem>>)
      %dma_wait3A = arith.constant 0 : i32
      %dma_wait3A_1366 = tpu.memref_slice %arg10[%run_scoped3A_9, %dma_wait3A] : memref<1x80xi32, #tpu.memory_space<vmem>> -> memref<1x80xi32, #tpu.memory_space<vmem>>
      %dma_wait3A_1367 = tpu.memref_squeeze %dma_wait3A_1366 : memref<1x80xi32, #tpu.memory_space<vmem>> -> memref<80xi32, #tpu.memory_space<vmem>>
      %dma_wait3A_1368 = tpu.memref_slice %arg6[%add3A_8] : memref<10240xi32, #tpu.memory_space<hbm>> -> memref<80xi32, #tpu.memory_space<hbm>>
      %dma_wait3A_1369 = arith.constant 0 : i32
      %dma_wait3A_1370 = tpu.memref_slice %arg10[%run_scoped3A_9, %dma_wait3A_1369] : memref<1x80xi32, #tpu.memory_space<vmem>> -> memref<1x80xi32, #tpu.memory_space<vmem>>
      %dma_wait3A_1371 = tpu.memref_squeeze %dma_wait3A_1370 : memref<1x80xi32, #tpu.memory_space<vmem>> -> memref<80xi32, #tpu.memory_space<vmem>>
      %dma_wait3A_1372 = tpu.memref_slice %arg6[%add3A_8] : memref<10240xi32, #tpu.memory_space<hbm>> -> memref<80xi32, #tpu.memory_space<hbm>>
      tpu.wait_dma2 semaphore(%run_scoped3A_1358 : memref<!tpu.dma_semaphore, #tpu.memory_space<semaphore_mem>>) src(%dma_wait3A_1372 : memref<80xi32, #tpu.memory_space<hbm>>) dst(%dma_wait3A_1371 : memref<80xi32, #tpu.memory_space<vmem>>)
      tpu.yield
    }) : () -> ()
    %get3A = arith.constant 0 : i32
    %get3A_10 = arith.index_cast %get3A : i32 to index
    %get3A_11 = arith.constant 0 : index
    %get3A_12 = tpu.vector_load %arg9[%get3A_10, %get3A_11] {strides = array<i32>} : memref<1x80xi32, #tpu.memory_space<vmem>>, vector<1x16xi32>,
    %get3A_13 = vector.shape_cast %get3A_12 : vector<1x16xi32> to vector<16xi32>
    %get3A_14 = arith.constant 0 : i32
    %get3A_15 = arith.index_cast %get3A_14 : i32 to index
    %get3A_16 = arith.constant 0 : index
    %get3A_17 = tpu.vector_load %arg10[%get3A_15, %get3A_16] {strides = array<i32>} : memref<1x80xi32, #tpu.memory_space<vmem>>, vector<1x16xi32>,
    %get3A_18 = vector.shape_cast %get3A_17 : vector<1x16xi32> to vector<16xi32>
    %add3A_19 = arith.constant 0 : i32
    %add3A_20 = arith.addi %add3A_8, %add3A_19 : i32
    %iota3A = tpu.iota {dimensions = array<i32: 0>} : vector<16xi32>
    %add3A_21 = vector.broadcast %add3A_20 : i32 to vector<16xi32>
    %add3A_22 = arith.addi %add3A_21, %iota3A : vector<16xi32>
    %lt3A = arith.constant 50 : i32
    %lt3A_23 = vector.broadcast %lt3A : i32 to vector<16xi32>
    %lt3A_24 = arith.cmpi slt, %get3A_18, %lt3A_23 : vector<16xi32>
    %lt3A_25 = arith.constant 10000 : i32
    %lt3A_26 = vector.broadcast %lt3A_25 : i32 to vector<16xi32>
    %lt3A_27 = arith.cmpi slt, %add3A_22, %lt3A_26 : vector<16xi32>
    %and3A = arith.andi %lt3A_24, %lt3A_27 : vector<16xi1>
    %mul3A_28 = arith.constant 64 : i32
    %mul3A_29 = vector.broadcast %mul3A_28 : i32 to vector<16xi32>
    %mul3A_30 = arith.muli %get3A_18, %mul3A_29 : vector<16xi32>
    %add3A_31 = arith.addi %mul3A_30, %get3A_13 : vector<16xi32>
    %mul3A_32 = arith.constant 3 : i32
    %mul3A_33 = vector.broadcast %mul3A_32 : i32 to vector<16xi32>
    %mul3A_34 = arith.muli %add3A_31, %mul3A_33 : vector<16xi32>
    %broadcast_in_dim3A = arith.constant 9600 : i32
    %broadcast_in_dim3A_35 = vector.broadcast %broadcast_in_dim3A : i32 to vector<16xi32>
    %select_n3A = arith.select %and3A, %mul3A_34, %broadcast_in_dim3A_35 : vector<16xi1>, vector<16xi32>
    %swap3A = arith.constant 0 : i32
    %swap3A_36 = arith.index_cast %swap3A : i32 to index
    %swap3A_37 = arith.constant 0 : index
    %swap3A_38 = tpu.vector_load %arg10[%swap3A_36, %swap3A_37] {strides = array<i32>} : memref<1x80xi32, #tpu.memory_space<vmem>>, vector<1x16xi32>,
    %swap3A_39 = vector.shape_cast %swap3A_38 : vector<1x16xi32> to vector<16xi32>
    %swap3A_40 = vector.shape_cast %select_n3A : vector<16xi32> to vector<1x16xi32>
    tpu.vector_store %arg10[%swap3A_36, %swap3A_37], %swap3A_40 {strides = array<i32>} : memref<1x80xi32, #tpu.memory_space<vmem>>, vector<1x16xi32>,
    %get3A_41 = arith.constant 0 : i32
    %get3A_42 = arith.index_cast %get3A_41 : i32 to index
    %get3A_43 = arith.constant 16 : index
    %get3A_44 = tpu.vector_load %arg9[%get3A_42, %get3A_43] {strides = array<i32>} : memref<1x80xi32, #tpu.memory_space<vmem>>, vector<1x16xi32>,
    %get3A_45 = vector.shape_cast %get3A_44 : vector<1x16xi32> to vector<16xi32>
    %get3A_46 = arith.constant 0 : i32
    %get3A_47 = arith.index_cast %get3A_46 : i32 to index
    %get3A_48 = arith.constant 16 : index
    %get3A_49 = tpu.vector_load %arg10[%get3A_47, %get3A_48] {strides = array<i32>} : memref<1x80xi32, #tpu.memory_space<vmem>>, vector<1x16xi32>,
    %get3A_50 = vector.shape_cast %get3A_49 : vector<1x16xi32> to vector<16xi32>
    %add3A_51 = arith.constant 16 : i32
    %add3A_52 = arith.addi %add3A_8, %add3A_51 : i32
    %iota3A_53 = tpu.iota {dimensions = array<i32: 0>} : vector<16xi32>
    %add3A_54 = vector.broadcast %add3A_52 : i32 to vector<16xi32>
    %add3A_55 = arith.addi %add3A_54, %iota3A_53 : vector<16xi32>
    %lt3A_56 = arith.constant 50 : i32
    %lt3A_57 = vector.broadcast %lt3A_56 : i32 to vector<16xi32>
    %lt3A_58 = arith.cmpi slt, %get3A_50, %lt3A_57 : vector<16xi32>
    %lt3A_59 = arith.constant 10000 : i32
    %lt3A_60 = vector.broadcast %lt3A_59 : i32 to vector<16xi32>
    %lt3A_61 = arith.cmpi slt, %add3A_55, %lt3A_60 : vector<16xi32>
    %and3A_62 = arith.andi %lt3A_58, %lt3A_61 : vector<16xi1>
    %mul3A_63 = arith.constant 64 : i32
    %mul3A_64 = vector.broadcast %mul3A_63 : i32 to vector<16xi32>
    %mul3A_65 = arith.muli %get3A_50, %mul3A_64 : vector<16xi32>
    %add3A_66 = arith.addi %mul3A_65, %get3A_45 : vector<16xi32>
    %mul3A_67 = arith.constant 3 : i32
    %mul3A_68 = vector.broadcast %mul3A_67 : i32 to vector<16xi32>
    %mul3A_69 = arith.muli %add3A_66, %mul3A_68 : vector<16xi32>
    %broadcast_in_dim3A_70 = arith.constant 9600 : i32
    %broadcast_in_dim3A_71 = vector.broadcast %broadcast_in_dim3A_70 : i32 to vector<16xi32>
    %select_n3A_72 = arith.select %and3A_62, %mul3A_69, %broadcast_in_dim3A_71 : vector<16xi1>, vector<16xi32>
    %swap3A_73 = arith.constant 0 : i32
    %swap3A_74 = arith.index_cast %swap3A_73 : i32 to index
    %swap3A_75 = arith.constant 16 : index
    %swap3A_76 = tpu.vector_load %arg10[%swap3A_74, %swap3A_75] {strides = array<i32>} : memref<1x80xi32, #tpu.memory_space<vmem>>, vector<1x16xi32>,
    %swap3A_77 = vector.shape_cast %swap3A_76 : vector<1x16xi32> to vector<16xi32>
    %swap3A_78 = vector.shape_cast %select_n3A_72 : vector<16xi32> to vector<1x16xi32>
    tpu.vector_store %arg10[%swap3A_74, %swap3A_75], %swap3A_78 {strides = array<i32>} : memref<1x80xi32, #tpu.memory_space<vmem>>, vector<1x16xi32>,
    %get3A_79 = arith.constant 0 : i32
    %get3A_80 = arith.index_cast %get3A_79 : i32 to index
    %get3A_81 = arith.constant 32 : index
    %get3A_82 = tpu.vector_load %arg9[%get3A_80, %get3A_81] {strides = array<i32>} : memref<1x80xi32, #tpu.memory_space<vmem>>, vector<1x16xi32>,
    %get3A_83 = vector.shape_cast %get3A_82 : vector<1x16xi32> to vector<16xi32>
    %get3A_84 = arith.constant 0 : i32
    %get3A_85 = arith.index_cast %get3A_84 : i32 to index
    %get3A_86 = arith.constant 32 : index
    %get3A_87 = tpu.vector_load %arg10[%get3A_85, %get3A_86] {strides = array<i32>} : memref<1x80xi32, #tpu.memory_space<vmem>>, vector<1x16xi32>,
    %get3A_88 = vector.shape_cast %get3A_87 : vector<1x16xi32> to vector<16xi32>
    %add3A_89 = arith.constant 32 : i32
    %add3A_90 = arith.addi %add3A_8, %add3A_89 : i32
    %iota3A_91 = tpu.iota {dimensions = array<i32: 0>} : vector<16xi32>
    %add3A_92 = vector.broadcast %add3A_90 : i32 to vector<16xi32>
    %add3A_93 = arith.addi %add3A_92, %iota3A_91 : vector<16xi32>
    %lt3A_94 = arith.constant 50 : i32
    %lt3A_95 = vector.broadcast %lt3A_94 : i32 to vector<16xi32>
    %lt3A_96 = arith.cmpi slt, %get3A_88, %lt3A_95 : vector<16xi32>
    %lt3A_97 = arith.constant 10000 : i32
    %lt3A_98 = vector.broadcast %lt3A_97 : i32 to vector<16xi32>
    %lt3A_99 = arith.cmpi slt, %add3A_93, %lt3A_98 : vector<16xi32>
    %and3A_100 = arith.andi %lt3A_96, %lt3A_99 : vector<16xi1>
    %mul3A_101 = arith.constant 64 : i32
    %mul3A_102 = vector.broadcast %mul3A_101 : i32 to vector<16xi32>
    %mul3A_103 = arith.muli %get3A_88, %mul3A_102 : vector<16xi32>
    %add3A_104 = arith.addi %mul3A_103, %get3A_83 : vector<16xi32>
    %mul3A_105 = arith.constant 3 : i32
    %mul3A_106 = vector.broadcast %mul3A_105 : i32 to vector<16xi32>
    %mul3A_107 = arith.muli %add3A_104, %mul3A_106 : vector<16xi32>
    %broadcast_in_dim3A_108 = arith.constant 9600 : i32
    %broadcast_in_dim3A_109 = vector.broadcast %broadcast_in_dim3A_108 : i32 to vector<16xi32>
    %select_n3A_110 = arith.select %and3A_100, %mul3A_107, %broadcast_in_dim3A_109 : vector<16xi1>, vector<16xi32>
    %swap3A_111 = arith.constant 0 : i32
    %swap3A_112 = arith.index_cast %swap3A_111 : i32 to index
    %swap3A_113 = arith.constant 32 : index
    %swap3A_114 = tpu.vector_load %arg10[%swap3A_112, %swap3A_113] {strides = array<i32>} : memref<1x80xi32, #tpu.memory_space<vmem>>, vector<1x16xi32>,
    %swap3A_115 = vector.shape_cast %swap3A_114 : vector<1x16xi32> to vector<16xi32>
    %swap3A_116 = vector.shape_cast %select_n3A_110 : vector<16xi32> to vector<1x16xi32>
    tpu.vector_store %arg10[%swap3A_112, %swap3A_113], %swap3A_116 {strides = array<i32>} : memref<1x80xi32, #tpu.memory_space<vmem>>, vector<1x16xi32>,
    %get3A_117 = arith.constant 0 : i32
    %get3A_118 = arith.index_cast %get3A_117 : i32 to index
    %get3A_119 = arith.constant 48 : index
    %get3A_120 = tpu.vector_load %arg9[%get3A_118, %get3A_119] {strides = array<i32>} : memref<1x80xi32, #tpu.memory_space<vmem>>, vector<1x16xi32>,
    %get3A_121 = vector.shape_cast %get3A_120 : vector<1x16xi32> to vector<16xi32>
    %get3A_122 = arith.constant 0 : i32
    %get3A_123 = arith.index_cast %get3A_122 : i32 to index
    %get3A_124 = arith.constant 48 : index
    %get3A_125 = tpu.vector_load %arg10[%get3A_123, %get3A_124] {strides = array<i32>} : memref<1x80xi32, #tpu.memory_space<vmem>>, vector<1x16xi32>,
    %get3A_126 = vector.shape_cast %get3A_125 : vector<1x16xi32> to vector<16xi32>
    %add3A_127 = arith.constant 48 : i32
    %add3A_128 = arith.addi %add3A_8, %add3A_127 : i32
    %iota3A_129 = tpu.iota {dimensions = array<i32: 0>} : vector<16xi32>
    %add3A_130 = vector.broadcast %add3A_128 : i32 to vector<16xi32>
    %add3A_131 = arith.addi %add3A_130, %iota3A_129 : vector<16xi32>
    %lt3A_132 = arith.constant 50 : i32
    %lt3A_133 = vector.broadcast %lt3A_132 : i32 to vector<16xi32>
    %lt3A_134 = arith.cmpi slt, %get3A_126, %lt3A_133 : vector<16xi32>
    %lt3A_135 = arith.constant 10000 : i32
    %lt3A_136 = vector.broadcast %lt3A_135 : i32 to vector<16xi32>
    %lt3A_137 = arith.cmpi slt, %add3A_131, %lt3A_136 : vector<16xi32>
    %and3A_138 = arith.andi %lt3A_134, %lt3A_137 : vector<16xi1>
    %mul3A_139 = arith.constant 64 : i32
    %mul3A_140 = vector.broadcast %mul3A_139 : i32 to vector<16xi32>
    %mul3A_141 = arith.muli %get3A_126, %mul3A_140 : vector<16xi32>
    %add3A_142 = arith.addi %mul3A_141, %get3A_121 : vector<16xi32>
    %mul3A_143 = arith.constant 3 : i32
    %mul3A_144 = vector.broadcast %mul3A_143 : i32 to vector<16xi32>
    %mul3A_145 = arith.muli %add3A_142, %mul3A_144 : vector<16xi32>
    %broadcast_in_dim3A_146 = arith.constant 9600 : i32
    %broadcast_in_dim3A_147 = vector.broadcast %broadcast_in_dim3A_146 : i32 to vector<16xi32>
    %select_n3A_148 = arith.select %and3A_138, %mul3A_145, %broadcast_in_dim3A_147 : vector<16xi1>, vector<16xi32>
    %swap3A_149 = arith.constant 0 : i32
    %swap3A_150 = arith.index_cast %swap3A_149 : i32 to index
    %swap3A_151 = arith.constant 48 : index
    %swap3A_152 = tpu.vector_load %arg10[%swap3A_150, %swap3A_151] {strides = array<i32>} : memref<1x80xi32, #tpu.memory_space<vmem>>, vector<1x16xi32>,
    %swap3A_153 = vector.shape_cast %swap3A_152 : vector<1x16xi32> to vector<16xi32>
    %swap3A_154 = vector.shape_cast %select_n3A_148 : vector<16xi32> to vector<1x16xi32>
    tpu.vector_store %arg10[%swap3A_150, %swap3A_151], %swap3A_154 {strides = array<i32>} : memref<1x80xi32, #tpu.memory_space<vmem>>, vector<1x16xi32>,
    %get3A_155 = arith.constant 0 : i32
    %get3A_156 = arith.index_cast %get3A_155 : i32 to index
    %get3A_157 = arith.constant 64 : index
    %get3A_158 = tpu.vector_load %arg9[%get3A_156, %get3A_157] {strides = array<i32>} : memref<1x80xi32, #tpu.memory_space<vmem>>, vector<1x16xi32>,
    %get3A_159 = vector.shape_cast %get3A_158 : vector<1x16xi32> to vector<16xi32>
    %get3A_160 = arith.constant 0 : i32
    %get3A_161 = arith.index_cast %get3A_160 : i32 to index
    %get3A_162 = arith.constant 64 : index
    %get3A_163 = tpu.vector_load %arg10[%get3A_161, %get3A_162] {strides = array<i32>} : memref<1x80xi32, #tpu.memory_space<vmem>>, vector<1x16xi32>,
    %get3A_164 = vector.shape_cast %get3A_163 : vector<1x16xi32> to vector<16xi32>
    %add3A_165 = arith.constant 64 : i32
    %add3A_166 = arith.addi %add3A_8, %add3A_165 : i32
    %iota3A_167 = tpu.iota {dimensions = array<i32: 0>} : vector<16xi32>
    %add3A_168 = vector.broadcast %add3A_166 : i32 to vector<16xi32>
    %add3A_169 = arith.addi %add3A_168, %iota3A_167 : vector<16xi32>
    %lt3A_170 = arith.constant 50 : i32
    %lt3A_171 = vector.broadcast %lt3A_170 : i32 to vector<16xi32>
    %lt3A_172 = arith.cmpi slt, %get3A_164, %lt3A_171 : vector<16xi32>
    %lt3A_173 = arith.constant 10000 : i32
    %lt3A_174 = vector.broadcast %lt3A_173 : i32 to vector<16xi32>
    %lt3A_175 = arith.cmpi slt, %add3A_169, %lt3A_174 : vector<16xi32>
    %and3A_176 = arith.andi %lt3A_172, %lt3A_175 : vector<16xi1>
    %mul3A_177 = arith.constant 64 : i32
    %mul3A_178 = vector.broadcast %mul3A_177 : i32 to vector<16xi32>
    %mul3A_179 = arith.muli %get3A_164, %mul3A_178 : vector<16xi32>
    %add3A_180 = arith.addi %mul3A_179, %get3A_159 : vector<16xi32>
    %mul3A_181 = arith.constant 3 : i32
    %mul3A_182 = vector.broadcast %mul3A_181 : i32 to vector<16xi32>
    %mul3A_183 = arith.muli %add3A_180, %mul3A_182 : vector<16xi32>
    %broadcast_in_dim3A_184 = arith.constant 9600 : i32
    %broadcast_in_dim3A_185 = vector.broadcast %broadcast_in_dim3A_184 : i32 to vector<16xi32>
    %select_n3A_186 = arith.select %and3A_176, %mul3A_183, %broadcast_in_dim3A_185 : vector<16xi1>, vector<16xi32>
    %swap3A_187 = arith.constant 0 : i32
    %swap3A_188 = arith.index_cast %swap3A_187 : i32 to index
    %swap3A_189 = arith.constant 64 : index
    %swap3A_190 = tpu.vector_load %arg10[%swap3A_188, %swap3A_189] {strides = array<i32>} : memref<1x80xi32, #tpu.memory_space<vmem>>, vector<1x16xi32>,
    %swap3A_191 = vector.shape_cast %swap3A_190 : vector<1x16xi32> to vector<16xi32>
    %swap3A_192 = vector.shape_cast %select_n3A_186 : vector<16xi32> to vector<1x16xi32>
    tpu.vector_store %arg10[%swap3A_188, %swap3A_189], %swap3A_192 {strides = array<i32>} : memref<1x80xi32, #tpu.memory_space<vmem>>, vector<1x16xi32>,
    "tpu.region"() ({
      %run_scoped3A_1358 = tpu.sem_alloc : memref<!tpu.dma_semaphore, #tpu.memory_space<semaphore_mem>>
      %dma_start3A = arith.constant 0 : i32
      %dma_start3A_1359 = tpu.memref_slice %arg2[%add3A_8, %dma_start3A] : memref<10240x32xf32, #tpu.memory_space<hbm>> -> memref<80x32xf32, #tpu.memory_space<hbm>>
      %dma_start3A_1360 = arith.constant 0 : i32
      %dma_start3A_1361 = tpu.memref_slice %arg2[%add3A_8, %dma_start3A_1360] : memref<10240x32xf32, #tpu.memory_space<hbm>> -> memref<80x32xf32, #tpu.memory_space<hbm>>
      tpu.enqueue_dma source(%dma_start3A_1361 : memref<80x32xf32, #tpu.memory_space<hbm>>) target(%arg11 : memref<80x32xf32, #tpu.memory_space<vmem>>) target_semaphore(%run_scoped3A_1358 : memref<!tpu.dma_semaphore, #tpu.memory_space<semaphore_mem>>)
      %dma_wait3A = arith.constant 0 : i32
      %dma_wait3A_1362 = tpu.memref_slice %arg2[%add3A_8, %dma_wait3A] : memref<10240x32xf32, #tpu.memory_space<hbm>> -> memref<80x32xf32, #tpu.memory_space<hbm>>
      %dma_wait3A_1363 = arith.constant 0 : i32
      %dma_wait3A_1364 = tpu.memref_slice %arg2[%add3A_8, %dma_wait3A_1363] : memref<10240x32xf32, #tpu.memory_space<hbm>> -> memref<80x32xf32, #tpu.memory_space<hbm>>
      tpu.wait_dma2 semaphore(%run_scoped3A_1358 : memref<!tpu.dma_semaphore, #tpu.memory_space<semaphore_mem>>) src(%dma_wait3A_1364 : memref<80x32xf32, #tpu.memory_space<hbm>>) dst(%arg11 : memref<80x32xf32, #tpu.memory_space<vmem>>)
      tpu.yield
    }) : () -> ()
    %run_scoped3A_193 = arith.constant 0 : i32
    "tpu.region"() ({
      %run_scoped3A_1358 = tpu.sem_alloc : memref<!tpu.dma_semaphore, #tpu.memory_space<semaphore_mem>>
      %dma_start3A = arith.constant 0 : i32
      %dma_start3A_1359 = tpu.memref_slice %arg10[%run_scoped3A_193, %dma_start3A] : memref<1x80xi32, #tpu.memory_space<vmem>> -> memref<1x80xi32, #tpu.memory_space<vmem>>
      %dma_start3A_1360 = tpu.memref_squeeze %dma_start3A_1359 : memref<1x80xi32, #tpu.memory_space<vmem>> -> memref<80xi32, #tpu.memory_space<vmem>>
      %dma_start3A_1361 = arith.constant 0 : i32
      %dma_start3A_1362 = arith.constant 0 : i32
      %dma_start3A_1363 = tpu.memref_slice %arg12[%dma_start3A_1361, %dma_start3A_1362] : memref<9616x32xf32, #tpu.memory_space<vmem_shared>> -> memref<9616x32xf32, #tpu.memory_space<vmem_shared>>
      tpu.enqueue_indirect_dma source(%arg11 : memref<80x32xf32, #tpu.memory_space<vmem>>) target(%dma_start3A_1363 : memref<9616x32xf32, #tpu.memory_space<vmem_shared>>) offsets(%dma_start3A_1360 : memref<80xi32, #tpu.memory_space<vmem>>) semaphore(%run_scoped3A_1358 : memref<!tpu.dma_semaphore, #tpu.memory_space<semaphore_mem>>) {add = true}
      %dma_wait3A = arith.constant 0 : i32
      %dma_wait3A_1364 = tpu.memref_slice %arg10[%run_scoped3A_193, %dma_wait3A] : memref<1x80xi32, #tpu.memory_space<vmem>> -> memref<1x80xi32, #tpu.memory_space<vmem>>
      %dma_wait3A_1365 = tpu.memref_squeeze %dma_wait3A_1364 : memref<1x80xi32, #tpu.memory_space<vmem>> -> memref<80xi32, #tpu.memory_space<vmem>>
      %dma_wait3A_1366 = arith.constant 0 : i32
      %dma_wait3A_1367 = arith.constant 0 : i32
      %dma_wait3A_1368 = tpu.memref_slice %arg12[%dma_wait3A_1366, %dma_wait3A_1367] : memref<9616x32xf32, #tpu.memory_space<vmem_shared>> -> memref<9616x32xf32, #tpu.memory_space<vmem_shared>>
      tpu.wait_indirect_dma semaphore(%run_scoped3A_1358 : memref<!tpu.dma_semaphore, #tpu.memory_space<semaphore_mem>>) src(%arg11 : memref<80x32xf32, #tpu.memory_space<vmem>>) dst(%dma_wait3A_1368 : memref<9616x32xf32, #tpu.memory_space<vmem_shared>>)
      tpu.yield
    }) : () -> ()
    "tpu.region"() ({
      %run_scoped3A_1358 = tpu.sem_alloc : memref<!tpu.dma_semaphore, #tpu.memory_space<semaphore_mem>>
      %dma_start3A = arith.constant 0 : i32
      %dma_start3A_1359 = tpu.memref_slice %arg3[%add3A_8, %dma_start3A] : memref<10240x32xf32, #tpu.memory_space<hbm>> -> memref<80x32xf32, #tpu.memory_space<hbm>>
      %dma_start3A_1360 = arith.constant 0 : i32
      %dma_start3A_1361 = tpu.memref_slice %arg3[%add3A_8, %dma_start3A_1360] : memref<10240x32xf32, #tpu.memory_space<hbm>> -> memref<80x32xf32, #tpu.memory_space<hbm>>
      tpu.enqueue_dma source(%dma_start3A_1361 : memref<80x32xf32, #tpu.memory_space<hbm>>) target(%arg11 : memref<80x32xf32, #tpu.memory_space<vmem>>) target_semaphore(%run_scoped3A_1358 : memref<!tpu.dma_semaphore, #tpu.memory_space<semaphore_mem>>)
      %dma_wait3A = arith.constant 0 : i32
      %dma_wait3A_1362 = tpu.memref_slice %arg3[%add3A_8, %dma_wait3A] : memref<10240x32xf32, #tpu.memory_space<hbm>> -> memref<80x32xf32, #tpu.memory_space<hbm>>
      %dma_wait3A_1363 = arith.constant 0 : i32
      %dma_wait3A_1364 = tpu.memref_slice %arg3[%add3A_8, %dma_wait3A_1363] : memref<10240x32xf32, #tpu.memory_space<hbm>> -> memref<80x32xf32, #tpu.memory_space<hbm>>
      tpu.wait_dma2 semaphore(%run_scoped3A_1358 : memref<!tpu.dma_semaphore, #tpu.memory_space<semaphore_mem>>) src(%dma_wait3A_1364 : memref<80x32xf32, #tpu.memory_space<hbm>>) dst(%arg11 : memref<80x32xf32, #tpu.memory_space<vmem>>)
      tpu.yield
    }) : () -> ()
    %get3A_194 = arith.constant 0 : i32
    %get3A_195 = arith.index_cast %get3A_194 : i32 to index
    %get3A_196 = arith.constant 0 : index
    %get3A_197 = tpu.vector_load %arg10[%get3A_195, %get3A_196] {strides = array<i32>} : memref<1x80xi32, #tpu.memory_space<vmem>>, vector<1x16xi32>,
    %get3A_198 = vector.shape_cast %get3A_197 : vector<1x16xi32> to vector<16xi32>
    %add3A_199 = arith.constant 1 : i32
    %add3A_200 = vector.broadcast %add3A_199 : i32 to vector<16xi32>
    %add3A_201 = arith.addi %get3A_198, %add3A_200 : vector<16xi32>
    %swap3A_202 = arith.constant 0 : i32
    %swap3A_203 = arith.index_cast %swap3A_202 : i32 to index
    %swap3A_204 = arith.constant 0 : index
    %swap3A_205 = tpu.vector_load %arg10[%swap3A_203, %swap3A_204] {strides = array<i32>} : memref<1x80xi32, #tpu.memory_space<vmem>>, vector<1x16xi32>,
    %swap3A_206 = vector.shape_cast %swap3A_205 : vector<1x16xi32> to vector<16xi32>
    %swap3A_207 = vector.shape_cast %add3A_201 : vector<16xi32> to vector<1x16xi32>
    tpu.vector_store %arg10[%swap3A_203, %swap3A_204], %swap3A_207 {strides = array<i32>} : memref<1x80xi32, #tpu.memory_space<vmem>>, vector<1x16xi32>,
    %get3A_208 = arith.constant 0 : i32
    %get3A_209 = arith.index_cast %get3A_208 : i32 to index
    %get3A_210 = arith.constant 16 : index
    %get3A_211 = tpu.vector_load %arg10[%get3A_209, %get3A_210] {strides = array<i32>} : memref<1x80xi32, #tpu.memory_space<vmem>>, vector<1x16xi32>,
    %get3A_212 = vector.shape_cast %get3A_211 : vector<1x16xi32> to vector<16xi32>
    %add3A_213 = arith.constant 1 : i32
    %add3A_214 = vector.broadcast %add3A_213 : i32 to vector<16xi32>
    %add3A_215 = arith.addi %get3A_212, %add3A_214 : vector<16xi32>
    %swap3A_216 = arith.constant 0 : i32
    %swap3A_217 = arith.index_cast %swap3A_216 : i32 to index
    %swap3A_218 = arith.constant 16 : index
    %swap3A_219 = tpu.vector_load %arg10[%swap3A_217, %swap3A_218] {strides = array<i32>} : memref<1x80xi32, #tpu.memory_space<vmem>>, vector<1x16xi32>,
    %swap3A_220 = vector.shape_cast %swap3A_219 : vector<1x16xi32> to vector<16xi32>
    %swap3A_221 = vector.shape_cast %add3A_215 : vector<16xi32> to vector<1x16xi32>
    tpu.vector_store %arg10[%swap3A_217, %swap3A_218], %swap3A_221 {strides = array<i32>} : memref<1x80xi32, #tpu.memory_space<vmem>>, vector<1x16xi32>,
    %get3A_222 = arith.constant 0 : i32
    %get3A_223 = arith.index_cast %get3A_222 : i32 to index
    %get3A_224 = arith.constant 32 : index
    %get3A_225 = tpu.vector_load %arg10[%get3A_223, %get3A_224] {strides = array<i32>} : memref<1x80xi32, #tpu.memory_space<vmem>>, vector<1x16xi32>,
    %get3A_226 = vector.shape_cast %get3A_225 : vector<1x16xi32> to vector<16xi32>
    %add3A_227 = arith.constant 1 : i32
    %add3A_228 = vector.broadcast %add3A_227 : i32 to vector<16xi32>
    %add3A_229 = arith.addi %get3A_226, %add3A_228 : vector<16xi32>
    %swap3A_230 = arith.constant 0 : i32
    %swap3A_231 = arith.index_cast %swap3A_230 : i32 to index
    %swap3A_232 = arith.constant 32 : index
    %swap3A_233 = tpu.vector_load %arg10[%swap3A_231, %swap3A_232] {strides = array<i32>} : memref<1x80xi32, #tpu.memory_space<vmem>>, vector<1x16xi32>,
    %swap3A_234 = vector.shape_cast %swap3A_233 : vector<1x16xi32> to vector<16xi32>
    %swap3A_235 = vector.shape_cast %add3A_229 : vector<16xi32> to vector<1x16xi32>
    tpu.vector_store %arg10[%swap3A_231, %swap3A_232], %swap3A_235 {strides = array<i32>} : memref<1x80xi32, #tpu.memory_space<vmem>>, vector<1x16xi32>,
    %get3A_236 = arith.constant 0 : i32
    %get3A_237 = arith.index_cast %get3A_236 : i32 to index
    %get3A_238 = arith.constant 48 : index
    %get3A_239 = tpu.vector_load %arg10[%get3A_237, %get3A_238] {strides = array<i32>} : memref<1x80xi32, #tpu.memory_space<vmem>>, vector<1x16xi32>,
    %get3A_240 = vector.shape_cast %get3A_239 : vector<1x16xi32> to vector<16xi32>
    %add3A_241 = arith.constant 1 : i32
    %add3A_242 = vector.broadcast %add3A_241 : i32 to vector<16xi32>
    %add3A_243 = arith.addi %get3A_240, %add3A_242 : vector<16xi32>
    %swap3A_244 = arith.constant 0 : i32
    %swap3A_245 = arith.index_cast %swap3A_244 : i32 to index
    %swap3A_246 = arith.constant 48 : index
    %swap3A_247 = tpu.vector_load %arg10[%swap3A_245, %swap3A_246] {strides = array<i32>} : memref<1x80xi32, #tpu.memory_space<vmem>>, vector<1x16xi32>,
    %swap3A_248 = vector.shape_cast %swap3A_247 : vector<1x16xi32> to vector<16xi32>
    %swap3A_249 = vector.shape_cast %add3A_243 : vector<16xi32> to vector<1x16xi32>
    tpu.vector_store %arg10[%swap3A_245, %swap3A_246], %swap3A_249 {strides = array<i32>} : memref<1x80xi32, #tpu.memory_space<vmem>>, vector<1x16xi32>,
    %get3A_250 = arith.constant 0 : i32
    %get3A_251 = arith.index_cast %get3A_250 : i32 to index
    %get3A_252 = arith.constant 64 : index
    %get3A_253 = tpu.vector_load %arg10[%get3A_251, %get3A_252] {strides = array<i32>} : memref<1x80xi32, #tpu.memory_space<vmem>>, vector<1x16xi32>,
    %get3A_254 = vector.shape_cast %get3A_253 : vector<1x16xi32> to vector<16xi32>
    %add3A_255 = arith.constant 1 : i32
    %add3A_256 = vector.broadcast %add3A_255 : i32 to vector<16xi32>
    %add3A_257 = arith.addi %get3A_254, %add3A_256 : vector<16xi32>
    %swap3A_258 = arith.constant 0 : i32
    %swap3A_259 = arith.index_cast %swap3A_258 : i32 to index
    %swap3A_260 = arith.constant 64 : index
    %swap3A_261 = tpu.vector_load %arg10[%swap3A_259, %swap3A_260] {strides = array<i32>} : memref<1x80xi32, #tpu.memory_space<vmem>>, vector<1x16xi32>,
    %swap3A_262 = vector.shape_cast %swap3A_261 : vector<1x16xi32> to vector<16xi32>
    %swap3A_263 = vector.shape_cast %add3A_257 : vector<16xi32> to vector<1x16xi32>
    tpu.vector_store %arg10[%swap3A_259, %swap3A_260], %swap3A_263 {strides = array<i32>} : memref<1x80xi32, #tpu.memory_space<vmem>>, vector<1x16xi32>,
    %run_scoped3A_264 = arith.constant 0 : i32
    "tpu.region"() ({
      %run_scoped3A_1358 = tpu.sem_alloc : memref<!tpu.dma_semaphore, #tpu.memory_space<semaphore_mem>>
      %dma_start3A = arith.constant 0 : i32
      %dma_start3A_1359 = tpu.memref_slice %arg10[%run_scoped3A_264, %dma_start3A] : memref<1x80xi32, #tpu.memory_space<vmem>> -> memref<1x80xi32, #tpu.memory_space<vmem>>
      %dma_start3A_1360 = tpu.memref_squeeze %dma_start3A_1359 : memref<1x80xi32, #tpu.memory_space<vmem>> -> memref<80xi32, #tpu.memory_space<vmem>>
      %dma_start3A_1361 = arith.constant 0 : i32
      %dma_start3A_1362 = arith.constant 0 : i32
      %dma_start3A_1363 = tpu.memref_slice %arg12[%dma_start3A_1361, %dma_start3A_1362] : memref<9616x32xf32, #tpu.memory_space<vmem_shared>> -> memref<9616x32xf32, #tpu.memory_space<vmem_shared>>
      tpu.enqueue_indirect_dma source(%arg11 : memref<80x32xf32, #tpu.memory_space<vmem>>) target(%dma_start3A_1363 : memref<9616x32xf32, #tpu.memory_space<vmem_shared>>) offsets(%dma_start3A_1360 : memref<80xi32, #tpu.memory_space<vmem>>) semaphore(%run_scoped3A_1358 : memref<!tpu.dma_semaphore, #tpu.memory_space<semaphore_mem>>) {add = true}
      %dma_wait3A = arith.constant 0 : i32
      %dma_wait3A_1364 = tpu.memref_slice %arg10[%run_scoped3A_264, %dma_wait3A] : memref<1x80xi32, #tpu.memory_space<vmem>> -> memref<1x80xi32, #tpu.memory_space<vmem>>
      %dma_wait3A_1365 = tpu.memref_squeeze %dma_wait3A_1364 : memref<1x80xi32, #tpu.memory_space<vmem>> -> memref<80xi32, #tpu.memory_space<vmem>>
      %dma_wait3A_1366 = arith.constant 0 : i32
      %dma_wait3A_1367 = arith.constant 0 : i32
      %dma_wait3A_1368 = tpu.memref_slice %arg12[%dma_wait3A_1366, %dma_wait3A_1367] : memref<9616x32xf32, #tpu.memory_space<vmem_shared>> -> memref<9616x32xf32, #tpu.memory_space<vmem_shared>>
      tpu.wait_indirect_dma semaphore(%run_scoped3A_1358 : memref<!tpu.dma_semaphore, #tpu.memory_space<semaphore_mem>>) src(%arg11 : memref<80x32xf32, #tpu.memory_space<vmem>>) dst(%dma_wait3A_1368 : memref<9616x32xf32, #tpu.memory_space<vmem_shared>>)
      tpu.yield
    }) : () -> ()
    "tpu.region"() ({
      %run_scoped3A_1358 = tpu.sem_alloc : memref<!tpu.dma_semaphore, #tpu.memory_space<semaphore_mem>>
      %dma_start3A = arith.constant 0 : i32
      %dma_start3A_1359 = tpu.memref_slice %arg4[%add3A_8, %dma_start3A] : memref<10240x32xf32, #tpu.memory_space<hbm>> -> memref<80x32xf32, #tpu.memory_space<hbm>>
      %dma_start3A_1360 = arith.constant 0 : i32
      %dma_start3A_1361 = tpu.memref_slice %arg4[%add3A_8, %dma_start3A_1360] : memref<10240x32xf32, #tpu.memory_space<hbm>> -> memref<80x32xf32, #tpu.memory_space<hbm>>
      tpu.enqueue_dma source(%dma_start3A_1361 : memref<80x32xf32, #tpu.memory_space<hbm>>) target(%arg11 : memref<80x32xf32, #tpu.memory_space<vmem>>) target_semaphore(%run_scoped3A_1358 : memref<!tpu.dma_semaphore, #tpu.memory_space<semaphore_mem>>)
      %dma_wait3A = arith.constant 0 : i32
      %dma_wait3A_1362 = tpu.memref_slice %arg4[%add3A_8, %dma_wait3A] : memref<10240x32xf32, #tpu.memory_space<hbm>> -> memref<80x32xf32, #tpu.memory_space<hbm>>
      %dma_wait3A_1363 = arith.constant 0 : i32
      %dma_wait3A_1364 = tpu.memref_slice %arg4[%add3A_8, %dma_wait3A_1363] : memref<10240x32xf32, #tpu.memory_space<hbm>> -> memref<80x32xf32, #tpu.memory_space<hbm>>
      tpu.wait_dma2 semaphore(%run_scoped3A_1358 : memref<!tpu.dma_semaphore, #tpu.memory_space<semaphore_mem>>) src(%dma_wait3A_1364 : memref<80x32xf32, #tpu.memory_space<hbm>>) dst(%arg11 : memref<80x32xf32, #tpu.memory_space<vmem>>)
      tpu.yield
    }) : () -> ()
    %get3A_265 = arith.constant 0 : i32
    %get3A_266 = arith.index_cast %get3A_265 : i32 to index
    %get3A_267 = arith.constant 0 : index
    %get3A_268 = tpu.vector_load %arg10[%get3A_266, %get3A_267] {strides = array<i32>} : memref<1x80xi32, #tpu.memory_space<vmem>>, vector<1x16xi32>,
    %get3A_269 = vector.shape_cast %get3A_268 : vector<1x16xi32> to vector<16xi32>
    %add3A_270 = arith.constant 1 : i32
    %add3A_271 = vector.broadcast %add3A_270 : i32 to vector<16xi32>
    %add3A_272 = arith.addi %get3A_269, %add3A_271 : vector<16xi32>
    %swap3A_273 = arith.constant 0 : i32
    %swap3A_274 = arith.index_cast %swap3A_273 : i32 to index
    %swap3A_275 = arith.constant 0 : index
    %swap3A_276 = tpu.vector_load %arg10[%swap3A_274, %swap3A_275] {strides = array<i32>} : memref<1x80xi32, #tpu.memory_space<vmem>>, vector<1x16xi32>,
    %swap3A_277 = vector.shape_cast %swap3A_276 : vector<1x16xi32> to vector<16xi32>
    %swap3A_278 = vector.shape_cast %add3A_272 : vector<16xi32> to vector<1x16xi32>
    tpu.vector_store %arg10[%swap3A_274, %swap3A_275], %swap3A_278 {strides = array<i32>} : memref<1x80xi32, #tpu.memory_space<vmem>>, vector<1x16xi32>,
    %get3A_279 = arith.constant 0 : i32
    %get3A_280 = arith.index_cast %get3A_279 : i32 to index
    %get3A_281 = arith.constant 16 : index
    %get3A_282 = tpu.vector_load %arg10[%get3A_280, %get3A_281] {strides = array<i32>} : memref<1x80xi32, #tpu.memory_space<vmem>>, vector<1x16xi32>,
    %get3A_283 = vector.shape_cast %get3A_282 : vector<1x16xi32> to vector<16xi32>
    %add3A_284 = arith.constant 1 : i32
    %add3A_285 = vector.broadcast %add3A_284 : i32 to vector<16xi32>
    %add3A_286 = arith.addi %get3A_283, %add3A_285 : vector<16xi32>
    %swap3A_287 = arith.constant 0 : i32
    %swap3A_288 = arith.index_cast %swap3A_287 : i32 to index
    %swap3A_289 = arith.constant 16 : index
    %swap3A_290 = tpu.vector_load %arg10[%swap3A_288, %swap3A_289] {strides = array<i32>} : memref<1x80xi32, #tpu.memory_space<vmem>>, vector<1x16xi32>,
    %swap3A_291 = vector.shape_cast %swap3A_290 : vector<1x16xi32> to vector<16xi32>
    %swap3A_292 = vector.shape_cast %add3A_286 : vector<16xi32> to vector<1x16xi32>
    tpu.vector_store %arg10[%swap3A_288, %swap3A_289], %swap3A_292 {strides = array<i32>} : memref<1x80xi32, #tpu.memory_space<vmem>>, vector<1x16xi32>,
    %get3A_293 = arith.constant 0 : i32
    %get3A_294 = arith.index_cast %get3A_293 : i32 to index
    %get3A_295 = arith.constant 32 : index
    %get3A_296 = tpu.vector_load %arg10[%get3A_294, %get3A_295] {strides = array<i32>} : memref<1x80xi32, #tpu.memory_space<vmem>>, vector<1x16xi32>,
    %get3A_297 = vector.shape_cast %get3A_296 : vector<1x16xi32> to vector<16xi32>
    %add3A_298 = arith.constant 1 : i32
    %add3A_299 = vector.broadcast %add3A_298 : i32 to vector<16xi32>
    %add3A_300 = arith.addi %get3A_297, %add3A_299 : vector<16xi32>
    %swap3A_301 = arith.constant 0 : i32
    %swap3A_302 = arith.index_cast %swap3A_301 : i32 to index
    %swap3A_303 = arith.constant 32 : index
    %swap3A_304 = tpu.vector_load %arg10[%swap3A_302, %swap3A_303] {strides = array<i32>} : memref<1x80xi32, #tpu.memory_space<vmem>>, vector<1x16xi32>,
    %swap3A_305 = vector.shape_cast %swap3A_304 : vector<1x16xi32> to vector<16xi32>
    %swap3A_306 = vector.shape_cast %add3A_300 : vector<16xi32> to vector<1x16xi32>
    tpu.vector_store %arg10[%swap3A_302, %swap3A_303], %swap3A_306 {strides = array<i32>} : memref<1x80xi32, #tpu.memory_space<vmem>>, vector<1x16xi32>,
    %get3A_307 = arith.constant 0 : i32
    %get3A_308 = arith.index_cast %get3A_307 : i32 to index
    %get3A_309 = arith.constant 48 : index
    %get3A_310 = tpu.vector_load %arg10[%get3A_308, %get3A_309] {strides = array<i32>} : memref<1x80xi32, #tpu.memory_space<vmem>>, vector<1x16xi32>,
    %get3A_311 = vector.shape_cast %get3A_310 : vector<1x16xi32> to vector<16xi32>
    %add3A_312 = arith.constant 1 : i32
    %add3A_313 = vector.broadcast %add3A_312 : i32 to vector<16xi32>
    %add3A_314 = arith.addi %get3A_311, %add3A_313 : vector<16xi32>
    %swap3A_315 = arith.constant 0 : i32
    %swap3A_316 = arith.index_cast %swap3A_315 : i32 to index
    %swap3A_317 = arith.constant 48 : index
    %swap3A_318 = tpu.vector_load %arg10[%swap3A_316, %swap3A_317] {strides = array<i32>} : memref<1x80xi32, #tpu.memory_space<vmem>>, vector<1x16xi32>,
    %swap3A_319 = vector.shape_cast %swap3A_318 : vector<1x16xi32> to vector<16xi32>
    %swap3A_320 = vector.shape_cast %add3A_314 : vector<16xi32> to vector<1x16xi32>
    tpu.vector_store %arg10[%swap3A_316, %swap3A_317], %swap3A_320 {strides = array<i32>} : memref<1x80xi32, #tpu.memory_space<vmem>>, vector<1x16xi32>,
    %get3A_321 = arith.constant 0 : i32
    %get3A_322 = arith.index_cast %get3A_321 : i32 to index
    %get3A_323 = arith.constant 64 : index
    %get3A_324 = tpu.vector_load %arg10[%get3A_322, %get3A_323] {strides = array<i32>} : memref<1x80xi32, #tpu.memory_space<vmem>>, vector<1x16xi32>,
    %get3A_325 = vector.shape_cast %get3A_324 : vector<1x16xi32> to vector<16xi32>
    %add3A_326 = arith.constant 1 : i32
    %add3A_327 = vector.broadcast %add3A_326 : i32 to vector<16xi32>
    %add3A_328 = arith.addi %get3A_325, %add3A_327 : vector<16xi32>
    %swap3A_329 = arith.constant 0 : i32
    %swap3A_330 = arith.index_cast %swap3A_329 : i32 to index
    %swap3A_331 = arith.constant 64 : index
    %swap3A_332 = tpu.vector_load %arg10[%swap3A_330, %swap3A_331] {strides = array<i32>} : memref<1x80xi32, #tpu.memory_space<vmem>>, vector<1x16xi32>,
    %swap3A_333 = vector.shape_cast %swap3A_332 : vector<1x16xi32> to vector<16xi32>
    %swap3A_334 = vector.shape_cast %add3A_328 : vector<16xi32> to vector<1x16xi32>
    tpu.vector_store %arg10[%swap3A_330, %swap3A_331], %swap3A_334 {strides = array<i32>} : memref<1x80xi32, #tpu.memory_space<vmem>>, vector<1x16xi32>,
    %run_scoped3A_335 = arith.constant 0 : i32
    "tpu.region"() ({
      %run_scoped3A_1358 = tpu.sem_alloc : memref<!tpu.dma_semaphore, #tpu.memory_space<semaphore_mem>>
      %dma_start3A = arith.constant 0 : i32
      %dma_start3A_1359 = tpu.memref_slice %arg10[%run_scoped3A_335, %dma_start3A] : memref<1x80xi32, #tpu.memory_space<vmem>> -> memref<1x80xi32, #tpu.memory_space<vmem>>
      %dma_start3A_1360 = tpu.memref_squeeze %dma_start3A_1359 : memref<1x80xi32, #tpu.memory_space<vmem>> -> memref<80xi32, #tpu.memory_space<vmem>>
      %dma_start3A_1361 = arith.constant 0 : i32
      %dma_start3A_1362 = arith.constant 0 : i32
      %dma_start3A_1363 = tpu.memref_slice %arg12[%dma_start3A_1361, %dma_start3A_1362] : memref<9616x32xf32, #tpu.memory_space<vmem_shared>> -> memref<9616x32xf32, #tpu.memory_space<vmem_shared>>
      tpu.enqueue_indirect_dma source(%arg11 : memref<80x32xf32, #tpu.memory_space<vmem>>) target(%dma_start3A_1363 : memref<9616x32xf32, #tpu.memory_space<vmem_shared>>) offsets(%dma_start3A_1360 : memref<80xi32, #tpu.memory_space<vmem>>) semaphore(%run_scoped3A_1358 : memref<!tpu.dma_semaphore, #tpu.memory_space<semaphore_mem>>) {add = true}
      %dma_wait3A = arith.constant 0 : i32
      %dma_wait3A_1364 = tpu.memref_slice %arg10[%run_scoped3A_335, %dma_wait3A] : memref<1x80xi32, #tpu.memory_space<vmem>> -> memref<1x80xi32, #tpu.memory_space<vmem>>
      %dma_wait3A_1365 = tpu.memref_squeeze %dma_wait3A_1364 : memref<1x80xi32, #tpu.memory_space<vmem>> -> memref<80xi32, #tpu.memory_space<vmem>>
      %dma_wait3A_1366 = arith.constant 0 : i32
      %dma_wait3A_1367 = arith.constant 0 : i32
      %dma_wait3A_1368 = tpu.memref_slice %arg12[%dma_wait3A_1366, %dma_wait3A_1367] : memref<9616x32xf32, #tpu.memory_space<vmem_shared>> -> memref<9616x32xf32, #tpu.memory_space<vmem_shared>>
      tpu.wait_indirect_dma semaphore(%run_scoped3A_1358 : memref<!tpu.dma_semaphore, #tpu.memory_space<semaphore_mem>>) src(%arg11 : memref<80x32xf32, #tpu.memory_space<vmem>>) dst(%dma_wait3A_1368 : memref<9616x32xf32, #tpu.memory_space<vmem_shared>>)
      tpu.yield
    }) : () -> ()
    %mul3A_336 = arith.constant 320 : i32
    %mul3A_337 = arith.muli %add3A, %mul3A_336 : i32
    %add3A_338 = arith.constant 80 : i32
    %add3A_339 = arith.addi %mul3A_337, %add3A_338 : i32
    %run_scoped3A_340 = arith.constant 0 : i32
    "tpu.region"() ({
      %run_scoped3A_1358 = tpu.sem_alloc : memref<!tpu.dma_semaphore, #tpu.memory_space<semaphore_mem>>
      %dma_start3A = arith.constant 0 : i32
      %dma_start3A_1359 = tpu.memref_slice %arg9[%run_scoped3A_340, %dma_start3A] : memref<1x80xi32, #tpu.memory_space<vmem>> -> memref<1x80xi32, #tpu.memory_space<vmem>>
      %dma_start3A_1360 = tpu.memref_squeeze %dma_start3A_1359 : memref<1x80xi32, #tpu.memory_space<vmem>> -> memref<80xi32, #tpu.memory_space<vmem>>
      %dma_start3A_1361 = tpu.memref_slice %arg5[%add3A_339] : memref<10240xi32, #tpu.memory_space<hbm>> -> memref<80xi32, #tpu.memory_space<hbm>>
      %dma_start3A_1362 = arith.constant 0 : i32
      %dma_start3A_1363 = tpu.memref_slice %arg9[%run_scoped3A_340, %dma_start3A_1362] : memref<1x80xi32, #tpu.memory_space<vmem>> -> memref<1x80xi32, #tpu.memory_space<vmem>>
      %dma_start3A_1364 = tpu.memref_squeeze %dma_start3A_1363 : memref<1x80xi32, #tpu.memory_space<vmem>> -> memref<80xi32, #tpu.memory_space<vmem>>
      %dma_start3A_1365 = tpu.memref_slice %arg5[%add3A_339] : memref<10240xi32, #tpu.memory_space<hbm>> -> memref<80xi32, #tpu.memory_space<hbm>>
      tpu.enqueue_dma source(%dma_start3A_1365 : memref<80xi32, #tpu.memory_space<hbm>>) target(%dma_start3A_1364 : memref<80xi32, #tpu.memory_space<vmem>>) target_semaphore(%run_scoped3A_1358 : memref<!tpu.dma_semaphore, #tpu.memory_space<semaphore_mem>>)
      %dma_wait3A = arith.constant 0 : i32
      %dma_wait3A_1366 = tpu.memref_slice %arg9[%run_scoped3A_340, %dma_wait3A] : memref<1x80xi32, #tpu.memory_space<vmem>> -> memref<1x80xi32, #tpu.memory_space<vmem>>
      %dma_wait3A_1367 = tpu.memref_squeeze %dma_wait3A_1366 : memref<1x80xi32, #tpu.memory_space<vmem>> -> memref<80xi32, #tpu.memory_space<vmem>>
      %dma_wait3A_1368 = tpu.memref_slice %arg5[%add3A_339] : memref<10240xi32, #tpu.memory_space<hbm>> -> memref<80xi32, #tpu.memory_space<hbm>>
      %dma_wait3A_1369 = arith.constant 0 : i32
      %dma_wait3A_1370 = tpu.memref_slice %arg9[%run_scoped3A_340, %dma_wait3A_1369] : memref<1x80xi32, #tpu.memory_space<vmem>> -> memref<1x80xi32, #tpu.memory_space<vmem>>
      %dma_wait3A_1371 = tpu.memref_squeeze %dma_wait3A_1370 : memref<1x80xi32, #tpu.memory_space<vmem>> -> memref<80xi32, #tpu.memory_space<vmem>>
      %dma_wait3A_1372 = tpu.memref_slice %arg5[%add3A_339] : memref<10240xi32, #tpu.memory_space<hbm>> -> memref<80xi32, #tpu.memory_space<hbm>>
      tpu.wait_dma2 semaphore(%run_scoped3A_1358 : memref<!tpu.dma_semaphore, #tpu.memory_space<semaphore_mem>>) src(%dma_wait3A_1372 : memref<80xi32, #tpu.memory_space<hbm>>) dst(%dma_wait3A_1371 : memref<80xi32, #tpu.memory_space<vmem>>)
      tpu.yield
    }) : () -> ()
    %run_scoped3A_341 = arith.constant 0 : i32
    "tpu.region"() ({
      %run_scoped3A_1358 = tpu.sem_alloc : memref<!tpu.dma_semaphore, #tpu.memory_space<semaphore_mem>>
      %dma_start3A = arith.constant 0 : i32
      %dma_start3A_1359 = tpu.memref_slice %arg10[%run_scoped3A_341, %dma_start3A] : memref<1x80xi32, #tpu.memory_space<vmem>> -> memref<1x80xi32, #tpu.memory_space<vmem>>
      %dma_start3A_1360 = tpu.memref_squeeze %dma_start3A_1359 : memref<1x80xi32, #tpu.memory_space<vmem>> -> memref<80xi32, #tpu.memory_space<vmem>>
      %dma_start3A_1361 = tpu.memref_slice %arg6[%add3A_339] : memref<10240xi32, #tpu.memory_space<hbm>> -> memref<80xi32, #tpu.memory_space<hbm>>
      %dma_start3A_1362 = arith.constant 0 : i32
      %dma_start3A_1363 = tpu.memref_slice %arg10[%run_scoped3A_341, %dma_start3A_1362] : memref<1x80xi32, #tpu.memory_space<vmem>> -> memref<1x80xi32, #tpu.memory_space<vmem>>
      %dma_start3A_1364 = tpu.memref_squeeze %dma_start3A_1363 : memref<1x80xi32, #tpu.memory_space<vmem>> -> memref<80xi32, #tpu.memory_space<vmem>>
      %dma_start3A_1365 = tpu.memref_slice %arg6[%add3A_339] : memref<10240xi32, #tpu.memory_space<hbm>> -> memref<80xi32, #tpu.memory_space<hbm>>
      tpu.enqueue_dma source(%dma_start3A_1365 : memref<80xi32, #tpu.memory_space<hbm>>) target(%dma_start3A_1364 : memref<80xi32, #tpu.memory_space<vmem>>) target_semaphore(%run_scoped3A_1358 : memref<!tpu.dma_semaphore, #tpu.memory_space<semaphore_mem>>)
      %dma_wait3A = arith.constant 0 : i32
      %dma_wait3A_1366 = tpu.memref_slice %arg10[%run_scoped3A_341, %dma_wait3A] : memref<1x80xi32, #tpu.memory_space<vmem>> -> memref<1x80xi32, #tpu.memory_space<vmem>>
      %dma_wait3A_1367 = tpu.memref_squeeze %dma_wait3A_1366 : memref<1x80xi32, #tpu.memory_space<vmem>> -> memref<80xi32, #tpu.memory_space<vmem>>
      %dma_wait3A_1368 = tpu.memref_slice %arg6[%add3A_339] : memref<10240xi32, #tpu.memory_space<hbm>> -> memref<80xi32, #tpu.memory_space<hbm>>
      %dma_wait3A_1369 = arith.constant 0 : i32
      %dma_wait3A_1370 = tpu.memref_slice %arg10[%run_scoped3A_341, %dma_wait3A_1369] : memref<1x80xi32, #tpu.memory_space<vmem>> -> memref<1x80xi32, #tpu.memory_space<vmem>>
      %dma_wait3A_1371 = tpu.memref_squeeze %dma_wait3A_1370 : memref<1x80xi32, #tpu.memory_space<vmem>> -> memref<80xi32, #tpu.memory_space<vmem>>
      %dma_wait3A_1372 = tpu.memref_slice %arg6[%add3A_339] : memref<10240xi32, #tpu.memory_space<hbm>> -> memref<80xi32, #tpu.memory_space<hbm>>
      tpu.wait_dma2 semaphore(%run_scoped3A_1358 : memref<!tpu.dma_semaphore, #tpu.memory_space<semaphore_mem>>) src(%dma_wait3A_1372 : memref<80xi32, #tpu.memory_space<hbm>>) dst(%dma_wait3A_1371 : memref<80xi32, #tpu.memory_space<vmem>>)
      tpu.yield
    }) : () -> ()
    %get3A_342 = arith.constant 0 : i32
    %get3A_343 = arith.index_cast %get3A_342 : i32 to index
    %get3A_344 = arith.constant 0 : index
    %get3A_345 = tpu.vector_load %arg9[%get3A_343, %get3A_344] {strides = array<i32>} : memref<1x80xi32, #tpu.memory_space<vmem>>, vector<1x16xi32>,
    %get3A_346 = vector.shape_cast %get3A_345 : vector<1x16xi32> to vector<16xi32>
    %get3A_347 = arith.constant 0 : i32
    %get3A_348 = arith.index_cast %get3A_347 : i32 to index
    %get3A_349 = arith.constant 0 : index
    %get3A_350 = tpu.vector_load %arg10[%get3A_348, %get3A_349] {strides = array<i32>} : memref<1x80xi32, #tpu.memory_space<vmem>>, vector<1x16xi32>,
    %get3A_351 = vector.shape_cast %get3A_350 : vector<1x16xi32> to vector<16xi32>
    %add3A_352 = arith.constant 0 : i32
    %add3A_353 = arith.addi %add3A_339, %add3A_352 : i32
    %iota3A_354 = tpu.iota {dimensions = array<i32: 0>} : vector<16xi32>
    %add3A_355 = vector.broadcast %add3A_353 : i32 to vector<16xi32>
    %add3A_356 = arith.addi %add3A_355, %iota3A_354 : vector<16xi32>
    %lt3A_357 = arith.constant 50 : i32
    %lt3A_358 = vector.broadcast %lt3A_357 : i32 to vector<16xi32>
    %lt3A_359 = arith.cmpi slt, %get3A_351, %lt3A_358 : vector<16xi32>
    %lt3A_360 = arith.constant 10000 : i32
    %lt3A_361 = vector.broadcast %lt3A_360 : i32 to vector<16xi32>
    %lt3A_362 = arith.cmpi slt, %add3A_356, %lt3A_361 : vector<16xi32>
    %and3A_363 = arith.andi %lt3A_359, %lt3A_362 : vector<16xi1>
    %mul3A_364 = arith.constant 64 : i32
    %mul3A_365 = vector.broadcast %mul3A_364 : i32 to vector<16xi32>
    %mul3A_366 = arith.muli %get3A_351, %mul3A_365 : vector<16xi32>
    %add3A_367 = arith.addi %mul3A_366, %get3A_346 : vector<16xi32>
    %mul3A_368 = arith.constant 3 : i32
    %mul3A_369 = vector.broadcast %mul3A_368 : i32 to vector<16xi32>
    %mul3A_370 = arith.muli %add3A_367, %mul3A_369 : vector<16xi32>
    %broadcast_in_dim3A_371 = arith.constant 9600 : i32
    %broadcast_in_dim3A_372 = vector.broadcast %broadcast_in_dim3A_371 : i32 to vector<16xi32>
    %select_n3A_373 = arith.select %and3A_363, %mul3A_370, %broadcast_in_dim3A_372 : vector<16xi1>, vector<16xi32>
    %swap3A_374 = arith.constant 0 : i32
    %swap3A_375 = arith.index_cast %swap3A_374 : i32 to index
    %swap3A_376 = arith.constant 0 : index
    %swap3A_377 = tpu.vector_load %arg10[%swap3A_375, %swap3A_376] {strides = array<i32>} : memref<1x80xi32, #tpu.memory_space<vmem>>, vector<1x16xi32>,
    %swap3A_378 = vector.shape_cast %swap3A_377 : vector<1x16xi32> to vector<16xi32>
    %swap3A_379 = vector.shape_cast %select_n3A_373 : vector<16xi32> to vector<1x16xi32>
    tpu.vector_store %arg10[%swap3A_375, %swap3A_376], %swap3A_379 {strides = array<i32>} : memref<1x80xi32, #tpu.memory_space<vmem>>, vector<1x16xi32>,
    %get3A_380 = arith.constant 0 : i32
    %get3A_381 = arith.index_cast %get3A_380 : i32 to index
    %get3A_382 = arith.constant 16 : index
    %get3A_383 = tpu.vector_load %arg9[%get3A_381, %get3A_382] {strides = array<i32>} : memref<1x80xi32, #tpu.memory_space<vmem>>, vector<1x16xi32>,
    %get3A_384 = vector.shape_cast %get3A_383 : vector<1x16xi32> to vector<16xi32>
    %get3A_385 = arith.constant 0 : i32
    %get3A_386 = arith.index_cast %get3A_385 : i32 to index
    %get3A_387 = arith.constant 16 : index
    %get3A_388 = tpu.vector_load %arg10[%get3A_386, %get3A_387] {strides = array<i32>} : memref<1x80xi32, #tpu.memory_space<vmem>>, vector<1x16xi32>,
    %get3A_389 = vector.shape_cast %get3A_388 : vector<1x16xi32> to vector<16xi32>
    %add3A_390 = arith.constant 16 : i32
    %add3A_391 = arith.addi %add3A_339, %add3A_390 : i32
    %iota3A_392 = tpu.iota {dimensions = array<i32: 0>} : vector<16xi32>
    %add3A_393 = vector.broadcast %add3A_391 : i32 to vector<16xi32>
    %add3A_394 = arith.addi %add3A_393, %iota3A_392 : vector<16xi32>
    %lt3A_395 = arith.constant 50 : i32
    %lt3A_396 = vector.broadcast %lt3A_395 : i32 to vector<16xi32>
    %lt3A_397 = arith.cmpi slt, %get3A_389, %lt3A_396 : vector<16xi32>
    %lt3A_398 = arith.constant 10000 : i32
    %lt3A_399 = vector.broadcast %lt3A_398 : i32 to vector<16xi32>
    %lt3A_400 = arith.cmpi slt, %add3A_394, %lt3A_399 : vector<16xi32>
    %and3A_401 = arith.andi %lt3A_397, %lt3A_400 : vector<16xi1>
    %mul3A_402 = arith.constant 64 : i32
    %mul3A_403 = vector.broadcast %mul3A_402 : i32 to vector<16xi32>
    %mul3A_404 = arith.muli %get3A_389, %mul3A_403 : vector<16xi32>
    %add3A_405 = arith.addi %mul3A_404, %get3A_384 : vector<16xi32>
    %mul3A_406 = arith.constant 3 : i32
    %mul3A_407 = vector.broadcast %mul3A_406 : i32 to vector<16xi32>
    %mul3A_408 = arith.muli %add3A_405, %mul3A_407 : vector<16xi32>
    %broadcast_in_dim3A_409 = arith.constant 9600 : i32
    %broadcast_in_dim3A_410 = vector.broadcast %broadcast_in_dim3A_409 : i32 to vector<16xi32>
    %select_n3A_411 = arith.select %and3A_401, %mul3A_408, %broadcast_in_dim3A_410 : vector<16xi1>, vector<16xi32>
    %swap3A_412 = arith.constant 0 : i32
    %swap3A_413 = arith.index_cast %swap3A_412 : i32 to index
    %swap3A_414 = arith.constant 16 : index
    %swap3A_415 = tpu.vector_load %arg10[%swap3A_413, %swap3A_414] {strides = array<i32>} : memref<1x80xi32, #tpu.memory_space<vmem>>, vector<1x16xi32>,
    %swap3A_416 = vector.shape_cast %swap3A_415 : vector<1x16xi32> to vector<16xi32>
    %swap3A_417 = vector.shape_cast %select_n3A_411 : vector<16xi32> to vector<1x16xi32>
    tpu.vector_store %arg10[%swap3A_413, %swap3A_414], %swap3A_417 {strides = array<i32>} : memref<1x80xi32, #tpu.memory_space<vmem>>, vector<1x16xi32>,
    %get3A_418 = arith.constant 0 : i32
    %get3A_419 = arith.index_cast %get3A_418 : i32 to index
    %get3A_420 = arith.constant 32 : index
    %get3A_421 = tpu.vector_load %arg9[%get3A_419, %get3A_420] {strides = array<i32>} : memref<1x80xi32, #tpu.memory_space<vmem>>, vector<1x16xi32>,
    %get3A_422 = vector.shape_cast %get3A_421 : vector<1x16xi32> to vector<16xi32>
    %get3A_423 = arith.constant 0 : i32
    %get3A_424 = arith.index_cast %get3A_423 : i32 to index
    %get3A_425 = arith.constant 32 : index
    %get3A_426 = tpu.vector_load %arg10[%get3A_424, %get3A_425] {strides = array<i32>} : memref<1x80xi32, #tpu.memory_space<vmem>>, vector<1x16xi32>,
    %get3A_427 = vector.shape_cast %get3A_426 : vector<1x16xi32> to vector<16xi32>
    %add3A_428 = arith.constant 32 : i32
    %add3A_429 = arith.addi %add3A_339, %add3A_428 : i32
    %iota3A_430 = tpu.iota {dimensions = array<i32: 0>} : vector<16xi32>
    %add3A_431 = vector.broadcast %add3A_429 : i32 to vector<16xi32>
    %add3A_432 = arith.addi %add3A_431, %iota3A_430 : vector<16xi32>
    %lt3A_433 = arith.constant 50 : i32
    %lt3A_434 = vector.broadcast %lt3A_433 : i32 to vector<16xi32>
    %lt3A_435 = arith.cmpi slt, %get3A_427, %lt3A_434 : vector<16xi32>
    %lt3A_436 = arith.constant 10000 : i32
    %lt3A_437 = vector.broadcast %lt3A_436 : i32 to vector<16xi32>
    %lt3A_438 = arith.cmpi slt, %add3A_432, %lt3A_437 : vector<16xi32>
    %and3A_439 = arith.andi %lt3A_435, %lt3A_438 : vector<16xi1>
    %mul3A_440 = arith.constant 64 : i32
    %mul3A_441 = vector.broadcast %mul3A_440 : i32 to vector<16xi32>
    %mul3A_442 = arith.muli %get3A_427, %mul3A_441 : vector<16xi32>
    %add3A_443 = arith.addi %mul3A_442, %get3A_422 : vector<16xi32>
    %mul3A_444 = arith.constant 3 : i32
    %mul3A_445 = vector.broadcast %mul3A_444 : i32 to vector<16xi32>
    %mul3A_446 = arith.muli %add3A_443, %mul3A_445 : vector<16xi32>
    %broadcast_in_dim3A_447 = arith.constant 9600 : i32
    %broadcast_in_dim3A_448 = vector.broadcast %broadcast_in_dim3A_447 : i32 to vector<16xi32>
    %select_n3A_449 = arith.select %and3A_439, %mul3A_446, %broadcast_in_dim3A_448 : vector<16xi1>, vector<16xi32>
    %swap3A_450 = arith.constant 0 : i32
    %swap3A_451 = arith.index_cast %swap3A_450 : i32 to index
    %swap3A_452 = arith.constant 32 : index
    %swap3A_453 = tpu.vector_load %arg10[%swap3A_451, %swap3A_452] {strides = array<i32>} : memref<1x80xi32, #tpu.memory_space<vmem>>, vector<1x16xi32>,
    %swap3A_454 = vector.shape_cast %swap3A_453 : vector<1x16xi32> to vector<16xi32>
    %swap3A_455 = vector.shape_cast %select_n3A_449 : vector<16xi32> to vector<1x16xi32>
    tpu.vector_store %arg10[%swap3A_451, %swap3A_452], %swap3A_455 {strides = array<i32>} : memref<1x80xi32, #tpu.memory_space<vmem>>, vector<1x16xi32>,
    %get3A_456 = arith.constant 0 : i32
    %get3A_457 = arith.index_cast %get3A_456 : i32 to index
    %get3A_458 = arith.constant 48 : index
    %get3A_459 = tpu.vector_load %arg9[%get3A_457, %get3A_458] {strides = array<i32>} : memref<1x80xi32, #tpu.memory_space<vmem>>, vector<1x16xi32>,
    %get3A_460 = vector.shape_cast %get3A_459 : vector<1x16xi32> to vector<16xi32>
    %get3A_461 = arith.constant 0 : i32
    %get3A_462 = arith.index_cast %get3A_461 : i32 to index
    %get3A_463 = arith.constant 48 : index
    %get3A_464 = tpu.vector_load %arg10[%get3A_462, %get3A_463] {strides = array<i32>} : memref<1x80xi32, #tpu.memory_space<vmem>>, vector<1x16xi32>,
    %get3A_465 = vector.shape_cast %get3A_464 : vector<1x16xi32> to vector<16xi32>
    %add3A_466 = arith.constant 48 : i32
    %add3A_467 = arith.addi %add3A_339, %add3A_466 : i32
    %iota3A_468 = tpu.iota {dimensions = array<i32: 0>} : vector<16xi32>
    %add3A_469 = vector.broadcast %add3A_467 : i32 to vector<16xi32>
    %add3A_470 = arith.addi %add3A_469, %iota3A_468 : vector<16xi32>
    %lt3A_471 = arith.constant 50 : i32
    %lt3A_472 = vector.broadcast %lt3A_471 : i32 to vector<16xi32>
    %lt3A_473 = arith.cmpi slt, %get3A_465, %lt3A_472 : vector<16xi32>
    %lt3A_474 = arith.constant 10000 : i32
    %lt3A_475 = vector.broadcast %lt3A_474 : i32 to vector<16xi32>
    %lt3A_476 = arith.cmpi slt, %add3A_470, %lt3A_475 : vector<16xi32>
    %and3A_477 = arith.andi %lt3A_473, %lt3A_476 : vector<16xi1>
    %mul3A_478 = arith.constant 64 : i32
    %mul3A_479 = vector.broadcast %mul3A_478 : i32 to vector<16xi32>
    %mul3A_480 = arith.muli %get3A_465, %mul3A_479 : vector<16xi32>
    %add3A_481 = arith.addi %mul3A_480, %get3A_460 : vector<16xi32>
    %mul3A_482 = arith.constant 3 : i32
    %mul3A_483 = vector.broadcast %mul3A_482 : i32 to vector<16xi32>
    %mul3A_484 = arith.muli %add3A_481, %mul3A_483 : vector<16xi32>
    %broadcast_in_dim3A_485 = arith.constant 9600 : i32
    %broadcast_in_dim3A_486 = vector.broadcast %broadcast_in_dim3A_485 : i32 to vector<16xi32>
    %select_n3A_487 = arith.select %and3A_477, %mul3A_484, %broadcast_in_dim3A_486 : vector<16xi1>, vector<16xi32>
    %swap3A_488 = arith.constant 0 : i32
    %swap3A_489 = arith.index_cast %swap3A_488 : i32 to index
    %swap3A_490 = arith.constant 48 : index
    %swap3A_491 = tpu.vector_load %arg10[%swap3A_489, %swap3A_490] {strides = array<i32>} : memref<1x80xi32, #tpu.memory_space<vmem>>, vector<1x16xi32>,
    %swap3A_492 = vector.shape_cast %swap3A_491 : vector<1x16xi32> to vector<16xi32>
    %swap3A_493 = vector.shape_cast %select_n3A_487 : vector<16xi32> to vector<1x16xi32>
    tpu.vector_store %arg10[%swap3A_489, %swap3A_490], %swap3A_493 {strides = array<i32>} : memref<1x80xi32, #tpu.memory_space<vmem>>, vector<1x16xi32>,
    %get3A_494 = arith.constant 0 : i32
    %get3A_495 = arith.index_cast %get3A_494 : i32 to index
    %get3A_496 = arith.constant 64 : index
    %get3A_497 = tpu.vector_load %arg9[%get3A_495, %get3A_496] {strides = array<i32>} : memref<1x80xi32, #tpu.memory_space<vmem>>, vector<1x16xi32>,
    %get3A_498 = vector.shape_cast %get3A_497 : vector<1x16xi32> to vector<16xi32>
    %get3A_499 = arith.constant 0 : i32
    %get3A_500 = arith.index_cast %get3A_499 : i32 to index
    %get3A_501 = arith.constant 64 : index
    %get3A_502 = tpu.vector_load %arg10[%get3A_500, %get3A_501] {strides = array<i32>} : memref<1x80xi32, #tpu.memory_space<vmem>>, vector<1x16xi32>,
    %get3A_503 = vector.shape_cast %get3A_502 : vector<1x16xi32> to vector<16xi32>
    %add3A_504 = arith.constant 64 : i32
    %add3A_505 = arith.addi %add3A_339, %add3A_504 : i32
    %iota3A_506 = tpu.iota {dimensions = array<i32: 0>} : vector<16xi32>
    %add3A_507 = vector.broadcast %add3A_505 : i32 to vector<16xi32>
    %add3A_508 = arith.addi %add3A_507, %iota3A_506 : vector<16xi32>
    %lt3A_509 = arith.constant 50 : i32
    %lt3A_510 = vector.broadcast %lt3A_509 : i32 to vector<16xi32>
    %lt3A_511 = arith.cmpi slt, %get3A_503, %lt3A_510 : vector<16xi32>
    %lt3A_512 = arith.constant 10000 : i32
    %lt3A_513 = vector.broadcast %lt3A_512 : i32 to vector<16xi32>
    %lt3A_514 = arith.cmpi slt, %add3A_508, %lt3A_513 : vector<16xi32>
    %and3A_515 = arith.andi %lt3A_511, %lt3A_514 : vector<16xi1>
    %mul3A_516 = arith.constant 64 : i32
    %mul3A_517 = vector.broadcast %mul3A_516 : i32 to vector<16xi32>
    %mul3A_518 = arith.muli %get3A_503, %mul3A_517 : vector<16xi32>
    %add3A_519 = arith.addi %mul3A_518, %get3A_498 : vector<16xi32>
    %mul3A_520 = arith.constant 3 : i32
    %mul3A_521 = vector.broadcast %mul3A_520 : i32 to vector<16xi32>
    %mul3A_522 = arith.muli %add3A_519, %mul3A_521 : vector<16xi32>
    %broadcast_in_dim3A_523 = arith.constant 9600 : i32
    %broadcast_in_dim3A_524 = vector.broadcast %broadcast_in_dim3A_523 : i32 to vector<16xi32>
    %select_n3A_525 = arith.select %and3A_515, %mul3A_522, %broadcast_in_dim3A_524 : vector<16xi1>, vector<16xi32>
    %swap3A_526 = arith.constant 0 : i32
    %swap3A_527 = arith.index_cast %swap3A_526 : i32 to index
    %swap3A_528 = arith.constant 64 : index
    %swap3A_529 = tpu.vector_load %arg10[%swap3A_527, %swap3A_528] {strides = array<i32>} : memref<1x80xi32, #tpu.memory_space<vmem>>, vector<1x16xi32>,
    %swap3A_530 = vector.shape_cast %swap3A_529 : vector<1x16xi32> to vector<16xi32>
    %swap3A_531 = vector.shape_cast %select_n3A_525 : vector<16xi32> to vector<1x16xi32>
    tpu.vector_store %arg10[%swap3A_527, %swap3A_528], %swap3A_531 {strides = array<i32>} : memref<1x80xi32, #tpu.memory_space<vmem>>, vector<1x16xi32>,
    "tpu.region"() ({
      %run_scoped3A_1358 = tpu.sem_alloc : memref<!tpu.dma_semaphore, #tpu.memory_space<semaphore_mem>>
      %dma_start3A = arith.constant 0 : i32
      %dma_start3A_1359 = tpu.memref_slice %arg2[%add3A_339, %dma_start3A] : memref<10240x32xf32, #tpu.memory_space<hbm>> -> memref<80x32xf32, #tpu.memory_space<hbm>>
      %dma_start3A_1360 = arith.constant 0 : i32
      %dma_start3A_1361 = tpu.memref_slice %arg2[%add3A_339, %dma_start3A_1360] : memref<10240x32xf32, #tpu.memory_space<hbm>> -> memref<80x32xf32, #tpu.memory_space<hbm>>
      tpu.enqueue_dma source(%dma_start3A_1361 : memref<80x32xf32, #tpu.memory_space<hbm>>) target(%arg11 : memref<80x32xf32, #tpu.memory_space<vmem>>) target_semaphore(%run_scoped3A_1358 : memref<!tpu.dma_semaphore, #tpu.memory_space<semaphore_mem>>)
      %dma_wait3A = arith.constant 0 : i32
      %dma_wait3A_1362 = tpu.memref_slice %arg2[%add3A_339, %dma_wait3A] : memref<10240x32xf32, #tpu.memory_space<hbm>> -> memref<80x32xf32, #tpu.memory_space<hbm>>
      %dma_wait3A_1363 = arith.constant 0 : i32
      %dma_wait3A_1364 = tpu.memref_slice %arg2[%add3A_339, %dma_wait3A_1363] : memref<10240x32xf32, #tpu.memory_space<hbm>> -> memref<80x32xf32, #tpu.memory_space<hbm>>
      tpu.wait_dma2 semaphore(%run_scoped3A_1358 : memref<!tpu.dma_semaphore, #tpu.memory_space<semaphore_mem>>) src(%dma_wait3A_1364 : memref<80x32xf32, #tpu.memory_space<hbm>>) dst(%arg11 : memref<80x32xf32, #tpu.memory_space<vmem>>)
      tpu.yield
    }) : () -> ()
    %run_scoped3A_532 = arith.constant 0 : i32
    "tpu.region"() ({
      %run_scoped3A_1358 = tpu.sem_alloc : memref<!tpu.dma_semaphore, #tpu.memory_space<semaphore_mem>>
      %dma_start3A = arith.constant 0 : i32
      %dma_start3A_1359 = tpu.memref_slice %arg10[%run_scoped3A_532, %dma_start3A] : memref<1x80xi32, #tpu.memory_space<vmem>> -> memref<1x80xi32, #tpu.memory_space<vmem>>
      %dma_start3A_1360 = tpu.memref_squeeze %dma_start3A_1359 : memref<1x80xi32, #tpu.memory_space<vmem>> -> memref<80xi32, #tpu.memory_space<vmem>>
      %dma_start3A_1361 = arith.constant 0 : i32
      %dma_start3A_1362 = arith.constant 0 : i32
      %dma_start3A_1363 = tpu.memref_slice %arg12[%dma_start3A_1361, %dma_start3A_1362] : memref<9616x32xf32, #tpu.memory_space<vmem_shared>> -> memref<9616x32xf32, #tpu.memory_space<vmem_shared>>
      tpu.enqueue_indirect_dma source(%arg11 : memref<80x32xf32, #tpu.memory_space<vmem>>) target(%dma_start3A_1363 : memref<9616x32xf32, #tpu.memory_space<vmem_shared>>) offsets(%dma_start3A_1360 : memref<80xi32, #tpu.memory_space<vmem>>) semaphore(%run_scoped3A_1358 : memref<!tpu.dma_semaphore, #tpu.memory_space<semaphore_mem>>) {add = true}
      %dma_wait3A = arith.constant 0 : i32
      %dma_wait3A_1364 = tpu.memref_slice %arg10[%run_scoped3A_532, %dma_wait3A] : memref<1x80xi32, #tpu.memory_space<vmem>> -> memref<1x80xi32, #tpu.memory_space<vmem>>
      %dma_wait3A_1365 = tpu.memref_squeeze %dma_wait3A_1364 : memref<1x80xi32, #tpu.memory_space<vmem>> -> memref<80xi32, #tpu.memory_space<vmem>>
      %dma_wait3A_1366 = arith.constant 0 : i32
      %dma_wait3A_1367 = arith.constant 0 : i32
      %dma_wait3A_1368 = tpu.memref_slice %arg12[%dma_wait3A_1366, %dma_wait3A_1367] : memref<9616x32xf32, #tpu.memory_space<vmem_shared>> -> memref<9616x32xf32, #tpu.memory_space<vmem_shared>>
      tpu.wait_indirect_dma semaphore(%run_scoped3A_1358 : memref<!tpu.dma_semaphore, #tpu.memory_space<semaphore_mem>>) src(%arg11 : memref<80x32xf32, #tpu.memory_space<vmem>>) dst(%dma_wait3A_1368 : memref<9616x32xf32, #tpu.memory_space<vmem_shared>>)
      tpu.yield
    }) : () -> ()
    "tpu.region"() ({
      %run_scoped3A_1358 = tpu.sem_alloc : memref<!tpu.dma_semaphore, #tpu.memory_space<semaphore_mem>>
      %dma_start3A = arith.constant 0 : i32
      %dma_start3A_1359 = tpu.memref_slice %arg3[%add3A_339, %dma_start3A] : memref<10240x32xf32, #tpu.memory_space<hbm>> -> memref<80x32xf32, #tpu.memory_space<hbm>>
      %dma_start3A_1360 = arith.constant 0 : i32
      %dma_start3A_1361 = tpu.memref_slice %arg3[%add3A_339, %dma_start3A_1360] : memref<10240x32xf32, #tpu.memory_space<hbm>> -> memref<80x32xf32, #tpu.memory_space<hbm>>
      tpu.enqueue_dma source(%dma_start3A_1361 : memref<80x32xf32, #tpu.memory_space<hbm>>) target(%arg11 : memref<80x32xf32, #tpu.memory_space<vmem>>) target_semaphore(%run_scoped3A_1358 : memref<!tpu.dma_semaphore, #tpu.memory_space<semaphore_mem>>)
      %dma_wait3A = arith.constant 0 : i32
      %dma_wait3A_1362 = tpu.memref_slice %arg3[%add3A_339, %dma_wait3A] : memref<10240x32xf32, #tpu.memory_space<hbm>> -> memref<80x32xf32, #tpu.memory_space<hbm>>
      %dma_wait3A_1363 = arith.constant 0 : i32
      %dma_wait3A_1364 = tpu.memref_slice %arg3[%add3A_339, %dma_wait3A_1363] : memref<10240x32xf32, #tpu.memory_space<hbm>> -> memref<80x32xf32, #tpu.memory_space<hbm>>
      tpu.wait_dma2 semaphore(%run_scoped3A_1358 : memref<!tpu.dma_semaphore, #tpu.memory_space<semaphore_mem>>) src(%dma_wait3A_1364 : memref<80x32xf32, #tpu.memory_space<hbm>>) dst(%arg11 : memref<80x32xf32, #tpu.memory_space<vmem>>)
      tpu.yield
    }) : () -> ()
    %get3A_533 = arith.constant 0 : i32
    %get3A_534 = arith.index_cast %get3A_533 : i32 to index
    %get3A_535 = arith.constant 0 : index
    %get3A_536 = tpu.vector_load %arg10[%get3A_534, %get3A_535] {strides = array<i32>} : memref<1x80xi32, #tpu.memory_space<vmem>>, vector<1x16xi32>,
    %get3A_537 = vector.shape_cast %get3A_536 : vector<1x16xi32> to vector<16xi32>
    %add3A_538 = arith.constant 1 : i32
    %add3A_539 = vector.broadcast %add3A_538 : i32 to vector<16xi32>
    %add3A_540 = arith.addi %get3A_537, %add3A_539 : vector<16xi32>
    %swap3A_541 = arith.constant 0 : i32
    %swap3A_542 = arith.index_cast %swap3A_541 : i32 to index
    %swap3A_543 = arith.constant 0 : index
    %swap3A_544 = tpu.vector_load %arg10[%swap3A_542, %swap3A_543] {strides = array<i32>} : memref<1x80xi32, #tpu.memory_space<vmem>>, vector<1x16xi32>,
    %swap3A_545 = vector.shape_cast %swap3A_544 : vector<1x16xi32> to vector<16xi32>
    %swap3A_546 = vector.shape_cast %add3A_540 : vector<16xi32> to vector<1x16xi32>
    tpu.vector_store %arg10[%swap3A_542, %swap3A_543], %swap3A_546 {strides = array<i32>} : memref<1x80xi32, #tpu.memory_space<vmem>>, vector<1x16xi32>,
    %get3A_547 = arith.constant 0 : i32
    %get3A_548 = arith.index_cast %get3A_547 : i32 to index
    %get3A_549 = arith.constant 16 : index
    %get3A_550 = tpu.vector_load %arg10[%get3A_548, %get3A_549] {strides = array<i32>} : memref<1x80xi32, #tpu.memory_space<vmem>>, vector<1x16xi32>,
    %get3A_551 = vector.shape_cast %get3A_550 : vector<1x16xi32> to vector<16xi32>
    %add3A_552 = arith.constant 1 : i32
    %add3A_553 = vector.broadcast %add3A_552 : i32 to vector<16xi32>
    %add3A_554 = arith.addi %get3A_551, %add3A_553 : vector<16xi32>
    %swap3A_555 = arith.constant 0 : i32
    %swap3A_556 = arith.index_cast %swap3A_555 : i32 to index
    %swap3A_557 = arith.constant 16 : index
    %swap3A_558 = tpu.vector_load %arg10[%swap3A_556, %swap3A_557] {strides = array<i32>} : memref<1x80xi32, #tpu.memory_space<vmem>>, vector<1x16xi32>,
    %swap3A_559 = vector.shape_cast %swap3A_558 : vector<1x16xi32> to vector<16xi32>
    %swap3A_560 = vector.shape_cast %add3A_554 : vector<16xi32> to vector<1x16xi32>
    tpu.vector_store %arg10[%swap3A_556, %swap3A_557], %swap3A_560 {strides = array<i32>} : memref<1x80xi32, #tpu.memory_space<vmem>>, vector<1x16xi32>,
    %get3A_561 = arith.constant 0 : i32
    %get3A_562 = arith.index_cast %get3A_561 : i32 to index
    %get3A_563 = arith.constant 32 : index
    %get3A_564 = tpu.vector_load %arg10[%get3A_562, %get3A_563] {strides = array<i32>} : memref<1x80xi32, #tpu.memory_space<vmem>>, vector<1x16xi32>,
    %get3A_565 = vector.shape_cast %get3A_564 : vector<1x16xi32> to vector<16xi32>
    %add3A_566 = arith.constant 1 : i32
    %add3A_567 = vector.broadcast %add3A_566 : i32 to vector<16xi32>
    %add3A_568 = arith.addi %get3A_565, %add3A_567 : vector<16xi32>
    %swap3A_569 = arith.constant 0 : i32
    %swap3A_570 = arith.index_cast %swap3A_569 : i32 to index
    %swap3A_571 = arith.constant 32 : index
    %swap3A_572 = tpu.vector_load %arg10[%swap3A_570, %swap3A_571] {strides = array<i32>} : memref<1x80xi32, #tpu.memory_space<vmem>>, vector<1x16xi32>,
    %swap3A_573 = vector.shape_cast %swap3A_572 : vector<1x16xi32> to vector<16xi32>
    %swap3A_574 = vector.shape_cast %add3A_568 : vector<16xi32> to vector<1x16xi32>
    tpu.vector_store %arg10[%swap3A_570, %swap3A_571], %swap3A_574 {strides = array<i32>} : memref<1x80xi32, #tpu.memory_space<vmem>>, vector<1x16xi32>,
    %get3A_575 = arith.constant 0 : i32
    %get3A_576 = arith.index_cast %get3A_575 : i32 to index
    %get3A_577 = arith.constant 48 : index
    %get3A_578 = tpu.vector_load %arg10[%get3A_576, %get3A_577] {strides = array<i32>} : memref<1x80xi32, #tpu.memory_space<vmem>>, vector<1x16xi32>,
    %get3A_579 = vector.shape_cast %get3A_578 : vector<1x16xi32> to vector<16xi32>
    %add3A_580 = arith.constant 1 : i32
    %add3A_581 = vector.broadcast %add3A_580 : i32 to vector<16xi32>
    %add3A_582 = arith.addi %get3A_579, %add3A_581 : vector<16xi32>
    %swap3A_583 = arith.constant 0 : i32
    %swap3A_584 = arith.index_cast %swap3A_583 : i32 to index
    %swap3A_585 = arith.constant 48 : index
    %swap3A_586 = tpu.vector_load %arg10[%swap3A_584, %swap3A_585] {strides = array<i32>} : memref<1x80xi32, #tpu.memory_space<vmem>>, vector<1x16xi32>,
    %swap3A_587 = vector.shape_cast %swap3A_586 : vector<1x16xi32> to vector<16xi32>
    %swap3A_588 = vector.shape_cast %add3A_582 : vector<16xi32> to vector<1x16xi32>
    tpu.vector_store %arg10[%swap3A_584, %swap3A_585], %swap3A_588 {strides = array<i32>} : memref<1x80xi32, #tpu.memory_space<vmem>>, vector<1x16xi32>,
    %get3A_589 = arith.constant 0 : i32
    %get3A_590 = arith.index_cast %get3A_589 : i32 to index
    %get3A_591 = arith.constant 64 : index
    %get3A_592 = tpu.vector_load %arg10[%get3A_590, %get3A_591] {strides = array<i32>} : memref<1x80xi32, #tpu.memory_space<vmem>>, vector<1x16xi32>,
    %get3A_593 = vector.shape_cast %get3A_592 : vector<1x16xi32> to vector<16xi32>
    %add3A_594 = arith.constant 1 : i32
    %add3A_595 = vector.broadcast %add3A_594 : i32 to vector<16xi32>
    %add3A_596 = arith.addi %get3A_593, %add3A_595 : vector<16xi32>
    %swap3A_597 = arith.constant 0 : i32
    %swap3A_598 = arith.index_cast %swap3A_597 : i32 to index
    %swap3A_599 = arith.constant 64 : index
    %swap3A_600 = tpu.vector_load %arg10[%swap3A_598, %swap3A_599] {strides = array<i32>} : memref<1x80xi32, #tpu.memory_space<vmem>>, vector<1x16xi32>,
    %swap3A_601 = vector.shape_cast %swap3A_600 : vector<1x16xi32> to vector<16xi32>
    %swap3A_602 = vector.shape_cast %add3A_596 : vector<16xi32> to vector<1x16xi32>
    tpu.vector_store %arg10[%swap3A_598, %swap3A_599], %swap3A_602 {strides = array<i32>} : memref<1x80xi32, #tpu.memory_space<vmem>>, vector<1x16xi32>,
    %run_scoped3A_603 = arith.constant 0 : i32
    "tpu.region"() ({
      %run_scoped3A_1358 = tpu.sem_alloc : memref<!tpu.dma_semaphore, #tpu.memory_space<semaphore_mem>>
      %dma_start3A = arith.constant 0 : i32
      %dma_start3A_1359 = tpu.memref_slice %arg10[%run_scoped3A_603, %dma_start3A] : memref<1x80xi32, #tpu.memory_space<vmem>> -> memref<1x80xi32, #tpu.memory_space<vmem>>
      %dma_start3A_1360 = tpu.memref_squeeze %dma_start3A_1359 : memref<1x80xi32, #tpu.memory_space<vmem>> -> memref<80xi32, #tpu.memory_space<vmem>>
      %dma_start3A_1361 = arith.constant 0 : i32
      %dma_start3A_1362 = arith.constant 0 : i32
      %dma_start3A_1363 = tpu.memref_slice %arg12[%dma_start3A_1361, %dma_start3A_1362] : memref<9616x32xf32, #tpu.memory_space<vmem_shared>> -> memref<9616x32xf32, #tpu.memory_space<vmem_shared>>
      tpu.enqueue_indirect_dma source(%arg11 : memref<80x32xf32, #tpu.memory_space<vmem>>) target(%dma_start3A_1363 : memref<9616x32xf32, #tpu.memory_space<vmem_shared>>) offsets(%dma_start3A_1360 : memref<80xi32, #tpu.memory_space<vmem>>) semaphore(%run_scoped3A_1358 : memref<!tpu.dma_semaphore, #tpu.memory_space<semaphore_mem>>) {add = true}
      %dma_wait3A = arith.constant 0 : i32
      %dma_wait3A_1364 = tpu.memref_slice %arg10[%run_scoped3A_603, %dma_wait3A] : memref<1x80xi32, #tpu.memory_space<vmem>> -> memref<1x80xi32, #tpu.memory_space<vmem>>
      %dma_wait3A_1365 = tpu.memref_squeeze %dma_wait3A_1364 : memref<1x80xi32, #tpu.memory_space<vmem>> -> memref<80xi32, #tpu.memory_space<vmem>>
      %dma_wait3A_1366 = arith.constant 0 : i32
      %dma_wait3A_1367 = arith.constant 0 : i32
      %dma_wait3A_1368 = tpu.memref_slice %arg12[%dma_wait3A_1366, %dma_wait3A_1367] : memref<9616x32xf32, #tpu.memory_space<vmem_shared>> -> memref<9616x32xf32, #tpu.memory_space<vmem_shared>>
      tpu.wait_indirect_dma semaphore(%run_scoped3A_1358 : memref<!tpu.dma_semaphore, #tpu.memory_space<semaphore_mem>>) src(%arg11 : memref<80x32xf32, #tpu.memory_space<vmem>>) dst(%dma_wait3A_1368 : memref<9616x32xf32, #tpu.memory_space<vmem_shared>>)
      tpu.yield
    }) : () -> ()
    "tpu.region"() ({
      %run_scoped3A_1358 = tpu.sem_alloc : memref<!tpu.dma_semaphore, #tpu.memory_space<semaphore_mem>>
      %dma_start3A = arith.constant 0 : i32
      %dma_start3A_1359 = tpu.memref_slice %arg4[%add3A_339, %dma_start3A] : memref<10240x32xf32, #tpu.memory_space<hbm>> -> memref<80x32xf32, #tpu.memory_space<hbm>>
      %dma_start3A_1360 = arith.constant 0 : i32
      %dma_start3A_1361 = tpu.memref_slice %arg4[%add3A_339, %dma_start3A_1360] : memref<10240x32xf32, #tpu.memory_space<hbm>> -> memref<80x32xf32, #tpu.memory_space<hbm>>
      tpu.enqueue_dma source(%dma_start3A_1361 : memref<80x32xf32, #tpu.memory_space<hbm>>) target(%arg11 : memref<80x32xf32, #tpu.memory_space<vmem>>) target_semaphore(%run_scoped3A_1358 : memref<!tpu.dma_semaphore, #tpu.memory_space<semaphore_mem>>)
      %dma_wait3A = arith.constant 0 : i32
      %dma_wait3A_1362 = tpu.memref_slice %arg4[%add3A_339, %dma_wait3A] : memref<10240x32xf32, #tpu.memory_space<hbm>> -> memref<80x32xf32, #tpu.memory_space<hbm>>
      %dma_wait3A_1363 = arith.constant 0 : i32
      %dma_wait3A_1364 = tpu.memref_slice %arg4[%add3A_339, %dma_wait3A_1363] : memref<10240x32xf32, #tpu.memory_space<hbm>> -> memref<80x32xf32, #tpu.memory_space<hbm>>
      tpu.wait_dma2 semaphore(%run_scoped3A_1358 : memref<!tpu.dma_semaphore, #tpu.memory_space<semaphore_mem>>) src(%dma_wait3A_1364 : memref<80x32xf32, #tpu.memory_space<hbm>>) dst(%arg11 : memref<80x32xf32, #tpu.memory_space<vmem>>)
      tpu.yield
    }) : () -> ()
    %get3A_604 = arith.constant 0 : i32
    %get3A_605 = arith.index_cast %get3A_604 : i32 to index
    %get3A_606 = arith.constant 0 : index
    %get3A_607 = tpu.vector_load %arg10[%get3A_605, %get3A_606] {strides = array<i32>} : memref<1x80xi32, #tpu.memory_space<vmem>>, vector<1x16xi32>,
    %get3A_608 = vector.shape_cast %get3A_607 : vector<1x16xi32> to vector<16xi32>
    %add3A_609 = arith.constant 1 : i32
    %add3A_610 = vector.broadcast %add3A_609 : i32 to vector<16xi32>
    %add3A_611 = arith.addi %get3A_608, %add3A_610 : vector<16xi32>
    %swap3A_612 = arith.constant 0 : i32
    %swap3A_613 = arith.index_cast %swap3A_612 : i32 to index
    %swap3A_614 = arith.constant 0 : index
    %swap3A_615 = tpu.vector_load %arg10[%swap3A_613, %swap3A_614] {strides = array<i32>} : memref<1x80xi32, #tpu.memory_space<vmem>>, vector<1x16xi32>,
    %swap3A_616 = vector.shape_cast %swap3A_615 : vector<1x16xi32> to vector<16xi32>
    %swap3A_617 = vector.shape_cast %add3A_611 : vector<16xi32> to vector<1x16xi32>
    tpu.vector_store %arg10[%swap3A_613, %swap3A_614], %swap3A_617 {strides = array<i32>} : memref<1x80xi32, #tpu.memory_space<vmem>>, vector<1x16xi32>,
    %get3A_618 = arith.constant 0 : i32
    %get3A_619 = arith.index_cast %get3A_618 : i32 to index
    %get3A_620 = arith.constant 16 : index
    %get3A_621 = tpu.vector_load %arg10[%get3A_619, %get3A_620] {strides = array<i32>} : memref<1x80xi32, #tpu.memory_space<vmem>>, vector<1x16xi32>,
    %get3A_622 = vector.shape_cast %get3A_621 : vector<1x16xi32> to vector<16xi32>
    %add3A_623 = arith.constant 1 : i32
    %add3A_624 = vector.broadcast %add3A_623 : i32 to vector<16xi32>
    %add3A_625 = arith.addi %get3A_622, %add3A_624 : vector<16xi32>
    %swap3A_626 = arith.constant 0 : i32
    %swap3A_627 = arith.index_cast %swap3A_626 : i32 to index
    %swap3A_628 = arith.constant 16 : index
    %swap3A_629 = tpu.vector_load %arg10[%swap3A_627, %swap3A_628] {strides = array<i32>} : memref<1x80xi32, #tpu.memory_space<vmem>>, vector<1x16xi32>,
    %swap3A_630 = vector.shape_cast %swap3A_629 : vector<1x16xi32> to vector<16xi32>
    %swap3A_631 = vector.shape_cast %add3A_625 : vector<16xi32> to vector<1x16xi32>
    tpu.vector_store %arg10[%swap3A_627, %swap3A_628], %swap3A_631 {strides = array<i32>} : memref<1x80xi32, #tpu.memory_space<vmem>>, vector<1x16xi32>,
    %get3A_632 = arith.constant 0 : i32
    %get3A_633 = arith.index_cast %get3A_632 : i32 to index
    %get3A_634 = arith.constant 32 : index
    %get3A_635 = tpu.vector_load %arg10[%get3A_633, %get3A_634] {strides = array<i32>} : memref<1x80xi32, #tpu.memory_space<vmem>>, vector<1x16xi32>,
    %get3A_636 = vector.shape_cast %get3A_635 : vector<1x16xi32> to vector<16xi32>
    %add3A_637 = arith.constant 1 : i32
    %add3A_638 = vector.broadcast %add3A_637 : i32 to vector<16xi32>
    %add3A_639 = arith.addi %get3A_636, %add3A_638 : vector<16xi32>
    %swap3A_640 = arith.constant 0 : i32
    %swap3A_641 = arith.index_cast %swap3A_640 : i32 to index
    %swap3A_642 = arith.constant 32 : index
    %swap3A_643 = tpu.vector_load %arg10[%swap3A_641, %swap3A_642] {strides = array<i32>} : memref<1x80xi32, #tpu.memory_space<vmem>>, vector<1x16xi32>,
    %swap3A_644 = vector.shape_cast %swap3A_643 : vector<1x16xi32> to vector<16xi32>
    %swap3A_645 = vector.shape_cast %add3A_639 : vector<16xi32> to vector<1x16xi32>
    tpu.vector_store %arg10[%swap3A_641, %swap3A_642], %swap3A_645 {strides = array<i32>} : memref<1x80xi32, #tpu.memory_space<vmem>>, vector<1x16xi32>,
    %get3A_646 = arith.constant 0 : i32
    %get3A_647 = arith.index_cast %get3A_646 : i32 to index
    %get3A_648 = arith.constant 48 : index
    %get3A_649 = tpu.vector_load %arg10[%get3A_647, %get3A_648] {strides = array<i32>} : memref<1x80xi32, #tpu.memory_space<vmem>>, vector<1x16xi32>,
    %get3A_650 = vector.shape_cast %get3A_649 : vector<1x16xi32> to vector<16xi32>
    %add3A_651 = arith.constant 1 : i32
    %add3A_652 = vector.broadcast %add3A_651 : i32 to vector<16xi32>
    %add3A_653 = arith.addi %get3A_650, %add3A_652 : vector<16xi32>
    %swap3A_654 = arith.constant 0 : i32
    %swap3A_655 = arith.index_cast %swap3A_654 : i32 to index
    %swap3A_656 = arith.constant 48 : index
    %swap3A_657 = tpu.vector_load %arg10[%swap3A_655, %swap3A_656] {strides = array<i32>} : memref<1x80xi32, #tpu.memory_space<vmem>>, vector<1x16xi32>,
    %swap3A_658 = vector.shape_cast %swap3A_657 : vector<1x16xi32> to vector<16xi32>
    %swap3A_659 = vector.shape_cast %add3A_653 : vector<16xi32> to vector<1x16xi32>
    tpu.vector_store %arg10[%swap3A_655, %swap3A_656], %swap3A_659 {strides = array<i32>} : memref<1x80xi32, #tpu.memory_space<vmem>>, vector<1x16xi32>,
    %get3A_660 = arith.constant 0 : i32
    %get3A_661 = arith.index_cast %get3A_660 : i32 to index
    %get3A_662 = arith.constant 64 : index
    %get3A_663 = tpu.vector_load %arg10[%get3A_661, %get3A_662] {strides = array<i32>} : memref<1x80xi32, #tpu.memory_space<vmem>>, vector<1x16xi32>,
    %get3A_664 = vector.shape_cast %get3A_663 : vector<1x16xi32> to vector<16xi32>
    %add3A_665 = arith.constant 1 : i32
    %add3A_666 = vector.broadcast %add3A_665 : i32 to vector<16xi32>
    %add3A_667 = arith.addi %get3A_664, %add3A_666 : vector<16xi32>
    %swap3A_668 = arith.constant 0 : i32
    %swap3A_669 = arith.index_cast %swap3A_668 : i32 to index
    %swap3A_670 = arith.constant 64 : index
    %swap3A_671 = tpu.vector_load %arg10[%swap3A_669, %swap3A_670] {strides = array<i32>} : memref<1x80xi32, #tpu.memory_space<vmem>>, vector<1x16xi32>,
    %swap3A_672 = vector.shape_cast %swap3A_671 : vector<1x16xi32> to vector<16xi32>
    %swap3A_673 = vector.shape_cast %add3A_667 : vector<16xi32> to vector<1x16xi32>
    tpu.vector_store %arg10[%swap3A_669, %swap3A_670], %swap3A_673 {strides = array<i32>} : memref<1x80xi32, #tpu.memory_space<vmem>>, vector<1x16xi32>,
    %run_scoped3A_674 = arith.constant 0 : i32
    "tpu.region"() ({
      %run_scoped3A_1358 = tpu.sem_alloc : memref<!tpu.dma_semaphore, #tpu.memory_space<semaphore_mem>>
      %dma_start3A = arith.constant 0 : i32
      %dma_start3A_1359 = tpu.memref_slice %arg10[%run_scoped3A_674, %dma_start3A] : memref<1x80xi32, #tpu.memory_space<vmem>> -> memref<1x80xi32, #tpu.memory_space<vmem>>
      %dma_start3A_1360 = tpu.memref_squeeze %dma_start3A_1359 : memref<1x80xi32, #tpu.memory_space<vmem>> -> memref<80xi32, #tpu.memory_space<vmem>>
      %dma_start3A_1361 = arith.constant 0 : i32
      %dma_start3A_1362 = arith.constant 0 : i32
      %dma_start3A_1363 = tpu.memref_slice %arg12[%dma_start3A_1361, %dma_start3A_1362] : memref<9616x32xf32, #tpu.memory_space<vmem_shared>> -> memref<9616x32xf32, #tpu.memory_space<vmem_shared>>
      tpu.enqueue_indirect_dma source(%arg11 : memref<80x32xf32, #tpu.memory_space<vmem>>) target(%dma_start3A_1363 : memref<9616x32xf32, #tpu.memory_space<vmem_shared>>) offsets(%dma_start3A_1360 : memref<80xi32, #tpu.memory_space<vmem>>) semaphore(%run_scoped3A_1358 : memref<!tpu.dma_semaphore, #tpu.memory_space<semaphore_mem>>) {add = true}
      %dma_wait3A = arith.constant 0 : i32
      %dma_wait3A_1364 = tpu.memref_slice %arg10[%run_scoped3A_674, %dma_wait3A] : memref<1x80xi32, #tpu.memory_space<vmem>> -> memref<1x80xi32, #tpu.memory_space<vmem>>
      %dma_wait3A_1365 = tpu.memref_squeeze %dma_wait3A_1364 : memref<1x80xi32, #tpu.memory_space<vmem>> -> memref<80xi32, #tpu.memory_space<vmem>>
      %dma_wait3A_1366 = arith.constant 0 : i32
      %dma_wait3A_1367 = arith.constant 0 : i32
      %dma_wait3A_1368 = tpu.memref_slice %arg12[%dma_wait3A_1366, %dma_wait3A_1367] : memref<9616x32xf32, #tpu.memory_space<vmem_shared>> -> memref<9616x32xf32, #tpu.memory_space<vmem_shared>>
      tpu.wait_indirect_dma semaphore(%run_scoped3A_1358 : memref<!tpu.dma_semaphore, #tpu.memory_space<semaphore_mem>>) src(%arg11 : memref<80x32xf32, #tpu.memory_space<vmem>>) dst(%dma_wait3A_1368 : memref<9616x32xf32, #tpu.memory_space<vmem_shared>>)
      tpu.yield
    }) : () -> ()
    %mul3A_675 = arith.constant 320 : i32
    %mul3A_676 = arith.muli %add3A, %mul3A_675 : i32
    %add3A_677 = arith.constant 160 : i32
    %add3A_678 = arith.addi %mul3A_676, %add3A_677 : i32
    %run_scoped3A_679 = arith.constant 0 : i32
    "tpu.region"() ({
      %run_scoped3A_1358 = tpu.sem_alloc : memref<!tpu.dma_semaphore, #tpu.memory_space<semaphore_mem>>
      %dma_start3A = arith.constant 0 : i32
      %dma_start3A_1359 = tpu.memref_slice %arg9[%run_scoped3A_679, %dma_start3A] : memref<1x80xi32, #tpu.memory_space<vmem>> -> memref<1x80xi32, #tpu.memory_space<vmem>>
      %dma_start3A_1360 = tpu.memref_squeeze %dma_start3A_1359 : memref<1x80xi32, #tpu.memory_space<vmem>> -> memref<80xi32, #tpu.memory_space<vmem>>
      %dma_start3A_1361 = tpu.memref_slice %arg5[%add3A_678] : memref<10240xi32, #tpu.memory_space<hbm>> -> memref<80xi32, #tpu.memory_space<hbm>>
      %dma_start3A_1362 = arith.constant 0 : i32
      %dma_start3A_1363 = tpu.memref_slice %arg9[%run_scoped3A_679, %dma_start3A_1362] : memref<1x80xi32, #tpu.memory_space<vmem>> -> memref<1x80xi32, #tpu.memory_space<vmem>>
      %dma_start3A_1364 = tpu.memref_squeeze %dma_start3A_1363 : memref<1x80xi32, #tpu.memory_space<vmem>> -> memref<80xi32, #tpu.memory_space<vmem>>
      %dma_start3A_1365 = tpu.memref_slice %arg5[%add3A_678] : memref<10240xi32, #tpu.memory_space<hbm>> -> memref<80xi32, #tpu.memory_space<hbm>>
      tpu.enqueue_dma source(%dma_start3A_1365 : memref<80xi32, #tpu.memory_space<hbm>>) target(%dma_start3A_1364 : memref<80xi32, #tpu.memory_space<vmem>>) target_semaphore(%run_scoped3A_1358 : memref<!tpu.dma_semaphore, #tpu.memory_space<semaphore_mem>>)
      %dma_wait3A = arith.constant 0 : i32
      %dma_wait3A_1366 = tpu.memref_slice %arg9[%run_scoped3A_679, %dma_wait3A] : memref<1x80xi32, #tpu.memory_space<vmem>> -> memref<1x80xi32, #tpu.memory_space<vmem>>
      %dma_wait3A_1367 = tpu.memref_squeeze %dma_wait3A_1366 : memref<1x80xi32, #tpu.memory_space<vmem>> -> memref<80xi32, #tpu.memory_space<vmem>>
      %dma_wait3A_1368 = tpu.memref_slice %arg5[%add3A_678] : memref<10240xi32, #tpu.memory_space<hbm>> -> memref<80xi32, #tpu.memory_space<hbm>>
      %dma_wait3A_1369 = arith.constant 0 : i32
      %dma_wait3A_1370 = tpu.memref_slice %arg9[%run_scoped3A_679, %dma_wait3A_1369] : memref<1x80xi32, #tpu.memory_space<vmem>> -> memref<1x80xi32, #tpu.memory_space<vmem>>
      %dma_wait3A_1371 = tpu.memref_squeeze %dma_wait3A_1370 : memref<1x80xi32, #tpu.memory_space<vmem>> -> memref<80xi32, #tpu.memory_space<vmem>>
      %dma_wait3A_1372 = tpu.memref_slice %arg5[%add3A_678] : memref<10240xi32, #tpu.memory_space<hbm>> -> memref<80xi32, #tpu.memory_space<hbm>>
      tpu.wait_dma2 semaphore(%run_scoped3A_1358 : memref<!tpu.dma_semaphore, #tpu.memory_space<semaphore_mem>>) src(%dma_wait3A_1372 : memref<80xi32, #tpu.memory_space<hbm>>) dst(%dma_wait3A_1371 : memref<80xi32, #tpu.memory_space<vmem>>)
      tpu.yield
    }) : () -> ()
    %run_scoped3A_680 = arith.constant 0 : i32
    "tpu.region"() ({
      %run_scoped3A_1358 = tpu.sem_alloc : memref<!tpu.dma_semaphore, #tpu.memory_space<semaphore_mem>>
      %dma_start3A = arith.constant 0 : i32
      %dma_start3A_1359 = tpu.memref_slice %arg10[%run_scoped3A_680, %dma_start3A] : memref<1x80xi32, #tpu.memory_space<vmem>> -> memref<1x80xi32, #tpu.memory_space<vmem>>
      %dma_start3A_1360 = tpu.memref_squeeze %dma_start3A_1359 : memref<1x80xi32, #tpu.memory_space<vmem>> -> memref<80xi32, #tpu.memory_space<vmem>>
      %dma_start3A_1361 = tpu.memref_slice %arg6[%add3A_678] : memref<10240xi32, #tpu.memory_space<hbm>> -> memref<80xi32, #tpu.memory_space<hbm>>
      %dma_start3A_1362 = arith.constant 0 : i32
      %dma_start3A_1363 = tpu.memref_slice %arg10[%run_scoped3A_680, %dma_start3A_1362] : memref<1x80xi32, #tpu.memory_space<vmem>> -> memref<1x80xi32, #tpu.memory_space<vmem>>
      %dma_start3A_1364 = tpu.memref_squeeze %dma_start3A_1363 : memref<1x80xi32, #tpu.memory_space<vmem>> -> memref<80xi32, #tpu.memory_space<vmem>>
      %dma_start3A_1365 = tpu.memref_slice %arg6[%add3A_678] : memref<10240xi32, #tpu.memory_space<hbm>> -> memref<80xi32, #tpu.memory_space<hbm>>
      tpu.enqueue_dma source(%dma_start3A_1365 : memref<80xi32, #tpu.memory_space<hbm>>) target(%dma_start3A_1364 : memref<80xi32, #tpu.memory_space<vmem>>) target_semaphore(%run_scoped3A_1358 : memref<!tpu.dma_semaphore, #tpu.memory_space<semaphore_mem>>)
      %dma_wait3A = arith.constant 0 : i32
      %dma_wait3A_1366 = tpu.memref_slice %arg10[%run_scoped3A_680, %dma_wait3A] : memref<1x80xi32, #tpu.memory_space<vmem>> -> memref<1x80xi32, #tpu.memory_space<vmem>>
      %dma_wait3A_1367 = tpu.memref_squeeze %dma_wait3A_1366 : memref<1x80xi32, #tpu.memory_space<vmem>> -> memref<80xi32, #tpu.memory_space<vmem>>
      %dma_wait3A_1368 = tpu.memref_slice %arg6[%add3A_678] : memref<10240xi32, #tpu.memory_space<hbm>> -> memref<80xi32, #tpu.memory_space<hbm>>
      %dma_wait3A_1369 = arith.constant 0 : i32
      %dma_wait3A_1370 = tpu.memref_slice %arg10[%run_scoped3A_680, %dma_wait3A_1369] : memref<1x80xi32, #tpu.memory_space<vmem>> -> memref<1x80xi32, #tpu.memory_space<vmem>>
      %dma_wait3A_1371 = tpu.memref_squeeze %dma_wait3A_1370 : memref<1x80xi32, #tpu.memory_space<vmem>> -> memref<80xi32, #tpu.memory_space<vmem>>
      %dma_wait3A_1372 = tpu.memref_slice %arg6[%add3A_678] : memref<10240xi32, #tpu.memory_space<hbm>> -> memref<80xi32, #tpu.memory_space<hbm>>
      tpu.wait_dma2 semaphore(%run_scoped3A_1358 : memref<!tpu.dma_semaphore, #tpu.memory_space<semaphore_mem>>) src(%dma_wait3A_1372 : memref<80xi32, #tpu.memory_space<hbm>>) dst(%dma_wait3A_1371 : memref<80xi32, #tpu.memory_space<vmem>>)
      tpu.yield
    }) : () -> ()
    %get3A_681 = arith.constant 0 : i32
    %get3A_682 = arith.index_cast %get3A_681 : i32 to index
    %get3A_683 = arith.constant 0 : index
    %get3A_684 = tpu.vector_load %arg9[%get3A_682, %get3A_683] {strides = array<i32>} : memref<1x80xi32, #tpu.memory_space<vmem>>, vector<1x16xi32>,
    %get3A_685 = vector.shape_cast %get3A_684 : vector<1x16xi32> to vector<16xi32>
    %get3A_686 = arith.constant 0 : i32
    %get3A_687 = arith.index_cast %get3A_686 : i32 to index
    %get3A_688 = arith.constant 0 : index
    %get3A_689 = tpu.vector_load %arg10[%get3A_687, %get3A_688] {strides = array<i32>} : memref<1x80xi32, #tpu.memory_space<vmem>>, vector<1x16xi32>,
    %get3A_690 = vector.shape_cast %get3A_689 : vector<1x16xi32> to vector<16xi32>
    %add3A_691 = arith.constant 0 : i32
    %add3A_692 = arith.addi %add3A_678, %add3A_691 : i32
    %iota3A_693 = tpu.iota {dimensions = array<i32: 0>} : vector<16xi32>
    %add3A_694 = vector.broadcast %add3A_692 : i32 to vector<16xi32>
    %add3A_695 = arith.addi %add3A_694, %iota3A_693 : vector<16xi32>
    %lt3A_696 = arith.constant 50 : i32
    %lt3A_697 = vector.broadcast %lt3A_696 : i32 to vector<16xi32>
    %lt3A_698 = arith.cmpi slt, %get3A_690, %lt3A_697 : vector<16xi32>
    %lt3A_699 = arith.constant 10000 : i32
    %lt3A_700 = vector.broadcast %lt3A_699 : i32 to vector<16xi32>
    %lt3A_701 = arith.cmpi slt, %add3A_695, %lt3A_700 : vector<16xi32>
    %and3A_702 = arith.andi %lt3A_698, %lt3A_701 : vector<16xi1>
    %mul3A_703 = arith.constant 64 : i32
    %mul3A_704 = vector.broadcast %mul3A_703 : i32 to vector<16xi32>
    %mul3A_705 = arith.muli %get3A_690, %mul3A_704 : vector<16xi32>
    %add3A_706 = arith.addi %mul3A_705, %get3A_685 : vector<16xi32>
    %mul3A_707 = arith.constant 3 : i32
    %mul3A_708 = vector.broadcast %mul3A_707 : i32 to vector<16xi32>
    %mul3A_709 = arith.muli %add3A_706, %mul3A_708 : vector<16xi32>
    %broadcast_in_dim3A_710 = arith.constant 9600 : i32
    %broadcast_in_dim3A_711 = vector.broadcast %broadcast_in_dim3A_710 : i32 to vector<16xi32>
    %select_n3A_712 = arith.select %and3A_702, %mul3A_709, %broadcast_in_dim3A_711 : vector<16xi1>, vector<16xi32>
    %swap3A_713 = arith.constant 0 : i32
    %swap3A_714 = arith.index_cast %swap3A_713 : i32 to index
    %swap3A_715 = arith.constant 0 : index
    %swap3A_716 = tpu.vector_load %arg10[%swap3A_714, %swap3A_715] {strides = array<i32>} : memref<1x80xi32, #tpu.memory_space<vmem>>, vector<1x16xi32>,
    %swap3A_717 = vector.shape_cast %swap3A_716 : vector<1x16xi32> to vector<16xi32>
    %swap3A_718 = vector.shape_cast %select_n3A_712 : vector<16xi32> to vector<1x16xi32>
    tpu.vector_store %arg10[%swap3A_714, %swap3A_715], %swap3A_718 {strides = array<i32>} : memref<1x80xi32, #tpu.memory_space<vmem>>, vector<1x16xi32>,
    %get3A_719 = arith.constant 0 : i32
    %get3A_720 = arith.index_cast %get3A_719 : i32 to index
    %get3A_721 = arith.constant 16 : index
    %get3A_722 = tpu.vector_load %arg9[%get3A_720, %get3A_721] {strides = array<i32>} : memref<1x80xi32, #tpu.memory_space<vmem>>, vector<1x16xi32>,
    %get3A_723 = vector.shape_cast %get3A_722 : vector<1x16xi32> to vector<16xi32>
    %get3A_724 = arith.constant 0 : i32
    %get3A_725 = arith.index_cast %get3A_724 : i32 to index
    %get3A_726 = arith.constant 16 : index
    %get3A_727 = tpu.vector_load %arg10[%get3A_725, %get3A_726] {strides = array<i32>} : memref<1x80xi32, #tpu.memory_space<vmem>>, vector<1x16xi32>,
    %get3A_728 = vector.shape_cast %get3A_727 : vector<1x16xi32> to vector<16xi32>
    %add3A_729 = arith.constant 16 : i32
    %add3A_730 = arith.addi %add3A_678, %add3A_729 : i32
    %iota3A_731 = tpu.iota {dimensions = array<i32: 0>} : vector<16xi32>
    %add3A_732 = vector.broadcast %add3A_730 : i32 to vector<16xi32>
    %add3A_733 = arith.addi %add3A_732, %iota3A_731 : vector<16xi32>
    %lt3A_734 = arith.constant 50 : i32
    %lt3A_735 = vector.broadcast %lt3A_734 : i32 to vector<16xi32>
    %lt3A_736 = arith.cmpi slt, %get3A_728, %lt3A_735 : vector<16xi32>
    %lt3A_737 = arith.constant 10000 : i32
    %lt3A_738 = vector.broadcast %lt3A_737 : i32 to vector<16xi32>
    %lt3A_739 = arith.cmpi slt, %add3A_733, %lt3A_738 : vector<16xi32>
    %and3A_740 = arith.andi %lt3A_736, %lt3A_739 : vector<16xi1>
    %mul3A_741 = arith.constant 64 : i32
    %mul3A_742 = vector.broadcast %mul3A_741 : i32 to vector<16xi32>
    %mul3A_743 = arith.muli %get3A_728, %mul3A_742 : vector<16xi32>
    %add3A_744 = arith.addi %mul3A_743, %get3A_723 : vector<16xi32>
    %mul3A_745 = arith.constant 3 : i32
    %mul3A_746 = vector.broadcast %mul3A_745 : i32 to vector<16xi32>
    %mul3A_747 = arith.muli %add3A_744, %mul3A_746 : vector<16xi32>
    %broadcast_in_dim3A_748 = arith.constant 9600 : i32
    %broadcast_in_dim3A_749 = vector.broadcast %broadcast_in_dim3A_748 : i32 to vector<16xi32>
    %select_n3A_750 = arith.select %and3A_740, %mul3A_747, %broadcast_in_dim3A_749 : vector<16xi1>, vector<16xi32>
    %swap3A_751 = arith.constant 0 : i32
    %swap3A_752 = arith.index_cast %swap3A_751 : i32 to index
    %swap3A_753 = arith.constant 16 : index
    %swap3A_754 = tpu.vector_load %arg10[%swap3A_752, %swap3A_753] {strides = array<i32>} : memref<1x80xi32, #tpu.memory_space<vmem>>, vector<1x16xi32>,
    %swap3A_755 = vector.shape_cast %swap3A_754 : vector<1x16xi32> to vector<16xi32>
    %swap3A_756 = vector.shape_cast %select_n3A_750 : vector<16xi32> to vector<1x16xi32>
    tpu.vector_store %arg10[%swap3A_752, %swap3A_753], %swap3A_756 {strides = array<i32>} : memref<1x80xi32, #tpu.memory_space<vmem>>, vector<1x16xi32>,
    %get3A_757 = arith.constant 0 : i32
    %get3A_758 = arith.index_cast %get3A_757 : i32 to index
    %get3A_759 = arith.constant 32 : index
    %get3A_760 = tpu.vector_load %arg9[%get3A_758, %get3A_759] {strides = array<i32>} : memref<1x80xi32, #tpu.memory_space<vmem>>, vector<1x16xi32>,
    %get3A_761 = vector.shape_cast %get3A_760 : vector<1x16xi32> to vector<16xi32>
    %get3A_762 = arith.constant 0 : i32
    %get3A_763 = arith.index_cast %get3A_762 : i32 to index
    %get3A_764 = arith.constant 32 : index
    %get3A_765 = tpu.vector_load %arg10[%get3A_763, %get3A_764] {strides = array<i32>} : memref<1x80xi32, #tpu.memory_space<vmem>>, vector<1x16xi32>,
    %get3A_766 = vector.shape_cast %get3A_765 : vector<1x16xi32> to vector<16xi32>
    %add3A_767 = arith.constant 32 : i32
    %add3A_768 = arith.addi %add3A_678, %add3A_767 : i32
    %iota3A_769 = tpu.iota {dimensions = array<i32: 0>} : vector<16xi32>
    %add3A_770 = vector.broadcast %add3A_768 : i32 to vector<16xi32>
    %add3A_771 = arith.addi %add3A_770, %iota3A_769 : vector<16xi32>
    %lt3A_772 = arith.constant 50 : i32
    %lt3A_773 = vector.broadcast %lt3A_772 : i32 to vector<16xi32>
    %lt3A_774 = arith.cmpi slt, %get3A_766, %lt3A_773 : vector<16xi32>
    %lt3A_775 = arith.constant 10000 : i32
    %lt3A_776 = vector.broadcast %lt3A_775 : i32 to vector<16xi32>
    %lt3A_777 = arith.cmpi slt, %add3A_771, %lt3A_776 : vector<16xi32>
    %and3A_778 = arith.andi %lt3A_774, %lt3A_777 : vector<16xi1>
    %mul3A_779 = arith.constant 64 : i32
    %mul3A_780 = vector.broadcast %mul3A_779 : i32 to vector<16xi32>
    %mul3A_781 = arith.muli %get3A_766, %mul3A_780 : vector<16xi32>
    %add3A_782 = arith.addi %mul3A_781, %get3A_761 : vector<16xi32>
    %mul3A_783 = arith.constant 3 : i32
    %mul3A_784 = vector.broadcast %mul3A_783 : i32 to vector<16xi32>
    %mul3A_785 = arith.muli %add3A_782, %mul3A_784 : vector<16xi32>
    %broadcast_in_dim3A_786 = arith.constant 9600 : i32
    %broadcast_in_dim3A_787 = vector.broadcast %broadcast_in_dim3A_786 : i32 to vector<16xi32>
    %select_n3A_788 = arith.select %and3A_778, %mul3A_785, %broadcast_in_dim3A_787 : vector<16xi1>, vector<16xi32>
    %swap3A_789 = arith.constant 0 : i32
    %swap3A_790 = arith.index_cast %swap3A_789 : i32 to index
    %swap3A_791 = arith.constant 32 : index
    %swap3A_792 = tpu.vector_load %arg10[%swap3A_790, %swap3A_791] {strides = array<i32>} : memref<1x80xi32, #tpu.memory_space<vmem>>, vector<1x16xi32>,
    %swap3A_793 = vector.shape_cast %swap3A_792 : vector<1x16xi32> to vector<16xi32>
    %swap3A_794 = vector.shape_cast %select_n3A_788 : vector<16xi32> to vector<1x16xi32>
    tpu.vector_store %arg10[%swap3A_790, %swap3A_791], %swap3A_794 {strides = array<i32>} : memref<1x80xi32, #tpu.memory_space<vmem>>, vector<1x16xi32>,
    %get3A_795 = arith.constant 0 : i32
    %get3A_796 = arith.index_cast %get3A_795 : i32 to index
    %get3A_797 = arith.constant 48 : index
    %get3A_798 = tpu.vector_load %arg9[%get3A_796, %get3A_797] {strides = array<i32>} : memref<1x80xi32, #tpu.memory_space<vmem>>, vector<1x16xi32>,
    %get3A_799 = vector.shape_cast %get3A_798 : vector<1x16xi32> to vector<16xi32>
    %get3A_800 = arith.constant 0 : i32
    %get3A_801 = arith.index_cast %get3A_800 : i32 to index
    %get3A_802 = arith.constant 48 : index
    %get3A_803 = tpu.vector_load %arg10[%get3A_801, %get3A_802] {strides = array<i32>} : memref<1x80xi32, #tpu.memory_space<vmem>>, vector<1x16xi32>,
    %get3A_804 = vector.shape_cast %get3A_803 : vector<1x16xi32> to vector<16xi32>
    %add3A_805 = arith.constant 48 : i32
    %add3A_806 = arith.addi %add3A_678, %add3A_805 : i32
    %iota3A_807 = tpu.iota {dimensions = array<i32: 0>} : vector<16xi32>
    %add3A_808 = vector.broadcast %add3A_806 : i32 to vector<16xi32>
    %add3A_809 = arith.addi %add3A_808, %iota3A_807 : vector<16xi32>
    %lt3A_810 = arith.constant 50 : i32
    %lt3A_811 = vector.broadcast %lt3A_810 : i32 to vector<16xi32>
    %lt3A_812 = arith.cmpi slt, %get3A_804, %lt3A_811 : vector<16xi32>
    %lt3A_813 = arith.constant 10000 : i32
    %lt3A_814 = vector.broadcast %lt3A_813 : i32 to vector<16xi32>
    %lt3A_815 = arith.cmpi slt, %add3A_809, %lt3A_814 : vector<16xi32>
    %and3A_816 = arith.andi %lt3A_812, %lt3A_815 : vector<16xi1>
    %mul3A_817 = arith.constant 64 : i32
    %mul3A_818 = vector.broadcast %mul3A_817 : i32 to vector<16xi32>
    %mul3A_819 = arith.muli %get3A_804, %mul3A_818 : vector<16xi32>
    %add3A_820 = arith.addi %mul3A_819, %get3A_799 : vector<16xi32>
    %mul3A_821 = arith.constant 3 : i32
    %mul3A_822 = vector.broadcast %mul3A_821 : i32 to vector<16xi32>
    %mul3A_823 = arith.muli %add3A_820, %mul3A_822 : vector<16xi32>
    %broadcast_in_dim3A_824 = arith.constant 9600 : i32
    %broadcast_in_dim3A_825 = vector.broadcast %broadcast_in_dim3A_824 : i32 to vector<16xi32>
    %select_n3A_826 = arith.select %and3A_816, %mul3A_823, %broadcast_in_dim3A_825 : vector<16xi1>, vector<16xi32>
    %swap3A_827 = arith.constant 0 : i32
    %swap3A_828 = arith.index_cast %swap3A_827 : i32 to index
    %swap3A_829 = arith.constant 48 : index
    %swap3A_830 = tpu.vector_load %arg10[%swap3A_828, %swap3A_829] {strides = array<i32>} : memref<1x80xi32, #tpu.memory_space<vmem>>, vector<1x16xi32>,
    %swap3A_831 = vector.shape_cast %swap3A_830 : vector<1x16xi32> to vector<16xi32>
    %swap3A_832 = vector.shape_cast %select_n3A_826 : vector<16xi32> to vector<1x16xi32>
    tpu.vector_store %arg10[%swap3A_828, %swap3A_829], %swap3A_832 {strides = array<i32>} : memref<1x80xi32, #tpu.memory_space<vmem>>, vector<1x16xi32>,
    %get3A_833 = arith.constant 0 : i32
    %get3A_834 = arith.index_cast %get3A_833 : i32 to index
    %get3A_835 = arith.constant 64 : index
    %get3A_836 = tpu.vector_load %arg9[%get3A_834, %get3A_835] {strides = array<i32>} : memref<1x80xi32, #tpu.memory_space<vmem>>, vector<1x16xi32>,
    %get3A_837 = vector.shape_cast %get3A_836 : vector<1x16xi32> to vector<16xi32>
    %get3A_838 = arith.constant 0 : i32
    %get3A_839 = arith.index_cast %get3A_838 : i32 to index
    %get3A_840 = arith.constant 64 : index
    %get3A_841 = tpu.vector_load %arg10[%get3A_839, %get3A_840] {strides = array<i32>} : memref<1x80xi32, #tpu.memory_space<vmem>>, vector<1x16xi32>,
    %get3A_842 = vector.shape_cast %get3A_841 : vector<1x16xi32> to vector<16xi32>
    %add3A_843 = arith.constant 64 : i32
    %add3A_844 = arith.addi %add3A_678, %add3A_843 : i32
    %iota3A_845 = tpu.iota {dimensions = array<i32: 0>} : vector<16xi32>
    %add3A_846 = vector.broadcast %add3A_844 : i32 to vector<16xi32>
    %add3A_847 = arith.addi %add3A_846, %iota3A_845 : vector<16xi32>
    %lt3A_848 = arith.constant 50 : i32
    %lt3A_849 = vector.broadcast %lt3A_848 : i32 to vector<16xi32>
    %lt3A_850 = arith.cmpi slt, %get3A_842, %lt3A_849 : vector<16xi32>
    %lt3A_851 = arith.constant 10000 : i32
    %lt3A_852 = vector.broadcast %lt3A_851 : i32 to vector<16xi32>
    %lt3A_853 = arith.cmpi slt, %add3A_847, %lt3A_852 : vector<16xi32>
    %and3A_854 = arith.andi %lt3A_850, %lt3A_853 : vector<16xi1>
    %mul3A_855 = arith.constant 64 : i32
    %mul3A_856 = vector.broadcast %mul3A_855 : i32 to vector<16xi32>
    %mul3A_857 = arith.muli %get3A_842, %mul3A_856 : vector<16xi32>
    %add3A_858 = arith.addi %mul3A_857, %get3A_837 : vector<16xi32>
    %mul3A_859 = arith.constant 3 : i32
    %mul3A_860 = vector.broadcast %mul3A_859 : i32 to vector<16xi32>
    %mul3A_861 = arith.muli %add3A_858, %mul3A_860 : vector<16xi32>
    %broadcast_in_dim3A_862 = arith.constant 9600 : i32
    %broadcast_in_dim3A_863 = vector.broadcast %broadcast_in_dim3A_862 : i32 to vector<16xi32>
    %select_n3A_864 = arith.select %and3A_854, %mul3A_861, %broadcast_in_dim3A_863 : vector<16xi1>, vector<16xi32>
    %swap3A_865 = arith.constant 0 : i32
    %swap3A_866 = arith.index_cast %swap3A_865 : i32 to index
    %swap3A_867 = arith.constant 64 : index
    %swap3A_868 = tpu.vector_load %arg10[%swap3A_866, %swap3A_867] {strides = array<i32>} : memref<1x80xi32, #tpu.memory_space<vmem>>, vector<1x16xi32>,
    %swap3A_869 = vector.shape_cast %swap3A_868 : vector<1x16xi32> to vector<16xi32>
    %swap3A_870 = vector.shape_cast %select_n3A_864 : vector<16xi32> to vector<1x16xi32>
    tpu.vector_store %arg10[%swap3A_866, %swap3A_867], %swap3A_870 {strides = array<i32>} : memref<1x80xi32, #tpu.memory_space<vmem>>, vector<1x16xi32>,
    "tpu.region"() ({
      %run_scoped3A_1358 = tpu.sem_alloc : memref<!tpu.dma_semaphore, #tpu.memory_space<semaphore_mem>>
      %dma_start3A = arith.constant 0 : i32
      %dma_start3A_1359 = tpu.memref_slice %arg2[%add3A_678, %dma_start3A] : memref<10240x32xf32, #tpu.memory_space<hbm>> -> memref<80x32xf32, #tpu.memory_space<hbm>>
      %dma_start3A_1360 = arith.constant 0 : i32
      %dma_start3A_1361 = tpu.memref_slice %arg2[%add3A_678, %dma_start3A_1360] : memref<10240x32xf32, #tpu.memory_space<hbm>> -> memref<80x32xf32, #tpu.memory_space<hbm>>
      tpu.enqueue_dma source(%dma_start3A_1361 : memref<80x32xf32, #tpu.memory_space<hbm>>) target(%arg11 : memref<80x32xf32, #tpu.memory_space<vmem>>) target_semaphore(%run_scoped3A_1358 : memref<!tpu.dma_semaphore, #tpu.memory_space<semaphore_mem>>)
      %dma_wait3A = arith.constant 0 : i32
      %dma_wait3A_1362 = tpu.memref_slice %arg2[%add3A_678, %dma_wait3A] : memref<10240x32xf32, #tpu.memory_space<hbm>> -> memref<80x32xf32, #tpu.memory_space<hbm>>
      %dma_wait3A_1363 = arith.constant 0 : i32
      %dma_wait3A_1364 = tpu.memref_slice %arg2[%add3A_678, %dma_wait3A_1363] : memref<10240x32xf32, #tpu.memory_space<hbm>> -> memref<80x32xf32, #tpu.memory_space<hbm>>
      tpu.wait_dma2 semaphore(%run_scoped3A_1358 : memref<!tpu.dma_semaphore, #tpu.memory_space<semaphore_mem>>) src(%dma_wait3A_1364 : memref<80x32xf32, #tpu.memory_space<hbm>>) dst(%arg11 : memref<80x32xf32, #tpu.memory_space<vmem>>)
      tpu.yield
    }) : () -> ()
    %run_scoped3A_871 = arith.constant 0 : i32
    "tpu.region"() ({
      %run_scoped3A_1358 = tpu.sem_alloc : memref<!tpu.dma_semaphore, #tpu.memory_space<semaphore_mem>>
      %dma_start3A = arith.constant 0 : i32
      %dma_start3A_1359 = tpu.memref_slice %arg10[%run_scoped3A_871, %dma_start3A] : memref<1x80xi32, #tpu.memory_space<vmem>> -> memref<1x80xi32, #tpu.memory_space<vmem>>
      %dma_start3A_1360 = tpu.memref_squeeze %dma_start3A_1359 : memref<1x80xi32, #tpu.memory_space<vmem>> -> memref<80xi32, #tpu.memory_space<vmem>>
      %dma_start3A_1361 = arith.constant 0 : i32
      %dma_start3A_1362 = arith.constant 0 : i32
      %dma_start3A_1363 = tpu.memref_slice %arg12[%dma_start3A_1361, %dma_start3A_1362] : memref<9616x32xf32, #tpu.memory_space<vmem_shared>> -> memref<9616x32xf32, #tpu.memory_space<vmem_shared>>
      tpu.enqueue_indirect_dma source(%arg11 : memref<80x32xf32, #tpu.memory_space<vmem>>) target(%dma_start3A_1363 : memref<9616x32xf32, #tpu.memory_space<vmem_shared>>) offsets(%dma_start3A_1360 : memref<80xi32, #tpu.memory_space<vmem>>) semaphore(%run_scoped3A_1358 : memref<!tpu.dma_semaphore, #tpu.memory_space<semaphore_mem>>) {add = true}
      %dma_wait3A = arith.constant 0 : i32
      %dma_wait3A_1364 = tpu.memref_slice %arg10[%run_scoped3A_871, %dma_wait3A] : memref<1x80xi32, #tpu.memory_space<vmem>> -> memref<1x80xi32, #tpu.memory_space<vmem>>
      %dma_wait3A_1365 = tpu.memref_squeeze %dma_wait3A_1364 : memref<1x80xi32, #tpu.memory_space<vmem>> -> memref<80xi32, #tpu.memory_space<vmem>>
      %dma_wait3A_1366 = arith.constant 0 : i32
      %dma_wait3A_1367 = arith.constant 0 : i32
      %dma_wait3A_1368 = tpu.memref_slice %arg12[%dma_wait3A_1366, %dma_wait3A_1367] : memref<9616x32xf32, #tpu.memory_space<vmem_shared>> -> memref<9616x32xf32, #tpu.memory_space<vmem_shared>>
      tpu.wait_indirect_dma semaphore(%run_scoped3A_1358 : memref<!tpu.dma_semaphore, #tpu.memory_space<semaphore_mem>>) src(%arg11 : memref<80x32xf32, #tpu.memory_space<vmem>>) dst(%dma_wait3A_1368 : memref<9616x32xf32, #tpu.memory_space<vmem_shared>>)
      tpu.yield
    }) : () -> ()
    "tpu.region"() ({
      %run_scoped3A_1358 = tpu.sem_alloc : memref<!tpu.dma_semaphore, #tpu.memory_space<semaphore_mem>>
      %dma_start3A = arith.constant 0 : i32
      %dma_start3A_1359 = tpu.memref_slice %arg3[%add3A_678, %dma_start3A] : memref<10240x32xf32, #tpu.memory_space<hbm>> -> memref<80x32xf32, #tpu.memory_space<hbm>>
      %dma_start3A_1360 = arith.constant 0 : i32
      %dma_start3A_1361 = tpu.memref_slice %arg3[%add3A_678, %dma_start3A_1360] : memref<10240x32xf32, #tpu.memory_space<hbm>> -> memref<80x32xf32, #tpu.memory_space<hbm>>
      tpu.enqueue_dma source(%dma_start3A_1361 : memref<80x32xf32, #tpu.memory_space<hbm>>) target(%arg11 : memref<80x32xf32, #tpu.memory_space<vmem>>) target_semaphore(%run_scoped3A_1358 : memref<!tpu.dma_semaphore, #tpu.memory_space<semaphore_mem>>)
      %dma_wait3A = arith.constant 0 : i32
      %dma_wait3A_1362 = tpu.memref_slice %arg3[%add3A_678, %dma_wait3A] : memref<10240x32xf32, #tpu.memory_space<hbm>> -> memref<80x32xf32, #tpu.memory_space<hbm>>
      %dma_wait3A_1363 = arith.constant 0 : i32
      %dma_wait3A_1364 = tpu.memref_slice %arg3[%add3A_678, %dma_wait3A_1363] : memref<10240x32xf32, #tpu.memory_space<hbm>> -> memref<80x32xf32, #tpu.memory_space<hbm>>
      tpu.wait_dma2 semaphore(%run_scoped3A_1358 : memref<!tpu.dma_semaphore, #tpu.memory_space<semaphore_mem>>) src(%dma_wait3A_1364 : memref<80x32xf32, #tpu.memory_space<hbm>>) dst(%arg11 : memref<80x32xf32, #tpu.memory_space<vmem>>)
      tpu.yield
    }) : () -> ()
    %get3A_872 = arith.constant 0 : i32
    %get3A_873 = arith.index_cast %get3A_872 : i32 to index
    %get3A_874 = arith.constant 0 : index
    %get3A_875 = tpu.vector_load %arg10[%get3A_873, %get3A_874] {strides = array<i32>} : memref<1x80xi32, #tpu.memory_space<vmem>>, vector<1x16xi32>,
    %get3A_876 = vector.shape_cast %get3A_875 : vector<1x16xi32> to vector<16xi32>
    %add3A_877 = arith.constant 1 : i32
    %add3A_878 = vector.broadcast %add3A_877 : i32 to vector<16xi32>
    %add3A_879 = arith.addi %get3A_876, %add3A_878 : vector<16xi32>
    %swap3A_880 = arith.constant 0 : i32
    %swap3A_881 = arith.index_cast %swap3A_880 : i32 to index
    %swap3A_882 = arith.constant 0 : index
    %swap3A_883 = tpu.vector_load %arg10[%swap3A_881, %swap3A_882] {strides = array<i32>} : memref<1x80xi32, #tpu.memory_space<vmem>>, vector<1x16xi32>,
    %swap3A_884 = vector.shape_cast %swap3A_883 : vector<1x16xi32> to vector<16xi32>
    %swap3A_885 = vector.shape_cast %add3A_879 : vector<16xi32> to vector<1x16xi32>
    tpu.vector_store %arg10[%swap3A_881, %swap3A_882], %swap3A_885 {strides = array<i32>} : memref<1x80xi32, #tpu.memory_space<vmem>>, vector<1x16xi32>,
    %get3A_886 = arith.constant 0 : i32
    %get3A_887 = arith.index_cast %get3A_886 : i32 to index
    %get3A_888 = arith.constant 16 : index
    %get3A_889 = tpu.vector_load %arg10[%get3A_887, %get3A_888] {strides = array<i32>} : memref<1x80xi32, #tpu.memory_space<vmem>>, vector<1x16xi32>,
    %get3A_890 = vector.shape_cast %get3A_889 : vector<1x16xi32> to vector<16xi32>
    %add3A_891 = arith.constant 1 : i32
    %add3A_892 = vector.broadcast %add3A_891 : i32 to vector<16xi32>
    %add3A_893 = arith.addi %get3A_890, %add3A_892 : vector<16xi32>
    %swap3A_894 = arith.constant 0 : i32
    %swap3A_895 = arith.index_cast %swap3A_894 : i32 to index
    %swap3A_896 = arith.constant 16 : index
    %swap3A_897 = tpu.vector_load %arg10[%swap3A_895, %swap3A_896] {strides = array<i32>} : memref<1x80xi32, #tpu.memory_space<vmem>>, vector<1x16xi32>,
    %swap3A_898 = vector.shape_cast %swap3A_897 : vector<1x16xi32> to vector<16xi32>
    %swap3A_899 = vector.shape_cast %add3A_893 : vector<16xi32> to vector<1x16xi32>
    tpu.vector_store %arg10[%swap3A_895, %swap3A_896], %swap3A_899 {strides = array<i32>} : memref<1x80xi32, #tpu.memory_space<vmem>>, vector<1x16xi32>,
    %get3A_900 = arith.constant 0 : i32
    %get3A_901 = arith.index_cast %get3A_900 : i32 to index
    %get3A_902 = arith.constant 32 : index
    %get3A_903 = tpu.vector_load %arg10[%get3A_901, %get3A_902] {strides = array<i32>} : memref<1x80xi32, #tpu.memory_space<vmem>>, vector<1x16xi32>,
    %get3A_904 = vector.shape_cast %get3A_903 : vector<1x16xi32> to vector<16xi32>
    %add3A_905 = arith.constant 1 : i32
    %add3A_906 = vector.broadcast %add3A_905 : i32 to vector<16xi32>
    %add3A_907 = arith.addi %get3A_904, %add3A_906 : vector<16xi32>
    %swap3A_908 = arith.constant 0 : i32
    %swap3A_909 = arith.index_cast %swap3A_908 : i32 to index
    %swap3A_910 = arith.constant 32 : index
    %swap3A_911 = tpu.vector_load %arg10[%swap3A_909, %swap3A_910] {strides = array<i32>} : memref<1x80xi32, #tpu.memory_space<vmem>>, vector<1x16xi32>,
    %swap3A_912 = vector.shape_cast %swap3A_911 : vector<1x16xi32> to vector<16xi32>
    %swap3A_913 = vector.shape_cast %add3A_907 : vector<16xi32> to vector<1x16xi32>
    tpu.vector_store %arg10[%swap3A_909, %swap3A_910], %swap3A_913 {strides = array<i32>} : memref<1x80xi32, #tpu.memory_space<vmem>>, vector<1x16xi32>,
    %get3A_914 = arith.constant 0 : i32
    %get3A_915 = arith.index_cast %get3A_914 : i32 to index
    %get3A_916 = arith.constant 48 : index
    %get3A_917 = tpu.vector_load %arg10[%get3A_915, %get3A_916] {strides = array<i32>} : memref<1x80xi32, #tpu.memory_space<vmem>>, vector<1x16xi32>,
    %get3A_918 = vector.shape_cast %get3A_917 : vector<1x16xi32> to vector<16xi32>
    %add3A_919 = arith.constant 1 : i32
    %add3A_920 = vector.broadcast %add3A_919 : i32 to vector<16xi32>
    %add3A_921 = arith.addi %get3A_918, %add3A_920 : vector<16xi32>
    %swap3A_922 = arith.constant 0 : i32
    %swap3A_923 = arith.index_cast %swap3A_922 : i32 to index
    %swap3A_924 = arith.constant 48 : index
    %swap3A_925 = tpu.vector_load %arg10[%swap3A_923, %swap3A_924] {strides = array<i32>} : memref<1x80xi32, #tpu.memory_space<vmem>>, vector<1x16xi32>,
    %swap3A_926 = vector.shape_cast %swap3A_925 : vector<1x16xi32> to vector<16xi32>
    %swap3A_927 = vector.shape_cast %add3A_921 : vector<16xi32> to vector<1x16xi32>
    tpu.vector_store %arg10[%swap3A_923, %swap3A_924], %swap3A_927 {strides = array<i32>} : memref<1x80xi32, #tpu.memory_space<vmem>>, vector<1x16xi32>,
    %get3A_928 = arith.constant 0 : i32
    %get3A_929 = arith.index_cast %get3A_928 : i32 to index
    %get3A_930 = arith.constant 64 : index
    %get3A_931 = tpu.vector_load %arg10[%get3A_929, %get3A_930] {strides = array<i32>} : memref<1x80xi32, #tpu.memory_space<vmem>>, vector<1x16xi32>,
    %get3A_932 = vector.shape_cast %get3A_931 : vector<1x16xi32> to vector<16xi32>
    %add3A_933 = arith.constant 1 : i32
    %add3A_934 = vector.broadcast %add3A_933 : i32 to vector<16xi32>
    %add3A_935 = arith.addi %get3A_932, %add3A_934 : vector<16xi32>
    %swap3A_936 = arith.constant 0 : i32
    %swap3A_937 = arith.index_cast %swap3A_936 : i32 to index
    %swap3A_938 = arith.constant 64 : index
    %swap3A_939 = tpu.vector_load %arg10[%swap3A_937, %swap3A_938] {strides = array<i32>} : memref<1x80xi32, #tpu.memory_space<vmem>>, vector<1x16xi32>,
    %swap3A_940 = vector.shape_cast %swap3A_939 : vector<1x16xi32> to vector<16xi32>
    %swap3A_941 = vector.shape_cast %add3A_935 : vector<16xi32> to vector<1x16xi32>
    tpu.vector_store %arg10[%swap3A_937, %swap3A_938], %swap3A_941 {strides = array<i32>} : memref<1x80xi32, #tpu.memory_space<vmem>>, vector<1x16xi32>,
    %run_scoped3A_942 = arith.constant 0 : i32
    "tpu.region"() ({
      %run_scoped3A_1358 = tpu.sem_alloc : memref<!tpu.dma_semaphore, #tpu.memory_space<semaphore_mem>>
      %dma_start3A = arith.constant 0 : i32
      %dma_start3A_1359 = tpu.memref_slice %arg10[%run_scoped3A_942, %dma_start3A] : memref<1x80xi32, #tpu.memory_space<vmem>> -> memref<1x80xi32, #tpu.memory_space<vmem>>
      %dma_start3A_1360 = tpu.memref_squeeze %dma_start3A_1359 : memref<1x80xi32, #tpu.memory_space<vmem>> -> memref<80xi32, #tpu.memory_space<vmem>>
      %dma_start3A_1361 = arith.constant 0 : i32
      %dma_start3A_1362 = arith.constant 0 : i32
      %dma_start3A_1363 = tpu.memref_slice %arg12[%dma_start3A_1361, %dma_start3A_1362] : memref<9616x32xf32, #tpu.memory_space<vmem_shared>> -> memref<9616x32xf32, #tpu.memory_space<vmem_shared>>
      tpu.enqueue_indirect_dma source(%arg11 : memref<80x32xf32, #tpu.memory_space<vmem>>) target(%dma_start3A_1363 : memref<9616x32xf32, #tpu.memory_space<vmem_shared>>) offsets(%dma_start3A_1360 : memref<80xi32, #tpu.memory_space<vmem>>) semaphore(%run_scoped3A_1358 : memref<!tpu.dma_semaphore, #tpu.memory_space<semaphore_mem>>) {add = true}
      %dma_wait3A = arith.constant 0 : i32
      %dma_wait3A_1364 = tpu.memref_slice %arg10[%run_scoped3A_942, %dma_wait3A] : memref<1x80xi32, #tpu.memory_space<vmem>> -> memref<1x80xi32, #tpu.memory_space<vmem>>
      %dma_wait3A_1365 = tpu.memref_squeeze %dma_wait3A_1364 : memref<1x80xi32, #tpu.memory_space<vmem>> -> memref<80xi32, #tpu.memory_space<vmem>>
      %dma_wait3A_1366 = arith.constant 0 : i32
      %dma_wait3A_1367 = arith.constant 0 : i32
      %dma_wait3A_1368 = tpu.memref_slice %arg12[%dma_wait3A_1366, %dma_wait3A_1367] : memref<9616x32xf32, #tpu.memory_space<vmem_shared>> -> memref<9616x32xf32, #tpu.memory_space<vmem_shared>>
      tpu.wait_indirect_dma semaphore(%run_scoped3A_1358 : memref<!tpu.dma_semaphore, #tpu.memory_space<semaphore_mem>>) src(%arg11 : memref<80x32xf32, #tpu.memory_space<vmem>>) dst(%dma_wait3A_1368 : memref<9616x32xf32, #tpu.memory_space<vmem_shared>>)
      tpu.yield
    }) : () -> ()
    "tpu.region"() ({
      %run_scoped3A_1358 = tpu.sem_alloc : memref<!tpu.dma_semaphore, #tpu.memory_space<semaphore_mem>>
      %dma_start3A = arith.constant 0 : i32
      %dma_start3A_1359 = tpu.memref_slice %arg4[%add3A_678, %dma_start3A] : memref<10240x32xf32, #tpu.memory_space<hbm>> -> memref<80x32xf32, #tpu.memory_space<hbm>>
      %dma_start3A_1360 = arith.constant 0 : i32
      %dma_start3A_1361 = tpu.memref_slice %arg4[%add3A_678, %dma_start3A_1360] : memref<10240x32xf32, #tpu.memory_space<hbm>> -> memref<80x32xf32, #tpu.memory_space<hbm>>
      tpu.enqueue_dma source(%dma_start3A_1361 : memref<80x32xf32, #tpu.memory_space<hbm>>) target(%arg11 : memref<80x32xf32, #tpu.memory_space<vmem>>) target_semaphore(%run_scoped3A_1358 : memref<!tpu.dma_semaphore, #tpu.memory_space<semaphore_mem>>)
      %dma_wait3A = arith.constant 0 : i32
      %dma_wait3A_1362 = tpu.memref_slice %arg4[%add3A_678, %dma_wait3A] : memref<10240x32xf32, #tpu.memory_space<hbm>> -> memref<80x32xf32, #tpu.memory_space<hbm>>
      %dma_wait3A_1363 = arith.constant 0 : i32
      %dma_wait3A_1364 = tpu.memref_slice %arg4[%add3A_678, %dma_wait3A_1363] : memref<10240x32xf32, #tpu.memory_space<hbm>> -> memref<80x32xf32, #tpu.memory_space<hbm>>
      tpu.wait_dma2 semaphore(%run_scoped3A_1358 : memref<!tpu.dma_semaphore, #tpu.memory_space<semaphore_mem>>) src(%dma_wait3A_1364 : memref<80x32xf32, #tpu.memory_space<hbm>>) dst(%arg11 : memref<80x32xf32, #tpu.memory_space<vmem>>)
      tpu.yield
    }) : () -> ()
    %get3A_943 = arith.constant 0 : i32
    %get3A_944 = arith.index_cast %get3A_943 : i32 to index
    %get3A_945 = arith.constant 0 : index
    %get3A_946 = tpu.vector_load %arg10[%get3A_944, %get3A_945] {strides = array<i32>} : memref<1x80xi32, #tpu.memory_space<vmem>>, vector<1x16xi32>,
    %get3A_947 = vector.shape_cast %get3A_946 : vector<1x16xi32> to vector<16xi32>
    %add3A_948 = arith.constant 1 : i32
    %add3A_949 = vector.broadcast %add3A_948 : i32 to vector<16xi32>
    %add3A_950 = arith.addi %get3A_947, %add3A_949 : vector<16xi32>
    %swap3A_951 = arith.constant 0 : i32
    %swap3A_952 = arith.index_cast %swap3A_951 : i32 to index
    %swap3A_953 = arith.constant 0 : index
    %swap3A_954 = tpu.vector_load %arg10[%swap3A_952, %swap3A_953] {strides = array<i32>} : memref<1x80xi32, #tpu.memory_space<vmem>>, vector<1x16xi32>,
    %swap3A_955 = vector.shape_cast %swap3A_954 : vector<1x16xi32> to vector<16xi32>
    %swap3A_956 = vector.shape_cast %add3A_950 : vector<16xi32> to vector<1x16xi32>
    tpu.vector_store %arg10[%swap3A_952, %swap3A_953], %swap3A_956 {strides = array<i32>} : memref<1x80xi32, #tpu.memory_space<vmem>>, vector<1x16xi32>,
    %get3A_957 = arith.constant 0 : i32
    %get3A_958 = arith.index_cast %get3A_957 : i32 to index
    %get3A_959 = arith.constant 16 : index
    %get3A_960 = tpu.vector_load %arg10[%get3A_958, %get3A_959] {strides = array<i32>} : memref<1x80xi32, #tpu.memory_space<vmem>>, vector<1x16xi32>,
    %get3A_961 = vector.shape_cast %get3A_960 : vector<1x16xi32> to vector<16xi32>
    %add3A_962 = arith.constant 1 : i32
    %add3A_963 = vector.broadcast %add3A_962 : i32 to vector<16xi32>
    %add3A_964 = arith.addi %get3A_961, %add3A_963 : vector<16xi32>
    %swap3A_965 = arith.constant 0 : i32
    %swap3A_966 = arith.index_cast %swap3A_965 : i32 to index
    %swap3A_967 = arith.constant 16 : index
    %swap3A_968 = tpu.vector_load %arg10[%swap3A_966, %swap3A_967] {strides = array<i32>} : memref<1x80xi32, #tpu.memory_space<vmem>>, vector<1x16xi32>,
    %swap3A_969 = vector.shape_cast %swap3A_968 : vector<1x16xi32> to vector<16xi32>
    %swap3A_970 = vector.shape_cast %add3A_964 : vector<16xi32> to vector<1x16xi32>
    tpu.vector_store %arg10[%swap3A_966, %swap3A_967], %swap3A_970 {strides = array<i32>} : memref<1x80xi32, #tpu.memory_space<vmem>>, vector<1x16xi32>,
    %get3A_971 = arith.constant 0 : i32
    %get3A_972 = arith.index_cast %get3A_971 : i32 to index
    %get3A_973 = arith.constant 32 : index
    %get3A_974 = tpu.vector_load %arg10[%get3A_972, %get3A_973] {strides = array<i32>} : memref<1x80xi32, #tpu.memory_space<vmem>>, vector<1x16xi32>,
    %get3A_975 = vector.shape_cast %get3A_974 : vector<1x16xi32> to vector<16xi32>
    %add3A_976 = arith.constant 1 : i32
    %add3A_977 = vector.broadcast %add3A_976 : i32 to vector<16xi32>
    %add3A_978 = arith.addi %get3A_975, %add3A_977 : vector<16xi32>
    %swap3A_979 = arith.constant 0 : i32
    %swap3A_980 = arith.index_cast %swap3A_979 : i32 to index
    %swap3A_981 = arith.constant 32 : index
    %swap3A_982 = tpu.vector_load %arg10[%swap3A_980, %swap3A_981] {strides = array<i32>} : memref<1x80xi32, #tpu.memory_space<vmem>>, vector<1x16xi32>,
    %swap3A_983 = vector.shape_cast %swap3A_982 : vector<1x16xi32> to vector<16xi32>
    %swap3A_984 = vector.shape_cast %add3A_978 : vector<16xi32> to vector<1x16xi32>
    tpu.vector_store %arg10[%swap3A_980, %swap3A_981], %swap3A_984 {strides = array<i32>} : memref<1x80xi32, #tpu.memory_space<vmem>>, vector<1x16xi32>,
    %get3A_985 = arith.constant 0 : i32
    %get3A_986 = arith.index_cast %get3A_985 : i32 to index
    %get3A_987 = arith.constant 48 : index
    %get3A_988 = tpu.vector_load %arg10[%get3A_986, %get3A_987] {strides = array<i32>} : memref<1x80xi32, #tpu.memory_space<vmem>>, vector<1x16xi32>,
    %get3A_989 = vector.shape_cast %get3A_988 : vector<1x16xi32> to vector<16xi32>
    %add3A_990 = arith.constant 1 : i32
    %add3A_991 = vector.broadcast %add3A_990 : i32 to vector<16xi32>
    %add3A_992 = arith.addi %get3A_989, %add3A_991 : vector<16xi32>
    %swap3A_993 = arith.constant 0 : i32
    %swap3A_994 = arith.index_cast %swap3A_993 : i32 to index
    %swap3A_995 = arith.constant 48 : index
    %swap3A_996 = tpu.vector_load %arg10[%swap3A_994, %swap3A_995] {strides = array<i32>} : memref<1x80xi32, #tpu.memory_space<vmem>>, vector<1x16xi32>,
    %swap3A_997 = vector.shape_cast %swap3A_996 : vector<1x16xi32> to vector<16xi32>
    %swap3A_998 = vector.shape_cast %add3A_992 : vector<16xi32> to vector<1x16xi32>
    tpu.vector_store %arg10[%swap3A_994, %swap3A_995], %swap3A_998 {strides = array<i32>} : memref<1x80xi32, #tpu.memory_space<vmem>>, vector<1x16xi32>,
    %get3A_999 = arith.constant 0 : i32
    %get3A_1000 = arith.index_cast %get3A_999 : i32 to index
    %get3A_1001 = arith.constant 64 : index
    %get3A_1002 = tpu.vector_load %arg10[%get3A_1000, %get3A_1001] {strides = array<i32>} : memref<1x80xi32, #tpu.memory_space<vmem>>, vector<1x16xi32>,
    %get3A_1003 = vector.shape_cast %get3A_1002 : vector<1x16xi32> to vector<16xi32>
    %add3A_1004 = arith.constant 1 : i32
    %add3A_1005 = vector.broadcast %add3A_1004 : i32 to vector<16xi32>
    %add3A_1006 = arith.addi %get3A_1003, %add3A_1005 : vector<16xi32>
    %swap3A_1007 = arith.constant 0 : i32
    %swap3A_1008 = arith.index_cast %swap3A_1007 : i32 to index
    %swap3A_1009 = arith.constant 64 : index
    %swap3A_1010 = tpu.vector_load %arg10[%swap3A_1008, %swap3A_1009] {strides = array<i32>} : memref<1x80xi32, #tpu.memory_space<vmem>>, vector<1x16xi32>,
    %swap3A_1011 = vector.shape_cast %swap3A_1010 : vector<1x16xi32> to vector<16xi32>
    %swap3A_1012 = vector.shape_cast %add3A_1006 : vector<16xi32> to vector<1x16xi32>
    tpu.vector_store %arg10[%swap3A_1008, %swap3A_1009], %swap3A_1012 {strides = array<i32>} : memref<1x80xi32, #tpu.memory_space<vmem>>, vector<1x16xi32>,
    %run_scoped3A_1013 = arith.constant 0 : i32
    "tpu.region"() ({
      %run_scoped3A_1358 = tpu.sem_alloc : memref<!tpu.dma_semaphore, #tpu.memory_space<semaphore_mem>>
      %dma_start3A = arith.constant 0 : i32
      %dma_start3A_1359 = tpu.memref_slice %arg10[%run_scoped3A_1013, %dma_start3A] : memref<1x80xi32, #tpu.memory_space<vmem>> -> memref<1x80xi32, #tpu.memory_space<vmem>>
      %dma_start3A_1360 = tpu.memref_squeeze %dma_start3A_1359 : memref<1x80xi32, #tpu.memory_space<vmem>> -> memref<80xi32, #tpu.memory_space<vmem>>
      %dma_start3A_1361 = arith.constant 0 : i32
      %dma_start3A_1362 = arith.constant 0 : i32
      %dma_start3A_1363 = tpu.memref_slice %arg12[%dma_start3A_1361, %dma_start3A_1362] : memref<9616x32xf32, #tpu.memory_space<vmem_shared>> -> memref<9616x32xf32, #tpu.memory_space<vmem_shared>>
      tpu.enqueue_indirect_dma source(%arg11 : memref<80x32xf32, #tpu.memory_space<vmem>>) target(%dma_start3A_1363 : memref<9616x32xf32, #tpu.memory_space<vmem_shared>>) offsets(%dma_start3A_1360 : memref<80xi32, #tpu.memory_space<vmem>>) semaphore(%run_scoped3A_1358 : memref<!tpu.dma_semaphore, #tpu.memory_space<semaphore_mem>>) {add = true}
      %dma_wait3A = arith.constant 0 : i32
      %dma_wait3A_1364 = tpu.memref_slice %arg10[%run_scoped3A_1013, %dma_wait3A] : memref<1x80xi32, #tpu.memory_space<vmem>> -> memref<1x80xi32, #tpu.memory_space<vmem>>
      %dma_wait3A_1365 = tpu.memref_squeeze %dma_wait3A_1364 : memref<1x80xi32, #tpu.memory_space<vmem>> -> memref<80xi32, #tpu.memory_space<vmem>>
      %dma_wait3A_1366 = arith.constant 0 : i32
      %dma_wait3A_1367 = arith.constant 0 : i32
      %dma_wait3A_1368 = tpu.memref_slice %arg12[%dma_wait3A_1366, %dma_wait3A_1367] : memref<9616x32xf32, #tpu.memory_space<vmem_shared>> -> memref<9616x32xf32, #tpu.memory_space<vmem_shared>>
      tpu.wait_indirect_dma semaphore(%run_scoped3A_1358 : memref<!tpu.dma_semaphore, #tpu.memory_space<semaphore_mem>>) src(%arg11 : memref<80x32xf32, #tpu.memory_space<vmem>>) dst(%dma_wait3A_1368 : memref<9616x32xf32, #tpu.memory_space<vmem_shared>>)
      tpu.yield
    }) : () -> ()
    %mul3A_1014 = arith.constant 320 : i32
    %mul3A_1015 = arith.muli %add3A, %mul3A_1014 : i32
    %add3A_1016 = arith.constant 240 : i32
    %add3A_1017 = arith.addi %mul3A_1015, %add3A_1016 : i32
    %run_scoped3A_1018 = arith.constant 0 : i32
    "tpu.region"() ({
      %run_scoped3A_1358 = tpu.sem_alloc : memref<!tpu.dma_semaphore, #tpu.memory_space<semaphore_mem>>
      %dma_start3A = arith.constant 0 : i32
      %dma_start3A_1359 = tpu.memref_slice %arg9[%run_scoped3A_1018, %dma_start3A] : memref<1x80xi32, #tpu.memory_space<vmem>> -> memref<1x80xi32, #tpu.memory_space<vmem>>
      %dma_start3A_1360 = tpu.memref_squeeze %dma_start3A_1359 : memref<1x80xi32, #tpu.memory_space<vmem>> -> memref<80xi32, #tpu.memory_space<vmem>>
      %dma_start3A_1361 = tpu.memref_slice %arg5[%add3A_1017] : memref<10240xi32, #tpu.memory_space<hbm>> -> memref<80xi32, #tpu.memory_space<hbm>>
      %dma_start3A_1362 = arith.constant 0 : i32
      %dma_start3A_1363 = tpu.memref_slice %arg9[%run_scoped3A_1018, %dma_start3A_1362] : memref<1x80xi32, #tpu.memory_space<vmem>> -> memref<1x80xi32, #tpu.memory_space<vmem>>
      %dma_start3A_1364 = tpu.memref_squeeze %dma_start3A_1363 : memref<1x80xi32, #tpu.memory_space<vmem>> -> memref<80xi32, #tpu.memory_space<vmem>>
      %dma_start3A_1365 = tpu.memref_slice %arg5[%add3A_1017] : memref<10240xi32, #tpu.memory_space<hbm>> -> memref<80xi32, #tpu.memory_space<hbm>>
      tpu.enqueue_dma source(%dma_start3A_1365 : memref<80xi32, #tpu.memory_space<hbm>>) target(%dma_start3A_1364 : memref<80xi32, #tpu.memory_space<vmem>>) target_semaphore(%run_scoped3A_1358 : memref<!tpu.dma_semaphore, #tpu.memory_space<semaphore_mem>>)
      %dma_wait3A = arith.constant 0 : i32
      %dma_wait3A_1366 = tpu.memref_slice %arg9[%run_scoped3A_1018, %dma_wait3A] : memref<1x80xi32, #tpu.memory_space<vmem>> -> memref<1x80xi32, #tpu.memory_space<vmem>>
      %dma_wait3A_1367 = tpu.memref_squeeze %dma_wait3A_1366 : memref<1x80xi32, #tpu.memory_space<vmem>> -> memref<80xi32, #tpu.memory_space<vmem>>
      %dma_wait3A_1368 = tpu.memref_slice %arg5[%add3A_1017] : memref<10240xi32, #tpu.memory_space<hbm>> -> memref<80xi32, #tpu.memory_space<hbm>>
      %dma_wait3A_1369 = arith.constant 0 : i32
      %dma_wait3A_1370 = tpu.memref_slice %arg9[%run_scoped3A_1018, %dma_wait3A_1369] : memref<1x80xi32, #tpu.memory_space<vmem>> -> memref<1x80xi32, #tpu.memory_space<vmem>>
      %dma_wait3A_1371 = tpu.memref_squeeze %dma_wait3A_1370 : memref<1x80xi32, #tpu.memory_space<vmem>> -> memref<80xi32, #tpu.memory_space<vmem>>
      %dma_wait3A_1372 = tpu.memref_slice %arg5[%add3A_1017] : memref<10240xi32, #tpu.memory_space<hbm>> -> memref<80xi32, #tpu.memory_space<hbm>>
      tpu.wait_dma2 semaphore(%run_scoped3A_1358 : memref<!tpu.dma_semaphore, #tpu.memory_space<semaphore_mem>>) src(%dma_wait3A_1372 : memref<80xi32, #tpu.memory_space<hbm>>) dst(%dma_wait3A_1371 : memref<80xi32, #tpu.memory_space<vmem>>)
      tpu.yield
    }) : () -> ()
    %run_scoped3A_1019 = arith.constant 0 : i32
    "tpu.region"() ({
      %run_scoped3A_1358 = tpu.sem_alloc : memref<!tpu.dma_semaphore, #tpu.memory_space<semaphore_mem>>
      %dma_start3A = arith.constant 0 : i32
      %dma_start3A_1359 = tpu.memref_slice %arg10[%run_scoped3A_1019, %dma_start3A] : memref<1x80xi32, #tpu.memory_space<vmem>> -> memref<1x80xi32, #tpu.memory_space<vmem>>
      %dma_start3A_1360 = tpu.memref_squeeze %dma_start3A_1359 : memref<1x80xi32, #tpu.memory_space<vmem>> -> memref<80xi32, #tpu.memory_space<vmem>>
      %dma_start3A_1361 = tpu.memref_slice %arg6[%add3A_1017] : memref<10240xi32, #tpu.memory_space<hbm>> -> memref<80xi32, #tpu.memory_space<hbm>>
      %dma_start3A_1362 = arith.constant 0 : i32
      %dma_start3A_1363 = tpu.memref_slice %arg10[%run_scoped3A_1019, %dma_start3A_1362] : memref<1x80xi32, #tpu.memory_space<vmem>> -> memref<1x80xi32, #tpu.memory_space<vmem>>
      %dma_start3A_1364 = tpu.memref_squeeze %dma_start3A_1363 : memref<1x80xi32, #tpu.memory_space<vmem>> -> memref<80xi32, #tpu.memory_space<vmem>>
      %dma_start3A_1365 = tpu.memref_slice %arg6[%add3A_1017] : memref<10240xi32, #tpu.memory_space<hbm>> -> memref<80xi32, #tpu.memory_space<hbm>>
      tpu.enqueue_dma source(%dma_start3A_1365 : memref<80xi32, #tpu.memory_space<hbm>>) target(%dma_start3A_1364 : memref<80xi32, #tpu.memory_space<vmem>>) target_semaphore(%run_scoped3A_1358 : memref<!tpu.dma_semaphore, #tpu.memory_space<semaphore_mem>>)
      %dma_wait3A = arith.constant 0 : i32
      %dma_wait3A_1366 = tpu.memref_slice %arg10[%run_scoped3A_1019, %dma_wait3A] : memref<1x80xi32, #tpu.memory_space<vmem>> -> memref<1x80xi32, #tpu.memory_space<vmem>>
      %dma_wait3A_1367 = tpu.memref_squeeze %dma_wait3A_1366 : memref<1x80xi32, #tpu.memory_space<vmem>> -> memref<80xi32, #tpu.memory_space<vmem>>
      %dma_wait3A_1368 = tpu.memref_slice %arg6[%add3A_1017] : memref<10240xi32, #tpu.memory_space<hbm>> -> memref<80xi32, #tpu.memory_space<hbm>>
      %dma_wait3A_1369 = arith.constant 0 : i32
      %dma_wait3A_1370 = tpu.memref_slice %arg10[%run_scoped3A_1019, %dma_wait3A_1369] : memref<1x80xi32, #tpu.memory_space<vmem>> -> memref<1x80xi32, #tpu.memory_space<vmem>>
      %dma_wait3A_1371 = tpu.memref_squeeze %dma_wait3A_1370 : memref<1x80xi32, #tpu.memory_space<vmem>> -> memref<80xi32, #tpu.memory_space<vmem>>
      %dma_wait3A_1372 = tpu.memref_slice %arg6[%add3A_1017] : memref<10240xi32, #tpu.memory_space<hbm>> -> memref<80xi32, #tpu.memory_space<hbm>>
      tpu.wait_dma2 semaphore(%run_scoped3A_1358 : memref<!tpu.dma_semaphore, #tpu.memory_space<semaphore_mem>>) src(%dma_wait3A_1372 : memref<80xi32, #tpu.memory_space<hbm>>) dst(%dma_wait3A_1371 : memref<80xi32, #tpu.memory_space<vmem>>)
      tpu.yield
    }) : () -> ()
    %get3A_1020 = arith.constant 0 : i32
    %get3A_1021 = arith.index_cast %get3A_1020 : i32 to index
    %get3A_1022 = arith.constant 0 : index
    %get3A_1023 = tpu.vector_load %arg9[%get3A_1021, %get3A_1022] {strides = array<i32>} : memref<1x80xi32, #tpu.memory_space<vmem>>, vector<1x16xi32>,
    %get3A_1024 = vector.shape_cast %get3A_1023 : vector<1x16xi32> to vector<16xi32>
    %get3A_1025 = arith.constant 0 : i32
    %get3A_1026 = arith.index_cast %get3A_1025 : i32 to index
    %get3A_1027 = arith.constant 0 : index
    %get3A_1028 = tpu.vector_load %arg10[%get3A_1026, %get3A_1027] {strides = array<i32>} : memref<1x80xi32, #tpu.memory_space<vmem>>, vector<1x16xi32>,
    %get3A_1029 = vector.shape_cast %get3A_1028 : vector<1x16xi32> to vector<16xi32>
    %add3A_1030 = arith.constant 0 : i32
    %add3A_1031 = arith.addi %add3A_1017, %add3A_1030 : i32
    %iota3A_1032 = tpu.iota {dimensions = array<i32: 0>} : vector<16xi32>
    %add3A_1033 = vector.broadcast %add3A_1031 : i32 to vector<16xi32>
    %add3A_1034 = arith.addi %add3A_1033, %iota3A_1032 : vector<16xi32>
    %lt3A_1035 = arith.constant 50 : i32
    %lt3A_1036 = vector.broadcast %lt3A_1035 : i32 to vector<16xi32>
    %lt3A_1037 = arith.cmpi slt, %get3A_1029, %lt3A_1036 : vector<16xi32>
    %lt3A_1038 = arith.constant 10000 : i32
    %lt3A_1039 = vector.broadcast %lt3A_1038 : i32 to vector<16xi32>
    %lt3A_1040 = arith.cmpi slt, %add3A_1034, %lt3A_1039 : vector<16xi32>
    %and3A_1041 = arith.andi %lt3A_1037, %lt3A_1040 : vector<16xi1>
    %mul3A_1042 = arith.constant 64 : i32
    %mul3A_1043 = vector.broadcast %mul3A_1042 : i32 to vector<16xi32>
    %mul3A_1044 = arith.muli %get3A_1029, %mul3A_1043 : vector<16xi32>
    %add3A_1045 = arith.addi %mul3A_1044, %get3A_1024 : vector<16xi32>
    %mul3A_1046 = arith.constant 3 : i32
    %mul3A_1047 = vector.broadcast %mul3A_1046 : i32 to vector<16xi32>
    %mul3A_1048 = arith.muli %add3A_1045, %mul3A_1047 : vector<16xi32>
    %broadcast_in_dim3A_1049 = arith.constant 9600 : i32
    %broadcast_in_dim3A_1050 = vector.broadcast %broadcast_in_dim3A_1049 : i32 to vector<16xi32>
    %select_n3A_1051 = arith.select %and3A_1041, %mul3A_1048, %broadcast_in_dim3A_1050 : vector<16xi1>, vector<16xi32>
    %swap3A_1052 = arith.constant 0 : i32
    %swap3A_1053 = arith.index_cast %swap3A_1052 : i32 to index
    %swap3A_1054 = arith.constant 0 : index
    %swap3A_1055 = tpu.vector_load %arg10[%swap3A_1053, %swap3A_1054] {strides = array<i32>} : memref<1x80xi32, #tpu.memory_space<vmem>>, vector<1x16xi32>,
    %swap3A_1056 = vector.shape_cast %swap3A_1055 : vector<1x16xi32> to vector<16xi32>
    %swap3A_1057 = vector.shape_cast %select_n3A_1051 : vector<16xi32> to vector<1x16xi32>
    tpu.vector_store %arg10[%swap3A_1053, %swap3A_1054], %swap3A_1057 {strides = array<i32>} : memref<1x80xi32, #tpu.memory_space<vmem>>, vector<1x16xi32>,
    %get3A_1058 = arith.constant 0 : i32
    %get3A_1059 = arith.index_cast %get3A_1058 : i32 to index
    %get3A_1060 = arith.constant 16 : index
    %get3A_1061 = tpu.vector_load %arg9[%get3A_1059, %get3A_1060] {strides = array<i32>} : memref<1x80xi32, #tpu.memory_space<vmem>>, vector<1x16xi32>,
    %get3A_1062 = vector.shape_cast %get3A_1061 : vector<1x16xi32> to vector<16xi32>
    %get3A_1063 = arith.constant 0 : i32
    %get3A_1064 = arith.index_cast %get3A_1063 : i32 to index
    %get3A_1065 = arith.constant 16 : index
    %get3A_1066 = tpu.vector_load %arg10[%get3A_1064, %get3A_1065] {strides = array<i32>} : memref<1x80xi32, #tpu.memory_space<vmem>>, vector<1x16xi32>,
    %get3A_1067 = vector.shape_cast %get3A_1066 : vector<1x16xi32> to vector<16xi32>
    %add3A_1068 = arith.constant 16 : i32
    %add3A_1069 = arith.addi %add3A_1017, %add3A_1068 : i32
    %iota3A_1070 = tpu.iota {dimensions = array<i32: 0>} : vector<16xi32>
    %add3A_1071 = vector.broadcast %add3A_1069 : i32 to vector<16xi32>
    %add3A_1072 = arith.addi %add3A_1071, %iota3A_1070 : vector<16xi32>
    %lt3A_1073 = arith.constant 50 : i32
    %lt3A_1074 = vector.broadcast %lt3A_1073 : i32 to vector<16xi32>
    %lt3A_1075 = arith.cmpi slt, %get3A_1067, %lt3A_1074 : vector<16xi32>
    %lt3A_1076 = arith.constant 10000 : i32
    %lt3A_1077 = vector.broadcast %lt3A_1076 : i32 to vector<16xi32>
    %lt3A_1078 = arith.cmpi slt, %add3A_1072, %lt3A_1077 : vector<16xi32>
    %and3A_1079 = arith.andi %lt3A_1075, %lt3A_1078 : vector<16xi1>
    %mul3A_1080 = arith.constant 64 : i32
    %mul3A_1081 = vector.broadcast %mul3A_1080 : i32 to vector<16xi32>
    %mul3A_1082 = arith.muli %get3A_1067, %mul3A_1081 : vector<16xi32>
    %add3A_1083 = arith.addi %mul3A_1082, %get3A_1062 : vector<16xi32>
    %mul3A_1084 = arith.constant 3 : i32
    %mul3A_1085 = vector.broadcast %mul3A_1084 : i32 to vector<16xi32>
    %mul3A_1086 = arith.muli %add3A_1083, %mul3A_1085 : vector<16xi32>
    %broadcast_in_dim3A_1087 = arith.constant 9600 : i32
    %broadcast_in_dim3A_1088 = vector.broadcast %broadcast_in_dim3A_1087 : i32 to vector<16xi32>
    %select_n3A_1089 = arith.select %and3A_1079, %mul3A_1086, %broadcast_in_dim3A_1088 : vector<16xi1>, vector<16xi32>
    %swap3A_1090 = arith.constant 0 : i32
    %swap3A_1091 = arith.index_cast %swap3A_1090 : i32 to index
    %swap3A_1092 = arith.constant 16 : index
    %swap3A_1093 = tpu.vector_load %arg10[%swap3A_1091, %swap3A_1092] {strides = array<i32>} : memref<1x80xi32, #tpu.memory_space<vmem>>, vector<1x16xi32>,
    %swap3A_1094 = vector.shape_cast %swap3A_1093 : vector<1x16xi32> to vector<16xi32>
    %swap3A_1095 = vector.shape_cast %select_n3A_1089 : vector<16xi32> to vector<1x16xi32>
    tpu.vector_store %arg10[%swap3A_1091, %swap3A_1092], %swap3A_1095 {strides = array<i32>} : memref<1x80xi32, #tpu.memory_space<vmem>>, vector<1x16xi32>,
    %get3A_1096 = arith.constant 0 : i32
    %get3A_1097 = arith.index_cast %get3A_1096 : i32 to index
    %get3A_1098 = arith.constant 32 : index
    %get3A_1099 = tpu.vector_load %arg9[%get3A_1097, %get3A_1098] {strides = array<i32>} : memref<1x80xi32, #tpu.memory_space<vmem>>, vector<1x16xi32>,
    %get3A_1100 = vector.shape_cast %get3A_1099 : vector<1x16xi32> to vector<16xi32>
    %get3A_1101 = arith.constant 0 : i32
    %get3A_1102 = arith.index_cast %get3A_1101 : i32 to index
    %get3A_1103 = arith.constant 32 : index
    %get3A_1104 = tpu.vector_load %arg10[%get3A_1102, %get3A_1103] {strides = array<i32>} : memref<1x80xi32, #tpu.memory_space<vmem>>, vector<1x16xi32>,
    %get3A_1105 = vector.shape_cast %get3A_1104 : vector<1x16xi32> to vector<16xi32>
    %add3A_1106 = arith.constant 32 : i32
    %add3A_1107 = arith.addi %add3A_1017, %add3A_1106 : i32
    %iota3A_1108 = tpu.iota {dimensions = array<i32: 0>} : vector<16xi32>
    %add3A_1109 = vector.broadcast %add3A_1107 : i32 to vector<16xi32>
    %add3A_1110 = arith.addi %add3A_1109, %iota3A_1108 : vector<16xi32>
    %lt3A_1111 = arith.constant 50 : i32
    %lt3A_1112 = vector.broadcast %lt3A_1111 : i32 to vector<16xi32>
    %lt3A_1113 = arith.cmpi slt, %get3A_1105, %lt3A_1112 : vector<16xi32>
    %lt3A_1114 = arith.constant 10000 : i32
    %lt3A_1115 = vector.broadcast %lt3A_1114 : i32 to vector<16xi32>
    %lt3A_1116 = arith.cmpi slt, %add3A_1110, %lt3A_1115 : vector<16xi32>
    %and3A_1117 = arith.andi %lt3A_1113, %lt3A_1116 : vector<16xi1>
    %mul3A_1118 = arith.constant 64 : i32
    %mul3A_1119 = vector.broadcast %mul3A_1118 : i32 to vector<16xi32>
    %mul3A_1120 = arith.muli %get3A_1105, %mul3A_1119 : vector<16xi32>
    %add3A_1121 = arith.addi %mul3A_1120, %get3A_1100 : vector<16xi32>
    %mul3A_1122 = arith.constant 3 : i32
    %mul3A_1123 = vector.broadcast %mul3A_1122 : i32 to vector<16xi32>
    %mul3A_1124 = arith.muli %add3A_1121, %mul3A_1123 : vector<16xi32>
    %broadcast_in_dim3A_1125 = arith.constant 9600 : i32
    %broadcast_in_dim3A_1126 = vector.broadcast %broadcast_in_dim3A_1125 : i32 to vector<16xi32>
    %select_n3A_1127 = arith.select %and3A_1117, %mul3A_1124, %broadcast_in_dim3A_1126 : vector<16xi1>, vector<16xi32>
    %swap3A_1128 = arith.constant 0 : i32
    %swap3A_1129 = arith.index_cast %swap3A_1128 : i32 to index
    %swap3A_1130 = arith.constant 32 : index
    %swap3A_1131 = tpu.vector_load %arg10[%swap3A_1129, %swap3A_1130] {strides = array<i32>} : memref<1x80xi32, #tpu.memory_space<vmem>>, vector<1x16xi32>,
    %swap3A_1132 = vector.shape_cast %swap3A_1131 : vector<1x16xi32> to vector<16xi32>
    %swap3A_1133 = vector.shape_cast %select_n3A_1127 : vector<16xi32> to vector<1x16xi32>
    tpu.vector_store %arg10[%swap3A_1129, %swap3A_1130], %swap3A_1133 {strides = array<i32>} : memref<1x80xi32, #tpu.memory_space<vmem>>, vector<1x16xi32>,
    %get3A_1134 = arith.constant 0 : i32
    %get3A_1135 = arith.index_cast %get3A_1134 : i32 to index
    %get3A_1136 = arith.constant 48 : index
    %get3A_1137 = tpu.vector_load %arg9[%get3A_1135, %get3A_1136] {strides = array<i32>} : memref<1x80xi32, #tpu.memory_space<vmem>>, vector<1x16xi32>,
    %get3A_1138 = vector.shape_cast %get3A_1137 : vector<1x16xi32> to vector<16xi32>
    %get3A_1139 = arith.constant 0 : i32
    %get3A_1140 = arith.index_cast %get3A_1139 : i32 to index
    %get3A_1141 = arith.constant 48 : index
    %get3A_1142 = tpu.vector_load %arg10[%get3A_1140, %get3A_1141] {strides = array<i32>} : memref<1x80xi32, #tpu.memory_space<vmem>>, vector<1x16xi32>,
    %get3A_1143 = vector.shape_cast %get3A_1142 : vector<1x16xi32> to vector<16xi32>
    %add3A_1144 = arith.constant 48 : i32
    %add3A_1145 = arith.addi %add3A_1017, %add3A_1144 : i32
    %iota3A_1146 = tpu.iota {dimensions = array<i32: 0>} : vector<16xi32>
    %add3A_1147 = vector.broadcast %add3A_1145 : i32 to vector<16xi32>
    %add3A_1148 = arith.addi %add3A_1147, %iota3A_1146 : vector<16xi32>
    %lt3A_1149 = arith.constant 50 : i32
    %lt3A_1150 = vector.broadcast %lt3A_1149 : i32 to vector<16xi32>
    %lt3A_1151 = arith.cmpi slt, %get3A_1143, %lt3A_1150 : vector<16xi32>
    %lt3A_1152 = arith.constant 10000 : i32
    %lt3A_1153 = vector.broadcast %lt3A_1152 : i32 to vector<16xi32>
    %lt3A_1154 = arith.cmpi slt, %add3A_1148, %lt3A_1153 : vector<16xi32>
    %and3A_1155 = arith.andi %lt3A_1151, %lt3A_1154 : vector<16xi1>
    %mul3A_1156 = arith.constant 64 : i32
    %mul3A_1157 = vector.broadcast %mul3A_1156 : i32 to vector<16xi32>
    %mul3A_1158 = arith.muli %get3A_1143, %mul3A_1157 : vector<16xi32>
    %add3A_1159 = arith.addi %mul3A_1158, %get3A_1138 : vector<16xi32>
    %mul3A_1160 = arith.constant 3 : i32
    %mul3A_1161 = vector.broadcast %mul3A_1160 : i32 to vector<16xi32>
    %mul3A_1162 = arith.muli %add3A_1159, %mul3A_1161 : vector<16xi32>
    %broadcast_in_dim3A_1163 = arith.constant 9600 : i32
    %broadcast_in_dim3A_1164 = vector.broadcast %broadcast_in_dim3A_1163 : i32 to vector<16xi32>
    %select_n3A_1165 = arith.select %and3A_1155, %mul3A_1162, %broadcast_in_dim3A_1164 : vector<16xi1>, vector<16xi32>
    %swap3A_1166 = arith.constant 0 : i32
    %swap3A_1167 = arith.index_cast %swap3A_1166 : i32 to index
    %swap3A_1168 = arith.constant 48 : index
    %swap3A_1169 = tpu.vector_load %arg10[%swap3A_1167, %swap3A_1168] {strides = array<i32>} : memref<1x80xi32, #tpu.memory_space<vmem>>, vector<1x16xi32>,
    %swap3A_1170 = vector.shape_cast %swap3A_1169 : vector<1x16xi32> to vector<16xi32>
    %swap3A_1171 = vector.shape_cast %select_n3A_1165 : vector<16xi32> to vector<1x16xi32>
    tpu.vector_store %arg10[%swap3A_1167, %swap3A_1168], %swap3A_1171 {strides = array<i32>} : memref<1x80xi32, #tpu.memory_space<vmem>>, vector<1x16xi32>,
    %get3A_1172 = arith.constant 0 : i32
    %get3A_1173 = arith.index_cast %get3A_1172 : i32 to index
    %get3A_1174 = arith.constant 64 : index
    %get3A_1175 = tpu.vector_load %arg9[%get3A_1173, %get3A_1174] {strides = array<i32>} : memref<1x80xi32, #tpu.memory_space<vmem>>, vector<1x16xi32>,
    %get3A_1176 = vector.shape_cast %get3A_1175 : vector<1x16xi32> to vector<16xi32>
    %get3A_1177 = arith.constant 0 : i32
    %get3A_1178 = arith.index_cast %get3A_1177 : i32 to index
    %get3A_1179 = arith.constant 64 : index
    %get3A_1180 = tpu.vector_load %arg10[%get3A_1178, %get3A_1179] {strides = array<i32>} : memref<1x80xi32, #tpu.memory_space<vmem>>, vector<1x16xi32>,
    %get3A_1181 = vector.shape_cast %get3A_1180 : vector<1x16xi32> to vector<16xi32>
    %add3A_1182 = arith.constant 64 : i32
    %add3A_1183 = arith.addi %add3A_1017, %add3A_1182 : i32
    %iota3A_1184 = tpu.iota {dimensions = array<i32: 0>} : vector<16xi32>
    %add3A_1185 = vector.broadcast %add3A_1183 : i32 to vector<16xi32>
    %add3A_1186 = arith.addi %add3A_1185, %iota3A_1184 : vector<16xi32>
    %lt3A_1187 = arith.constant 50 : i32
    %lt3A_1188 = vector.broadcast %lt3A_1187 : i32 to vector<16xi32>
    %lt3A_1189 = arith.cmpi slt, %get3A_1181, %lt3A_1188 : vector<16xi32>
    %lt3A_1190 = arith.constant 10000 : i32
    %lt3A_1191 = vector.broadcast %lt3A_1190 : i32 to vector<16xi32>
    %lt3A_1192 = arith.cmpi slt, %add3A_1186, %lt3A_1191 : vector<16xi32>
    %and3A_1193 = arith.andi %lt3A_1189, %lt3A_1192 : vector<16xi1>
    %mul3A_1194 = arith.constant 64 : i32
    %mul3A_1195 = vector.broadcast %mul3A_1194 : i32 to vector<16xi32>
    %mul3A_1196 = arith.muli %get3A_1181, %mul3A_1195 : vector<16xi32>
    %add3A_1197 = arith.addi %mul3A_1196, %get3A_1176 : vector<16xi32>
    %mul3A_1198 = arith.constant 3 : i32
    %mul3A_1199 = vector.broadcast %mul3A_1198 : i32 to vector<16xi32>
    %mul3A_1200 = arith.muli %add3A_1197, %mul3A_1199 : vector<16xi32>
    %broadcast_in_dim3A_1201 = arith.constant 9600 : i32
    %broadcast_in_dim3A_1202 = vector.broadcast %broadcast_in_dim3A_1201 : i32 to vector<16xi32>
    %select_n3A_1203 = arith.select %and3A_1193, %mul3A_1200, %broadcast_in_dim3A_1202 : vector<16xi1>, vector<16xi32>
    %swap3A_1204 = arith.constant 0 : i32
    %swap3A_1205 = arith.index_cast %swap3A_1204 : i32 to index
    %swap3A_1206 = arith.constant 64 : index
    %swap3A_1207 = tpu.vector_load %arg10[%swap3A_1205, %swap3A_1206] {strides = array<i32>} : memref<1x80xi32, #tpu.memory_space<vmem>>, vector<1x16xi32>,
    %swap3A_1208 = vector.shape_cast %swap3A_1207 : vector<1x16xi32> to vector<16xi32>
    %swap3A_1209 = vector.shape_cast %select_n3A_1203 : vector<16xi32> to vector<1x16xi32>
    tpu.vector_store %arg10[%swap3A_1205, %swap3A_1206], %swap3A_1209 {strides = array<i32>} : memref<1x80xi32, #tpu.memory_space<vmem>>, vector<1x16xi32>,
    "tpu.region"() ({
      %run_scoped3A_1358 = tpu.sem_alloc : memref<!tpu.dma_semaphore, #tpu.memory_space<semaphore_mem>>
      %dma_start3A = arith.constant 0 : i32
      %dma_start3A_1359 = tpu.memref_slice %arg2[%add3A_1017, %dma_start3A] : memref<10240x32xf32, #tpu.memory_space<hbm>> -> memref<80x32xf32, #tpu.memory_space<hbm>>
      %dma_start3A_1360 = arith.constant 0 : i32
      %dma_start3A_1361 = tpu.memref_slice %arg2[%add3A_1017, %dma_start3A_1360] : memref<10240x32xf32, #tpu.memory_space<hbm>> -> memref<80x32xf32, #tpu.memory_space<hbm>>
      tpu.enqueue_dma source(%dma_start3A_1361 : memref<80x32xf32, #tpu.memory_space<hbm>>) target(%arg11 : memref<80x32xf32, #tpu.memory_space<vmem>>) target_semaphore(%run_scoped3A_1358 : memref<!tpu.dma_semaphore, #tpu.memory_space<semaphore_mem>>)
      %dma_wait3A = arith.constant 0 : i32
      %dma_wait3A_1362 = tpu.memref_slice %arg2[%add3A_1017, %dma_wait3A] : memref<10240x32xf32, #tpu.memory_space<hbm>> -> memref<80x32xf32, #tpu.memory_space<hbm>>
      %dma_wait3A_1363 = arith.constant 0 : i32
      %dma_wait3A_1364 = tpu.memref_slice %arg2[%add3A_1017, %dma_wait3A_1363] : memref<10240x32xf32, #tpu.memory_space<hbm>> -> memref<80x32xf32, #tpu.memory_space<hbm>>
      tpu.wait_dma2 semaphore(%run_scoped3A_1358 : memref<!tpu.dma_semaphore, #tpu.memory_space<semaphore_mem>>) src(%dma_wait3A_1364 : memref<80x32xf32, #tpu.memory_space<hbm>>) dst(%arg11 : memref<80x32xf32, #tpu.memory_space<vmem>>)
      tpu.yield
    }) : () -> ()
    %run_scoped3A_1210 = arith.constant 0 : i32
    "tpu.region"() ({
      %run_scoped3A_1358 = tpu.sem_alloc : memref<!tpu.dma_semaphore, #tpu.memory_space<semaphore_mem>>
      %dma_start3A = arith.constant 0 : i32
      %dma_start3A_1359 = tpu.memref_slice %arg10[%run_scoped3A_1210, %dma_start3A] : memref<1x80xi32, #tpu.memory_space<vmem>> -> memref<1x80xi32, #tpu.memory_space<vmem>>
      %dma_start3A_1360 = tpu.memref_squeeze %dma_start3A_1359 : memref<1x80xi32, #tpu.memory_space<vmem>> -> memref<80xi32, #tpu.memory_space<vmem>>
      %dma_start3A_1361 = arith.constant 0 : i32
      %dma_start3A_1362 = arith.constant 0 : i32
      %dma_start3A_1363 = tpu.memref_slice %arg12[%dma_start3A_1361, %dma_start3A_1362] : memref<9616x32xf32, #tpu.memory_space<vmem_shared>> -> memref<9616x32xf32, #tpu.memory_space<vmem_shared>>
      tpu.enqueue_indirect_dma source(%arg11 : memref<80x32xf32, #tpu.memory_space<vmem>>) target(%dma_start3A_1363 : memref<9616x32xf32, #tpu.memory_space<vmem_shared>>) offsets(%dma_start3A_1360 : memref<80xi32, #tpu.memory_space<vmem>>) semaphore(%run_scoped3A_1358 : memref<!tpu.dma_semaphore, #tpu.memory_space<semaphore_mem>>) {add = true}
      %dma_wait3A = arith.constant 0 : i32
      %dma_wait3A_1364 = tpu.memref_slice %arg10[%run_scoped3A_1210, %dma_wait3A] : memref<1x80xi32, #tpu.memory_space<vmem>> -> memref<1x80xi32, #tpu.memory_space<vmem>>
      %dma_wait3A_1365 = tpu.memref_squeeze %dma_wait3A_1364 : memref<1x80xi32, #tpu.memory_space<vmem>> -> memref<80xi32, #tpu.memory_space<vmem>>
      %dma_wait3A_1366 = arith.constant 0 : i32
      %dma_wait3A_1367 = arith.constant 0 : i32
      %dma_wait3A_1368 = tpu.memref_slice %arg12[%dma_wait3A_1366, %dma_wait3A_1367] : memref<9616x32xf32, #tpu.memory_space<vmem_shared>> -> memref<9616x32xf32, #tpu.memory_space<vmem_shared>>
      tpu.wait_indirect_dma semaphore(%run_scoped3A_1358 : memref<!tpu.dma_semaphore, #tpu.memory_space<semaphore_mem>>) src(%arg11 : memref<80x32xf32, #tpu.memory_space<vmem>>) dst(%dma_wait3A_1368 : memref<9616x32xf32, #tpu.memory_space<vmem_shared>>)
      tpu.yield
    }) : () -> ()
    "tpu.region"() ({
      %run_scoped3A_1358 = tpu.sem_alloc : memref<!tpu.dma_semaphore, #tpu.memory_space<semaphore_mem>>
      %dma_start3A = arith.constant 0 : i32
      %dma_start3A_1359 = tpu.memref_slice %arg3[%add3A_1017, %dma_start3A] : memref<10240x32xf32, #tpu.memory_space<hbm>> -> memref<80x32xf32, #tpu.memory_space<hbm>>
      %dma_start3A_1360 = arith.constant 0 : i32
      %dma_start3A_1361 = tpu.memref_slice %arg3[%add3A_1017, %dma_start3A_1360] : memref<10240x32xf32, #tpu.memory_space<hbm>> -> memref<80x32xf32, #tpu.memory_space<hbm>>
      tpu.enqueue_dma source(%dma_start3A_1361 : memref<80x32xf32, #tpu.memory_space<hbm>>) target(%arg11 : memref<80x32xf32, #tpu.memory_space<vmem>>) target_semaphore(%run_scoped3A_1358 : memref<!tpu.dma_semaphore, #tpu.memory_space<semaphore_mem>>)
      %dma_wait3A = arith.constant 0 : i32
      %dma_wait3A_1362 = tpu.memref_slice %arg3[%add3A_1017, %dma_wait3A] : memref<10240x32xf32, #tpu.memory_space<hbm>> -> memref<80x32xf32, #tpu.memory_space<hbm>>
      %dma_wait3A_1363 = arith.constant 0 : i32
      %dma_wait3A_1364 = tpu.memref_slice %arg3[%add3A_1017, %dma_wait3A_1363] : memref<10240x32xf32, #tpu.memory_space<hbm>> -> memref<80x32xf32, #tpu.memory_space<hbm>>
      tpu.wait_dma2 semaphore(%run_scoped3A_1358 : memref<!tpu.dma_semaphore, #tpu.memory_space<semaphore_mem>>) src(%dma_wait3A_1364 : memref<80x32xf32, #tpu.memory_space<hbm>>) dst(%arg11 : memref<80x32xf32, #tpu.memory_space<vmem>>)
      tpu.yield
    }) : () -> ()
    %get3A_1211 = arith.constant 0 : i32
    %get3A_1212 = arith.index_cast %get3A_1211 : i32 to index
    %get3A_1213 = arith.constant 0 : index
    %get3A_1214 = tpu.vector_load %arg10[%get3A_1212, %get3A_1213] {strides = array<i32>} : memref<1x80xi32, #tpu.memory_space<vmem>>, vector<1x16xi32>,
    %get3A_1215 = vector.shape_cast %get3A_1214 : vector<1x16xi32> to vector<16xi32>
    %add3A_1216 = arith.constant 1 : i32
    %add3A_1217 = vector.broadcast %add3A_1216 : i32 to vector<16xi32>
    %add3A_1218 = arith.addi %get3A_1215, %add3A_1217 : vector<16xi32>
    %swap3A_1219 = arith.constant 0 : i32
    %swap3A_1220 = arith.index_cast %swap3A_1219 : i32 to index
    %swap3A_1221 = arith.constant 0 : index
    %swap3A_1222 = tpu.vector_load %arg10[%swap3A_1220, %swap3A_1221] {strides = array<i32>} : memref<1x80xi32, #tpu.memory_space<vmem>>, vector<1x16xi32>,
    %swap3A_1223 = vector.shape_cast %swap3A_1222 : vector<1x16xi32> to vector<16xi32>
    %swap3A_1224 = vector.shape_cast %add3A_1218 : vector<16xi32> to vector<1x16xi32>
    tpu.vector_store %arg10[%swap3A_1220, %swap3A_1221], %swap3A_1224 {strides = array<i32>} : memref<1x80xi32, #tpu.memory_space<vmem>>, vector<1x16xi32>,
    %get3A_1225 = arith.constant 0 : i32
    %get3A_1226 = arith.index_cast %get3A_1225 : i32 to index
    %get3A_1227 = arith.constant 16 : index
    %get3A_1228 = tpu.vector_load %arg10[%get3A_1226, %get3A_1227] {strides = array<i32>} : memref<1x80xi32, #tpu.memory_space<vmem>>, vector<1x16xi32>,
    %get3A_1229 = vector.shape_cast %get3A_1228 : vector<1x16xi32> to vector<16xi32>
    %add3A_1230 = arith.constant 1 : i32
    %add3A_1231 = vector.broadcast %add3A_1230 : i32 to vector<16xi32>
    %add3A_1232 = arith.addi %get3A_1229, %add3A_1231 : vector<16xi32>
    %swap3A_1233 = arith.constant 0 : i32
    %swap3A_1234 = arith.index_cast %swap3A_1233 : i32 to index
    %swap3A_1235 = arith.constant 16 : index
    %swap3A_1236 = tpu.vector_load %arg10[%swap3A_1234, %swap3A_1235] {strides = array<i32>} : memref<1x80xi32, #tpu.memory_space<vmem>>, vector<1x16xi32>,
    %swap3A_1237 = vector.shape_cast %swap3A_1236 : vector<1x16xi32> to vector<16xi32>
    %swap3A_1238 = vector.shape_cast %add3A_1232 : vector<16xi32> to vector<1x16xi32>
    tpu.vector_store %arg10[%swap3A_1234, %swap3A_1235], %swap3A_1238 {strides = array<i32>} : memref<1x80xi32, #tpu.memory_space<vmem>>, vector<1x16xi32>,
    %get3A_1239 = arith.constant 0 : i32
    %get3A_1240 = arith.index_cast %get3A_1239 : i32 to index
    %get3A_1241 = arith.constant 32 : index
    %get3A_1242 = tpu.vector_load %arg10[%get3A_1240, %get3A_1241] {strides = array<i32>} : memref<1x80xi32, #tpu.memory_space<vmem>>, vector<1x16xi32>,
    %get3A_1243 = vector.shape_cast %get3A_1242 : vector<1x16xi32> to vector<16xi32>
    %add3A_1244 = arith.constant 1 : i32
    %add3A_1245 = vector.broadcast %add3A_1244 : i32 to vector<16xi32>
    %add3A_1246 = arith.addi %get3A_1243, %add3A_1245 : vector<16xi32>
    %swap3A_1247 = arith.constant 0 : i32
    %swap3A_1248 = arith.index_cast %swap3A_1247 : i32 to index
    %swap3A_1249 = arith.constant 32 : index
    %swap3A_1250 = tpu.vector_load %arg10[%swap3A_1248, %swap3A_1249] {strides = array<i32>} : memref<1x80xi32, #tpu.memory_space<vmem>>, vector<1x16xi32>,
    %swap3A_1251 = vector.shape_cast %swap3A_1250 : vector<1x16xi32> to vector<16xi32>
    %swap3A_1252 = vector.shape_cast %add3A_1246 : vector<16xi32> to vector<1x16xi32>
    tpu.vector_store %arg10[%swap3A_1248, %swap3A_1249], %swap3A_1252 {strides = array<i32>} : memref<1x80xi32, #tpu.memory_space<vmem>>, vector<1x16xi32>,
    %get3A_1253 = arith.constant 0 : i32
    %get3A_1254 = arith.index_cast %get3A_1253 : i32 to index
    %get3A_1255 = arith.constant 48 : index
    %get3A_1256 = tpu.vector_load %arg10[%get3A_1254, %get3A_1255] {strides = array<i32>} : memref<1x80xi32, #tpu.memory_space<vmem>>, vector<1x16xi32>,
    %get3A_1257 = vector.shape_cast %get3A_1256 : vector<1x16xi32> to vector<16xi32>
    %add3A_1258 = arith.constant 1 : i32
    %add3A_1259 = vector.broadcast %add3A_1258 : i32 to vector<16xi32>
    %add3A_1260 = arith.addi %get3A_1257, %add3A_1259 : vector<16xi32>
    %swap3A_1261 = arith.constant 0 : i32
    %swap3A_1262 = arith.index_cast %swap3A_1261 : i32 to index
    %swap3A_1263 = arith.constant 48 : index
    %swap3A_1264 = tpu.vector_load %arg10[%swap3A_1262, %swap3A_1263] {strides = array<i32>} : memref<1x80xi32, #tpu.memory_space<vmem>>, vector<1x16xi32>,
    %swap3A_1265 = vector.shape_cast %swap3A_1264 : vector<1x16xi32> to vector<16xi32>
    %swap3A_1266 = vector.shape_cast %add3A_1260 : vector<16xi32> to vector<1x16xi32>
    tpu.vector_store %arg10[%swap3A_1262, %swap3A_1263], %swap3A_1266 {strides = array<i32>} : memref<1x80xi32, #tpu.memory_space<vmem>>, vector<1x16xi32>,
    %get3A_1267 = arith.constant 0 : i32
    %get3A_1268 = arith.index_cast %get3A_1267 : i32 to index
    %get3A_1269 = arith.constant 64 : index
    %get3A_1270 = tpu.vector_load %arg10[%get3A_1268, %get3A_1269] {strides = array<i32>} : memref<1x80xi32, #tpu.memory_space<vmem>>, vector<1x16xi32>,
    %get3A_1271 = vector.shape_cast %get3A_1270 : vector<1x16xi32> to vector<16xi32>
    %add3A_1272 = arith.constant 1 : i32
    %add3A_1273 = vector.broadcast %add3A_1272 : i32 to vector<16xi32>
    %add3A_1274 = arith.addi %get3A_1271, %add3A_1273 : vector<16xi32>
    %swap3A_1275 = arith.constant 0 : i32
    %swap3A_1276 = arith.index_cast %swap3A_1275 : i32 to index
    %swap3A_1277 = arith.constant 64 : index
    %swap3A_1278 = tpu.vector_load %arg10[%swap3A_1276, %swap3A_1277] {strides = array<i32>} : memref<1x80xi32, #tpu.memory_space<vmem>>, vector<1x16xi32>,
    %swap3A_1279 = vector.shape_cast %swap3A_1278 : vector<1x16xi32> to vector<16xi32>
    %swap3A_1280 = vector.shape_cast %add3A_1274 : vector<16xi32> to vector<1x16xi32>
    tpu.vector_store %arg10[%swap3A_1276, %swap3A_1277], %swap3A_1280 {strides = array<i32>} : memref<1x80xi32, #tpu.memory_space<vmem>>, vector<1x16xi32>,
    %run_scoped3A_1281 = arith.constant 0 : i32
    "tpu.region"() ({
      %run_scoped3A_1358 = tpu.sem_alloc : memref<!tpu.dma_semaphore, #tpu.memory_space<semaphore_mem>>
      %dma_start3A = arith.constant 0 : i32
      %dma_start3A_1359 = tpu.memref_slice %arg10[%run_scoped3A_1281, %dma_start3A] : memref<1x80xi32, #tpu.memory_space<vmem>> -> memref<1x80xi32, #tpu.memory_space<vmem>>
      %dma_start3A_1360 = tpu.memref_squeeze %dma_start3A_1359 : memref<1x80xi32, #tpu.memory_space<vmem>> -> memref<80xi32, #tpu.memory_space<vmem>>
      %dma_start3A_1361 = arith.constant 0 : i32
      %dma_start3A_1362 = arith.constant 0 : i32
      %dma_start3A_1363 = tpu.memref_slice %arg12[%dma_start3A_1361, %dma_start3A_1362] : memref<9616x32xf32, #tpu.memory_space<vmem_shared>> -> memref<9616x32xf32, #tpu.memory_space<vmem_shared>>
      tpu.enqueue_indirect_dma source(%arg11 : memref<80x32xf32, #tpu.memory_space<vmem>>) target(%dma_start3A_1363 : memref<9616x32xf32, #tpu.memory_space<vmem_shared>>) offsets(%dma_start3A_1360 : memref<80xi32, #tpu.memory_space<vmem>>) semaphore(%run_scoped3A_1358 : memref<!tpu.dma_semaphore, #tpu.memory_space<semaphore_mem>>) {add = true}
      %dma_wait3A = arith.constant 0 : i32
      %dma_wait3A_1364 = tpu.memref_slice %arg10[%run_scoped3A_1281, %dma_wait3A] : memref<1x80xi32, #tpu.memory_space<vmem>> -> memref<1x80xi32, #tpu.memory_space<vmem>>
      %dma_wait3A_1365 = tpu.memref_squeeze %dma_wait3A_1364 : memref<1x80xi32, #tpu.memory_space<vmem>> -> memref<80xi32, #tpu.memory_space<vmem>>
      %dma_wait3A_1366 = arith.constant 0 : i32
      %dma_wait3A_1367 = arith.constant 0 : i32
      %dma_wait3A_1368 = tpu.memref_slice %arg12[%dma_wait3A_1366, %dma_wait3A_1367] : memref<9616x32xf32, #tpu.memory_space<vmem_shared>> -> memref<9616x32xf32, #tpu.memory_space<vmem_shared>>
      tpu.wait_indirect_dma semaphore(%run_scoped3A_1358 : memref<!tpu.dma_semaphore, #tpu.memory_space<semaphore_mem>>) src(%arg11 : memref<80x32xf32, #tpu.memory_space<vmem>>) dst(%dma_wait3A_1368 : memref<9616x32xf32, #tpu.memory_space<vmem_shared>>)
      tpu.yield
    }) : () -> ()
    "tpu.region"() ({
      %run_scoped3A_1358 = tpu.sem_alloc : memref<!tpu.dma_semaphore, #tpu.memory_space<semaphore_mem>>
      %dma_start3A = arith.constant 0 : i32
      %dma_start3A_1359 = tpu.memref_slice %arg4[%add3A_1017, %dma_start3A] : memref<10240x32xf32, #tpu.memory_space<hbm>> -> memref<80x32xf32, #tpu.memory_space<hbm>>
      %dma_start3A_1360 = arith.constant 0 : i32
      %dma_start3A_1361 = tpu.memref_slice %arg4[%add3A_1017, %dma_start3A_1360] : memref<10240x32xf32, #tpu.memory_space<hbm>> -> memref<80x32xf32, #tpu.memory_space<hbm>>
      tpu.enqueue_dma source(%dma_start3A_1361 : memref<80x32xf32, #tpu.memory_space<hbm>>) target(%arg11 : memref<80x32xf32, #tpu.memory_space<vmem>>) target_semaphore(%run_scoped3A_1358 : memref<!tpu.dma_semaphore, #tpu.memory_space<semaphore_mem>>)
      %dma_wait3A = arith.constant 0 : i32
      %dma_wait3A_1362 = tpu.memref_slice %arg4[%add3A_1017, %dma_wait3A] : memref<10240x32xf32, #tpu.memory_space<hbm>> -> memref<80x32xf32, #tpu.memory_space<hbm>>
      %dma_wait3A_1363 = arith.constant 0 : i32
      %dma_wait3A_1364 = tpu.memref_slice %arg4[%add3A_1017, %dma_wait3A_1363] : memref<10240x32xf32, #tpu.memory_space<hbm>> -> memref<80x32xf32, #tpu.memory_space<hbm>>
      tpu.wait_dma2 semaphore(%run_scoped3A_1358 : memref<!tpu.dma_semaphore, #tpu.memory_space<semaphore_mem>>) src(%dma_wait3A_1364 : memref<80x32xf32, #tpu.memory_space<hbm>>) dst(%arg11 : memref<80x32xf32, #tpu.memory_space<vmem>>)
      tpu.yield
    }) : () -> ()
    %get3A_1282 = arith.constant 0 : i32
    %get3A_1283 = arith.index_cast %get3A_1282 : i32 to index
    %get3A_1284 = arith.constant 0 : index
    %get3A_1285 = tpu.vector_load %arg10[%get3A_1283, %get3A_1284] {strides = array<i32>} : memref<1x80xi32, #tpu.memory_space<vmem>>, vector<1x16xi32>,
    %get3A_1286 = vector.shape_cast %get3A_1285 : vector<1x16xi32> to vector<16xi32>
    %add3A_1287 = arith.constant 1 : i32
    %add3A_1288 = vector.broadcast %add3A_1287 : i32 to vector<16xi32>
    %add3A_1289 = arith.addi %get3A_1286, %add3A_1288 : vector<16xi32>
    %swap3A_1290 = arith.constant 0 : i32
    %swap3A_1291 = arith.index_cast %swap3A_1290 : i32 to index
    %swap3A_1292 = arith.constant 0 : index
    %swap3A_1293 = tpu.vector_load %arg10[%swap3A_1291, %swap3A_1292] {strides = array<i32>} : memref<1x80xi32, #tpu.memory_space<vmem>>, vector<1x16xi32>,
    %swap3A_1294 = vector.shape_cast %swap3A_1293 : vector<1x16xi32> to vector<16xi32>
    %swap3A_1295 = vector.shape_cast %add3A_1289 : vector<16xi32> to vector<1x16xi32>
    tpu.vector_store %arg10[%swap3A_1291, %swap3A_1292], %swap3A_1295 {strides = array<i32>} : memref<1x80xi32, #tpu.memory_space<vmem>>, vector<1x16xi32>,
    %get3A_1296 = arith.constant 0 : i32
    %get3A_1297 = arith.index_cast %get3A_1296 : i32 to index
    %get3A_1298 = arith.constant 16 : index
    %get3A_1299 = tpu.vector_load %arg10[%get3A_1297, %get3A_1298] {strides = array<i32>} : memref<1x80xi32, #tpu.memory_space<vmem>>, vector<1x16xi32>,
    %get3A_1300 = vector.shape_cast %get3A_1299 : vector<1x16xi32> to vector<16xi32>
    %add3A_1301 = arith.constant 1 : i32
    %add3A_1302 = vector.broadcast %add3A_1301 : i32 to vector<16xi32>
    %add3A_1303 = arith.addi %get3A_1300, %add3A_1302 : vector<16xi32>
    %swap3A_1304 = arith.constant 0 : i32
    %swap3A_1305 = arith.index_cast %swap3A_1304 : i32 to index
    %swap3A_1306 = arith.constant 16 : index
    %swap3A_1307 = tpu.vector_load %arg10[%swap3A_1305, %swap3A_1306] {strides = array<i32>} : memref<1x80xi32, #tpu.memory_space<vmem>>, vector<1x16xi32>,
    %swap3A_1308 = vector.shape_cast %swap3A_1307 : vector<1x16xi32> to vector<16xi32>
    %swap3A_1309 = vector.shape_cast %add3A_1303 : vector<16xi32> to vector<1x16xi32>
    tpu.vector_store %arg10[%swap3A_1305, %swap3A_1306], %swap3A_1309 {strides = array<i32>} : memref<1x80xi32, #tpu.memory_space<vmem>>, vector<1x16xi32>,
    %get3A_1310 = arith.constant 0 : i32
    %get3A_1311 = arith.index_cast %get3A_1310 : i32 to index
    %get3A_1312 = arith.constant 32 : index
    %get3A_1313 = tpu.vector_load %arg10[%get3A_1311, %get3A_1312] {strides = array<i32>} : memref<1x80xi32, #tpu.memory_space<vmem>>, vector<1x16xi32>,
    %get3A_1314 = vector.shape_cast %get3A_1313 : vector<1x16xi32> to vector<16xi32>
    %add3A_1315 = arith.constant 1 : i32
    %add3A_1316 = vector.broadcast %add3A_1315 : i32 to vector<16xi32>
    %add3A_1317 = arith.addi %get3A_1314, %add3A_1316 : vector<16xi32>
    %swap3A_1318 = arith.constant 0 : i32
    %swap3A_1319 = arith.index_cast %swap3A_1318 : i32 to index
    %swap3A_1320 = arith.constant 32 : index
    %swap3A_1321 = tpu.vector_load %arg10[%swap3A_1319, %swap3A_1320] {strides = array<i32>} : memref<1x80xi32, #tpu.memory_space<vmem>>, vector<1x16xi32>,
    %swap3A_1322 = vector.shape_cast %swap3A_1321 : vector<1x16xi32> to vector<16xi32>
    %swap3A_1323 = vector.shape_cast %add3A_1317 : vector<16xi32> to vector<1x16xi32>
    tpu.vector_store %arg10[%swap3A_1319, %swap3A_1320], %swap3A_1323 {strides = array<i32>} : memref<1x80xi32, #tpu.memory_space<vmem>>, vector<1x16xi32>,
    %get3A_1324 = arith.constant 0 : i32
    %get3A_1325 = arith.index_cast %get3A_1324 : i32 to index
    %get3A_1326 = arith.constant 48 : index
    %get3A_1327 = tpu.vector_load %arg10[%get3A_1325, %get3A_1326] {strides = array<i32>} : memref<1x80xi32, #tpu.memory_space<vmem>>, vector<1x16xi32>,
    %get3A_1328 = vector.shape_cast %get3A_1327 : vector<1x16xi32> to vector<16xi32>
    %add3A_1329 = arith.constant 1 : i32
    %add3A_1330 = vector.broadcast %add3A_1329 : i32 to vector<16xi32>
    %add3A_1331 = arith.addi %get3A_1328, %add3A_1330 : vector<16xi32>
    %swap3A_1332 = arith.constant 0 : i32
    %swap3A_1333 = arith.index_cast %swap3A_1332 : i32 to index
    %swap3A_1334 = arith.constant 48 : index
    %swap3A_1335 = tpu.vector_load %arg10[%swap3A_1333, %swap3A_1334] {strides = array<i32>} : memref<1x80xi32, #tpu.memory_space<vmem>>, vector<1x16xi32>,
    %swap3A_1336 = vector.shape_cast %swap3A_1335 : vector<1x16xi32> to vector<16xi32>
    %swap3A_1337 = vector.shape_cast %add3A_1331 : vector<16xi32> to vector<1x16xi32>
    tpu.vector_store %arg10[%swap3A_1333, %swap3A_1334], %swap3A_1337 {strides = array<i32>} : memref<1x80xi32, #tpu.memory_space<vmem>>, vector<1x16xi32>,
    %get3A_1338 = arith.constant 0 : i32
    %get3A_1339 = arith.index_cast %get3A_1338 : i32 to index
    %get3A_1340 = arith.constant 64 : index
    %get3A_1341 = tpu.vector_load %arg10[%get3A_1339, %get3A_1340] {strides = array<i32>} : memref<1x80xi32, #tpu.memory_space<vmem>>, vector<1x16xi32>,
    %get3A_1342 = vector.shape_cast %get3A_1341 : vector<1x16xi32> to vector<16xi32>
    %add3A_1343 = arith.constant 1 : i32
    %add3A_1344 = vector.broadcast %add3A_1343 : i32 to vector<16xi32>
    %add3A_1345 = arith.addi %get3A_1342, %add3A_1344 : vector<16xi32>
    %swap3A_1346 = arith.constant 0 : i32
    %swap3A_1347 = arith.index_cast %swap3A_1346 : i32 to index
    %swap3A_1348 = arith.constant 64 : index
    %swap3A_1349 = tpu.vector_load %arg10[%swap3A_1347, %swap3A_1348] {strides = array<i32>} : memref<1x80xi32, #tpu.memory_space<vmem>>, vector<1x16xi32>,
    %swap3A_1350 = vector.shape_cast %swap3A_1349 : vector<1x16xi32> to vector<16xi32>
    %swap3A_1351 = vector.shape_cast %add3A_1345 : vector<16xi32> to vector<1x16xi32>
    tpu.vector_store %arg10[%swap3A_1347, %swap3A_1348], %swap3A_1351 {strides = array<i32>} : memref<1x80xi32, #tpu.memory_space<vmem>>, vector<1x16xi32>,
    %run_scoped3A_1352 = arith.constant 0 : i32
    "tpu.region"() ({
      %run_scoped3A_1358 = tpu.sem_alloc : memref<!tpu.dma_semaphore, #tpu.memory_space<semaphore_mem>>
      %dma_start3A = arith.constant 0 : i32
      %dma_start3A_1359 = tpu.memref_slice %arg10[%run_scoped3A_1352, %dma_start3A] : memref<1x80xi32, #tpu.memory_space<vmem>> -> memref<1x80xi32, #tpu.memory_space<vmem>>
      %dma_start3A_1360 = tpu.memref_squeeze %dma_start3A_1359 : memref<1x80xi32, #tpu.memory_space<vmem>> -> memref<80xi32, #tpu.memory_space<vmem>>
      %dma_start3A_1361 = arith.constant 0 : i32
      %dma_start3A_1362 = arith.constant 0 : i32
      %dma_start3A_1363 = tpu.memref_slice %arg12[%dma_start3A_1361, %dma_start3A_1362] : memref<9616x32xf32, #tpu.memory_space<vmem_shared>> -> memref<9616x32xf32, #tpu.memory_space<vmem_shared>>
      tpu.enqueue_indirect_dma source(%arg11 : memref<80x32xf32, #tpu.memory_space<vmem>>) target(%dma_start3A_1363 : memref<9616x32xf32, #tpu.memory_space<vmem_shared>>) offsets(%dma_start3A_1360 : memref<80xi32, #tpu.memory_space<vmem>>) semaphore(%run_scoped3A_1358 : memref<!tpu.dma_semaphore, #tpu.memory_space<semaphore_mem>>) {add = true}
      %dma_wait3A = arith.constant 0 : i32
      %dma_wait3A_1364 = tpu.memref_slice %arg10[%run_scoped3A_1352, %dma_wait3A] : memref<1x80xi32, #tpu.memory_space<vmem>> -> memref<1x80xi32, #tpu.memory_space<vmem>>
      %dma_wait3A_1365 = tpu.memref_squeeze %dma_wait3A_1364 : memref<1x80xi32, #tpu.memory_space<vmem>> -> memref<80xi32, #tpu.memory_space<vmem>>
      %dma_wait3A_1366 = arith.constant 0 : i32
      %dma_wait3A_1367 = arith.constant 0 : i32
      %dma_wait3A_1368 = tpu.memref_slice %arg12[%dma_wait3A_1366, %dma_wait3A_1367] : memref<9616x32xf32, #tpu.memory_space<vmem_shared>> -> memref<9616x32xf32, #tpu.memory_space<vmem_shared>>
      tpu.wait_indirect_dma semaphore(%run_scoped3A_1358 : memref<!tpu.dma_semaphore, #tpu.memory_space<semaphore_mem>>) src(%arg11 : memref<80x32xf32, #tpu.memory_space<vmem>>) dst(%dma_wait3A_1368 : memref<9616x32xf32, #tpu.memory_space<vmem_shared>>)
      tpu.yield
    }) : () -> ()
    %barrier3A_1353 = arith.constant 0 : index
    tpu.barrier barrier_id(%barrier3A_1353)
    %mul3A_1354 = arith.constant 600 : i32
    %mul3A_1355 = arith.muli %arg1, %mul3A_1354 : i32
    %mul3A_1356 = arith.constant 600 : i32
    %mul3A_1357 = arith.muli %arg1, %mul3A_1356 : i32
    "tpu.region"() ({
      %run_scoped3A_1358 = tpu.sem_alloc : memref<!tpu.dma_semaphore, #tpu.memory_space<semaphore_mem>>
      %dma_start3A = arith.constant 0 : i32
      %dma_start3A_1359 = tpu.memref_slice %arg8[%arg0, %mul3A_1357, %dma_start3A] : memref<2x9600x32xf32, #tpu.memory_space<hbm>> -> memref<1x600x32xf32, #tpu.memory_space<hbm>>
      %dma_start3A_1360 = tpu.memref_squeeze %dma_start3A_1359 : memref<1x600x32xf32, #tpu.memory_space<hbm>> -> memref<600x32xf32, #tpu.memory_space<hbm>>
      %dma_start3A_1361 = arith.constant 0 : i32
      %dma_start3A_1362 = tpu.memref_slice %arg12[%mul3A_1355, %dma_start3A_1361] : memref<9616x32xf32, #tpu.memory_space<vmem_shared>> -> memref<600x32xf32, #tpu.memory_space<vmem_shared>>
      tpu.enqueue_dma source(%dma_start3A_1362 : memref<600x32xf32, #tpu.memory_space<vmem_shared>>) target(%dma_start3A_1360 : memref<600x32xf32, #tpu.memory_space<hbm>>) target_semaphore(%run_scoped3A_1358 : memref<!tpu.dma_semaphore, #tpu.memory_space<semaphore_mem>>)
      %dma_wait3A = arith.constant 0 : i32
      %dma_wait3A_1363 = tpu.memref_slice %arg8[%arg0, %mul3A_1357, %dma_wait3A] : memref<2x9600x32xf32, #tpu.memory_space<hbm>> -> memref<1x600x32xf32, #tpu.memory_space<hbm>>
      %dma_wait3A_1364 = tpu.memref_squeeze %dma_wait3A_1363 : memref<1x600x32xf32, #tpu.memory_space<hbm>> -> memref<600x32xf32, #tpu.memory_space<hbm>>
      %dma_wait3A_1365 = arith.constant 0 : i32
      %dma_wait3A_1366 = tpu.memref_slice %arg12[%mul3A_1355, %dma_wait3A_1365] : memref<9616x32xf32, #tpu.memory_space<vmem_shared>> -> memref<600x32xf32, #tpu.memory_space<vmem_shared>>
      tpu.wait_dma2 semaphore(%run_scoped3A_1358 : memref<!tpu.dma_semaphore, #tpu.memory_space<semaphore_mem>>) src(%dma_wait3A_1366 : memref<600x32xf32, #tpu.memory_space<vmem_shared>>) dst(%dma_wait3A_1364 : memref<600x32xf32, #tpu.memory_space<hbm>>)
      tpu.yield
    }) : () -> ()
    return
  }
}

module attributes {stable_mosaic.version = 14 : i64} {
  func.func @_tc_pre_body(%arg0: i32, %arg1: memref<256x128xf32, #tpu.memory_space<vmem>>, %arg2: memref<128x32xf32, #tpu.memory_space<vmem>>, %arg3: memref<256x1xf32, #tpu.memory_space<vmem>>, %arg4: memref<256x1xf32, #tpu.memory_space<vmem>>, %arg5: memref<256x32xf32, #tpu.memory_space<vmem>>, %arg6: memref<256x32xf32, #tpu.memory_space<vmem>>, %arg7: memref<256x1xf32, #tpu.memory_space<vmem>>) attributes {dimension_semantics = [#tpu.dimension_semantics<arbitrary>], iteration_bounds = array<i64: 40>, scalar_prefetch = 0 : i64, scratch_operands = 0 : i64, tpu.core_type = #tpu.core_type<tc>, window_params = [{transform_indices = @transform_0, window_bounds = array<i64: 256, 128>}, {pipeline_mode = #tpu.pipeline_mode<synchronous>, transform_indices = @transform_1, window_bounds = array<i64: 128, 32>}, {transform_indices = @transform_2, window_bounds = array<i64: 256, 1>}, {transform_indices = @transform_3, window_bounds = array<i64: 256, 1>}, {transform_indices = @transform_4, window_bounds = array<i64: 256, 32>}, {transform_indices = @transform_5, window_bounds = array<i64: 256, 32>}, {transform_indices = @transform_6, window_bounds = array<i64: 256, 1>}]} {
    %get3A = arith.constant 0 : index
    %get3A_0 = arith.constant 0 : index
    %get3A_1 = vector.load %arg3[%get3A, %get3A_0] : memref<256x1xf32, #tpu.memory_space<vmem>>, vector<256x1xf32>
    %get3A_2 = arith.constant 0 : index
    %get3A_3 = arith.constant 0 : index
    %get3A_4 = vector.load %arg4[%get3A_2, %get3A_3] : memref<256x1xf32, #tpu.memory_space<vmem>>, vector<256x1xf32>
    %add3A = arith.addf %get3A_1, %get3A_4 : vector<256x1xf32>
    %add3A_5 = arith.constant 1.000000e+00 : f32
    %add3A_6 = vector.broadcast %add3A_5 : f32 to vector<256x1xf32>
    %add3A_7 = arith.addf %add3A, %add3A_6 : vector<256x1xf32>
    %sqrt3A = math.sqrt %add3A_7 : vector<256x1xf32>
    %div3A = arith.constant 1.000000e+00 : f32
    %div3A_8 = vector.broadcast %div3A : f32 to vector<256x1xf32>
    %div3A_9 = arith.divf %div3A_8, %sqrt3A : vector<256x1xf32>
    %get3A_10 = arith.constant 0 : index
    %get3A_11 = arith.constant 0 : index
    %get3A_12 = vector.load %arg1[%get3A_10, %get3A_11] : memref<256x128xf32, #tpu.memory_space<vmem>>, vector<256x128xf32>
    %get3A_13 = arith.constant 0 : index
    %get3A_14 = arith.constant 0 : index
    %get3A_15 = vector.load %arg2[%get3A_13, %get3A_14] : memref<128x32xf32, #tpu.memory_space<vmem>>, vector<128x32xf32>
    %dot_general3A = arith.constant dense<0.000000e+00> : vector<256x32xf32>
    %dot_general3A_16 = tpu.matmul %get3A_12, %get3A_15, %dot_general3A {dimension_numbers = #tpu.dot_dimension_numbers<[1], [0], [0], [1], [0, 0, 1, 1], [], []>, transpose_lhs_hint = false} : vector<256x128xf32>, vector<128x32xf32>, vector<256x32xf32> -> vector<256x32xf32>
    %swap3A = arith.constant 0 : index
    %swap3A_17 = arith.constant 0 : index
    %swap3A_18 = vector.load %arg5[%swap3A, %swap3A_17] : memref<256x32xf32, #tpu.memory_space<vmem>>, vector<256x32xf32>
    tpu.vector_store %arg5[%swap3A, %swap3A_17], %dot_general3A_16 {strides = array<i32>} : memref<256x32xf32, #tpu.memory_space<vmem>>, vector<256x32xf32>,
    %mul3A = vector.broadcast %div3A_9 : vector<256x1xf32> to vector<256x32xf32>
    %mul3A_19 = arith.mulf %dot_general3A_16, %mul3A : vector<256x32xf32>
    %swap3A_20 = arith.constant 0 : index
    %swap3A_21 = arith.constant 0 : index
    %swap3A_22 = vector.load %arg6[%swap3A_20, %swap3A_21] : memref<256x32xf32, #tpu.memory_space<vmem>>, vector<256x32xf32>
    tpu.vector_store %arg6[%swap3A_20, %swap3A_21], %mul3A_19 {strides = array<i32>} : memref<256x32xf32, #tpu.memory_space<vmem>>, vector<256x32xf32>,
    %swap3A_23 = arith.constant 0 : index
    %swap3A_24 = arith.constant 0 : index
    %swap3A_25 = vector.load %arg7[%swap3A_23, %swap3A_24] : memref<256x1xf32, #tpu.memory_space<vmem>>, vector<256x1xf32>
    tpu.vector_store %arg7[%swap3A_23, %swap3A_24], %div3A_9 {strides = array<i32>} : memref<256x1xf32, #tpu.memory_space<vmem>>, vector<256x1xf32>,
    return
  }
  func.func @transform_0(%arg0: i32) -> (i32, i32) {
    %c0_i32 = arith.constant 0 : i32
    %c0_i32_0 = arith.constant 0 : i32
    return %arg0, %c0_i32 : i32, i32
  }
  func.func @transform_1(%arg0: i32) -> (i32, i32) {
    %c0_i32 = arith.constant 0 : i32
    %c0_i32_0 = arith.constant 0 : i32
    %c0_i32_1 = arith.constant 0 : i32
    return %c0_i32, %c0_i32_0 : i32, i32
  }
  func.func @transform_2(%arg0: i32) -> (i32, i32) {
    %c0_i32 = arith.constant 0 : i32
    %c0_i32_0 = arith.constant 0 : i32
    return %arg0, %c0_i32 : i32, i32
  }
  func.func @transform_3(%arg0: i32) -> (i32, i32) {
    %c0_i32 = arith.constant 0 : i32
    %c0_i32_0 = arith.constant 0 : i32
    return %arg0, %c0_i32 : i32, i32
  }
  func.func @transform_4(%arg0: i32) -> (i32, i32) {
    %c0_i32 = arith.constant 0 : i32
    %c0_i32_0 = arith.constant 0 : i32
    return %arg0, %c0_i32 : i32, i32
  }
  func.func @transform_5(%arg0: i32) -> (i32, i32) {
    %c0_i32 = arith.constant 0 : i32
    %c0_i32_0 = arith.constant 0 : i32
    return %arg0, %c0_i32 : i32, i32
  }
  func.func @transform_6(%arg0: i32) -> (i32, i32) {
    %c0_i32 = arith.constant 0 : i32
    %c0_i32_0 = arith.constant 0 : i32
    return %arg0, %c0_i32 : i32, i32
  }
}

module attributes {stable_mosaic.version = 14 : i64} {
  func.func @_tc_combine_body(%arg0: i32, %arg1: memref<256x32xf32, #tpu.memory_space<vmem>>, %arg2: memref<256x32xf32, #tpu.memory_space<vmem>>, %arg3: memref<256x32xf32, #tpu.memory_space<vmem>>, %arg4: memref<256x1xf32, #tpu.memory_space<vmem>>, %arg5: memref<1x32xf32, #tpu.memory_space<vmem>>, %arg6: memref<32x32xf32, #tpu.memory_space<vmem>>, %arg7: memref<256x32xf32, #tpu.memory_space<vmem>>, %arg8: memref<256x32xf32, #tpu.memory_space<vmem>>, %arg9: memref<256x32xf32, #tpu.memory_space<vmem>>) attributes {dimension_semantics = [#tpu.dimension_semantics<arbitrary>], iteration_bounds = array<i64: 40>, scalar_prefetch = 0 : i64, scratch_operands = 0 : i64, tpu.core_type = #tpu.core_type<tc>, window_params = [{transform_indices = @transform_0, window_bounds = array<i64: 256, 32>}, {transform_indices = @transform_1, window_bounds = array<i64: 256, 32>}, {transform_indices = @transform_2, window_bounds = array<i64: 256, 32>}, {transform_indices = @transform_3, window_bounds = array<i64: 256, 1>}, {pipeline_mode = #tpu.pipeline_mode<synchronous>, transform_indices = @transform_4, window_bounds = array<i64: 1, 32>}, {pipeline_mode = #tpu.pipeline_mode<synchronous>, transform_indices = @transform_5, window_bounds = array<i64: 32, 32>}, {transform_indices = @transform_6, window_bounds = array<i64: 256, 32>}, {transform_indices = @transform_7, window_bounds = array<i64: 256, 32>}, {transform_indices = @transform_8, window_bounds = array<i64: 256, 32>}]} {
    %get3A = arith.constant 0 : index
    %get3A_0 = arith.constant 0 : index
    %get3A_1 = vector.load %arg4[%get3A, %get3A_0] : memref<256x1xf32, #tpu.memory_space<vmem>>, vector<256x1xf32>
    %get3A_2 = arith.constant 0 : index
    %get3A_3 = arith.constant 0 : index
    %get3A_4 = vector.load %arg1[%get3A_2, %get3A_3] : memref<256x32xf32, #tpu.memory_space<vmem>>, vector<256x32xf32>
    %get3A_5 = arith.constant 0 : index
    %get3A_6 = arith.constant 0 : index
    %get3A_7 = vector.load %arg2[%get3A_5, %get3A_6] : memref<256x32xf32, #tpu.memory_space<vmem>>, vector<256x32xf32>
    %add3A = arith.addf %get3A_4, %get3A_7 : vector<256x32xf32>
    %mul3A = vector.broadcast %get3A_1 : vector<256x1xf32> to vector<256x32xf32>
    %mul3A_8 = arith.mulf %add3A, %mul3A : vector<256x32xf32>
    %get3A_9 = arith.constant 0 : index
    %get3A_10 = arith.constant 0 : index
    %get3A_11 = vector.load %arg3[%get3A_9, %get3A_10] : memref<256x32xf32, #tpu.memory_space<vmem>>, vector<256x32xf32>
    %mul3A_12 = arith.mulf %get3A_1, %get3A_1 : vector<256x1xf32>
    %mul3A_13 = vector.broadcast %mul3A_12 : vector<256x1xf32> to vector<256x32xf32>
    %mul3A_14 = arith.mulf %get3A_11, %mul3A_13 : vector<256x32xf32>
    %add3A_15 = arith.addf %mul3A_8, %mul3A_14 : vector<256x32xf32>
    %get3A_16 = arith.constant 0 : index
    %get3A_17 = arith.constant 0 : index
    %get3A_18 = vector.load %arg5[%get3A_16, %get3A_17] : memref<1x32xf32, #tpu.memory_space<vmem>>, vector<1x32xf32>
    %add3A_19 = vector.broadcast %get3A_18 : vector<1x32xf32> to vector<256x32xf32>
    %add3A_20 = arith.addf %add3A_15, %add3A_19 : vector<256x32xf32>
    %tanh3A = math.tanh %add3A_20 : vector<256x32xf32>
    %swap3A = arith.constant 0 : index
    %swap3A_21 = arith.constant 0 : index
    %swap3A_22 = vector.load %arg7[%swap3A, %swap3A_21] : memref<256x32xf32, #tpu.memory_space<vmem>>, vector<256x32xf32>
    tpu.vector_store %arg7[%swap3A, %swap3A_21], %tanh3A {strides = array<i32>} : memref<256x32xf32, #tpu.memory_space<vmem>>, vector<256x32xf32>,
    %get3A_23 = arith.constant 0 : index
    %get3A_24 = arith.constant 0 : index
    %get3A_25 = vector.load %arg6[%get3A_23, %get3A_24] : memref<32x32xf32, #tpu.memory_space<vmem>>, vector<32x32xf32>
    %dot_general3A = arith.constant dense<0.000000e+00> : vector<256x32xf32>
    %dot_general3A_26 = tpu.matmul %tanh3A, %get3A_25, %dot_general3A {dimension_numbers = #tpu.dot_dimension_numbers<[1], [0], [0], [1], [0, 0, 1, 1], [], []>, transpose_lhs_hint = false} : vector<256x32xf32>, vector<32x32xf32>, vector<256x32xf32> -> vector<256x32xf32>
    %swap3A_27 = arith.constant 0 : index
    %swap3A_28 = arith.constant 0 : index
    %swap3A_29 = vector.load %arg8[%swap3A_27, %swap3A_28] : memref<256x32xf32, #tpu.memory_space<vmem>>, vector<256x32xf32>
    tpu.vector_store %arg8[%swap3A_27, %swap3A_28], %dot_general3A_26 {strides = array<i32>} : memref<256x32xf32, #tpu.memory_space<vmem>>, vector<256x32xf32>,
    %mul3A_30 = vector.broadcast %get3A_1 : vector<256x1xf32> to vector<256x32xf32>
    %mul3A_31 = arith.mulf %dot_general3A_26, %mul3A_30 : vector<256x32xf32>
    %swap3A_32 = arith.constant 0 : index
    %swap3A_33 = arith.constant 0 : index
    %swap3A_34 = vector.load %arg9[%swap3A_32, %swap3A_33] : memref<256x32xf32, #tpu.memory_space<vmem>>, vector<256x32xf32>
    tpu.vector_store %arg9[%swap3A_32, %swap3A_33], %mul3A_31 {strides = array<i32>} : memref<256x32xf32, #tpu.memory_space<vmem>>, vector<256x32xf32>,
    return
  }
  func.func @transform_0(%arg0: i32) -> (i32, i32) {
    %c0_i32 = arith.constant 0 : i32
    %c0_i32_0 = arith.constant 0 : i32
    return %arg0, %c0_i32 : i32, i32
  }
  func.func @transform_1(%arg0: i32) -> (i32, i32) {
    %c0_i32 = arith.constant 0 : i32
    %c0_i32_0 = arith.constant 0 : i32
    return %arg0, %c0_i32 : i32, i32
  }
  func.func @transform_2(%arg0: i32) -> (i32, i32) {
    %c0_i32 = arith.constant 0 : i32
    %c0_i32_0 = arith.constant 0 : i32
    return %arg0, %c0_i32 : i32, i32
  }
  func.func @transform_3(%arg0: i32) -> (i32, i32) {
    %c0_i32 = arith.constant 0 : i32
    %c0_i32_0 = arith.constant 0 : i32
    return %arg0, %c0_i32 : i32, i32
  }
  func.func @transform_4(%arg0: i32) -> (i32, i32) {
    %c0_i32 = arith.constant 0 : i32
    %c0_i32_0 = arith.constant 0 : i32
    %c0_i32_1 = arith.constant 0 : i32
    return %c0_i32, %c0_i32_0 : i32, i32
  }
  func.func @transform_5(%arg0: i32) -> (i32, i32) {
    %c0_i32 = arith.constant 0 : i32
    %c0_i32_0 = arith.constant 0 : i32
    %c0_i32_1 = arith.constant 0 : i32
    return %c0_i32, %c0_i32_0 : i32, i32
  }
  func.func @transform_6(%arg0: i32) -> (i32, i32) {
    %c0_i32 = arith.constant 0 : i32
    %c0_i32_0 = arith.constant 0 : i32
    return %arg0, %c0_i32 : i32, i32
  }
  func.func @transform_7(%arg0: i32) -> (i32, i32) {
    %c0_i32 = arith.constant 0 : i32
    %c0_i32_0 = arith.constant 0 : i32
    return %arg0, %c0_i32 : i32, i32
  }
  func.func @transform_8(%arg0: i32) -> (i32, i32) {
    %c0_i32 = arith.constant 0 : i32
    %c0_i32_0 = arith.constant 0 : i32
    return %arg0, %c0_i32 : i32, i32
  }
}

module attributes {stable_mosaic.version = 14 : i64} {
  func.func @_tc_combine_body(%arg0: i32, %arg1: memref<256x32xf32, #tpu.memory_space<vmem>>, %arg2: memref<256x32xf32, #tpu.memory_space<vmem>>, %arg3: memref<256x32xf32, #tpu.memory_space<vmem>>, %arg4: memref<256x1xf32, #tpu.memory_space<vmem>>, %arg5: memref<1x32xf32, #tpu.memory_space<vmem>>, %arg6: memref<32x32xf32, #tpu.memory_space<vmem>>, %arg7: memref<256x32xf32, #tpu.memory_space<vmem>>) attributes {dimension_semantics = [#tpu.dimension_semantics<arbitrary>], iteration_bounds = array<i64: 40>, scalar_prefetch = 0 : i64, scratch_operands = 0 : i64, tpu.core_type = #tpu.core_type<tc>, window_params = [{transform_indices = @transform_0, window_bounds = array<i64: 256, 32>}, {transform_indices = @transform_1, window_bounds = array<i64: 256, 32>}, {transform_indices = @transform_2, window_bounds = array<i64: 256, 32>}, {transform_indices = @transform_3, window_bounds = array<i64: 256, 1>}, {pipeline_mode = #tpu.pipeline_mode<synchronous>, transform_indices = @transform_4, window_bounds = array<i64: 1, 32>}, {pipeline_mode = #tpu.pipeline_mode<synchronous>, transform_indices = @transform_5, window_bounds = array<i64: 32, 32>}, {transform_indices = @transform_6, window_bounds = array<i64: 256, 32>}]} {
    %get3A = arith.constant 0 : index
    %get3A_0 = arith.constant 0 : index
    %get3A_1 = vector.load %arg4[%get3A, %get3A_0] : memref<256x1xf32, #tpu.memory_space<vmem>>, vector<256x1xf32>
    %get3A_2 = arith.constant 0 : index
    %get3A_3 = arith.constant 0 : index
    %get3A_4 = vector.load %arg1[%get3A_2, %get3A_3] : memref<256x32xf32, #tpu.memory_space<vmem>>, vector<256x32xf32>
    %get3A_5 = arith.constant 0 : index
    %get3A_6 = arith.constant 0 : index
    %get3A_7 = vector.load %arg2[%get3A_5, %get3A_6] : memref<256x32xf32, #tpu.memory_space<vmem>>, vector<256x32xf32>
    %add3A = arith.addf %get3A_4, %get3A_7 : vector<256x32xf32>
    %mul3A = vector.broadcast %get3A_1 : vector<256x1xf32> to vector<256x32xf32>
    %mul3A_8 = arith.mulf %add3A, %mul3A : vector<256x32xf32>
    %get3A_9 = arith.constant 0 : index
    %get3A_10 = arith.constant 0 : index
    %get3A_11 = vector.load %arg3[%get3A_9, %get3A_10] : memref<256x32xf32, #tpu.memory_space<vmem>>, vector<256x32xf32>
    %mul3A_12 = arith.mulf %get3A_1, %get3A_1 : vector<256x1xf32>
    %mul3A_13 = vector.broadcast %mul3A_12 : vector<256x1xf32> to vector<256x32xf32>
    %mul3A_14 = arith.mulf %get3A_11, %mul3A_13 : vector<256x32xf32>
    %add3A_15 = arith.addf %mul3A_8, %mul3A_14 : vector<256x32xf32>
    %get3A_16 = arith.constant 0 : index
    %get3A_17 = arith.constant 0 : index
    %get3A_18 = vector.load %arg5[%get3A_16, %get3A_17] : memref<1x32xf32, #tpu.memory_space<vmem>>, vector<1x32xf32>
    %add3A_19 = vector.broadcast %get3A_18 : vector<1x32xf32> to vector<256x32xf32>
    %add3A_20 = arith.addf %add3A_15, %add3A_19 : vector<256x32xf32>
    %tanh3A = math.tanh %add3A_20 : vector<256x32xf32>
    %swap3A = arith.constant 0 : index
    %swap3A_21 = arith.constant 0 : index
    %swap3A_22 = vector.load %arg7[%swap3A, %swap3A_21] : memref<256x32xf32, #tpu.memory_space<vmem>>, vector<256x32xf32>
    tpu.vector_store %arg7[%swap3A, %swap3A_21], %tanh3A {strides = array<i32>} : memref<256x32xf32, #tpu.memory_space<vmem>>, vector<256x32xf32>,
    return
  }
  func.func @transform_0(%arg0: i32) -> (i32, i32) {
    %c0_i32 = arith.constant 0 : i32
    %c0_i32_0 = arith.constant 0 : i32
    return %arg0, %c0_i32 : i32, i32
  }
  func.func @transform_1(%arg0: i32) -> (i32, i32) {
    %c0_i32 = arith.constant 0 : i32
    %c0_i32_0 = arith.constant 0 : i32
    return %arg0, %c0_i32 : i32, i32
  }
  func.func @transform_2(%arg0: i32) -> (i32, i32) {
    %c0_i32 = arith.constant 0 : i32
    %c0_i32_0 = arith.constant 0 : i32
    return %arg0, %c0_i32 : i32, i32
  }
  func.func @transform_3(%arg0: i32) -> (i32, i32) {
    %c0_i32 = arith.constant 0 : i32
    %c0_i32_0 = arith.constant 0 : i32
    return %arg0, %c0_i32 : i32, i32
  }
  func.func @transform_4(%arg0: i32) -> (i32, i32) {
    %c0_i32 = arith.constant 0 : i32
    %c0_i32_0 = arith.constant 0 : i32
    %c0_i32_1 = arith.constant 0 : i32
    return %c0_i32, %c0_i32_0 : i32, i32
  }
  func.func @transform_5(%arg0: i32) -> (i32, i32) {
    %c0_i32 = arith.constant 0 : i32
    %c0_i32_0 = arith.constant 0 : i32
    %c0_i32_1 = arith.constant 0 : i32
    return %c0_i32, %c0_i32_0 : i32, i32
  }
  func.func @transform_6(%arg0: i32) -> (i32, i32) {
    %c0_i32 = arith.constant 0 : i32
    %c0_i32_0 = arith.constant 0 : i32
    return %arg0, %c0_i32 : i32, i32
  }
}

module attributes {stable_mosaic.version = 14 : i64} {
  func.func @_tc_rank_body(%arg0: i32, %arg1: memref<256x1xf32, #tpu.memory_space<vmem>>, %arg2: memref<256x1xi32, #tpu.memory_space<vmem>>, %arg3: memref<40x256xf32, #tpu.memory_space<vmem>>, %arg4: memref<40x256xi32, #tpu.memory_space<vmem>>, %arg5: memref<40xi32, #tpu.memory_space<smem>>, %arg6: memref<40xi32, #tpu.memory_space<smem>>, %arg7: memref<256x1xi32, #tpu.memory_space<vmem>>) attributes {dimension_semantics = [#tpu.dimension_semantics<arbitrary>], iteration_bounds = array<i64: 40>, scalar_prefetch = 0 : i64, scratch_operands = 0 : i64, tpu.core_type = #tpu.core_type<tc>, window_params = [{transform_indices = @transform_0, window_bounds = array<i64: 256, 1>}, {transform_indices = @transform_1, window_bounds = array<i64: 256, 1>}, {pipeline_mode = #tpu.pipeline_mode<synchronous>, transform_indices = @transform_2, window_bounds = array<i64: 40, 256>}, {pipeline_mode = #tpu.pipeline_mode<synchronous>, transform_indices = @transform_3, window_bounds = array<i64: 40, 256>}, {transform_indices = @transform_4, window_bounds = array<i64: 40>}, {transform_indices = @transform_5, window_bounds = array<i64: 40>}, {transform_indices = @transform_6, window_bounds = array<i64: 256, 1>}]} {
    %get3A = arith.constant 0 : index
    %get3A_0 = arith.constant 0 : index
    %get3A_1 = vector.load %arg1[%get3A, %get3A_0] : memref<256x1xf32, #tpu.memory_space<vmem>>, vector<256x1xf32>
    %get3A_2 = arith.constant 0 : index
    %get3A_3 = arith.constant 0 : index
    %get3A_4 = vector.load %arg2[%get3A_2, %get3A_3] : memref<256x1xi32, #tpu.memory_space<vmem>>, vector<256x1xi32>
    %mul3A = arith.constant 256 : i32
    %mul3A_5 = arith.muli %arg0, %mul3A : i32
    %iota3A = tpu.iota {dimensions = array<i32: 0>} : vector<256x1xi32>
    %add3A = vector.broadcast %mul3A_5 : i32 to vector<256x1xi32>
    %add3A_6 = arith.addi %add3A, %iota3A : vector<256x1xi32>
    %broadcast_in_dim3A = arith.constant 0 : i32
    %broadcast_in_dim3A_7 = vector.broadcast %broadcast_in_dim3A : i32 to vector<256x1xi32>
    %get3A_8 = arith.index_cast %arg0 : i32 to index
    %get3A_9 = memref.load %arg5[%get3A_8] : memref<40xi32, #tpu.memory_space<smem>>
    %get3A_10 = arith.index_cast %arg0 : i32 to index
    %get3A_11 = memref.load %arg6[%get3A_10] : memref<40xi32, #tpu.memory_space<smem>>
    %while3A = arith.subi %get3A_11, %get3A_9 : i32
    %while3A_12 = arith.addi %get3A_9, %while3A : i32
    %while3A_13 = arith.constant 1 : i32
    %while3A_14 = arith.divsi %while3A, %while3A_13 : i32
    %while3A_15 = arith.muli %while3A_14, %while3A_13 : i32
    %while3A_16 = arith.addi %get3A_9, %while3A_15 : i32
    %while3A_17 = arith.constant 1 : i32
    %while3A_18 = scf.for %while3A_23 = %get3A_9 to %while3A_16 step %while3A_17 iter_args(%while3A_24 = %broadcast_in_dim3A_7) -> (vector<256x1xi32>)  : i32 {
      %get3A_25 = arith.index_cast %while3A_23 : i32 to index
      %get3A_26 = arith.constant 0 : index
      %get3A_27 = vector.load %arg3[%get3A_25, %get3A_26] : memref<40x256xf32, #tpu.memory_space<vmem>>, vector<1x256xf32>
      %get3A_28 = arith.index_cast %while3A_23 : i32 to index
      %get3A_29 = arith.constant 0 : index
      %get3A_30 = vector.load %arg4[%get3A_28, %get3A_29] : memref<40x256xi32, #tpu.memory_space<vmem>>, vector<1x256xi32>
      %mul3A_31 = arith.constant 256 : i32
      %mul3A_32 = arith.muli %while3A_23, %mul3A_31 : i32
      %iota3A_33 = tpu.iota {dimensions = array<i32: 1>} : vector<1x256xi32>
      %add3A_34 = vector.broadcast %mul3A_32 : i32 to vector<1x256xi32>
      %add3A_35 = arith.addi %add3A_34, %iota3A_33 : vector<1x256xi32>
      %eq3A = vector.broadcast %get3A_4 : vector<256x1xi32> to vector<256x256xi32>
      %eq3A_36 = vector.broadcast %get3A_30 : vector<1x256xi32> to vector<256x256xi32>
      %eq3A_37 = arith.cmpi eq, %eq3A, %eq3A_36 : vector<256x256xi32>
      %gt3A = vector.broadcast %get3A_27 : vector<1x256xf32> to vector<256x256xf32>
      %gt3A_38 = vector.broadcast %get3A_1 : vector<256x1xf32> to vector<256x256xf32>
      %gt3A_39 = arith.cmpf ogt, %gt3A, %gt3A_38 : vector<256x256xf32>
      %eq3A_40 = vector.broadcast %get3A_27 : vector<1x256xf32> to vector<256x256xf32>
      %eq3A_41 = vector.broadcast %get3A_1 : vector<256x1xf32> to vector<256x256xf32>
      %eq3A_42 = arith.cmpf oeq, %eq3A_40, %eq3A_41 : vector<256x256xf32>
      %lt3A = vector.broadcast %add3A_35 : vector<1x256xi32> to vector<256x256xi32>
      %lt3A_43 = vector.broadcast %add3A_6 : vector<256x1xi32> to vector<256x256xi32>
      %lt3A_44 = arith.cmpi slt, %lt3A, %lt3A_43 : vector<256x256xi32>
      %and3A = arith.andi %eq3A_42, %lt3A_44 : vector<256x256xi1>
      %or3A = arith.ori %gt3A_39, %and3A : vector<256x256xi1>
      %and3A_45 = arith.andi %eq3A_37, %or3A : vector<256x256xi1>
      %convert_element_type3A = arith.extui %and3A_45 : vector<256x256xi1> to vector<256x256xi32>
      %reduce_sum3A = arith.constant dense<0> : vector<256xi32>
      %reduce_sum3A_46 = vector.multi_reduction <add>, %convert_element_type3A, %reduce_sum3A [1] : vector<256x256xi32> to vector<256xi32>
      %broadcast_in_dim3A_47 = vector.shape_cast %reduce_sum3A_46 : vector<256xi32> to vector<256x1xi32>
      %add3A_48 = arith.addi %while3A_24, %broadcast_in_dim3A_47 : vector<256x1xi32>
      scf.yield %add3A_48 : vector<256x1xi32>
    }
    %while3A_19 = arith.constant 1 : i32
    %while3A_20 = scf.for %while3A_23 = %while3A_16 to %while3A_12 step %while3A_19 iter_args(%while3A_24 = %while3A_18) -> (vector<256x1xi32>)  : i32 {
      %get3A_25 = arith.index_cast %while3A_23 : i32 to index
      %get3A_26 = arith.constant 0 : index
      %get3A_27 = vector.load %arg3[%get3A_25, %get3A_26] : memref<40x256xf32, #tpu.memory_space<vmem>>, vector<1x256xf32>
      %get3A_28 = arith.index_cast %while3A_23 : i32 to index
      %get3A_29 = arith.constant 0 : index
      %get3A_30 = vector.load %arg4[%get3A_28, %get3A_29] : memref<40x256xi32, #tpu.memory_space<vmem>>, vector<1x256xi32>
      %mul3A_31 = arith.constant 256 : i32
      %mul3A_32 = arith.muli %while3A_23, %mul3A_31 : i32
      %iota3A_33 = tpu.iota {dimensions = array<i32: 1>} : vector<1x256xi32>
      %add3A_34 = vector.broadcast %mul3A_32 : i32 to vector<1x256xi32>
      %add3A_35 = arith.addi %add3A_34, %iota3A_33 : vector<1x256xi32>
      %eq3A = vector.broadcast %get3A_4 : vector<256x1xi32> to vector<256x256xi32>
      %eq3A_36 = vector.broadcast %get3A_30 : vector<1x256xi32> to vector<256x256xi32>
      %eq3A_37 = arith.cmpi eq, %eq3A, %eq3A_36 : vector<256x256xi32>
      %gt3A = vector.broadcast %get3A_27 : vector<1x256xf32> to vector<256x256xf32>
      %gt3A_38 = vector.broadcast %get3A_1 : vector<256x1xf32> to vector<256x256xf32>
      %gt3A_39 = arith.cmpf ogt, %gt3A, %gt3A_38 : vector<256x256xf32>
      %eq3A_40 = vector.broadcast %get3A_27 : vector<1x256xf32> to vector<256x256xf32>
      %eq3A_41 = vector.broadcast %get3A_1 : vector<256x1xf32> to vector<256x256xf32>
      %eq3A_42 = arith.cmpf oeq, %eq3A_40, %eq3A_41 : vector<256x256xf32>
      %lt3A = vector.broadcast %add3A_35 : vector<1x256xi32> to vector<256x256xi32>
      %lt3A_43 = vector.broadcast %add3A_6 : vector<256x1xi32> to vector<256x256xi32>
      %lt3A_44 = arith.cmpi slt, %lt3A, %lt3A_43 : vector<256x256xi32>
      %and3A = arith.andi %eq3A_42, %lt3A_44 : vector<256x256xi1>
      %or3A = arith.ori %gt3A_39, %and3A : vector<256x256xi1>
      %and3A_45 = arith.andi %eq3A_37, %or3A : vector<256x256xi1>
      %convert_element_type3A = arith.extui %and3A_45 : vector<256x256xi1> to vector<256x256xi32>
      %reduce_sum3A = arith.constant dense<0> : vector<256xi32>
      %reduce_sum3A_46 = vector.multi_reduction <add>, %convert_element_type3A, %reduce_sum3A [1] : vector<256x256xi32> to vector<256xi32>
      %broadcast_in_dim3A_47 = vector.shape_cast %reduce_sum3A_46 : vector<256xi32> to vector<256x1xi32>
      %add3A_48 = arith.addi %while3A_24, %broadcast_in_dim3A_47 : vector<256x1xi32>
      scf.yield %add3A_48 : vector<256x1xi32>
    }
    %swap3A = arith.constant 0 : index
    %swap3A_21 = arith.constant 0 : index
    %swap3A_22 = vector.load %arg7[%swap3A, %swap3A_21] : memref<256x1xi32, #tpu.memory_space<vmem>>, vector<256x1xi32>
    tpu.vector_store %arg7[%swap3A, %swap3A_21], %while3A_20 {strides = array<i32>} : memref<256x1xi32, #tpu.memory_space<vmem>>, vector<256x1xi32>,
    return
  }
  func.func @transform_0(%arg0: i32) -> (i32, i32) {
    %c0_i32 = arith.constant 0 : i32
    %c0_i32_0 = arith.constant 0 : i32
    return %arg0, %c0_i32 : i32, i32
  }
  func.func @transform_1(%arg0: i32) -> (i32, i32) {
    %c0_i32 = arith.constant 0 : i32
    %c0_i32_0 = arith.constant 0 : i32
    return %arg0, %c0_i32 : i32, i32
  }
  func.func @transform_2(%arg0: i32) -> (i32, i32) {
    %c0_i32 = arith.constant 0 : i32
    %c0_i32_0 = arith.constant 0 : i32
    %c0_i32_1 = arith.constant 0 : i32
    return %c0_i32, %c0_i32_0 : i32, i32
  }
  func.func @transform_3(%arg0: i32) -> (i32, i32) {
    %c0_i32 = arith.constant 0 : i32
    %c0_i32_0 = arith.constant 0 : i32
    %c0_i32_1 = arith.constant 0 : i32
    return %c0_i32, %c0_i32_0 : i32, i32
  }
  func.func @transform_4(%arg0: i32) -> i32 {
    %c0_i32 = arith.constant 0 : i32
    %c0_i32_0 = arith.constant 0 : i32
    return %c0_i32 : i32
  }
  func.func @transform_5(%arg0: i32) -> i32 {
    %c0_i32 = arith.constant 0 : i32
    %c0_i32_0 = arith.constant 0 : i32
    return %c0_i32 : i32
  }
  func.func @transform_6(%arg0: i32) -> (i32, i32) {
    %c0_i32 = arith.constant 0 : i32
    %c0_i32_0 = arith.constant 0 : i32
    return %arg0, %c0_i32 : i32, i32
  }
}

module attributes {stable_mosaic.version = 14 : i64} {
  func.func @_tc_priors1_body(%arg0: i32, %arg1: memref<1x64x96xf32, #tpu.memory_space<vmem>>, %arg2: memref<1x64x96xf32, #tpu.memory_space<vmem>>, %arg3: memref<1x96x512xf32, #tpu.memory_space<vmem>>, %arg4: memref<1x64x512xf32, #tpu.memory_space<vmem>>, %arg5: memref<64x512xf32, #tpu.memory_space<vmem>>) attributes {dimension_semantics = [#tpu.dimension_semantics<arbitrary>], iteration_bounds = array<i64: 50>, scalar_prefetch = 0 : i64, scratch_operands = 0 : i64, tpu.core_type = #tpu.core_type<tc>, window_params = [{transform_indices = @transform_0, window_bounds = array<i64: 1, 64, 96>}, {transform_indices = @transform_1, window_bounds = array<i64: 1, 64, 96>}, {transform_indices = @transform_2, window_bounds = array<i64: 1, 96, 512>}, {transform_indices = @transform_3, window_bounds = array<i64: 1, 64, 512>}, {pipeline_mode = #tpu.pipeline_mode<synchronous>, transform_indices = @transform_4, window_bounds = array<i64: 64, 512>}]} {
    %get3A = arith.constant 0 : index
    %get3A_0 = arith.constant 0 : index
    %get3A_1 = arith.constant 0 : index
    %get3A_2 = vector.load %arg1[%get3A, %get3A_0, %get3A_1] : memref<1x64x96xf32, #tpu.memory_space<vmem>>, vector<1x64x96xf32>
    %get3A_3 = vector.shape_cast %get3A_2 : vector<1x64x96xf32> to vector<64x96xf32>
    %get3A_4 = arith.constant 0 : index
    %get3A_5 = arith.constant 0 : index
    %get3A_6 = arith.constant 0 : index
    %get3A_7 = vector.load %arg2[%get3A_4, %get3A_5, %get3A_6] : memref<1x64x96xf32, #tpu.memory_space<vmem>>, vector<1x64x96xf32>
    %get3A_8 = vector.shape_cast %get3A_7 : vector<1x64x96xf32> to vector<64x96xf32>
    %add3A = arith.addf %get3A_3, %get3A_8 : vector<64x96xf32>
    %get3A_9 = arith.constant 0 : index
    %get3A_10 = arith.constant 0 : index
    %get3A_11 = arith.constant 0 : index
    %get3A_12 = vector.load %arg3[%get3A_9, %get3A_10, %get3A_11] : memref<1x96x512xf32, #tpu.memory_space<vmem>>, vector<1x96x512xf32>
    %get3A_13 = vector.shape_cast %get3A_12 : vector<1x96x512xf32> to vector<96x512xf32>
    %dot_general3A = arith.constant dense<0.000000e+00> : vector<64x512xf32>
    %dot_general3A_14 = tpu.matmul %add3A, %get3A_13, %dot_general3A {dimension_numbers = #tpu.dot_dimension_numbers<[1], [0], [0], [1], [0, 0, 1, 1], [], []>, precision = #tpu.contract_precision<fp32>, transpose_lhs_hint = false} : vector<64x96xf32>, vector<96x512xf32>, vector<64x512xf32> -> vector<64x512xf32>
    %swap3A = arith.constant 0 : index
    %swap3A_15 = arith.constant 0 : index
    %swap3A_16 = arith.constant 0 : index
    %swap3A_17 = vector.load %arg4[%swap3A, %swap3A_15, %swap3A_16] : memref<1x64x512xf32, #tpu.memory_space<vmem>>, vector<1x64x512xf32>
    %swap3A_18 = vector.shape_cast %swap3A_17 : vector<1x64x512xf32> to vector<64x512xf32>
    %swap3A_19 = vector.shape_cast %dot_general3A_14 : vector<64x512xf32> to vector<1x64x512xf32>
    tpu.vector_store %arg4[%swap3A, %swap3A_15, %swap3A_16], %swap3A_19 {strides = array<i32>} : memref<1x64x512xf32, #tpu.memory_space<vmem>>, vector<1x64x512xf32>,
    %eq3A = arith.constant 0 : i32
    %eq3A_20 = arith.cmpi eq, %arg0, %eq3A : i32
    %convert_element_type3A = arith.extui %eq3A_20 : i1 to i32
    %cond3A = arith.constant 0 : i32
    %cond3A_21 = arith.cmpi ne, %convert_element_type3A, %cond3A : i32
    scf.if %cond3A_21 {
      %broadcast_in_dim3A = arith.constant 0.000000e+00 : f32
      %broadcast_in_dim3A_29 = vector.broadcast %broadcast_in_dim3A : f32 to vector<64x512xf32>
      %swap3A_30 = arith.constant 0 : index
      %swap3A_31 = arith.constant 0 : index
      %swap3A_32 = vector.load %arg5[%swap3A_30, %swap3A_31] : memref<64x512xf32, #tpu.memory_space<vmem>>, vector<64x512xf32>
      tpu.vector_store %arg5[%swap3A_30, %swap3A_31], %broadcast_in_dim3A_29 {strides = array<i32>} : memref<64x512xf32, #tpu.memory_space<vmem>>, vector<64x512xf32>,
    } else {
    }
    %get3A_22 = arith.constant 0 : index
    %get3A_23 = arith.constant 0 : index
    %get3A_24 = vector.load %arg5[%get3A_22, %get3A_23] : memref<64x512xf32, #tpu.memory_space<vmem>>, vector<64x512xf32>
    %add3A_25 = arith.addf %get3A_24, %dot_general3A_14 : vector<64x512xf32>
    %swap3A_26 = arith.constant 0 : index
    %swap3A_27 = arith.constant 0 : index
    %swap3A_28 = vector.load %arg5[%swap3A_26, %swap3A_27] : memref<64x512xf32, #tpu.memory_space<vmem>>, vector<64x512xf32>
    tpu.vector_store %arg5[%swap3A_26, %swap3A_27], %add3A_25 {strides = array<i32>} : memref<64x512xf32, #tpu.memory_space<vmem>>, vector<64x512xf32>,
    return
  }
  func.func @transform_0(%arg0: i32) -> (i32, i32, i32) {
    %c0_i32 = arith.constant 0 : i32
    %c0_i32_0 = arith.constant 0 : i32
    %c0_i32_1 = arith.constant 0 : i32
    return %arg0, %c0_i32, %c0_i32_0 : i32, i32, i32
  }
  func.func @transform_1(%arg0: i32) -> (i32, i32, i32) {
    %c0_i32 = arith.constant 0 : i32
    %c0_i32_0 = arith.constant 0 : i32
    %c0_i32_1 = arith.constant 0 : i32
    return %arg0, %c0_i32, %c0_i32_0 : i32, i32, i32
  }
  func.func @transform_2(%arg0: i32) -> (i32, i32, i32) {
    %c0_i32 = arith.constant 0 : i32
    %c0_i32_0 = arith.constant 0 : i32
    %c0_i32_1 = arith.constant 0 : i32
    return %arg0, %c0_i32, %c0_i32_0 : i32, i32, i32
  }
  func.func @transform_3(%arg0: i32) -> (i32, i32, i32) {
    %c0_i32 = arith.constant 0 : i32
    %c0_i32_0 = arith.constant 0 : i32
    %c0_i32_1 = arith.constant 0 : i32
    return %arg0, %c0_i32, %c0_i32_0 : i32, i32, i32
  }
  func.func @transform_4(%arg0: i32) -> (i32, i32) {
    %c0_i32 = arith.constant 0 : i32
    %c0_i32_0 = arith.constant 0 : i32
    %c0_i32_1 = arith.constant 0 : i32
    return %c0_i32, %c0_i32_0 : i32, i32
  }
}

module attributes {stable_mosaic.version = 14 : i64} {
  func.func @_tc_squash_body(%arg0: memref<64x512xf32, #tpu.memory_space<vmem>>, %arg1: memref<512x16xf32, #tpu.memory_space<vmem>>, %arg2: memref<16x512xf32, #tpu.memory_space<vmem>>, %arg3: memref<64x512xf32, #tpu.memory_space<vmem>>) attributes {dimension_semantics = [], scalar_prefetch = 0 : i64, scratch_operands = 0 : i64, tpu.core_type = #tpu.core_type<tc>} {
    %get3A = arith.constant 0 : index
    %get3A_0 = arith.constant 0 : index
    %get3A_1 = vector.load %arg0[%get3A, %get3A_0] : memref<64x512xf32, #tpu.memory_space<vmem>>, vector<64x512xf32>
    %mul3A = arith.constant 6.250000e-02 : f32
    %mul3A_2 = vector.broadcast %mul3A : f32 to vector<64x512xf32>
    %mul3A_3 = arith.mulf %get3A_1, %mul3A_2 : vector<64x512xf32>
    %get3A_4 = arith.constant 0 : index
    %get3A_5 = arith.constant 0 : index
    %get3A_6 = vector.load %arg1[%get3A_4, %get3A_5] : memref<512x16xf32, #tpu.memory_space<vmem>>, vector<512x16xf32>
    %get3A_7 = arith.constant 0 : index
    %get3A_8 = arith.constant 0 : index
    %get3A_9 = vector.load %arg2[%get3A_7, %get3A_8] : memref<16x512xf32, #tpu.memory_space<vmem>>, vector<16x512xf32>
    %mul3A_10 = arith.mulf %mul3A_3, %mul3A_3 : vector<64x512xf32>
    %dot_general3A = arith.constant dense<0.000000e+00> : vector<64x16xf32>
    %dot_general3A_11 = tpu.matmul %mul3A_10, %get3A_6, %dot_general3A {dimension_numbers = #tpu.dot_dimension_numbers<[1], [0], [0], [1], [0, 0, 1, 1], [], []>, precision = #tpu.contract_precision<fp32>, transpose_lhs_hint = false} : vector<64x512xf32>, vector<512x16xf32>, vector<64x16xf32> -> vector<64x16xf32>
    %add3A = arith.constant 1.000000e+00 : f32
    %add3A_12 = vector.broadcast %add3A : f32 to vector<64x16xf32>
    %add3A_13 = arith.addf %add3A_12, %dot_general3A_11 : vector<64x16xf32>
    %div3A = arith.divf %dot_general3A_11, %add3A_13 : vector<64x16xf32>
    %add3A_14 = arith.constant 1.000000e-16 : f32
    %add3A_15 = vector.broadcast %add3A_14 : f32 to vector<64x16xf32>
    %add3A_16 = arith.addf %dot_general3A_11, %add3A_15 : vector<64x16xf32>
    %sqrt3A = math.sqrt %add3A_16 : vector<64x16xf32>
    %div3A_17 = arith.divf %div3A, %sqrt3A : vector<64x16xf32>
    %dot_general3A_18 = arith.constant dense<0.000000e+00> : vector<64x512xf32>
    %dot_general3A_19 = tpu.matmul %div3A_17, %get3A_9, %dot_general3A_18 {dimension_numbers = #tpu.dot_dimension_numbers<[1], [0], [0], [1], [0, 0, 1, 1], [], []>, precision = #tpu.contract_precision<fp32>, transpose_lhs_hint = false} : vector<64x16xf32>, vector<16x512xf32>, vector<64x512xf32> -> vector<64x512xf32>
    %mul3A_20 = arith.mulf %mul3A_3, %dot_general3A_19 : vector<64x512xf32>
    %swap3A = arith.constant 0 : index
    %swap3A_21 = arith.constant 0 : index
    %swap3A_22 = vector.load %arg3[%swap3A, %swap3A_21] : memref<64x512xf32, #tpu.memory_space<vmem>>, vector<64x512xf32>
    tpu.vector_store %arg3[%swap3A, %swap3A_21], %mul3A_20 {strides = array<i32>} : memref<64x512xf32, #tpu.memory_space<vmem>>, vector<64x512xf32>,
    return
  }
}

module attributes {stable_mosaic.version = 14 : i64} {
  func.func @_tc_route_step_body(%arg0: i32, %arg1: memref<1x64x512xf32, #tpu.memory_space<vmem>>, %arg2: memref<1x64x16xf32, #tpu.memory_space<vmem>>, %arg3: memref<64x512xf32, #tpu.memory_space<vmem>>, %arg4: memref<512x16xf32, #tpu.memory_space<vmem>>, %arg5: memref<16x512xf32, #tpu.memory_space<vmem>>, %arg6: memref<1x64x16xf32, #tpu.memory_space<vmem>>, %arg7: memref<64x512xf32, #tpu.memory_space<vmem>>) attributes {dimension_semantics = [#tpu.dimension_semantics<arbitrary>], iteration_bounds = array<i64: 50>, scalar_prefetch = 0 : i64, scratch_operands = 0 : i64, tpu.core_type = #tpu.core_type<tc>, window_params = [{transform_indices = @transform_0, window_bounds = array<i64: 1, 64, 512>}, {transform_indices = @transform_1, window_bounds = array<i64: 1, 64, 16>}, {pipeline_mode = #tpu.pipeline_mode<synchronous>, transform_indices = @transform_2, window_bounds = array<i64: 64, 512>}, {pipeline_mode = #tpu.pipeline_mode<synchronous>, transform_indices = @transform_3, window_bounds = array<i64: 512, 16>}, {pipeline_mode = #tpu.pipeline_mode<synchronous>, transform_indices = @transform_4, window_bounds = array<i64: 16, 512>}, {transform_indices = @transform_5, window_bounds = array<i64: 1, 64, 16>}, {pipeline_mode = #tpu.pipeline_mode<synchronous>, transform_indices = @transform_6, window_bounds = array<i64: 64, 512>}]} {
    %get3A = arith.constant 0 : index
    %get3A_0 = arith.constant 0 : index
    %get3A_1 = arith.constant 0 : index
    %get3A_2 = vector.load %arg1[%get3A, %get3A_0, %get3A_1] : memref<1x64x512xf32, #tpu.memory_space<vmem>>, vector<1x64x512xf32>
    %get3A_3 = vector.shape_cast %get3A_2 : vector<1x64x512xf32> to vector<64x512xf32>
    %get3A_4 = arith.constant 0 : index
    %get3A_5 = arith.constant 0 : index
    %get3A_6 = vector.load %arg3[%get3A_4, %get3A_5] : memref<64x512xf32, #tpu.memory_space<vmem>>, vector<64x512xf32>
    %mul3A = arith.mulf %get3A_3, %get3A_6 : vector<64x512xf32>
    %get3A_7 = arith.constant 0 : index
    %get3A_8 = arith.constant 0 : index
    %get3A_9 = vector.load %arg4[%get3A_7, %get3A_8] : memref<512x16xf32, #tpu.memory_space<vmem>>, vector<512x16xf32>
    %dot_general3A = arith.constant dense<0.000000e+00> : vector<64x16xf32>
    %dot_general3A_10 = tpu.matmul %mul3A, %get3A_9, %dot_general3A {dimension_numbers = #tpu.dot_dimension_numbers<[1], [0], [0], [1], [0, 0, 1, 1], [], []>, precision = #tpu.contract_precision<fp32>, transpose_lhs_hint = false} : vector<64x512xf32>, vector<512x16xf32>, vector<64x16xf32> -> vector<64x16xf32>
    %swap3A = arith.constant 0 : index
    %swap3A_11 = arith.constant 0 : index
    %swap3A_12 = arith.constant 0 : index
    %swap3A_13 = vector.load %arg6[%swap3A, %swap3A_11, %swap3A_12] : memref<1x64x16xf32, #tpu.memory_space<vmem>>, vector<1x64x16xf32>
    %swap3A_14 = vector.shape_cast %swap3A_13 : vector<1x64x16xf32> to vector<64x16xf32>
    %swap3A_15 = vector.shape_cast %dot_general3A_10 : vector<64x16xf32> to vector<1x64x16xf32>
    tpu.vector_store %arg6[%swap3A, %swap3A_11, %swap3A_12], %swap3A_15 {strides = array<i32>} : memref<1x64x16xf32, #tpu.memory_space<vmem>>, vector<1x64x16xf32>,
    %reduce_max3A = arith.constant dense<0xFF800000> : vector<64xf32>
    %reduce_max3A_16 = vector.multi_reduction <maximumf>, %dot_general3A_10, %reduce_max3A [1] : vector<64x16xf32> to vector<64xf32>
    %broadcast_in_dim3A = vector.shape_cast %reduce_max3A_16 : vector<64xf32> to vector<64x1xf32>
    %sub3A = vector.broadcast %broadcast_in_dim3A : vector<64x1xf32> to vector<64x16xf32>
    %sub3A_17 = arith.subf %dot_general3A_10, %sub3A : vector<64x16xf32>
    %exp3A = math.exp %sub3A_17 : vector<64x16xf32>
    %reduce_sum3A = arith.constant dense<0.000000e+00> : vector<64xf32>
    %reduce_sum3A_18 = vector.multi_reduction <add>, %exp3A, %reduce_sum3A [1] : vector<64x16xf32> to vector<64xf32>
    %broadcast_in_dim3A_19 = vector.shape_cast %reduce_sum3A_18 : vector<64xf32> to vector<64x1xf32>
    %div3A = vector.broadcast %broadcast_in_dim3A_19 : vector<64x1xf32> to vector<64x16xf32>
    %div3A_20 = arith.divf %exp3A, %div3A : vector<64x16xf32>
    %get3A_21 = arith.constant 0 : index
    %get3A_22 = arith.constant 0 : index
    %get3A_23 = vector.load %arg5[%get3A_21, %get3A_22] : memref<16x512xf32, #tpu.memory_space<vmem>>, vector<16x512xf32>
    %dot_general3A_24 = arith.constant dense<0.000000e+00> : vector<64x512xf32>
    %dot_general3A_25 = tpu.matmul %div3A_20, %get3A_23, %dot_general3A_24 {dimension_numbers = #tpu.dot_dimension_numbers<[1], [0], [0], [1], [0, 0, 1, 1], [], []>, precision = #tpu.contract_precision<fp32>, transpose_lhs_hint = false} : vector<64x16xf32>, vector<16x512xf32>, vector<64x512xf32> -> vector<64x512xf32>
    %mul3A_26 = arith.mulf %get3A_3, %dot_general3A_25 : vector<64x512xf32>
    %eq3A = arith.constant 0 : i32
    %eq3A_27 = arith.cmpi eq, %arg0, %eq3A : i32
    %convert_element_type3A = arith.extui %eq3A_27 : i1 to i32
    %cond3A = arith.constant 0 : i32
    %cond3A_28 = arith.cmpi ne, %convert_element_type3A, %cond3A : i32
    scf.if %cond3A_28 {
      %broadcast_in_dim3A_35 = arith.constant 0.000000e+00 : f32
      %broadcast_in_dim3A_36 = vector.broadcast %broadcast_in_dim3A_35 : f32 to vector<64x512xf32>
      %swap3A_37 = arith.constant 0 : index
      %swap3A_38 = arith.constant 0 : index
      %swap3A_39 = vector.load %arg7[%swap3A_37, %swap3A_38] : memref<64x512xf32, #tpu.memory_space<vmem>>, vector<64x512xf32>
      tpu.vector_store %arg7[%swap3A_37, %swap3A_38], %broadcast_in_dim3A_36 {strides = array<i32>} : memref<64x512xf32, #tpu.memory_space<vmem>>, vector<64x512xf32>,
    } else {
    }
    %get3A_29 = arith.constant 0 : index
    %get3A_30 = arith.constant 0 : index
    %get3A_31 = vector.load %arg7[%get3A_29, %get3A_30] : memref<64x512xf32, #tpu.memory_space<vmem>>, vector<64x512xf32>
    %add3A = arith.addf %get3A_31, %mul3A_26 : vector<64x512xf32>
    %swap3A_32 = arith.constant 0 : index
    %swap3A_33 = arith.constant 0 : index
    %swap3A_34 = vector.load %arg7[%swap3A_32, %swap3A_33] : memref<64x512xf32, #tpu.memory_space<vmem>>, vector<64x512xf32>
    tpu.vector_store %arg7[%swap3A_32, %swap3A_33], %add3A {strides = array<i32>} : memref<64x512xf32, #tpu.memory_space<vmem>>, vector<64x512xf32>,
    return
  }
  func.func @transform_0(%arg0: i32) -> (i32, i32, i32) {
    %c0_i32 = arith.constant 0 : i32
    %c0_i32_0 = arith.constant 0 : i32
    %c0_i32_1 = arith.constant 0 : i32
    return %arg0, %c0_i32, %c0_i32_0 : i32, i32, i32
  }
  func.func @transform_1(%arg0: i32) -> (i32, i32, i32) {
    %c0_i32 = arith.constant 0 : i32
    %c0_i32_0 = arith.constant 0 : i32
    %c0_i32_1 = arith.constant 0 : i32
    return %arg0, %c0_i32, %c0_i32_0 : i32, i32, i32
  }
  func.func @transform_2(%arg0: i32) -> (i32, i32) {
    %c0_i32 = arith.constant 0 : i32
    %c0_i32_0 = arith.constant 0 : i32
    %c0_i32_1 = arith.constant 0 : i32
    return %c0_i32, %c0_i32_0 : i32, i32
  }
  func.func @transform_3(%arg0: i32) -> (i32, i32) {
    %c0_i32 = arith.constant 0 : i32
    %c0_i32_0 = arith.constant 0 : i32
    %c0_i32_1 = arith.constant 0 : i32
    return %c0_i32, %c0_i32_0 : i32, i32
  }
  func.func @transform_4(%arg0: i32) -> (i32, i32) {
    %c0_i32 = arith.constant 0 : i32
    %c0_i32_0 = arith.constant 0 : i32
    %c0_i32_1 = arith.constant 0 : i32
    return %c0_i32, %c0_i32_0 : i32, i32
  }
  func.func @transform_5(%arg0: i32) -> (i32, i32, i32) {
    %c0_i32 = arith.constant 0 : i32
    %c0_i32_0 = arith.constant 0 : i32
    %c0_i32_1 = arith.constant 0 : i32
    return %arg0, %c0_i32, %c0_i32_0 : i32, i32, i32
  }
  func.func @transform_6(%arg0: i32) -> (i32, i32) {
    %c0_i32 = arith.constant 0 : i32
    %c0_i32_0 = arith.constant 0 : i32
    %c0_i32_1 = arith.constant 0 : i32
    return %c0_i32, %c0_i32_0 : i32, i32
  }
}

module attributes {stable_mosaic.version = 14 : i64} {
  func.func @_tc_squash_body(%arg0: memref<64x512xf32, #tpu.memory_space<vmem>>, %arg1: memref<512x16xf32, #tpu.memory_space<vmem>>, %arg2: memref<16x512xf32, #tpu.memory_space<vmem>>, %arg3: memref<64x512xf32, #tpu.memory_space<vmem>>) attributes {dimension_semantics = [], scalar_prefetch = 0 : i64, scratch_operands = 0 : i64, tpu.core_type = #tpu.core_type<tc>} {
    %get3A = arith.constant 0 : index
    %get3A_0 = arith.constant 0 : index
    %get3A_1 = vector.load %arg0[%get3A, %get3A_0] : memref<64x512xf32, #tpu.memory_space<vmem>>, vector<64x512xf32>
    %mul3A = arith.constant 1.000000e+00 : f32
    %mul3A_2 = vector.broadcast %mul3A : f32 to vector<64x512xf32>
    %mul3A_3 = arith.mulf %get3A_1, %mul3A_2 : vector<64x512xf32>
    %get3A_4 = arith.constant 0 : index
    %get3A_5 = arith.constant 0 : index
    %get3A_6 = vector.load %arg1[%get3A_4, %get3A_5] : memref<512x16xf32, #tpu.memory_space<vmem>>, vector<512x16xf32>
    %get3A_7 = arith.constant 0 : index
    %get3A_8 = arith.constant 0 : index
    %get3A_9 = vector.load %arg2[%get3A_7, %get3A_8] : memref<16x512xf32, #tpu.memory_space<vmem>>, vector<16x512xf32>
    %mul3A_10 = arith.mulf %mul3A_3, %mul3A_3 : vector<64x512xf32>
    %dot_general3A = arith.constant dense<0.000000e+00> : vector<64x16xf32>
    %dot_general3A_11 = tpu.matmul %mul3A_10, %get3A_6, %dot_general3A {dimension_numbers = #tpu.dot_dimension_numbers<[1], [0], [0], [1], [0, 0, 1, 1], [], []>, precision = #tpu.contract_precision<fp32>, transpose_lhs_hint = false} : vector<64x512xf32>, vector<512x16xf32>, vector<64x16xf32> -> vector<64x16xf32>
    %add3A = arith.constant 1.000000e+00 : f32
    %add3A_12 = vector.broadcast %add3A : f32 to vector<64x16xf32>
    %add3A_13 = arith.addf %add3A_12, %dot_general3A_11 : vector<64x16xf32>
    %div3A = arith.divf %dot_general3A_11, %add3A_13 : vector<64x16xf32>
    %add3A_14 = arith.constant 1.000000e-16 : f32
    %add3A_15 = vector.broadcast %add3A_14 : f32 to vector<64x16xf32>
    %add3A_16 = arith.addf %dot_general3A_11, %add3A_15 : vector<64x16xf32>
    %sqrt3A = math.sqrt %add3A_16 : vector<64x16xf32>
    %div3A_17 = arith.divf %div3A, %sqrt3A : vector<64x16xf32>
    %dot_general3A_18 = arith.constant dense<0.000000e+00> : vector<64x512xf32>
    %dot_general3A_19 = tpu.matmul %div3A_17, %get3A_9, %dot_general3A_18 {dimension_numbers = #tpu.dot_dimension_numbers<[1], [0], [0], [1], [0, 0, 1, 1], [], []>, precision = #tpu.contract_precision<fp32>, transpose_lhs_hint = false} : vector<64x16xf32>, vector<16x512xf32>, vector<64x512xf32> -> vector<64x512xf32>
    %mul3A_20 = arith.mulf %mul3A_3, %dot_general3A_19 : vector<64x512xf32>
    %swap3A = arith.constant 0 : index
    %swap3A_21 = arith.constant 0 : index
    %swap3A_22 = vector.load %arg3[%swap3A, %swap3A_21] : memref<64x512xf32, #tpu.memory_space<vmem>>, vector<64x512xf32>
    tpu.vector_store %arg3[%swap3A, %swap3A_21], %mul3A_20 {strides = array<i32>} : memref<64x512xf32, #tpu.memory_space<vmem>>, vector<64x512xf32>,
    return
  }
}

module attributes {stable_mosaic.version = 14 : i64} {
  func.func @_tc_route_step_body(%arg0: i32, %arg1: memref<1x64x512xf32, #tpu.memory_space<vmem>>, %arg2: memref<1x64x16xf32, #tpu.memory_space<vmem>>, %arg3: memref<64x512xf32, #tpu.memory_space<vmem>>, %arg4: memref<512x16xf32, #tpu.memory_space<vmem>>, %arg5: memref<16x512xf32, #tpu.memory_space<vmem>>, %arg6: memref<1x64x16xf32, #tpu.memory_space<vmem>>, %arg7: memref<64x512xf32, #tpu.memory_space<vmem>>) attributes {dimension_semantics = [#tpu.dimension_semantics<arbitrary>], iteration_bounds = array<i64: 50>, scalar_prefetch = 0 : i64, scratch_operands = 0 : i64, tpu.core_type = #tpu.core_type<tc>, window_params = [{transform_indices = @transform_0, window_bounds = array<i64: 1, 64, 512>}, {transform_indices = @transform_1, window_bounds = array<i64: 1, 64, 16>}, {pipeline_mode = #tpu.pipeline_mode<synchronous>, transform_indices = @transform_2, window_bounds = array<i64: 64, 512>}, {pipeline_mode = #tpu.pipeline_mode<synchronous>, transform_indices = @transform_3, window_bounds = array<i64: 512, 16>}, {pipeline_mode = #tpu.pipeline_mode<synchronous>, transform_indices = @transform_4, window_bounds = array<i64: 16, 512>}, {transform_indices = @transform_5, window_bounds = array<i64: 1, 64, 16>}, {pipeline_mode = #tpu.pipeline_mode<synchronous>, transform_indices = @transform_6, window_bounds = array<i64: 64, 512>}]} {
    %get3A = arith.constant 0 : index
    %get3A_0 = arith.constant 0 : index
    %get3A_1 = arith.constant 0 : index
    %get3A_2 = vector.load %arg1[%get3A, %get3A_0, %get3A_1] : memref<1x64x512xf32, #tpu.memory_space<vmem>>, vector<1x64x512xf32>
    %get3A_3 = vector.shape_cast %get3A_2 : vector<1x64x512xf32> to vector<64x512xf32>
    %get3A_4 = arith.constant 0 : index
    %get3A_5 = arith.constant 0 : index
    %get3A_6 = vector.load %arg3[%get3A_4, %get3A_5] : memref<64x512xf32, #tpu.memory_space<vmem>>, vector<64x512xf32>
    %mul3A = arith.mulf %get3A_3, %get3A_6 : vector<64x512xf32>
    %get3A_7 = arith.constant 0 : index
    %get3A_8 = arith.constant 0 : index
    %get3A_9 = vector.load %arg4[%get3A_7, %get3A_8] : memref<512x16xf32, #tpu.memory_space<vmem>>, vector<512x16xf32>
    %dot_general3A = arith.constant dense<0.000000e+00> : vector<64x16xf32>
    %dot_general3A_10 = tpu.matmul %mul3A, %get3A_9, %dot_general3A {dimension_numbers = #tpu.dot_dimension_numbers<[1], [0], [0], [1], [0, 0, 1, 1], [], []>, precision = #tpu.contract_precision<fp32>, transpose_lhs_hint = false} : vector<64x512xf32>, vector<512x16xf32>, vector<64x16xf32> -> vector<64x16xf32>
    %get3A_11 = arith.constant 0 : index
    %get3A_12 = arith.constant 0 : index
    %get3A_13 = arith.constant 0 : index
    %get3A_14 = vector.load %arg2[%get3A_11, %get3A_12, %get3A_13] : memref<1x64x16xf32, #tpu.memory_space<vmem>>, vector<1x64x16xf32>
    %get3A_15 = vector.shape_cast %get3A_14 : vector<1x64x16xf32> to vector<64x16xf32>
    %add3A = arith.addf %get3A_15, %dot_general3A_10 : vector<64x16xf32>
    %swap3A = arith.constant 0 : index
    %swap3A_16 = arith.constant 0 : index
    %swap3A_17 = arith.constant 0 : index
    %swap3A_18 = vector.load %arg6[%swap3A, %swap3A_16, %swap3A_17] : memref<1x64x16xf32, #tpu.memory_space<vmem>>, vector<1x64x16xf32>
    %swap3A_19 = vector.shape_cast %swap3A_18 : vector<1x64x16xf32> to vector<64x16xf32>
    %swap3A_20 = vector.shape_cast %add3A : vector<64x16xf32> to vector<1x64x16xf32>
    tpu.vector_store %arg6[%swap3A, %swap3A_16, %swap3A_17], %swap3A_20 {strides = array<i32>} : memref<1x64x16xf32, #tpu.memory_space<vmem>>, vector<1x64x16xf32>,
    %reduce_max3A = arith.constant dense<0xFF800000> : vector<64xf32>
    %reduce_max3A_21 = vector.multi_reduction <maximumf>, %add3A, %reduce_max3A [1] : vector<64x16xf32> to vector<64xf32>
    %broadcast_in_dim3A = vector.shape_cast %reduce_max3A_21 : vector<64xf32> to vector<64x1xf32>
    %sub3A = vector.broadcast %broadcast_in_dim3A : vector<64x1xf32> to vector<64x16xf32>
    %sub3A_22 = arith.subf %add3A, %sub3A : vector<64x16xf32>
    %exp3A = math.exp %sub3A_22 : vector<64x16xf32>
    %reduce_sum3A = arith.constant dense<0.000000e+00> : vector<64xf32>
    %reduce_sum3A_23 = vector.multi_reduction <add>, %exp3A, %reduce_sum3A [1] : vector<64x16xf32> to vector<64xf32>
    %broadcast_in_dim3A_24 = vector.shape_cast %reduce_sum3A_23 : vector<64xf32> to vector<64x1xf32>
    %div3A = vector.broadcast %broadcast_in_dim3A_24 : vector<64x1xf32> to vector<64x16xf32>
    %div3A_25 = arith.divf %exp3A, %div3A : vector<64x16xf32>
    %get3A_26 = arith.constant 0 : index
    %get3A_27 = arith.constant 0 : index
    %get3A_28 = vector.load %arg5[%get3A_26, %get3A_27] : memref<16x512xf32, #tpu.memory_space<vmem>>, vector<16x512xf32>
    %dot_general3A_29 = arith.constant dense<0.000000e+00> : vector<64x512xf32>
    %dot_general3A_30 = tpu.matmul %div3A_25, %get3A_28, %dot_general3A_29 {dimension_numbers = #tpu.dot_dimension_numbers<[1], [0], [0], [1], [0, 0, 1, 1], [], []>, precision = #tpu.contract_precision<fp32>, transpose_lhs_hint = false} : vector<64x16xf32>, vector<16x512xf32>, vector<64x512xf32> -> vector<64x512xf32>
    %mul3A_31 = arith.mulf %get3A_3, %dot_general3A_30 : vector<64x512xf32>
    %eq3A = arith.constant 0 : i32
    %eq3A_32 = arith.cmpi eq, %arg0, %eq3A : i32
    %convert_element_type3A = arith.extui %eq3A_32 : i1 to i32
    %cond3A = arith.constant 0 : i32
    %cond3A_33 = arith.cmpi ne, %convert_element_type3A, %cond3A : i32
    scf.if %cond3A_33 {
      %broadcast_in_dim3A_41 = arith.constant 0.000000e+00 : f32
      %broadcast_in_dim3A_42 = vector.broadcast %broadcast_in_dim3A_41 : f32 to vector<64x512xf32>
      %swap3A_43 = arith.constant 0 : index
      %swap3A_44 = arith.constant 0 : index
      %swap3A_45 = vector.load %arg7[%swap3A_43, %swap3A_44] : memref<64x512xf32, #tpu.memory_space<vmem>>, vector<64x512xf32>
      tpu.vector_store %arg7[%swap3A_43, %swap3A_44], %broadcast_in_dim3A_42 {strides = array<i32>} : memref<64x512xf32, #tpu.memory_space<vmem>>, vector<64x512xf32>,
    } else {
    }
    %get3A_34 = arith.constant 0 : index
    %get3A_35 = arith.constant 0 : index
    %get3A_36 = vector.load %arg7[%get3A_34, %get3A_35] : memref<64x512xf32, #tpu.memory_space<vmem>>, vector<64x512xf32>
    %add3A_37 = arith.addf %get3A_36, %mul3A_31 : vector<64x512xf32>
    %swap3A_38 = arith.constant 0 : index
    %swap3A_39 = arith.constant 0 : index
    %swap3A_40 = vector.load %arg7[%swap3A_38, %swap3A_39] : memref<64x512xf32, #tpu.memory_space<vmem>>, vector<64x512xf32>
    tpu.vector_store %arg7[%swap3A_38, %swap3A_39], %add3A_37 {strides = array<i32>} : memref<64x512xf32, #tpu.memory_space<vmem>>, vector<64x512xf32>,
    return
  }
  func.func @transform_0(%arg0: i32) -> (i32, i32, i32) {
    %c0_i32 = arith.constant 0 : i32
    %c0_i32_0 = arith.constant 0 : i32
    %c0_i32_1 = arith.constant 0 : i32
    return %arg0, %c0_i32, %c0_i32_0 : i32, i32, i32
  }
  func.func @transform_1(%arg0: i32) -> (i32, i32, i32) {
    %c0_i32 = arith.constant 0 : i32
    %c0_i32_0 = arith.constant 0 : i32
    %c0_i32_1 = arith.constant 0 : i32
    return %arg0, %c0_i32, %c0_i32_0 : i32, i32, i32
  }
  func.func @transform_2(%arg0: i32) -> (i32, i32) {
    %c0_i32 = arith.constant 0 : i32
    %c0_i32_0 = arith.constant 0 : i32
    %c0_i32_1 = arith.constant 0 : i32
    return %c0_i32, %c0_i32_0 : i32, i32
  }
  func.func @transform_3(%arg0: i32) -> (i32, i32) {
    %c0_i32 = arith.constant 0 : i32
    %c0_i32_0 = arith.constant 0 : i32
    %c0_i32_1 = arith.constant 0 : i32
    return %c0_i32, %c0_i32_0 : i32, i32
  }
  func.func @transform_4(%arg0: i32) -> (i32, i32) {
    %c0_i32 = arith.constant 0 : i32
    %c0_i32_0 = arith.constant 0 : i32
    %c0_i32_1 = arith.constant 0 : i32
    return %c0_i32, %c0_i32_0 : i32, i32
  }
  func.func @transform_5(%arg0: i32) -> (i32, i32, i32) {
    %c0_i32 = arith.constant 0 : i32
    %c0_i32_0 = arith.constant 0 : i32
    %c0_i32_1 = arith.constant 0 : i32
    return %arg0, %c0_i32, %c0_i32_0 : i32, i32, i32
  }
  func.func @transform_6(%arg0: i32) -> (i32, i32) {
    %c0_i32 = arith.constant 0 : i32
    %c0_i32_0 = arith.constant 0 : i32
    %c0_i32_1 = arith.constant 0 : i32
    return %c0_i32, %c0_i32_0 : i32, i32
  }
}

module attributes {stable_mosaic.version = 14 : i64} {
  func.func @_tc_caps2_body(%arg0: memref<64x512xf32, #tpu.memory_space<vmem>>, %arg1: memref<16x32x160xf32, #tpu.memory_space<vmem>>, %arg2: memref<512x16xf32, #tpu.memory_space<vmem>>, %arg3: memref<16x512xf32, #tpu.memory_space<vmem>>, %arg4: memref<160x10xf32, #tpu.memory_space<vmem>>, %arg5: memref<10x160xf32, #tpu.memory_space<vmem>>, %arg6: memref<64x10xf32, #tpu.memory_space<vmem>>) attributes {dimension_semantics = [], scalar_prefetch = 0 : i64, scratch_operands = 0 : i64, tpu.core_type = #tpu.core_type<tc>} {
    %get3A = arith.constant 0 : index
    %get3A_0 = arith.constant 0 : index
    %get3A_1 = vector.load %arg0[%get3A, %get3A_0] : memref<64x512xf32, #tpu.memory_space<vmem>>, vector<64x512xf32>
    %get3A_2 = arith.constant 0 : index
    %get3A_3 = arith.constant 0 : index
    %get3A_4 = vector.load %arg2[%get3A_2, %get3A_3] : memref<512x16xf32, #tpu.memory_space<vmem>>, vector<512x16xf32>
    %get3A_5 = arith.constant 0 : index
    %get3A_6 = arith.constant 0 : index
    %get3A_7 = vector.load %arg3[%get3A_5, %get3A_6] : memref<16x512xf32, #tpu.memory_space<vmem>>, vector<16x512xf32>
    %mul3A = arith.mulf %get3A_1, %get3A_1 : vector<64x512xf32>
    %dot_general3A = arith.constant dense<0.000000e+00> : vector<64x16xf32>
    %dot_general3A_8 = tpu.matmul %mul3A, %get3A_4, %dot_general3A {dimension_numbers = #tpu.dot_dimension_numbers<[1], [0], [0], [1], [0, 0, 1, 1], [], []>, precision = #tpu.contract_precision<fp32>, transpose_lhs_hint = false} : vector<64x512xf32>, vector<512x16xf32>, vector<64x16xf32> -> vector<64x16xf32>
    %add3A = arith.constant 1.000000e+00 : f32
    %add3A_9 = vector.broadcast %add3A : f32 to vector<64x16xf32>
    %add3A_10 = arith.addf %add3A_9, %dot_general3A_8 : vector<64x16xf32>
    %div3A = arith.divf %dot_general3A_8, %add3A_10 : vector<64x16xf32>
    %add3A_11 = arith.constant 1.000000e-16 : f32
    %add3A_12 = vector.broadcast %add3A_11 : f32 to vector<64x16xf32>
    %add3A_13 = arith.addf %dot_general3A_8, %add3A_12 : vector<64x16xf32>
    %sqrt3A = math.sqrt %add3A_13 : vector<64x16xf32>
    %div3A_14 = arith.divf %div3A, %sqrt3A : vector<64x16xf32>
    %dot_general3A_15 = arith.constant dense<0.000000e+00> : vector<64x512xf32>
    %dot_general3A_16 = tpu.matmul %div3A_14, %get3A_7, %dot_general3A_15 {dimension_numbers = #tpu.dot_dimension_numbers<[1], [0], [0], [1], [0, 0, 1, 1], [], []>, precision = #tpu.contract_precision<fp32>, transpose_lhs_hint = false} : vector<64x16xf32>, vector<16x512xf32>, vector<64x512xf32> -> vector<64x512xf32>
    %mul3A_17 = arith.mulf %get3A_1, %dot_general3A_16 : vector<64x512xf32>
    %reshape3A = vector.shape_cast %mul3A_17 : vector<64x512xf32> to vector<64x16x32xf32>
    %slice3A = vector.extract_strided_slice %reshape3A {offsets = [0, 0, 0], sizes = [64, 1, 32], strides = [1, 1, 1]} : vector<64x16x32xf32> to vector<64x1x32xf32>
    %squeeze3A = vector.shape_cast %slice3A : vector<64x1x32xf32> to vector<64x32xf32>
    %get3A_18 = arith.constant 0 : index
    %get3A_19 = arith.constant 0 : index
    %get3A_20 = arith.constant 0 : index
    %get3A_21 = vector.load %arg1[%get3A_18, %get3A_19, %get3A_20] : memref<16x32x160xf32, #tpu.memory_space<vmem>>, vector<1x32x160xf32>
    %get3A_22 = vector.shape_cast %get3A_21 : vector<1x32x160xf32> to vector<32x160xf32>
    %dot_general3A_23 = arith.constant dense<0.000000e+00> : vector<64x160xf32>
    %dot_general3A_24 = tpu.matmul %squeeze3A, %get3A_22, %dot_general3A_23 {dimension_numbers = #tpu.dot_dimension_numbers<[1], [0], [0], [1], [0, 0, 1, 1], [], []>, precision = #tpu.contract_precision<fp32>, transpose_lhs_hint = false} : vector<64x32xf32>, vector<32x160xf32>, vector<64x160xf32> -> vector<64x160xf32>
    %slice3A_25 = vector.extract_strided_slice %reshape3A {offsets = [0, 1, 0], sizes = [64, 1, 32], strides = [1, 1, 1]} : vector<64x16x32xf32> to vector<64x1x32xf32>
    %squeeze3A_26 = vector.shape_cast %slice3A_25 : vector<64x1x32xf32> to vector<64x32xf32>
    %get3A_27 = arith.constant 1 : index
    %get3A_28 = arith.constant 0 : index
    %get3A_29 = arith.constant 0 : index
    %get3A_30 = vector.load %arg1[%get3A_27, %get3A_28, %get3A_29] : memref<16x32x160xf32, #tpu.memory_space<vmem>>, vector<1x32x160xf32>
    %get3A_31 = vector.shape_cast %get3A_30 : vector<1x32x160xf32> to vector<32x160xf32>
    %dot_general3A_32 = arith.constant dense<0.000000e+00> : vector<64x160xf32>
    %dot_general3A_33 = tpu.matmul %squeeze3A_26, %get3A_31, %dot_general3A_32 {dimension_numbers = #tpu.dot_dimension_numbers<[1], [0], [0], [1], [0, 0, 1, 1], [], []>, precision = #tpu.contract_precision<fp32>, transpose_lhs_hint = false} : vector<64x32xf32>, vector<32x160xf32>, vector<64x160xf32> -> vector<64x160xf32>
    %slice3A_34 = vector.extract_strided_slice %reshape3A {offsets = [0, 2, 0], sizes = [64, 1, 32], strides = [1, 1, 1]} : vector<64x16x32xf32> to vector<64x1x32xf32>
    %squeeze3A_35 = vector.shape_cast %slice3A_34 : vector<64x1x32xf32> to vector<64x32xf32>
    %get3A_36 = arith.constant 2 : index
    %get3A_37 = arith.constant 0 : index
    %get3A_38 = arith.constant 0 : index
    %get3A_39 = vector.load %arg1[%get3A_36, %get3A_37, %get3A_38] : memref<16x32x160xf32, #tpu.memory_space<vmem>>, vector<1x32x160xf32>
    %get3A_40 = vector.shape_cast %get3A_39 : vector<1x32x160xf32> to vector<32x160xf32>
    %dot_general3A_41 = arith.constant dense<0.000000e+00> : vector<64x160xf32>
    %dot_general3A_42 = tpu.matmul %squeeze3A_35, %get3A_40, %dot_general3A_41 {dimension_numbers = #tpu.dot_dimension_numbers<[1], [0], [0], [1], [0, 0, 1, 1], [], []>, precision = #tpu.contract_precision<fp32>, transpose_lhs_hint = false} : vector<64x32xf32>, vector<32x160xf32>, vector<64x160xf32> -> vector<64x160xf32>
    %slice3A_43 = vector.extract_strided_slice %reshape3A {offsets = [0, 3, 0], sizes = [64, 1, 32], strides = [1, 1, 1]} : vector<64x16x32xf32> to vector<64x1x32xf32>
    %squeeze3A_44 = vector.shape_cast %slice3A_43 : vector<64x1x32xf32> to vector<64x32xf32>
    %get3A_45 = arith.constant 3 : index
    %get3A_46 = arith.constant 0 : index
    %get3A_47 = arith.constant 0 : index
    %get3A_48 = vector.load %arg1[%get3A_45, %get3A_46, %get3A_47] : memref<16x32x160xf32, #tpu.memory_space<vmem>>, vector<1x32x160xf32>
    %get3A_49 = vector.shape_cast %get3A_48 : vector<1x32x160xf32> to vector<32x160xf32>
    %dot_general3A_50 = arith.constant dense<0.000000e+00> : vector<64x160xf32>
    %dot_general3A_51 = tpu.matmul %squeeze3A_44, %get3A_49, %dot_general3A_50 {dimension_numbers = #tpu.dot_dimension_numbers<[1], [0], [0], [1], [0, 0, 1, 1], [], []>, precision = #tpu.contract_precision<fp32>, transpose_lhs_hint = false} : vector<64x32xf32>, vector<32x160xf32>, vector<64x160xf32> -> vector<64x160xf32>
    %slice3A_52 = vector.extract_strided_slice %reshape3A {offsets = [0, 4, 0], sizes = [64, 1, 32], strides = [1, 1, 1]} : vector<64x16x32xf32> to vector<64x1x32xf32>
    %squeeze3A_53 = vector.shape_cast %slice3A_52 : vector<64x1x32xf32> to vector<64x32xf32>
    %get3A_54 = arith.constant 4 : index
    %get3A_55 = arith.constant 0 : index
    %get3A_56 = arith.constant 0 : index
    %get3A_57 = vector.load %arg1[%get3A_54, %get3A_55, %get3A_56] : memref<16x32x160xf32, #tpu.memory_space<vmem>>, vector<1x32x160xf32>
    %get3A_58 = vector.shape_cast %get3A_57 : vector<1x32x160xf32> to vector<32x160xf32>
    %dot_general3A_59 = arith.constant dense<0.000000e+00> : vector<64x160xf32>
    %dot_general3A_60 = tpu.matmul %squeeze3A_53, %get3A_58, %dot_general3A_59 {dimension_numbers = #tpu.dot_dimension_numbers<[1], [0], [0], [1], [0, 0, 1, 1], [], []>, precision = #tpu.contract_precision<fp32>, transpose_lhs_hint = false} : vector<64x32xf32>, vector<32x160xf32>, vector<64x160xf32> -> vector<64x160xf32>
    %slice3A_61 = vector.extract_strided_slice %reshape3A {offsets = [0, 5, 0], sizes = [64, 1, 32], strides = [1, 1, 1]} : vector<64x16x32xf32> to vector<64x1x32xf32>
    %squeeze3A_62 = vector.shape_cast %slice3A_61 : vector<64x1x32xf32> to vector<64x32xf32>
    %get3A_63 = arith.constant 5 : index
    %get3A_64 = arith.constant 0 : index
    %get3A_65 = arith.constant 0 : index
    %get3A_66 = vector.load %arg1[%get3A_63, %get3A_64, %get3A_65] : memref<16x32x160xf32, #tpu.memory_space<vmem>>, vector<1x32x160xf32>
    %get3A_67 = vector.shape_cast %get3A_66 : vector<1x32x160xf32> to vector<32x160xf32>
    %dot_general3A_68 = arith.constant dense<0.000000e+00> : vector<64x160xf32>
    %dot_general3A_69 = tpu.matmul %squeeze3A_62, %get3A_67, %dot_general3A_68 {dimension_numbers = #tpu.dot_dimension_numbers<[1], [0], [0], [1], [0, 0, 1, 1], [], []>, precision = #tpu.contract_precision<fp32>, transpose_lhs_hint = false} : vector<64x32xf32>, vector<32x160xf32>, vector<64x160xf32> -> vector<64x160xf32>
    %slice3A_70 = vector.extract_strided_slice %reshape3A {offsets = [0, 6, 0], sizes = [64, 1, 32], strides = [1, 1, 1]} : vector<64x16x32xf32> to vector<64x1x32xf32>
    %squeeze3A_71 = vector.shape_cast %slice3A_70 : vector<64x1x32xf32> to vector<64x32xf32>
    %get3A_72 = arith.constant 6 : index
    %get3A_73 = arith.constant 0 : index
    %get3A_74 = arith.constant 0 : index
    %get3A_75 = vector.load %arg1[%get3A_72, %get3A_73, %get3A_74] : memref<16x32x160xf32, #tpu.memory_space<vmem>>, vector<1x32x160xf32>
    %get3A_76 = vector.shape_cast %get3A_75 : vector<1x32x160xf32> to vector<32x160xf32>
    %dot_general3A_77 = arith.constant dense<0.000000e+00> : vector<64x160xf32>
    %dot_general3A_78 = tpu.matmul %squeeze3A_71, %get3A_76, %dot_general3A_77 {dimension_numbers = #tpu.dot_dimension_numbers<[1], [0], [0], [1], [0, 0, 1, 1], [], []>, precision = #tpu.contract_precision<fp32>, transpose_lhs_hint = false} : vector<64x32xf32>, vector<32x160xf32>, vector<64x160xf32> -> vector<64x160xf32>
    %slice3A_79 = vector.extract_strided_slice %reshape3A {offsets = [0, 7, 0], sizes = [64, 1, 32], strides = [1, 1, 1]} : vector<64x16x32xf32> to vector<64x1x32xf32>
    %squeeze3A_80 = vector.shape_cast %slice3A_79 : vector<64x1x32xf32> to vector<64x32xf32>
    %get3A_81 = arith.constant 7 : index
    %get3A_82 = arith.constant 0 : index
    %get3A_83 = arith.constant 0 : index
    %get3A_84 = vector.load %arg1[%get3A_81, %get3A_82, %get3A_83] : memref<16x32x160xf32, #tpu.memory_space<vmem>>, vector<1x32x160xf32>
    %get3A_85 = vector.shape_cast %get3A_84 : vector<1x32x160xf32> to vector<32x160xf32>
    %dot_general3A_86 = arith.constant dense<0.000000e+00> : vector<64x160xf32>
    %dot_general3A_87 = tpu.matmul %squeeze3A_80, %get3A_85, %dot_general3A_86 {dimension_numbers = #tpu.dot_dimension_numbers<[1], [0], [0], [1], [0, 0, 1, 1], [], []>, precision = #tpu.contract_precision<fp32>, transpose_lhs_hint = false} : vector<64x32xf32>, vector<32x160xf32>, vector<64x160xf32> -> vector<64x160xf32>
    %slice3A_88 = vector.extract_strided_slice %reshape3A {offsets = [0, 8, 0], sizes = [64, 1, 32], strides = [1, 1, 1]} : vector<64x16x32xf32> to vector<64x1x32xf32>
    %squeeze3A_89 = vector.shape_cast %slice3A_88 : vector<64x1x32xf32> to vector<64x32xf32>
    %get3A_90 = arith.constant 8 : index
    %get3A_91 = arith.constant 0 : index
    %get3A_92 = arith.constant 0 : index
    %get3A_93 = vector.load %arg1[%get3A_90, %get3A_91, %get3A_92] : memref<16x32x160xf32, #tpu.memory_space<vmem>>, vector<1x32x160xf32>
    %get3A_94 = vector.shape_cast %get3A_93 : vector<1x32x160xf32> to vector<32x160xf32>
    %dot_general3A_95 = arith.constant dense<0.000000e+00> : vector<64x160xf32>
    %dot_general3A_96 = tpu.matmul %squeeze3A_89, %get3A_94, %dot_general3A_95 {dimension_numbers = #tpu.dot_dimension_numbers<[1], [0], [0], [1], [0, 0, 1, 1], [], []>, precision = #tpu.contract_precision<fp32>, transpose_lhs_hint = false} : vector<64x32xf32>, vector<32x160xf32>, vector<64x160xf32> -> vector<64x160xf32>
    %slice3A_97 = vector.extract_strided_slice %reshape3A {offsets = [0, 9, 0], sizes = [64, 1, 32], strides = [1, 1, 1]} : vector<64x16x32xf32> to vector<64x1x32xf32>
    %squeeze3A_98 = vector.shape_cast %slice3A_97 : vector<64x1x32xf32> to vector<64x32xf32>
    %get3A_99 = arith.constant 9 : index
    %get3A_100 = arith.constant 0 : index
    %get3A_101 = arith.constant 0 : index
    %get3A_102 = vector.load %arg1[%get3A_99, %get3A_100, %get3A_101] : memref<16x32x160xf32, #tpu.memory_space<vmem>>, vector<1x32x160xf32>
    %get3A_103 = vector.shape_cast %get3A_102 : vector<1x32x160xf32> to vector<32x160xf32>
    %dot_general3A_104 = arith.constant dense<0.000000e+00> : vector<64x160xf32>
    %dot_general3A_105 = tpu.matmul %squeeze3A_98, %get3A_103, %dot_general3A_104 {dimension_numbers = #tpu.dot_dimension_numbers<[1], [0], [0], [1], [0, 0, 1, 1], [], []>, precision = #tpu.contract_precision<fp32>, transpose_lhs_hint = false} : vector<64x32xf32>, vector<32x160xf32>, vector<64x160xf32> -> vector<64x160xf32>
    %slice3A_106 = vector.extract_strided_slice %reshape3A {offsets = [0, 10, 0], sizes = [64, 1, 32], strides = [1, 1, 1]} : vector<64x16x32xf32> to vector<64x1x32xf32>
    %squeeze3A_107 = vector.shape_cast %slice3A_106 : vector<64x1x32xf32> to vector<64x32xf32>
    %get3A_108 = arith.constant 10 : index
    %get3A_109 = arith.constant 0 : index
    %get3A_110 = arith.constant 0 : index
    %get3A_111 = vector.load %arg1[%get3A_108, %get3A_109, %get3A_110] : memref<16x32x160xf32, #tpu.memory_space<vmem>>, vector<1x32x160xf32>
    %get3A_112 = vector.shape_cast %get3A_111 : vector<1x32x160xf32> to vector<32x160xf32>
    %dot_general3A_113 = arith.constant dense<0.000000e+00> : vector<64x160xf32>
    %dot_general3A_114 = tpu.matmul %squeeze3A_107, %get3A_112, %dot_general3A_113 {dimension_numbers = #tpu.dot_dimension_numbers<[1], [0], [0], [1], [0, 0, 1, 1], [], []>, precision = #tpu.contract_precision<fp32>, transpose_lhs_hint = false} : vector<64x32xf32>, vector<32x160xf32>, vector<64x160xf32> -> vector<64x160xf32>
    %slice3A_115 = vector.extract_strided_slice %reshape3A {offsets = [0, 11, 0], sizes = [64, 1, 32], strides = [1, 1, 1]} : vector<64x16x32xf32> to vector<64x1x32xf32>
    %squeeze3A_116 = vector.shape_cast %slice3A_115 : vector<64x1x32xf32> to vector<64x32xf32>
    %get3A_117 = arith.constant 11 : index
    %get3A_118 = arith.constant 0 : index
    %get3A_119 = arith.constant 0 : index
    %get3A_120 = vector.load %arg1[%get3A_117, %get3A_118, %get3A_119] : memref<16x32x160xf32, #tpu.memory_space<vmem>>, vector<1x32x160xf32>
    %get3A_121 = vector.shape_cast %get3A_120 : vector<1x32x160xf32> to vector<32x160xf32>
    %dot_general3A_122 = arith.constant dense<0.000000e+00> : vector<64x160xf32>
    %dot_general3A_123 = tpu.matmul %squeeze3A_116, %get3A_121, %dot_general3A_122 {dimension_numbers = #tpu.dot_dimension_numbers<[1], [0], [0], [1], [0, 0, 1, 1], [], []>, precision = #tpu.contract_precision<fp32>, transpose_lhs_hint = false} : vector<64x32xf32>, vector<32x160xf32>, vector<64x160xf32> -> vector<64x160xf32>
    %slice3A_124 = vector.extract_strided_slice %reshape3A {offsets = [0, 12, 0], sizes = [64, 1, 32], strides = [1, 1, 1]} : vector<64x16x32xf32> to vector<64x1x32xf32>
    %squeeze3A_125 = vector.shape_cast %slice3A_124 : vector<64x1x32xf32> to vector<64x32xf32>
    %get3A_126 = arith.constant 12 : index
    %get3A_127 = arith.constant 0 : index
    %get3A_128 = arith.constant 0 : index
    %get3A_129 = vector.load %arg1[%get3A_126, %get3A_127, %get3A_128] : memref<16x32x160xf32, #tpu.memory_space<vmem>>, vector<1x32x160xf32>
    %get3A_130 = vector.shape_cast %get3A_129 : vector<1x32x160xf32> to vector<32x160xf32>
    %dot_general3A_131 = arith.constant dense<0.000000e+00> : vector<64x160xf32>
    %dot_general3A_132 = tpu.matmul %squeeze3A_125, %get3A_130, %dot_general3A_131 {dimension_numbers = #tpu.dot_dimension_numbers<[1], [0], [0], [1], [0, 0, 1, 1], [], []>, precision = #tpu.contract_precision<fp32>, transpose_lhs_hint = false} : vector<64x32xf32>, vector<32x160xf32>, vector<64x160xf32> -> vector<64x160xf32>
    %slice3A_133 = vector.extract_strided_slice %reshape3A {offsets = [0, 13, 0], sizes = [64, 1, 32], strides = [1, 1, 1]} : vector<64x16x32xf32> to vector<64x1x32xf32>
    %squeeze3A_134 = vector.shape_cast %slice3A_133 : vector<64x1x32xf32> to vector<64x32xf32>
    %get3A_135 = arith.constant 13 : index
    %get3A_136 = arith.constant 0 : index
    %get3A_137 = arith.constant 0 : index
    %get3A_138 = vector.load %arg1[%get3A_135, %get3A_136, %get3A_137] : memref<16x32x160xf32, #tpu.memory_space<vmem>>, vector<1x32x160xf32>
    %get3A_139 = vector.shape_cast %get3A_138 : vector<1x32x160xf32> to vector<32x160xf32>
    %dot_general3A_140 = arith.constant dense<0.000000e+00> : vector<64x160xf32>
    %dot_general3A_141 = tpu.matmul %squeeze3A_134, %get3A_139, %dot_general3A_140 {dimension_numbers = #tpu.dot_dimension_numbers<[1], [0], [0], [1], [0, 0, 1, 1], [], []>, precision = #tpu.contract_precision<fp32>, transpose_lhs_hint = false} : vector<64x32xf32>, vector<32x160xf32>, vector<64x160xf32> -> vector<64x160xf32>
    %slice3A_142 = vector.extract_strided_slice %reshape3A {offsets = [0, 14, 0], sizes = [64, 1, 32], strides = [1, 1, 1]} : vector<64x16x32xf32> to vector<64x1x32xf32>
    %squeeze3A_143 = vector.shape_cast %slice3A_142 : vector<64x1x32xf32> to vector<64x32xf32>
    %get3A_144 = arith.constant 14 : index
    %get3A_145 = arith.constant 0 : index
    %get3A_146 = arith.constant 0 : index
    %get3A_147 = vector.load %arg1[%get3A_144, %get3A_145, %get3A_146] : memref<16x32x160xf32, #tpu.memory_space<vmem>>, vector<1x32x160xf32>
    %get3A_148 = vector.shape_cast %get3A_147 : vector<1x32x160xf32> to vector<32x160xf32>
    %dot_general3A_149 = arith.constant dense<0.000000e+00> : vector<64x160xf32>
    %dot_general3A_150 = tpu.matmul %squeeze3A_143, %get3A_148, %dot_general3A_149 {dimension_numbers = #tpu.dot_dimension_numbers<[1], [0], [0], [1], [0, 0, 1, 1], [], []>, precision = #tpu.contract_precision<fp32>, transpose_lhs_hint = false} : vector<64x32xf32>, vector<32x160xf32>, vector<64x160xf32> -> vector<64x160xf32>
    %slice3A_151 = vector.extract_strided_slice %reshape3A {offsets = [0, 15, 0], sizes = [64, 1, 32], strides = [1, 1, 1]} : vector<64x16x32xf32> to vector<64x1x32xf32>
    %squeeze3A_152 = vector.shape_cast %slice3A_151 : vector<64x1x32xf32> to vector<64x32xf32>
    %get3A_153 = arith.constant 15 : index
    %get3A_154 = arith.constant 0 : index
    %get3A_155 = arith.constant 0 : index
    %get3A_156 = vector.load %arg1[%get3A_153, %get3A_154, %get3A_155] : memref<16x32x160xf32, #tpu.memory_space<vmem>>, vector<1x32x160xf32>
    %get3A_157 = vector.shape_cast %get3A_156 : vector<1x32x160xf32> to vector<32x160xf32>
    %dot_general3A_158 = arith.constant dense<0.000000e+00> : vector<64x160xf32>
    %dot_general3A_159 = tpu.matmul %squeeze3A_152, %get3A_157, %dot_general3A_158 {dimension_numbers = #tpu.dot_dimension_numbers<[1], [0], [0], [1], [0, 0, 1, 1], [], []>, precision = #tpu.contract_precision<fp32>, transpose_lhs_hint = false} : vector<64x32xf32>, vector<32x160xf32>, vector<64x160xf32> -> vector<64x160xf32>
    %stack3A = vector.shape_cast %dot_general3A_24 : vector<64x160xf32> to vector<1x64x160xf32>
    %stack3A_160 = vector.shape_cast %dot_general3A_33 : vector<64x160xf32> to vector<1x64x160xf32>
    %stack3A_161 = vector.shape_cast %dot_general3A_42 : vector<64x160xf32> to vector<1x64x160xf32>
    %stack3A_162 = vector.shape_cast %dot_general3A_51 : vector<64x160xf32> to vector<1x64x160xf32>
    %stack3A_163 = vector.shape_cast %dot_general3A_60 : vector<64x160xf32> to vector<1x64x160xf32>
    %stack3A_164 = vector.shape_cast %dot_general3A_69 : vector<64x160xf32> to vector<1x64x160xf32>
    %stack3A_165 = vector.shape_cast %dot_general3A_78 : vector<64x160xf32> to vector<1x64x160xf32>
    %stack3A_166 = vector.shape_cast %dot_general3A_87 : vector<64x160xf32> to vector<1x64x160xf32>
    %stack3A_167 = vector.shape_cast %dot_general3A_96 : vector<64x160xf32> to vector<1x64x160xf32>
    %stack3A_168 = vector.shape_cast %dot_general3A_105 : vector<64x160xf32> to vector<1x64x160xf32>
    %stack3A_169 = vector.shape_cast %dot_general3A_114 : vector<64x160xf32> to vector<1x64x160xf32>
    %stack3A_170 = vector.shape_cast %dot_general3A_123 : vector<64x160xf32> to vector<1x64x160xf32>
    %stack3A_171 = vector.shape_cast %dot_general3A_132 : vector<64x160xf32> to vector<1x64x160xf32>
    %stack3A_172 = vector.shape_cast %dot_general3A_141 : vector<64x160xf32> to vector<1x64x160xf32>
    %stack3A_173 = vector.shape_cast %dot_general3A_150 : vector<64x160xf32> to vector<1x64x160xf32>
    %stack3A_174 = vector.shape_cast %dot_general3A_159 : vector<64x160xf32> to vector<1x64x160xf32>
    %stack3A_175 = tpu.concatenate %stack3A, %stack3A_160, %stack3A_161, %stack3A_162, %stack3A_163, %stack3A_164, %stack3A_165, %stack3A_166, %stack3A_167, %stack3A_168, %stack3A_169, %stack3A_170, %stack3A_171, %stack3A_172, %stack3A_173, %stack3A_174 in 0 : vector<1x64x160xf32>, vector<1x64x160xf32>, vector<1x64x160xf32>, vector<1x64x160xf32>, vector<1x64x160xf32>, vector<1x64x160xf32>, vector<1x64x160xf32>, vector<1x64x160xf32>, vector<1x64x160xf32>, vector<1x64x160xf32>, vector<1x64x160xf32>, vector<1x64x160xf32>, vector<1x64x160xf32>, vector<1x64x160xf32>, vector<1x64x160xf32>, vector<1x64x160xf32> -> vector<16x64x160xf32>
    %get3A_176 = arith.constant 0 : index
    %get3A_177 = arith.constant 0 : index
    %get3A_178 = vector.load %arg4[%get3A_176, %get3A_177] : memref<160x10xf32, #tpu.memory_space<vmem>>, vector<160x10xf32>
    %get3A_179 = arith.constant 0 : index
    %get3A_180 = arith.constant 0 : index
    %get3A_181 = vector.load %arg5[%get3A_179, %get3A_180] : memref<10x160xf32, #tpu.memory_space<vmem>>, vector<10x160xf32>
    %broadcast_in_dim3A = arith.constant 0.000000e+00 : f32
    %broadcast_in_dim3A_182 = vector.broadcast %broadcast_in_dim3A : f32 to vector<16x64x10xf32>
    %reduce_max3A = arith.constant dense<0xFF800000> : vector<16x64xf32>
    %reduce_max3A_183 = vector.multi_reduction <maximumf>, %broadcast_in_dim3A_182, %reduce_max3A [2] : vector<16x64x10xf32> to vector<16x64xf32>
    %broadcast_in_dim3A_184 = vector.shape_cast %reduce_max3A_183 : vector<16x64xf32> to vector<16x64x1xf32>
    %sub3A = vector.broadcast %broadcast_in_dim3A_184 : vector<16x64x1xf32> to vector<16x64x10xf32>
    %sub3A_185 = arith.subf %broadcast_in_dim3A_182, %sub3A : vector<16x64x10xf32>
    %exp3A = math.exp %sub3A_185 : vector<16x64x10xf32>
    %reduce_sum3A = arith.constant dense<0.000000e+00> : vector<16x64xf32>
    %reduce_sum3A_186 = vector.multi_reduction <add>, %exp3A, %reduce_sum3A [2] : vector<16x64x10xf32> to vector<16x64xf32>
    %broadcast_in_dim3A_187 = vector.shape_cast %reduce_sum3A_186 : vector<16x64xf32> to vector<16x64x1xf32>
    %div3A_188 = vector.broadcast %broadcast_in_dim3A_187 : vector<16x64x1xf32> to vector<16x64x10xf32>
    %div3A_189 = arith.divf %exp3A, %div3A_188 : vector<16x64x10xf32>
    %reshape3A_190 = vector.shape_cast %div3A_189 : vector<16x64x10xf32> to vector<1024x10xf32>
    %dot_general3A_191 = arith.constant dense<0.000000e+00> : vector<1024x160xf32>
    %dot_general3A_192 = tpu.matmul %reshape3A_190, %get3A_181, %dot_general3A_191 {dimension_numbers = #tpu.dot_dimension_numbers<[1], [0], [0], [1], [0, 0, 1, 1], [], []>, precision = #tpu.contract_precision<fp32>, transpose_lhs_hint = false} : vector<1024x10xf32>, vector<10x160xf32>, vector<1024x160xf32> -> vector<1024x160xf32>
    %reshape3A_193 = vector.shape_cast %dot_general3A_192 : vector<1024x160xf32> to vector<16x64x160xf32>
    %mul3A_194 = arith.mulf %reshape3A_193, %stack3A_175 : vector<16x64x160xf32>
    %reduce_sum3A_195 = arith.constant dense<0.000000e+00> : vector<64x160xf32>
    %reduce_sum3A_196 = vector.multi_reduction <add>, %mul3A_194, %reduce_sum3A_195 [0] : vector<16x64x160xf32> to vector<64x160xf32>
    %mul3A_197 = arith.mulf %reduce_sum3A_196, %reduce_sum3A_196 : vector<64x160xf32>
    %dot_general3A_198 = arith.constant dense<0.000000e+00> : vector<64x10xf32>
    %dot_general3A_199 = tpu.matmul %mul3A_197, %get3A_178, %dot_general3A_198 {dimension_numbers = #tpu.dot_dimension_numbers<[1], [0], [0], [1], [0, 0, 1, 1], [], []>, precision = #tpu.contract_precision<fp32>, transpose_lhs_hint = false} : vector<64x160xf32>, vector<160x10xf32>, vector<64x10xf32> -> vector<64x10xf32>
    %add3A_200 = arith.constant 1.000000e+00 : f32
    %add3A_201 = vector.broadcast %add3A_200 : f32 to vector<64x10xf32>
    %add3A_202 = arith.addf %add3A_201, %dot_general3A_199 : vector<64x10xf32>
    %div3A_203 = arith.divf %dot_general3A_199, %add3A_202 : vector<64x10xf32>
    %add3A_204 = arith.constant 1.000000e-16 : f32
    %add3A_205 = vector.broadcast %add3A_204 : f32 to vector<64x10xf32>
    %add3A_206 = arith.addf %dot_general3A_199, %add3A_205 : vector<64x10xf32>
    %sqrt3A_207 = math.sqrt %add3A_206 : vector<64x10xf32>
    %div3A_208 = arith.divf %div3A_203, %sqrt3A_207 : vector<64x10xf32>
    %dot_general3A_209 = arith.constant dense<0.000000e+00> : vector<64x160xf32>
    %dot_general3A_210 = tpu.matmul %div3A_208, %get3A_181, %dot_general3A_209 {dimension_numbers = #tpu.dot_dimension_numbers<[1], [0], [0], [1], [0, 0, 1, 1], [], []>, precision = #tpu.contract_precision<fp32>, transpose_lhs_hint = false} : vector<64x10xf32>, vector<10x160xf32>, vector<64x160xf32> -> vector<64x160xf32>
    %mul3A_211 = arith.mulf %reduce_sum3A_196, %dot_general3A_210 : vector<64x160xf32>
    %broadcast_in_dim3A_212 = vector.shape_cast %mul3A_211 : vector<64x160xf32> to vector<1x64x160xf32>
    %mul3A_213 = vector.broadcast %broadcast_in_dim3A_212 : vector<1x64x160xf32> to vector<16x64x160xf32>
    %mul3A_214 = arith.mulf %stack3A_175, %mul3A_213 : vector<16x64x160xf32>
    %reshape3A_215 = vector.shape_cast %mul3A_214 : vector<16x64x160xf32> to vector<1024x160xf32>
    %dot_general3A_216 = arith.constant dense<0.000000e+00> : vector<1024x10xf32>
    %dot_general3A_217 = tpu.matmul %reshape3A_215, %get3A_178, %dot_general3A_216 {dimension_numbers = #tpu.dot_dimension_numbers<[1], [0], [0], [1], [0, 0, 1, 1], [], []>, precision = #tpu.contract_precision<fp32>, transpose_lhs_hint = false} : vector<1024x160xf32>, vector<160x10xf32>, vector<1024x10xf32> -> vector<1024x10xf32>
    %reshape3A_218 = vector.shape_cast %dot_general3A_217 : vector<1024x10xf32> to vector<16x64x10xf32>
    %add3A_219 = arith.addf %broadcast_in_dim3A_182, %reshape3A_218 : vector<16x64x10xf32>
    %reduce_max3A_220 = arith.constant dense<0xFF800000> : vector<16x64xf32>
    %reduce_max3A_221 = vector.multi_reduction <maximumf>, %add3A_219, %reduce_max3A_220 [2] : vector<16x64x10xf32> to vector<16x64xf32>
    %broadcast_in_dim3A_222 = vector.shape_cast %reduce_max3A_221 : vector<16x64xf32> to vector<16x64x1xf32>
    %sub3A_223 = vector.broadcast %broadcast_in_dim3A_222 : vector<16x64x1xf32> to vector<16x64x10xf32>
    %sub3A_224 = arith.subf %add3A_219, %sub3A_223 : vector<16x64x10xf32>
    %exp3A_225 = math.exp %sub3A_224 : vector<16x64x10xf32>
    %reduce_sum3A_226 = arith.constant dense<0.000000e+00> : vector<16x64xf32>
    %reduce_sum3A_227 = vector.multi_reduction <add>, %exp3A_225, %reduce_sum3A_226 [2] : vector<16x64x10xf32> to vector<16x64xf32>
    %broadcast_in_dim3A_228 = vector.shape_cast %reduce_sum3A_227 : vector<16x64xf32> to vector<16x64x1xf32>
    %div3A_229 = vector.broadcast %broadcast_in_dim3A_228 : vector<16x64x1xf32> to vector<16x64x10xf32>
    %div3A_230 = arith.divf %exp3A_225, %div3A_229 : vector<16x64x10xf32>
    %reshape3A_231 = vector.shape_cast %div3A_230 : vector<16x64x10xf32> to vector<1024x10xf32>
    %dot_general3A_232 = arith.constant dense<0.000000e+00> : vector<1024x160xf32>
    %dot_general3A_233 = tpu.matmul %reshape3A_231, %get3A_181, %dot_general3A_232 {dimension_numbers = #tpu.dot_dimension_numbers<[1], [0], [0], [1], [0, 0, 1, 1], [], []>, precision = #tpu.contract_precision<fp32>, transpose_lhs_hint = false} : vector<1024x10xf32>, vector<10x160xf32>, vector<1024x160xf32> -> vector<1024x160xf32>
    %reshape3A_234 = vector.shape_cast %dot_general3A_233 : vector<1024x160xf32> to vector<16x64x160xf32>
    %mul3A_235 = arith.mulf %reshape3A_234, %stack3A_175 : vector<16x64x160xf32>
    %reduce_sum3A_236 = arith.constant dense<0.000000e+00> : vector<64x160xf32>
    %reduce_sum3A_237 = vector.multi_reduction <add>, %mul3A_235, %reduce_sum3A_236 [0] : vector<16x64x160xf32> to vector<64x160xf32>
    %mul3A_238 = arith.mulf %reduce_sum3A_237, %reduce_sum3A_237 : vector<64x160xf32>
    %dot_general3A_239 = arith.constant dense<0.000000e+00> : vector<64x10xf32>
    %dot_general3A_240 = tpu.matmul %mul3A_238, %get3A_178, %dot_general3A_239 {dimension_numbers = #tpu.dot_dimension_numbers<[1], [0], [0], [1], [0, 0, 1, 1], [], []>, precision = #tpu.contract_precision<fp32>, transpose_lhs_hint = false} : vector<64x160xf32>, vector<160x10xf32>, vector<64x10xf32> -> vector<64x10xf32>
    %add3A_241 = arith.constant 1.000000e+00 : f32
    %add3A_242 = vector.broadcast %add3A_241 : f32 to vector<64x10xf32>
    %add3A_243 = arith.addf %add3A_242, %dot_general3A_240 : vector<64x10xf32>
    %div3A_244 = arith.divf %dot_general3A_240, %add3A_243 : vector<64x10xf32>
    %add3A_245 = arith.constant 1.000000e-16 : f32
    %add3A_246 = vector.broadcast %add3A_245 : f32 to vector<64x10xf32>
    %add3A_247 = arith.addf %dot_general3A_240, %add3A_246 : vector<64x10xf32>
    %sqrt3A_248 = math.sqrt %add3A_247 : vector<64x10xf32>
    %div3A_249 = arith.divf %div3A_244, %sqrt3A_248 : vector<64x10xf32>
    %dot_general3A_250 = arith.constant dense<0.000000e+00> : vector<64x160xf32>
    %dot_general3A_251 = tpu.matmul %div3A_249, %get3A_181, %dot_general3A_250 {dimension_numbers = #tpu.dot_dimension_numbers<[1], [0], [0], [1], [0, 0, 1, 1], [], []>, precision = #tpu.contract_precision<fp32>, transpose_lhs_hint = false} : vector<64x10xf32>, vector<10x160xf32>, vector<64x160xf32> -> vector<64x160xf32>
    %mul3A_252 = arith.mulf %reduce_sum3A_237, %dot_general3A_251 : vector<64x160xf32>
    %broadcast_in_dim3A_253 = vector.shape_cast %mul3A_252 : vector<64x160xf32> to vector<1x64x160xf32>
    %mul3A_254 = vector.broadcast %broadcast_in_dim3A_253 : vector<1x64x160xf32> to vector<16x64x160xf32>
    %mul3A_255 = arith.mulf %stack3A_175, %mul3A_254 : vector<16x64x160xf32>
    %reshape3A_256 = vector.shape_cast %mul3A_255 : vector<16x64x160xf32> to vector<1024x160xf32>
    %dot_general3A_257 = arith.constant dense<0.000000e+00> : vector<1024x10xf32>
    %dot_general3A_258 = tpu.matmul %reshape3A_256, %get3A_178, %dot_general3A_257 {dimension_numbers = #tpu.dot_dimension_numbers<[1], [0], [0], [1], [0, 0, 1, 1], [], []>, precision = #tpu.contract_precision<fp32>, transpose_lhs_hint = false} : vector<1024x160xf32>, vector<160x10xf32>, vector<1024x10xf32> -> vector<1024x10xf32>
    %reshape3A_259 = vector.shape_cast %dot_general3A_258 : vector<1024x10xf32> to vector<16x64x10xf32>
    %add3A_260 = arith.addf %add3A_219, %reshape3A_259 : vector<16x64x10xf32>
    %reduce_max3A_261 = arith.constant dense<0xFF800000> : vector<16x64xf32>
    %reduce_max3A_262 = vector.multi_reduction <maximumf>, %add3A_260, %reduce_max3A_261 [2] : vector<16x64x10xf32> to vector<16x64xf32>
    %broadcast_in_dim3A_263 = vector.shape_cast %reduce_max3A_262 : vector<16x64xf32> to vector<16x64x1xf32>
    %sub3A_264 = vector.broadcast %broadcast_in_dim3A_263 : vector<16x64x1xf32> to vector<16x64x10xf32>
    %sub3A_265 = arith.subf %add3A_260, %sub3A_264 : vector<16x64x10xf32>
    %exp3A_266 = math.exp %sub3A_265 : vector<16x64x10xf32>
    %reduce_sum3A_267 = arith.constant dense<0.000000e+00> : vector<16x64xf32>
    %reduce_sum3A_268 = vector.multi_reduction <add>, %exp3A_266, %reduce_sum3A_267 [2] : vector<16x64x10xf32> to vector<16x64xf32>
    %broadcast_in_dim3A_269 = vector.shape_cast %reduce_sum3A_268 : vector<16x64xf32> to vector<16x64x1xf32>
    %div3A_270 = vector.broadcast %broadcast_in_dim3A_269 : vector<16x64x1xf32> to vector<16x64x10xf32>
    %div3A_271 = arith.divf %exp3A_266, %div3A_270 : vector<16x64x10xf32>
    %reshape3A_272 = vector.shape_cast %div3A_271 : vector<16x64x10xf32> to vector<1024x10xf32>
    %dot_general3A_273 = arith.constant dense<0.000000e+00> : vector<1024x160xf32>
    %dot_general3A_274 = tpu.matmul %reshape3A_272, %get3A_181, %dot_general3A_273 {dimension_numbers = #tpu.dot_dimension_numbers<[1], [0], [0], [1], [0, 0, 1, 1], [], []>, precision = #tpu.contract_precision<fp32>, transpose_lhs_hint = false} : vector<1024x10xf32>, vector<10x160xf32>, vector<1024x160xf32> -> vector<1024x160xf32>
    %reshape3A_275 = vector.shape_cast %dot_general3A_274 : vector<1024x160xf32> to vector<16x64x160xf32>
    %mul3A_276 = arith.mulf %reshape3A_275, %stack3A_175 : vector<16x64x160xf32>
    %reduce_sum3A_277 = arith.constant dense<0.000000e+00> : vector<64x160xf32>
    %reduce_sum3A_278 = vector.multi_reduction <add>, %mul3A_276, %reduce_sum3A_277 [0] : vector<16x64x160xf32> to vector<64x160xf32>
    %mul3A_279 = arith.mulf %reduce_sum3A_278, %reduce_sum3A_278 : vector<64x160xf32>
    %dot_general3A_280 = arith.constant dense<0.000000e+00> : vector<64x10xf32>
    %dot_general3A_281 = tpu.matmul %mul3A_279, %get3A_178, %dot_general3A_280 {dimension_numbers = #tpu.dot_dimension_numbers<[1], [0], [0], [1], [0, 0, 1, 1], [], []>, precision = #tpu.contract_precision<fp32>, transpose_lhs_hint = false} : vector<64x160xf32>, vector<160x10xf32>, vector<64x10xf32> -> vector<64x10xf32>
    %add3A_282 = arith.constant 1.000000e+00 : f32
    %add3A_283 = vector.broadcast %add3A_282 : f32 to vector<64x10xf32>
    %add3A_284 = arith.addf %add3A_283, %dot_general3A_281 : vector<64x10xf32>
    %div3A_285 = arith.divf %dot_general3A_281, %add3A_284 : vector<64x10xf32>
    %add3A_286 = arith.constant 1.000000e-16 : f32
    %add3A_287 = vector.broadcast %add3A_286 : f32 to vector<64x10xf32>
    %add3A_288 = arith.addf %dot_general3A_281, %add3A_287 : vector<64x10xf32>
    %sqrt3A_289 = math.sqrt %add3A_288 : vector<64x10xf32>
    %div3A_290 = arith.divf %div3A_285, %sqrt3A_289 : vector<64x10xf32>
    %dot_general3A_291 = arith.constant dense<0.000000e+00> : vector<64x160xf32>
    %dot_general3A_292 = tpu.matmul %div3A_290, %get3A_181, %dot_general3A_291 {dimension_numbers = #tpu.dot_dimension_numbers<[1], [0], [0], [1], [0, 0, 1, 1], [], []>, precision = #tpu.contract_precision<fp32>, transpose_lhs_hint = false} : vector<64x10xf32>, vector<10x160xf32>, vector<64x160xf32> -> vector<64x160xf32>
    %mul3A_293 = arith.mulf %reduce_sum3A_278, %dot_general3A_292 : vector<64x160xf32>
    %mul3A_294 = arith.mulf %mul3A_293, %mul3A_293 : vector<64x160xf32>
    %get3A_295 = arith.constant 0 : index
    %get3A_296 = arith.constant 0 : index
    %get3A_297 = vector.load %arg4[%get3A_295, %get3A_296] : memref<160x10xf32, #tpu.memory_space<vmem>>, vector<160x10xf32>
    %dot_general3A_298 = arith.constant dense<0.000000e+00> : vector<64x10xf32>
    %dot_general3A_299 = tpu.matmul %mul3A_294, %get3A_297, %dot_general3A_298 {dimension_numbers = #tpu.dot_dimension_numbers<[1], [0], [0], [1], [0, 0, 1, 1], [], []>, precision = #tpu.contract_precision<fp32>, transpose_lhs_hint = false} : vector<64x160xf32>, vector<160x10xf32>, vector<64x10xf32> -> vector<64x10xf32>
    %sqrt3A_300 = math.sqrt %dot_general3A_299 : vector<64x10xf32>
    %swap3A = arith.constant 0 : index
    %swap3A_301 = arith.constant 0 : index
    %swap3A_302 = vector.load %arg6[%swap3A, %swap3A_301] : memref<64x10xf32, #tpu.memory_space<vmem>>, vector<64x10xf32>
    tpu.vector_store %arg6[%swap3A, %swap3A_301], %sqrt3A_300 {strides = array<i32>} : memref<64x10xf32, #tpu.memory_space<vmem>>, vector<64x10xf32>,
    return
  }
}

</mosaic_0001>

<sc_bundles>
// kernel: kernel.18.cloned.1.call-start
scs
__scs_entry_jumppad:
0x0: {  	(pc) =	sbr.rel $0x88, $3  }
0x1: {  	(tag) =	ssettag $0x0;
	lr =	simm.s32 $0x1  }
0x2: {  	[smem:$0x3F96] =	sst lr;
	_ =	strace $0xD0000000  }
0x3: {  	_ = 	snop  }
0x4: {  	_ = 	snop  }
0x5: {  	_ = 	snop  }
0x6: {  	_ = 	snop  }
0x7: {  	_ = 	snop  }
__scs_overlays_trampoline_lowered:
0x8: {  	[smem:$0x3FA5] =	sst s0  }
0x9: {  	[smem:$0x3FA6] =	sst s1  }
0xa: {  	[smem:$0x3FA7] =	sst s2  }
0xb: {  	[smem:$0x3FA8] =	sst s3  }
0xc: {  	[smem:$0x3FA9] =	sst s4  }
0xd: {  	[smem:$0x3FAA] =	sst s5  }
0xe: {  	[smem:$0x3FAB] =	sst s6  }
0xf: {  	[smem:$0x3FAC] =	sst s7  }
0x10: {  	[smem:$0x3FAD] =	sst s8  }
0x11: {  	[smem:$0x3FAE] =	sst s9;
	s0 =	simm.s32 @!p0 $0x0  }
0x12: {  	s1 =	sld [smem:$0x3F94];
	s0 =	simm.s32 @p0 $0x1  }
0x13: {  	[smem:$0x3FAF] =	sst s0;
	s0 =	simm.s32 @!p1 $0x0  }
0x14: {  	s2 =	sld [smem:$0x3F93];
	s0 =	simm.s32 @p1 $0x1  }
0x15: {  	[smem:$0x3FB0] =	sst s0;
	s0 =	simm.s32 @!p2 $0x0  }
0x16: {  	s3 =	sld [smem:$0x3FDB];
	s0 =	simm.s32 @p2 $0x1  }
0x17: {  	s4 =	simm.s32 $0x1BF5;
	[smem:$0x3FB2] =	sst s0  }
0x18: {  	s0 =	sld [smem:$0x3F95];
	_ =	swait.ge [sflag:s4], $0x0  }
0x19: {  	s7 =	sld [smem:$0x3F96]  }
0x1a: {  	s8 =	sadd.s32 $0xFFFFE003, lr  }
0x1b: {  	s9 =	sadd.s32 $0xFFFFFEF7, lr;
	s5 =	simm.s32 $0xFFFFFFFF;
	p2 =	slt.u32 s8, $0xFFFFF086  }
0x1c: {  	p1 =	slt.u32 s9, $0xF7A;
	s5 =	simm.s32 @!p2 $0x0  }
0x1d: {  	s5 =	simm.s32 @p1 $0x1;
	p0 =	seq.s32 s7, s2  }
0x1e: {  	s7 =	smul.u32 @!p0 $0xF7A, s2;
	p2 =	seq.s32 @!p0 s5, $0x0  }
0x1f: {  	s9 =	smul.u32 $0xF7A, s1;
	s8 =	simm.s32 @!p0 $0x1BF5;
	p2 =	por !p2, p0  }
0x20: {  	[sflag:s8] =	ssyncset.s32 @!p0 $0xFFFFF086;
	s6 =	sadd.s32 @!p0 s3, s7;
	s7 =	simm.s32 @!p0 $0x108  }
0x21: {  	s3 =	sadd.s32 s3, s9;
	s6 =	sadd.s32 @!p0 $0x88, s6;
	s7 =	simm.s32 @p2 $0x1082  }
0x22: {  	[simem:s7], [sflag:s8] =	dma.local @!p0 [hbm:s6], $0xF7A  }
0x23: {  	s9 =	sor.u32 $0xD0000000, s2;
	s6 =	simm.s32 $0x108;
	_ =	swait.ge @!p0 [sflag:s8], $0x0  }
0x24: {  	s3 =	sadd.s32 $0x88, s3;
	s6 =	simm.s32 @!p1 $0x1082;
	[sflag:s4] =	ssyncset.s32 $0xFFFFF086  }
0x25: {  	[simem:s6], [sflag:s4] =	dma.local [hbm:s3], $0xF7A  }
0x26: {  	[smem:$0x3F96] =	sst s1;
	(tag) =	ssettag s2;
	_ =	strace s9  }
0x27: {  	s1 =	sld [smem:$0x3FA6]  }
0x28: {  	s2 =	sld [smem:$0x3FA7]  }
0x29: {  	s4 =	sld [smem:$0x3FA9]  }
0x2a: {  	p0 =	seq.s32 s5, $0x0;
	s5 =	sld [smem:$0x3FAA]  }
0x2b: {  	s6 =	sld [smem:$0x3FAB]  }
0x2c: {  	s7 =	sld [smem:$0x3FAC]  }
0x2d: {  	s3 =	simm.s32 $0x108;
	s8 =	sld [smem:$0x3FAD]  }
0x2e: {  	s3 =	simm.s32 @!p0 $0x1082;
	s9 =	sld [smem:$0x3FAE]  }
0x2f: {  	lr =	sadd.s32 s0, s3;
	s0 =	sld [smem:$0x3FA5]  }
0x30: {  	s3 =	sld [smem:$0x3FA8]  }
0x31: {  	[smem:$0x3FB1] =	sst s10  }
0x32: {  	s10 =	sld [smem:$0x3FAF];
	_ =	sdelay $0x3  }
0x33: {  	p0 =	seq.s32 s10, $0x1;
	s10 =	sld [smem:$0x3FB1];
	_ =	sdelay $0x3  }
0x34: {  	[smem:$0x3FB1] =	sst s10  }
0x35: {  	s10 =	sld [smem:$0x3FB0];
	_ =	sdelay $0x3  }
0x36: {  	p1 =	seq.s32 s10, $0x1;
	s10 =	sld [smem:$0x3FB1];
	_ =	sdelay $0x3  }
0x37: {  	[smem:$0x3FB1] =	sst s10  }
0x38: {  	s10 =	sld [smem:$0x3FB2]  }
0x39: {  	_ = 	snop;
	(pc) =	sbr.ind lr, $3  }
0x3a: {  	_ = 	snop  }
0x3b: {  	_ = 	snop  }
0x3c: {  	p2 =	seq.s32 s10, $0x1;
	s10 =	sld [smem:$0x3FB1]  }
0x3d: {  	_ =	shalt  }
0x3e: {  	_ =	shalt  }
0x3f: {  	_ =	shalt  }
0x40: {  	_ =	shalt  }
0x41: {  	_ =	shalt  }
0x42: {  	_ =	shalt  }
0x43: {  	_ =	shalt  }
0x44: {  	_ =	shalt  }
0x45: {  	_ =	shalt  }
0x46: {  	_ =	shalt  }
0x47: {  	_ =	shalt  }
0x48: {  	_ =	shalt  }
0x49: {  	_ =	shalt  }
0x4a: {  	_ =	shalt  }
0x4b: {  	_ =	shalt  }
0x4c: {  	_ =	shalt  }
0x4d: {  	_ =	shalt  }
0x4e: {  	_ =	shalt  }
0x4f: {  	_ =	shalt  }
0x50: {  	_ =	shalt  }
0x51: {  	_ =	shalt  }
0x52: {  	_ =	shalt  }
0x53: {  	_ =	shalt  }
0x54: {  	_ =	shalt  }
0x55: {  	_ =	shalt  }
0x56: {  	_ =	shalt  }
0x57: {  	_ =	shalt  }
0x58: {  	_ =	shalt  }
0x59: {  	_ =	shalt  }
0x5a: {  	_ =	shalt  }
0x5b: {  	_ =	shalt  }
0x5c: {  	_ =	shalt  }
0x5d: {  	_ =	shalt  }
0x5e: {  	_ =	shalt  }
0x5f: {  	_ =	shalt  }
0x60: {  	_ =	shalt  }
0x61: {  	_ =	shalt  }
0x62: {  	_ =	shalt  }
0x63: {  	_ =	shalt  }
0x64: {  	_ =	shalt  }
0x65: {  	_ =	shalt  }
0x66: {  	_ =	shalt  }
0x67: {  	_ =	shalt  }
0x68: {  	_ =	shalt  }
0x69: {  	_ =	shalt  }
0x6a: {  	_ =	shalt  }
0x6b: {  	_ =	shalt  }
0x6c: {  	_ =	shalt  }
0x6d: {  	_ =	shalt  }
0x6e: {  	_ =	shalt  }
0x6f: {  	_ =	shalt  }
0x70: {  	_ =	shalt  }
0x71: {  	_ =	shalt  }
0x72: {  	_ =	shalt  }
0x73: {  	_ =	shalt  }
0x74: {  	_ =	shalt  }
0x75: {  	_ =	shalt  }
0x76: {  	_ =	shalt  }
0x77: {  	_ =	shalt  }
0x78: {  	_ =	shalt  }
0x79: {  	_ =	shalt  }
0x7a: {  	_ =	shalt  }
0x7b: {  	_ =	shalt  }
0x7c: {  	_ =	shalt  }
0x7d: {  	_ =	shalt  }
0x7e: {  	_ =	shalt  }
0x7f: {  	_ =	shalt  }
0x80: {  	_ =	shalt  }
0x81: {  	_ =	shalt  }
0x82: {  	_ =	shalt  }
0x83: {  	_ =	shalt  }
0x84: {  	_ =	shalt  }
0x85: {  	_ =	shalt  }
0x86: {  	_ =	shalt  }
0x87: {  	_ =	shalt  }
.Lfunc_end0:
.L_simem_size_0:
called_computation_lowered:
.L_overlay_start_0:
0x88: {  	s2 =	sld [smem:$0x3FD9]  }
0x89: {  	s3 =	sld [smem:$0x3FFE];
	_ =	sdelay $0x1  }
0x8a: {  	s1 =	srdreg.scid  }
0x8b: {  	s0 =	sand.u32 $0x1, s1  }
0x8c: {  	s16 =	sshll.u32 s0, $0xA;
	s2 =	sadd.s32 s3, s2  }
0x8d: {  	s2 =	sadd.s32 s2, s16  }
0x8e: {  	[smem:$0x3FBD] =	sst s2  }
0x8f: {  	_ = 	snop  }
0x90: {  	(tm) =	ssettm $0x1  }
0x91: {  	s17 =	sld [smem:$0x3FFB];
	_ =	sdelay $0x3  }
0x92: {  	_ =	strace s17  }
0x93: {  	s2 =	sld [smem:$0x3FFC];
	_ =	sdelay $0x3  }
0x94: {  	_ =	strace s2  }
0x95: {  	s2 =	sld [smem:$0x3FFD];
	_ =	sdelay $0x3  }
0x96: {  	_ =	strace s2  }
0x97: {  	_ =	strace $0x8FFFFFFF  }
0x98: {  	s18 =	sld [smem:$0x3FDB];
	_ =	sdelay $0x1  }
0x99: {  	s19 =	simm.s32 $_scs_section_size  }
0x9a: {  	s4 =	simm.s32 $_size__tile_overlayer_lowered;
	s5 =	simm.s32 $_tile_overlayer_lowered  }
0x9b: {  	s22 =	simm.s32 $0x1BFF;
	s21 =	sshll.u32 s5, $0x1;
	s2 =	sadd.s32 s19, s18  }
0x9c: {  	s6 =	simm.s32 $0x0;
	s20 =	sshll.u32 s4, $0x1;
	s4 =	sadd.s32 s21, s2  }
0x9d: {  	[timem:s6], [sflag:s22] =	dma.local [hbm:s4], s20  }
0x9e: {  	_ =	swait.ge [sflag:s22], s20  }
0x9f: {  	s3 =	ssub.s32 $0x0, s20;
	[sflag:s22] =	ssyncset.done $0x0  }
0xa0: {  	[sflag:s22] =	ssyncadd.s32 s3;
	_ =	sdelay $0x1  }
0xa1: {  	s23 =	simm.s32 $0x1B8B  }
0xa2: {  	_ =	swait.ge [sflag:s23], $0x1  }
0xa3: {  	[sflag:s23] =	ssyncset.done $0x0  }
0xa4: {  	s25 =	simm.s32 $0x1B8E;
	s24 =	sld [smem:$0x3FFE];
	[sflag:s23] =	ssyncadd.s32 $0xFFFFFFFF  }
0xa5: {  	s26 =	simm.s32 $execute0_lowered;
	[smem:$0x3FD2] =	sst s25  }
0xa6: {  	s4 =	sshll.u32 s26, $0x1;
	_ =	strace $0x80000046;
	[dreg:$0x1] =	wrdreg $0xFFFFFFFF  }
0xa7: {  	s28 =	simm.s32 $_size_execute0_lowered;
	s2 =	sadd.s32 s2, s4;
	[dreg:$0x0] =	wrdreg $0x0  }
0xa8: {  	s4 =	sshll.u32 s28, $0x1;
	[dreg:$0x2] =	wrdreg s2  }
0xa9: {  	[dreg:$0x3] =	wrdreg s4  }
0xaa: {  	[dreg:$0x4] =	wrdreg $0xC0  }
0xab: {  	_ =	task [dreg:s6], $0x5FFFF  }
0xac: {  	[dreg:$0x1] =	wrdreg $0xFFFFFFFF  }
0xad: {  	[dreg:$0x0] =	wrdreg $0x60  }
0xae: {  	[dreg:$0x2] =	wrdreg s24  }
0xaf: {  	[dreg:$0x3] =	wrdreg $0x1800  }
0xb0: {  	[dreg:$0x4] =	wrdreg $0x9  }
0xb1: {  	_ =	task.clear_ibuf [dreg:s6], $0x5FFFF;
	_ =	strace $0x90000046  }
0xb2: {  	s29 =	simm.s32 $0x9;
	_ =	strace $0x80000048  }
0xb3: {  	_ =	swait.ge [sflag:s29], $0x1  }
0xb4: {  	[sflag:s29] =	ssyncadd.s32 $0xFFFFFFFF  }
0xb5: {  	_ =	strace $0x90000048  }
0xb6: {  	_ =	sfence  }
0xb7: {  	s30 =	sld [smem:$0x0];
	_ =	sdelay $0x2  }
0xb8: {  	s31 =	sshll.u32 s1, $0xD;
	s1 =	sshrl.u32 s1, $0x2  }
0xb9: {  	s3 =	sand.u32 $0x4000, s31;
	s1 =	sadd.s32 s1, s30  }
0xba: {  	s0 =	sor.u32 s3, s0;
	s1 =	sshll.u32 s1, $0x11  }
0xbb: {  	s0 =	sor.u32 s1, s0  }
0xbc: {  	s0 =	sadd.s32 $0x8F2B, s0  }
0xbd: {  	[sflag:s0] =	ssyncadd.remote.s32 $0x1  }
0xbe: {  	_ =	sfence.sel $0xFFFF  }
0xbf: {  	[dreg:$0x0] =	wrdreg $0xFFFFFFFF;
	(pc) =	sbr.abs _section_cstart, $3  }
0xc0: {  	[dreg:$0x1] =	wrdreg $0xFFFFFFFF  }
0xc1: {  	_ =	task.clear_ibuf [dreg:s6], $0x2FFFF;
	_ =	strace $0x9FFFFFFF  }
0xc2: {  	(tm) =	ssettm $0x7FFFFFFF  }
0xc3: {  	_ =	shalt  }
tec
execute0_lowered:
.L_overlay_start_1:
0x0: {  	(tag) =	ssettag $0x1  }
0x1: {  	s1 =	srdreg.scid;
	s4 =	rddreg [dreg:$0x0]  }
0x2: {  	s0 =	stileid.u32;
	s2 =	rddreg [dreg:$0x1];
	s3 =	simm.s32 $0x0  }
0x3: {  	s12 =	simm.s32 $0x1;
	s13 =	simm.s32 $0x80;
	s6 =	smul.u32 $0x4F00, s0  }
0x4: {  	s14 =	simm.s32 $0x100;
	s5 =	sand.u32 $0x1, s1;
	s8 =	smul.u32 $0x280, s0  }
0x5: {  	s15 =	simm.s32 $0x0;
	s1 =	rddreg [dreg:$0x2];
	s7 =	smul.u32 $0x2780, s5  }
0x6: {  	[smem:$0x7FF] =	sst s3;
	s31 =	sshll.u32 s0, $0x6;
	s26 =	smul.u32 $0x2800, s5  }
0x7: {  	_ =	strace $0x80000047;
	s5 =	ssub.s32 $0x2, s5;
	s29 =	sshrl.u32 s8, $0x3  }
0x8: {  	s30 =	sshrl.u32 s5, $0x1;
	s11 =	sadd.s32 s8, s2;
	s6 =	sadd.s32 s7, s6  }
0x9: {  	s28 =	sadd.s32 s8, s26;
	s7 =	sadd.s32 s29, s4;
	s6 =	sshrl.u32 s6, $0x3  }
0xa: {  	s9 =	ssub.s32 s5, s30;
	s10 =	sadd.s32 s6, s4;
	s6 =	sshrl.u32 s28, $0x3  }
0xb: {  	s5 =	sor.u32 $0x1C01, s31;
	s11 =	sshrl.u32 s11, $0x3;
	s6 =	sadd.s32 s6, s4  }
0xc: {  	s4 =	sadd.s32 $0x18C00, s7;
	s7 =	smax.u32 s9, $0x1;
	s8 =	sadd.s32 $0x19C00, s10  }
0xd: {  	v0 =	vimm.f32 $1.000000000e+00;
	s9 =	sadd.s32 $0xEE00, s10;
	s10 =	sadd.s32 $0x5000, s10;
	s6 =	sadd.s32 $0x19200, s6  }
.LBB2_1:
0xe: {  	[spmem:s11], [sflag:s5] =	dma.local [hbm:s4], $0x50  }
0xf: {  	_ =	swait.ge [sflag:s12], $0x50  }
0x10: {  	[sflag:s12] =	ssyncset.done $0x0  }
0x11: {  	[sflag:s12] =	ssyncadd.s32 $0xFFFFFFB0  }
0x12: {  	[tilespmem:$0x100] =	vst v0  }
0x13: {  	[tilespmem:$0x110] =	vst v0  }
0x14: {  	[tilespmem:$0x120] =	vst v0  }
0x15: {  	[tilespmem:$0x130] =	vst v0  }
0x16: {  	[tilespmem:$0x140] =	vst v0  }
0x17: {  	[tilespmem:$0x150] =	vst v0  }
0x18: {  	[tilespmem:$0x160] =	vst v0  }
0x19: {  	[tilespmem:$0x170] =	vst v0  }
0x1a: {  	s16 =	sadd.s32 $0x0, s10;
	[bflag:$0x0] =	sbarrier.arrive $0xFFFF  }
0x1b: {  	[tilespmem:s3], [sflag:$0x1] =	stream.linear.gather [hbm4b:s16+s3], $0x80, $0x38;
	[tilespmem:$0x400] =	vst v63  }
0x1c: {  	_ =	swait.ge [sflag:s12], $0x80  }
0x1d: {  	[sflag:s12] =	ssyncset.done $0x0  }
0x1e: {  	s31 =	sadd.s32 $0x0, s9;
	[sflag:s12] =	ssyncadd.s32 $0xFFFFFF80  }
0x1f: {  	[tilespmem:s13], [sflag:$0x1] =	stream.linear.gather [hbm4b:s31+s3], $0x80, $0x38;
	[tilespmem:$0x400] =	vst v63  }
0x20: {  	_ =	swait.ge [sflag:s12], $0x80  }
0x21: {  	[sflag:s12] =	ssyncset.done $0x0  }
0x22: {  	[sflag:s12] =	ssyncadd.s32 $0xFFFFFF80  }
0x23: {  	v1 =	vld [tilespmem:$0xF0]  }
0x24: {  	v2 =	vld [tilespmem:$0xD0]  }
0x25: {  	v7 =	vld [tilespmem:$0xB0]  }
0x26: {  	v4 =	vld [tilespmem:$0x40]  }
0x27: {  	v10 =	vld [tilespmem:$0x20]  }
0x28: {  	v8 =	vld [tilespmem:$0x30]  }
0x29: {  	v11 =	vld [tilespmem:$0xA0]  }
0x2a: {  	v5 =	vld [tilespmem:$0x80]  }
0x2b: {  	v6 =	vld [tilespmem:$0xE0]  }
0x2c: {  	v3 =	vld [tilespmem:$0x10]  }
0x2d: {  	vm0 =	veq.s32 v8, v7;
	v8 =	vld [tilespmem:$0x60]  }
0x2e: {  	v9 =	vld [tilespmem:$0x0];
	vm1 =	veq.s32 v10, v11;
	v7 =	vsel vm0, $0x2710, v7  }
0x2f: {  	v10 =	vsel vm1, $0x2710, v11;
	[tilespmem:$0xB0] =	vst v7;
	v7 =	vld [tilespmem:$0xC0]  }
0x30: {  	s17 =	simm.s32 $0x10;
	s16 =	simm.s32 $0x0;
	[tilespmem:$0xA0] =	vst v10;
	v10 =	vld [tilespmem:$0x50]  }
.LBB2_2:
0x31: {  	p0 =	sne.s32 s17, $0x4E0;
	v11 =	vld [tilespmem:$0x70];
	s18 =	smov.u32 s17;
	s17 =	sadd.s32 $0x10, s17  }
0x32: {  	v12 =	vld [tilespmem:$0x90];
	vm0 =	veq.s32 v8, v6  }
0x33: {  	vm1 =	veq.s32 v9, v5;
	v6 =	vsel vm0, $0x2710, v6  }
0x34: {  	v5 =	vsel vm1, $0x2710, v5;
	vm0 =	veq.s32 v4, v7;
	[tilespmem:$0xE0] =	vst v6  }
0x35: {  	[tilespmem:$0x80] =	vst v5;
	v4 =	vsel vm0, $0x2710, v7;
	vm0 =	veq.s32 v10, v2  }
0x36: {  	[tilespmem:$0xC0] =	vst v4;
	v2 =	vsel vm0, $0x2710, v2;
	vm0 =	veq.s32 v11, v1  }
0x37: {  	vm1 =	veq.s32 v3, v12;
	[tilespmem:$0xD0] =	vst v2;
	v1 =	vsel vm0, $0x2710, v1  }
0x38: {  	v2 =	vsel vm1, $0x2710, v12;
	[tilespmem:$0xF0] =	vst v1  }
0x39: {  	s19 =	sadd.s32 s16, s8;
	s16 =	smov.u32 s18;
	[tilespmem:$0x90] =	vst v2  }
0x3a: {  	[hbm4b:s19+s3] =	stream.linear.scatter [tilespmem:s13], [sflag:$0x1], $0x80, $0x38;
	[tilespmem:$0x400] =	vst v63  }
0x3b: {  	_ =	swait.ge [sflag:s12], $0x80  }
0x3c: {  	[sflag:s12] =	ssyncset.done $0x0  }
0x3d: {  	[sflag:s12] =	ssyncadd.s32 $0xFFFFFF80  }
0x3e: {  	[spmem:s2] =	stream.indirect.scatter.add.f32 [tilespmem:s14], [sflag:$0x1], $0x1, s13, s13, $0xb8;
	[tilespmem:$0x400] =	vst v63  }
0x3f: {  	_ =	swait.ge [sflag:s12], $0x80  }
0x40: {  	s18 =	sadd.s32 s16, s10;
	[sflag:s12] =	ssyncset.done $0x0  }
0x41: {  	[sflag:s12] =	ssyncadd.s32 $0xFFFFFF80  }
0x42: {  	[tilespmem:s3], [sflag:$0x1] =	stream.linear.gather [hbm4b:s18+s3], $0x80, $0x38;
	[tilespmem:$0x400] =	vst v63  }
0x43: {  	_ =	swait.ge [sflag:s12], $0x80  }
0x44: {  	[sflag:s12] =	ssyncset.done $0x0  }
0x45: {  	s18 =	sadd.s32 s16, s9;
	[sflag:s12] =	ssyncadd.s32 $0xFFFFFF80  }
0x46: {  	[tilespmem:s13], [sflag:$0x1] =	stream.linear.gather [hbm4b:s18+s3], $0x80, $0x38;
	[tilespmem:$0x400] =	vst v63  }
0x47: {  	_ =	swait.ge [sflag:s12], $0x80  }
0x48: {  	[sflag:s12] =	ssyncset.done $0x0  }
0x49: {  	[sflag:s12] =	ssyncadd.s32 $0xFFFFFF80  }
0x4a: {  	v1 =	vld [tilespmem:$0xF0]  }
0x4b: {  	v2 =	vld [tilespmem:$0xD0]  }
0x4c: {  	v7 =	vld [tilespmem:$0xB0]  }
0x4d: {  	v4 =	vld [tilespmem:$0x40]  }
0x4e: {  	v10 =	vld [tilespmem:$0x20]  }
0x4f: {  	v8 =	vld [tilespmem:$0x30]  }
0x50: {  	v11 =	vld [tilespmem:$0xA0]  }
0x51: {  	v5 =	vld [tilespmem:$0x80]  }
0x52: {  	v6 =	vld [tilespmem:$0xE0]  }
.Ltmp0:
0x53: {  	v3 =	vld [tilespmem:$0x10];
	(pc) =	sbr.rel @p0 .LBB2_2-.Ltmp0, $4  }
0x54: {  	vm0 =	veq.s32 v8, v7;
	v8 =	vld [tilespmem:$0x60]  }
0x55: {  	v9 =	vld [tilespmem:$0x0];
	vm1 =	veq.s32 v10, v11;
	v7 =	vsel vm0, $0x2710, v7  }
0x56: {  	v10 =	vsel vm1, $0x2710, v11;
	[tilespmem:$0xB0] =	vst v7;
	v7 =	vld [tilespmem:$0xC0]  }
0x57: {  	[tilespmem:$0xA0] =	vst v10;
	v10 =	vld [tilespmem:$0x50]  }
0x58: {  	v11 =	vld [tilespmem:$0x70]  }
0x59: {  	v12 =	vld [tilespmem:$0x90];
	vm0 =	veq.s32 v8, v6  }
0x5a: {  	vm1 =	veq.s32 v9, v5;
	v6 =	vsel vm0, $0x2710, v6  }
0x5b: {  	v5 =	vsel vm1, $0x2710, v5;
	vm12 =	veq.s32 v4, v7;
	[tilespmem:$0xE0] =	vst v6  }
0x5c: {  	[tilespmem:$0x80] =	vst v5;
	v4 =	vsel vm12, $0x2710, v7;
	vm13 =	veq.s32 v10, v2  }
0x5d: {  	[tilespmem:$0xC0] =	vst v4;
	v2 =	vsel vm13, $0x2710, v2;
	vm14 =	veq.s32 v11, v1  }
0x5e: {  	vm15 =	veq.s32 v3, v12;
	[tilespmem:$0xD0] =	vst v2;
	v1 =	vsel vm14, $0x2710, v1  }
0x5f: {  	v2 =	vsel vm15, $0x2710, v12;
	[tilespmem:$0xF0] =	vst v1  }
0x60: {  	s16 =	sadd.s32 s16, s8;
	[tilespmem:$0x90] =	vst v2  }
0x61: {  	[hbm4b:s16+s3] =	stream.linear.scatter [tilespmem:s13], [sflag:$0x1], $0x80, $0x38;
	[tilespmem:$0x400] =	vst v63  }
0x62: {  	_ =	swait.ge [sflag:s12], $0x80  }
0x63: {  	[sflag:s12] =	ssyncset.done $0x0  }
0x64: {  	[sflag:s12] =	ssyncadd.s32 $0xFFFFFF80  }
0x65: {  	[spmem:s2] =	stream.indirect.scatter.add.f32 [tilespmem:s14], [sflag:$0x1], $0x1, s13, s13, $0xb8;
	[tilespmem:$0x400] =	vst v63  }
0x66: {  	_ =	swait.ge [sflag:s12], $0x80  }
0x67: {  	s15 =	sadd.s32 $0x1, s15;
	[sflag:s12] =	ssyncset.done $0x0  }
0x68: {  	p0 =	sne.s32 s15, s7;
	[sflag:s12] =	ssyncadd.s32 $0xFFFFFF80  }
.Ltmp1:
0x69: {  	[bflag:$0x0] =	sbarrier.arrive $0xFFFF;
	(pc) =	sbr.rel @p0 .LBB2_1-.Ltmp1, $4  }
0x6a: {  	[hbm:s6], [sflag:s5] =	dma.local [spmem:s11], $0x50  }
0x6b: {  	_ =	swait.ge [sflag:s12], $0x50  }
0x6c: {  	[sflag:s12] =	ssyncset.done $0x0  }
0x6d: {  	[sflag:s12] =	ssyncadd.s32 $0xFFFFFFB0  }
0x6e: {  	_ =	sfence.sel $0x180000  }
0x6f: {  	[bflag:$0x0] =	sbarrier.arrive $0xFFFF  }
0x70: {  	p0 =	sne.s32 s0, $0x0;
	_ =	strace $0x90000047  }
0x71: {  	s0 =	sadd.s32 @!p0 $0x100000, s1;
	[bflag:$0x2] =	sbarrier.arrive $0xFFFF  }
0x72: {  	[sflag:s0] =	ssyncadd.tile.s32 @!p0 $0x1;
	_ =	shalt  }
.Lfunc_end2:
_tile_overlayer_lowered:
.L_overlay_start_2:
0x73: {  	(tag) =	ssettag $0x2  }
0x74: {  	s0 =	rddreg [dreg:$0x0];
	s2 =	stileid.u32  }
0x75: {  	s1 =	rddreg [dreg:$0x1];
	p0 =	sne.s32 s2, $0x0  }
0x76: {  	s3 =	rddreg [dreg:$0x2];
	[bflag:$0x3] =	sbarrier.arrive $0xFFFF;
	s2 =	simm.s32 @!p0 $0x1C01  }
0x77: {  	[timem:s3], [sflag:s2] =	dma.local @!p0 [hbm:s0], s1  }
0x78: {  	s0 =	simm.s32 @!p0 $0x1  }
0x79: {  	_ =	swait.ge @!p0 [sflag:s0], s1  }
0x7a: {  	s1 =	ssub.s32 @!p0 $0x0, s1;
	[sflag:s0] =	ssyncset.done @!p0 $0x0  }
0x7b: {  	[sflag:s0] =	ssyncadd.s32 @!p0 s1  }
0x7c: {  	[bflag:$0x3] =	sbarrier.arrive $0xFFFF  }
0x7d: {  	_ =	shalt  }

// kernel: kernel.21.cloned.1.call-start
scs
__scs_entry_jumppad:
0x0: {  	(pc) =	sbr.rel $0x88, $3  }
0x1: {  	(tag) =	ssettag $0x0;
	lr =	simm.s32 $0x1  }
0x2: {  	[smem:$0x3F96] =	sst lr;
	_ =	strace $0xD0000000  }
0x3: {  	_ = 	snop  }
0x4: {  	_ = 	snop  }
0x5: {  	_ = 	snop  }
0x6: {  	_ = 	snop  }
0x7: {  	_ = 	snop  }
__scs_overlays_trampoline_lowered:
0x8: {  	[smem:$0x3FA5] =	sst s0  }
0x9: {  	[smem:$0x3FA6] =	sst s1  }
0xa: {  	[smem:$0x3FA7] =	sst s2  }
0xb: {  	[smem:$0x3FA8] =	sst s3  }
0xc: {  	[smem:$0x3FA9] =	sst s4  }
0xd: {  	[smem:$0x3FAA] =	sst s5  }
0xe: {  	[smem:$0x3FAB] =	sst s6  }
0xf: {  	[smem:$0x3FAC] =	sst s7  }
0x10: {  	[smem:$0x3FAD] =	sst s8  }
0x11: {  	[smem:$0x3FAE] =	sst s9;
	s0 =	simm.s32 @!p0 $0x0  }
0x12: {  	s1 =	sld [smem:$0x3F94];
	s0 =	simm.s32 @p0 $0x1  }
0x13: {  	[smem:$0x3FAF] =	sst s0;
	s0 =	simm.s32 @!p1 $0x0  }
0x14: {  	s2 =	sld [smem:$0x3F93];
	s0 =	simm.s32 @p1 $0x1  }
0x15: {  	[smem:$0x3FB0] =	sst s0;
	s0 =	simm.s32 @!p2 $0x0  }
0x16: {  	s3 =	sld [smem:$0x3FDB];
	s0 =	simm.s32 @p2 $0x1  }
0x17: {  	s4 =	simm.s32 $0x1BF5;
	[smem:$0x3FB2] =	sst s0  }
0x18: {  	s0 =	sld [smem:$0x3F95];
	_ =	swait.ge [sflag:s4], $0x0  }
0x19: {  	s7 =	sld [smem:$0x3F96]  }
0x1a: {  	s8 =	sadd.s32 $0xFFFFE003, lr  }
0x1b: {  	s9 =	sadd.s32 $0xFFFFFEF7, lr;
	s5 =	simm.s32 $0xFFFFFFFF;
	p2 =	slt.u32 s8, $0xFFFFF086  }
0x1c: {  	p1 =	slt.u32 s9, $0xF7A;
	s5 =	simm.s32 @!p2 $0x0  }
0x1d: {  	s5 =	simm.s32 @p1 $0x1;
	p0 =	seq.s32 s7, s2  }
0x1e: {  	s7 =	smul.u32 @!p0 $0xF7A, s2;
	p2 =	seq.s32 @!p0 s5, $0x0  }
0x1f: {  	s9 =	smul.u32 $0xF7A, s1;
	s8 =	simm.s32 @!p0 $0x1BF5;
	p2 =	por !p2, p0  }
0x20: {  	[sflag:s8] =	ssyncset.s32 @!p0 $0xFFFFF086;
	s6 =	sadd.s32 @!p0 s3, s7;
	s7 =	simm.s32 @!p0 $0x108  }
0x21: {  	s3 =	sadd.s32 s3, s9;
	s6 =	sadd.s32 @!p0 $0x88, s6;
	s7 =	simm.s32 @p2 $0x1082  }
0x22: {  	[simem:s7], [sflag:s8] =	dma.local @!p0 [hbm:s6], $0xF7A  }
0x23: {  	s9 =	sor.u32 $0xD0000000, s2;
	s6 =	simm.s32 $0x108;
	_ =	swait.ge @!p0 [sflag:s8], $0x0  }
0x24: {  	s3 =	sadd.s32 $0x88, s3;
	s6 =	simm.s32 @!p1 $0x1082;
	[sflag:s4] =	ssyncset.s32 $0xFFFFF086  }
0x25: {  	[simem:s6], [sflag:s4] =	dma.local [hbm:s3], $0xF7A  }
0x26: {  	[smem:$0x3F96] =	sst s1;
	(tag) =	ssettag s2;
	_ =	strace s9  }
0x27: {  	s1 =	sld [smem:$0x3FA6]  }
0x28: {  	s2 =	sld [smem:$0x3FA7]  }
0x29: {  	s4 =	sld [smem:$0x3FA9]  }
0x2a: {  	p0 =	seq.s32 s5, $0x0;
	s5 =	sld [smem:$0x3FAA]  }
0x2b: {  	s6 =	sld [smem:$0x3FAB]  }
0x2c: {  	s7 =	sld [smem:$0x3FAC]  }
0x2d: {  	s3 =	simm.s32 $0x108;
	s8 =	sld [smem:$0x3FAD]  }
0x2e: {  	s3 =	simm.s32 @!p0 $0x1082;
	s9 =	sld [smem:$0x3FAE]  }
0x2f: {  	lr =	sadd.s32 s0, s3;
	s0 =	sld [smem:$0x3FA5]  }
0x30: {  	s3 =	sld [smem:$0x3FA8]  }
0x31: {  	[smem:$0x3FB1] =	sst s10  }
0x32: {  	s10 =	sld [smem:$0x3FAF];
	_ =	sdelay $0x3  }
0x33: {  	p0 =	seq.s32 s10, $0x1;
	s10 =	sld [smem:$0x3FB1];
	_ =	sdelay $0x3  }
0x34: {  	[smem:$0x3FB1] =	sst s10  }
0x35: {  	s10 =	sld [smem:$0x3FB0];
	_ =	sdelay $0x3  }
0x36: {  	p1 =	seq.s32 s10, $0x1;
	s10 =	sld [smem:$0x3FB1];
	_ =	sdelay $0x3  }
0x37: {  	[smem:$0x3FB1] =	sst s10  }
0x38: {  	s10 =	sld [smem:$0x3FB2]  }
0x39: {  	_ = 	snop;
	(pc) =	sbr.ind lr, $3  }
0x3a: {  	_ = 	snop  }
0x3b: {  	_ = 	snop  }
0x3c: {  	p2 =	seq.s32 s10, $0x1;
	s10 =	sld [smem:$0x3FB1]  }
0x3d: {  	_ =	shalt  }
0x3e: {  	_ =	shalt  }
0x3f: {  	_ =	shalt  }
0x40: {  	_ =	shalt  }
0x41: {  	_ =	shalt  }
0x42: {  	_ =	shalt  }
0x43: {  	_ =	shalt  }
0x44: {  	_ =	shalt  }
0x45: {  	_ =	shalt  }
0x46: {  	_ =	shalt  }
0x47: {  	_ =	shalt  }
0x48: {  	_ =	shalt  }
0x49: {  	_ =	shalt  }
0x4a: {  	_ =	shalt  }
0x4b: {  	_ =	shalt  }
0x4c: {  	_ =	shalt  }
0x4d: {  	_ =	shalt  }
0x4e: {  	_ =	shalt  }
0x4f: {  	_ =	shalt  }
0x50: {  	_ =	shalt  }
0x51: {  	_ =	shalt  }
0x52: {  	_ =	shalt  }
0x53: {  	_ =	shalt  }
0x54: {  	_ =	shalt  }
0x55: {  	_ =	shalt  }
0x56: {  	_ =	shalt  }
0x57: {  	_ =	shalt  }
0x58: {  	_ =	shalt  }
0x59: {  	_ =	shalt  }
0x5a: {  	_ =	shalt  }
0x5b: {  	_ =	shalt  }
0x5c: {  	_ =	shalt  }
0x5d: {  	_ =	shalt  }
0x5e: {  	_ =	shalt  }
0x5f: {  	_ =	shalt  }
0x60: {  	_ =	shalt  }
0x61: {  	_ =	shalt  }
0x62: {  	_ =	shalt  }
0x63: {  	_ =	shalt  }
0x64: {  	_ =	shalt  }
0x65: {  	_ =	shalt  }
0x66: {  	_ =	shalt  }
0x67: {  	_ =	shalt  }
0x68: {  	_ =	shalt  }
0x69: {  	_ =	shalt  }
0x6a: {  	_ =	shalt  }
0x6b: {  	_ =	shalt  }
0x6c: {  	_ =	shalt  }
0x6d: {  	_ =	shalt  }
0x6e: {  	_ =	shalt  }
0x6f: {  	_ =	shalt  }
0x70: {  	_ =	shalt  }
0x71: {  	_ =	shalt  }
0x72: {  	_ =	shalt  }
0x73: {  	_ =	shalt  }
0x74: {  	_ =	shalt  }
0x75: {  	_ =	shalt  }
0x76: {  	_ =	shalt  }
0x77: {  	_ =	shalt  }
0x78: {  	_ =	shalt  }
0x79: {  	_ =	shalt  }
0x7a: {  	_ =	shalt  }
0x7b: {  	_ =	shalt  }
0x7c: {  	_ =	shalt  }
0x7d: {  	_ =	shalt  }
0x7e: {  	_ =	shalt  }
0x7f: {  	_ =	shalt  }
0x80: {  	_ =	shalt  }
0x81: {  	_ =	shalt  }
0x82: {  	_ =	shalt  }
0x83: {  	_ =	shalt  }
0x84: {  	_ =	shalt  }
0x85: {  	_ =	shalt  }
0x86: {  	_ =	shalt  }
0x87: {  	_ =	shalt  }
.Lfunc_end0:
.L_simem_size_0:
called_computation.1_lowered:
.L_overlay_start_0:
0x88: {  	s2 =	sld [smem:$0x3FD9]  }
0x89: {  	s3 =	sld [smem:$0x3FFE];
	_ =	sdelay $0x1  }
0x8a: {  	s1 =	srdreg.scid  }
0x8b: {  	s0 =	sand.u32 $0x1, s1  }
0x8c: {  	s16 =	sshll.u32 s0, $0xA;
	s2 =	sadd.s32 s3, s2  }
0x8d: {  	s2 =	sadd.s32 s2, s16  }
0x8e: {  	[smem:$0x3FBD] =	sst s2  }
0x8f: {  	_ = 	snop  }
0x90: {  	(tm) =	ssettm $0x1  }
0x91: {  	s17 =	sld [smem:$0x3FFB];
	_ =	sdelay $0x3  }
0x92: {  	_ =	strace s17  }
0x93: {  	s2 =	sld [smem:$0x3FFC];
	_ =	sdelay $0x3  }
0x94: {  	_ =	strace s2  }
0x95: {  	s2 =	sld [smem:$0x3FFD];
	_ =	sdelay $0x3  }
0x96: {  	_ =	strace s2  }
0x97: {  	_ =	strace $0x8FFFFFFF  }
0x98: {  	s18 =	sld [smem:$0x3FDB];
	_ =	sdelay $0x1  }
0x99: {  	s19 =	simm.s32 $_scs_section_size  }
0x9a: {  	s4 =	simm.s32 $_size__tile_overlayer_lowered;
	s5 =	simm.s32 $_tile_overlayer_lowered  }
0x9b: {  	s22 =	simm.s32 $0x1BFF;
	s21 =	sshll.u32 s5, $0x1;
	s2 =	sadd.s32 s19, s18  }
0x9c: {  	s6 =	simm.s32 $0x0;
	s20 =	sshll.u32 s4, $0x1;
	s4 =	sadd.s32 s21, s2  }
0x9d: {  	[timem:s6], [sflag:s22] =	dma.local [hbm:s4], s20  }
0x9e: {  	_ =	swait.ge [sflag:s22], s20  }
0x9f: {  	s3 =	ssub.s32 $0x0, s20;
	[sflag:s22] =	ssyncset.done $0x0  }
0xa0: {  	[sflag:s22] =	ssyncadd.s32 s3;
	_ =	sdelay $0x1  }
0xa1: {  	s23 =	simm.s32 $0x1B8B  }
0xa2: {  	_ =	swait.ge [sflag:s23], $0x1  }
0xa3: {  	[sflag:s23] =	ssyncset.done $0x0  }
0xa4: {  	s25 =	simm.s32 $0x1B8E;
	s24 =	sld [smem:$0x3FFE];
	[sflag:s23] =	ssyncadd.s32 $0xFFFFFFFF  }
0xa5: {  	s26 =	simm.s32 $execute0_lowered;
	[smem:$0x3FD2] =	sst s25  }
0xa6: {  	s4 =	sshll.u32 s26, $0x1;
	_ =	strace $0x80000049;
	[dreg:$0x1] =	wrdreg $0xFFFFFFFF  }
0xa7: {  	s28 =	simm.s32 $_size_execute0_lowered;
	s2 =	sadd.s32 s2, s4;
	[dreg:$0x0] =	wrdreg $0x0  }
0xa8: {  	s4 =	sshll.u32 s28, $0x1;
	[dreg:$0x2] =	wrdreg s2  }
0xa9: {  	[dreg:$0x3] =	wrdreg s4  }
0xaa: {  	[dreg:$0x4] =	wrdreg $0xC0  }
0xab: {  	_ =	task [dreg:s6], $0x5FFFF  }
0xac: {  	[dreg:$0x1] =	wrdreg $0xFFFFFFFF  }
0xad: {  	[dreg:$0x0] =	wrdreg $0x60  }
0xae: {  	[dreg:$0x2] =	wrdreg s24  }
0xaf: {  	[dreg:$0x3] =	wrdreg $0x11000  }
0xb0: {  	[dreg:$0x4] =	wrdreg $0x9  }
0xb1: {  	_ =	task.clear_ibuf [dreg:s6], $0x5FFFF;
	_ =	strace $0x90000049  }
0xb2: {  	s29 =	simm.s32 $0x9;
	_ =	strace $0x8000004B  }
0xb3: {  	_ =	swait.ge [sflag:s29], $0x1  }
0xb4: {  	[sflag:s29] =	ssyncadd.s32 $0xFFFFFFFF  }
0xb5: {  	_ =	strace $0x9000004B  }
0xb6: {  	_ =	sfence  }
0xb7: {  	s30 =	sld [smem:$0x0];
	_ =	sdelay $0x2  }
0xb8: {  	s31 =	sshll.u32 s1, $0xD;
	s1 =	sshrl.u32 s1, $0x2  }
0xb9: {  	s3 =	sand.u32 $0x4000, s31;
	s1 =	sadd.s32 s1, s30  }
0xba: {  	s0 =	sor.u32 s3, s0;
	s1 =	sshll.u32 s1, $0x11  }
0xbb: {  	s0 =	sor.u32 s1, s0  }
0xbc: {  	s0 =	sadd.s32 $0x8F2B, s0  }
0xbd: {  	[sflag:s0] =	ssyncadd.remote.s32 $0x1  }
0xbe: {  	_ =	sfence.sel $0xFFFF  }
0xbf: {  	[dreg:$0x0] =	wrdreg $0xFFFFFFFF;
	(pc) =	sbr.abs _section_cstart, $3  }
0xc0: {  	[dreg:$0x1] =	wrdreg $0xFFFFFFFF  }
0xc1: {  	_ =	task.clear_ibuf [dreg:s6], $0x2FFFF;
	_ =	strace $0x9FFFFFFF  }
0xc2: {  	(tm) =	ssettm $0x7FFFFFFF  }
0xc3: {  	_ =	shalt  }
tec
execute0_lowered:
.L_overlay_start_1:
0x0: {  	(tag) =	ssettag $0x1  }
0x1: {  	s1 =	srdreg.scid  }
0x2: {  	s0 =	stileid.u32;
	s5 =	rddreg [dreg:$0x0]  }
0x3: {  	s2 =	rddreg [dreg:$0x1];
	s3 =	simm.s32 $0x0;
	s13 =	simm.s32 $0x80  }
0x4: {  	s14 =	simm.s32 $0x100;
	s15 =	simm.s32 $0x1;
	s4 =	smul.u32 $0x4F00, s0  }
0x5: {  	s6 =	sand.u32 $0x1, s1;
	s1 =	rddreg [dreg:$0x2];
	s8 =	smul.u32 $0x5000, s0  }
0x6: {  	s16 =	simm.s32 $0x0;
	[smem:$0x7FF] =	sst s3;
	s7 =	smul.u32 $0x2780, s6  }
0x7: {  	s31 =	sshll.u32 s0, $0x6;
	s28 =	smul.u32 $0x50000, s6;
	s6 =	ssub.s32 $0x2, s6  }
0x8: {  	_ =	strace $0x8000004A;
	s29 =	sshrl.u32 s8, $0x3;
	s30 =	sshrl.u32 s6, $0x1  }
0x9: {  	s12 =	sadd.s32 s8, s2;
	s4 =	sadd.s32 s7, s4;
	s7 =	sadd.s32 s8, s28  }
0xa: {  	s11 =	ssub.s32 s6, s30;
	s6 =	sor.u32 $0x1C02, s31;
	s9 =	sshrl.u32 s4, $0x3  }
0xb: {  	s4 =	sadd.s32 $0xEE00, s5;
	s7 =	sshrl.u32 s7, $0x3;
	s8 =	smax.u32 s11, $0x1  }
0xc: {  	s11 =	sshrl.u32 s12, $0x3;
	s10 =	sadd.s32 s9, s5;
	s9 =	sadd.s32 s29, s5  }
0xd: {  	s12 =	simm.s32 $0x2;
	s7 =	sadd.s32 s7, s5;
	s5 =	sadd.s32 $0x73A00, s9  }
0xe: {  	s7 =	sadd.s32 $0x7DA00, s7;
	s9 =	sadd.s32 $0x19C00, s10;
	s10 =	sadd.s32 $0x5000, s10  }
.LBB2_1:
0xf: {  	[spmem:s11], [sflag:s6] =	dma.local [hbm:s5], $0xA00  }
0x10: {  	_ =	swait.ge [sflag:s12], $0xA00  }
0x11: {  	[sflag:s12] =	ssyncset.done $0x0  }
0x12: {  	[sflag:s12] =	ssyncadd.s32 $0xFFFFF600  }
0x13: {  	s17 =	sadd.s32 $0x0, s10;
	[bflag:$0x0] =	sbarrier.arrive $0xFFFF  }
0x14: {  	[tilespmem:s3], [sflag:$0x2] =	stream.linear.gather [hbm4b:s17+s3], $0x80, $0x38;
	[tilespmem:$0x6100] =	vst v63  }
0x15: {  	_ =	swait.ge [sflag:s12], $0x80  }
0x16: {  	[sflag:s12] =	ssyncset.done $0x0  }
0x17: {  	s31 =	sadd.s32 $0x0, s9;
	[sflag:s12] =	ssyncadd.s32 $0xFFFFFF80  }
0x18: {  	[tilespmem:s13], [sflag:$0x2] =	stream.linear.gather [hbm4b:s31+s3], $0x80, $0x38;
	[tilespmem:$0x6100] =	vst v63  }
0x19: {  	_ =	swait.ge [sflag:s12], $0x80  }
0x1a: {  	[sflag:s12] =	ssyncset.done $0x0  }
0x1b: {  	[sflag:s12] =	ssyncadd.s32 $0xFFFFFF80  }
0x1c: {  	[tilespmem:s14], [sflag:$0x1] =	stream.indirect.gather [hbm4b:s4+s13], $0x20, s3, s13, $0xb8;
	[tilespmem:$0x6100] =	vst v63  }
0x1d: {  	_ =	swait.ge [sflag:s15], $0x1000  }
0x1e: {  	[sflag:s15] =	ssyncset.done $0x0  }
0x1f: {  	[sflag:s15] =	ssyncadd.s32 $0xFFFFF000  }
0x20: {  	[spmem:s2] =	stream.indirect.scatter.add.f32 [tilespmem:s14], [sflag:$0x2], $0x20, s13, s13, $0xb8;
	[tilespmem:$0x6100] =	vst v63  }
0x21: {  	_ =	swait.ge [sflag:s12], $0x1000  }
0x22: {  	s18 =	simm.s32 $0x20;
	s17 =	simm.s32 $0x10;
	[sflag:s12] =	ssyncset.done $0x0  }
.LBB2_2:
0x23: {  	s19 =	sadd.s32 s17, s10  }
0x24: {  	[sflag:s12] =	ssyncadd.s32 $0xFFFFF000;
	s20 =	smov.u32 s18;
	s21 =	sadd.s32 $0x10, s18  }
0x25: {  	[tilespmem:s3], [sflag:$0x2] =	stream.linear.gather [hbm4b:s19+s3], $0x80, $0x38;
	[tilespmem:$0x6100] =	vst v63  }
0x26: {  	p0 =	sne.s32 s18, $0x4E0;
	_ =	swait.ge [sflag:s12], $0x80  }
0x27: {  	[sflag:s12] =	ssyncset.done $0x0  }
0x28: {  	s18 =	sadd.s32 s17, s9;
	s17 =	smov.u32 s20;
	[sflag:s12] =	ssyncadd.s32 $0xFFFFFF80  }
0x29: {  	[tilespmem:s13], [sflag:$0x2] =	stream.linear.gather [hbm4b:s18+s3], $0x80, $0x38;
	[tilespmem:$0x6100] =	vst v63  }
0x2a: {  	_ =	swait.ge [sflag:s12], $0x80  }
0x2b: {  	[sflag:s12] =	ssyncset.done $0x0  }
0x2c: {  	[sflag:s12] =	ssyncadd.s32 $0xFFFFFF80  }
0x2d: {  	[tilespmem:s14], [sflag:$0x1] =	stream.indirect.gather [hbm4b:s4+s13], $0x20, s3, s13, $0xb8;
	[tilespmem:$0x6100] =	vst v63  }
0x2e: {  	_ =	swait.ge [sflag:s15], $0x1000  }
.Ltmp0:
0x2f: {  	[sflag:s15] =	ssyncset.done $0x0;
	(pc) =	sbr.rel @p0 .LBB2_2-.Ltmp0, $4  }
0x30: {  	[sflag:s15] =	ssyncadd.s32 $0xFFFFF000  }
0x31: {  	[spmem:s2] =	stream.indirect.scatter.add.f32 [tilespmem:s14], [sflag:$0x2], $0x20, s13, s13, $0xb8;
	[tilespmem:$0x6100] =	vst v63  }
0x32: {  	_ =	swait.ge [sflag:s12], $0x1000  }
0x33: {  	s18 =	smov.u32 s21;
	[sflag:s12] =	ssyncset.done $0x0  }
0x34: {  	s18 =	sadd.s32 s17, s10;
	[sflag:s12] =	ssyncadd.s32 $0xFFFFF000  }
0x35: {  	[tilespmem:s3], [sflag:$0x2] =	stream.linear.gather [hbm4b:s18+s3], $0x80, $0x38;
	[tilespmem:$0x6100] =	vst v63  }
0x36: {  	_ =	swait.ge [sflag:s12], $0x80  }
0x37: {  	[sflag:s12] =	ssyncset.done $0x0  }
0x38: {  	s31 =	sadd.s32 s17, s9;
	[sflag:s12] =	ssyncadd.s32 $0xFFFFFF80  }
0x39: {  	[tilespmem:s13], [sflag:$0x2] =	stream.linear.gather [hbm4b:s31+s3], $0x80, $0x38;
	[tilespmem:$0x6100] =	vst v63  }
0x3a: {  	_ =	swait.ge [sflag:s12], $0x80  }
0x3b: {  	[sflag:s12] =	ssyncset.done $0x0  }
0x3c: {  	[sflag:s12] =	ssyncadd.s32 $0xFFFFFF80  }
0x3d: {  	[tilespmem:s14], [sflag:$0x1] =	stream.indirect.gather [hbm4b:s4+s13], $0x20, s3, s13, $0xb8;
	[tilespmem:$0x6100] =	vst v63  }
0x3e: {  	_ =	swait.ge [sflag:s15], $0x1000  }
0x3f: {  	[sflag:s15] =	ssyncset.done $0x0  }
0x40: {  	[sflag:s15] =	ssyncadd.s32 $0xFFFFF000  }
0x41: {  	[spmem:s2] =	stream.indirect.scatter.add.f32 [tilespmem:s14], [sflag:$0x2], $0x20, s13, s13, $0xb8;
	[tilespmem:$0x6100] =	vst v63  }
0x42: {  	_ =	swait.ge [sflag:s12], $0x1000  }
0x43: {  	s16 =	sadd.s32 $0x1, s16;
	[sflag:s12] =	ssyncset.done $0x0  }
0x44: {  	p0 =	sne.s32 s16, s8;
	[sflag:s12] =	ssyncadd.s32 $0xFFFFF000  }
.Ltmp1:
0x45: {  	[bflag:$0x0] =	sbarrier.arrive $0xFFFF;
	(pc) =	sbr.rel @p0 .LBB2_1-.Ltmp1, $4  }
0x46: {  	[hbm:s7], [sflag:s6] =	dma.local [spmem:s11], $0xA00  }
0x47: {  	_ =	swait.ge [sflag:s12], $0xA00  }
0x48: {  	[sflag:s12] =	ssyncset.done $0x0  }
0x49: {  	[sflag:s12] =	ssyncadd.s32 $0xFFFFF600  }
0x4a: {  	_ =	sfence.sel $0x180000  }
0x4b: {  	[bflag:$0x0] =	sbarrier.arrive $0xFFFF  }
0x4c: {  	p0 =	sne.s32 s0, $0x0;
	_ =	strace $0x9000004A  }
0x4d: {  	s0 =	sadd.s32 @!p0 $0x100000, s1;
	[bflag:$0x2] =	sbarrier.arrive $0xFFFF  }
0x4e: {  	[sflag:s0] =	ssyncadd.tile.s32 @!p0 $0x1;
	_ =	shalt  }
.Lfunc_end2:
_tile_overlayer_lowered:
.L_overlay_start_2:
0x4f: {  	(tag) =	ssettag $0x2  }
0x50: {  	s0 =	rddreg [dreg:$0x0];
	s2 =	stileid.u32  }
0x51: {  	s1 =	rddreg [dreg:$0x1];
	p0 =	sne.s32 s2, $0x0  }
0x52: {  	s3 =	rddreg [dreg:$0x2];
	[bflag:$0x3] =	sbarrier.arrive $0xFFFF;
	s2 =	simm.s32 @!p0 $0x1C02  }
0x53: {  	[timem:s3], [sflag:s2] =	dma.local @!p0 [hbm:s0], s1  }
0x54: {  	s0 =	simm.s32 @!p0 $0x2  }
0x55: {  	_ =	swait.ge @!p0 [sflag:s0], s1  }
0x56: {  	s1 =	ssub.s32 @!p0 $0x0, s1;
	[sflag:s0] =	ssyncset.done @!p0 $0x0  }
0x57: {  	[sflag:s0] =	ssyncadd.s32 @!p0 s1  }
0x58: {  	[bflag:$0x3] =	sbarrier.arrive $0xFFFF  }
0x59: {  	_ =	shalt  }

// kernel: kernel.24.cloned.1.call-start
scs
__scs_entry_jumppad:
0x0: {  	(pc) =	sbr.rel $0x88, $3  }
0x1: {  	(tag) =	ssettag $0x0;
	lr =	simm.s32 $0x1  }
0x2: {  	[smem:$0x3F96] =	sst lr;
	_ =	strace $0xD0000000  }
0x3: {  	_ = 	snop  }
0x4: {  	_ = 	snop  }
0x5: {  	_ = 	snop  }
0x6: {  	_ = 	snop  }
0x7: {  	_ = 	snop  }
__scs_overlays_trampoline_lowered:
0x8: {  	[smem:$0x3FA5] =	sst s0  }
0x9: {  	[smem:$0x3FA6] =	sst s1  }
0xa: {  	[smem:$0x3FA7] =	sst s2  }
0xb: {  	[smem:$0x3FA8] =	sst s3  }
0xc: {  	[smem:$0x3FA9] =	sst s4  }
0xd: {  	[smem:$0x3FAA] =	sst s5  }
0xe: {  	[smem:$0x3FAB] =	sst s6  }
0xf: {  	[smem:$0x3FAC] =	sst s7  }
0x10: {  	[smem:$0x3FAD] =	sst s8  }
0x11: {  	[smem:$0x3FAE] =	sst s9;
	s0 =	simm.s32 @!p0 $0x0  }
0x12: {  	s1 =	sld [smem:$0x3F94];
	s0 =	simm.s32 @p0 $0x1  }
0x13: {  	[smem:$0x3FAF] =	sst s0;
	s0 =	simm.s32 @!p1 $0x0  }
0x14: {  	s2 =	sld [smem:$0x3F93];
	s0 =	simm.s32 @p1 $0x1  }
0x15: {  	[smem:$0x3FB0] =	sst s0;
	s0 =	simm.s32 @!p2 $0x0  }
0x16: {  	s3 =	sld [smem:$0x3FDB];
	s0 =	simm.s32 @p2 $0x1  }
0x17: {  	s4 =	simm.s32 $0x1BF5;
	[smem:$0x3FB2] =	sst s0  }
0x18: {  	s0 =	sld [smem:$0x3F95];
	_ =	swait.ge [sflag:s4], $0x0  }
0x19: {  	s7 =	sld [smem:$0x3F96]  }
0x1a: {  	s8 =	sadd.s32 $0xFFFFE003, lr  }
0x1b: {  	s9 =	sadd.s32 $0xFFFFFEF7, lr;
	s5 =	simm.s32 $0xFFFFFFFF;
	p2 =	slt.u32 s8, $0xFFFFF086  }
0x1c: {  	p1 =	slt.u32 s9, $0xF7A;
	s5 =	simm.s32 @!p2 $0x0  }
0x1d: {  	s5 =	simm.s32 @p1 $0x1;
	p0 =	seq.s32 s7, s2  }
0x1e: {  	s7 =	smul.u32 @!p0 $0xF7A, s2;
	p2 =	seq.s32 @!p0 s5, $0x0  }
0x1f: {  	s9 =	smul.u32 $0xF7A, s1;
	s8 =	simm.s32 @!p0 $0x1BF5;
	p2 =	por !p2, p0  }
0x20: {  	[sflag:s8] =	ssyncset.s32 @!p0 $0xFFFFF086;
	s6 =	sadd.s32 @!p0 s3, s7;
	s7 =	simm.s32 @!p0 $0x108  }
0x21: {  	s3 =	sadd.s32 s3, s9;
	s6 =	sadd.s32 @!p0 $0x88, s6;
	s7 =	simm.s32 @p2 $0x1082  }
0x22: {  	[simem:s7], [sflag:s8] =	dma.local @!p0 [hbm:s6], $0xF7A  }
0x23: {  	s9 =	sor.u32 $0xD0000000, s2;
	s6 =	simm.s32 $0x108;
	_ =	swait.ge @!p0 [sflag:s8], $0x0  }
0x24: {  	s3 =	sadd.s32 $0x88, s3;
	s6 =	simm.s32 @!p1 $0x1082;
	[sflag:s4] =	ssyncset.s32 $0xFFFFF086  }
0x25: {  	[simem:s6], [sflag:s4] =	dma.local [hbm:s3], $0xF7A  }
0x26: {  	[smem:$0x3F96] =	sst s1;
	(tag) =	ssettag s2;
	_ =	strace s9  }
0x27: {  	s1 =	sld [smem:$0x3FA6]  }
0x28: {  	s2 =	sld [smem:$0x3FA7]  }
0x29: {  	s4 =	sld [smem:$0x3FA9]  }
0x2a: {  	p0 =	seq.s32 s5, $0x0;
	s5 =	sld [smem:$0x3FAA]  }
0x2b: {  	s6 =	sld [smem:$0x3FAB]  }
0x2c: {  	s7 =	sld [smem:$0x3FAC]  }
0x2d: {  	s3 =	simm.s32 $0x108;
	s8 =	sld [smem:$0x3FAD]  }
0x2e: {  	s3 =	simm.s32 @!p0 $0x1082;
	s9 =	sld [smem:$0x3FAE]  }
0x2f: {  	lr =	sadd.s32 s0, s3;
	s0 =	sld [smem:$0x3FA5]  }
0x30: {  	s3 =	sld [smem:$0x3FA8]  }
0x31: {  	[smem:$0x3FB1] =	sst s10  }
0x32: {  	s10 =	sld [smem:$0x3FAF];
	_ =	sdelay $0x3  }
0x33: {  	p0 =	seq.s32 s10, $0x1;
	s10 =	sld [smem:$0x3FB1];
	_ =	sdelay $0x3  }
0x34: {  	[smem:$0x3FB1] =	sst s10  }
0x35: {  	s10 =	sld [smem:$0x3FB0];
	_ =	sdelay $0x3  }
0x36: {  	p1 =	seq.s32 s10, $0x1;
	s10 =	sld [smem:$0x3FB1];
	_ =	sdelay $0x3  }
0x37: {  	[smem:$0x3FB1] =	sst s10  }
0x38: {  	s10 =	sld [smem:$0x3FB2]  }
0x39: {  	_ = 	snop;
	(pc) =	sbr.ind lr, $3  }
0x3a: {  	_ = 	snop  }
0x3b: {  	_ = 	snop  }
0x3c: {  	p2 =	seq.s32 s10, $0x1;
	s10 =	sld [smem:$0x3FB1]  }
0x3d: {  	_ =	shalt  }
0x3e: {  	_ =	shalt  }
0x3f: {  	_ =	shalt  }
0x40: {  	_ =	shalt  }
0x41: {  	_ =	shalt  }
0x42: {  	_ =	shalt  }
0x43: {  	_ =	shalt  }
0x44: {  	_ =	shalt  }
0x45: {  	_ =	shalt  }
0x46: {  	_ =	shalt  }
0x47: {  	_ =	shalt  }
0x48: {  	_ =	shalt  }
0x49: {  	_ =	shalt  }
0x4a: {  	_ =	shalt  }
0x4b: {  	_ =	shalt  }
0x4c: {  	_ =	shalt  }
0x4d: {  	_ =	shalt  }
0x4e: {  	_ =	shalt  }
0x4f: {  	_ =	shalt  }
0x50: {  	_ =	shalt  }
0x51: {  	_ =	shalt  }
0x52: {  	_ =	shalt  }
0x53: {  	_ =	shalt  }
0x54: {  	_ =	shalt  }
0x55: {  	_ =	shalt  }
0x56: {  	_ =	shalt  }
0x57: {  	_ =	shalt  }
0x58: {  	_ =	shalt  }
0x59: {  	_ =	shalt  }
0x5a: {  	_ =	shalt  }
0x5b: {  	_ =	shalt  }
0x5c: {  	_ =	shalt  }
0x5d: {  	_ =	shalt  }
0x5e: {  	_ =	shalt  }
0x5f: {  	_ =	shalt  }
0x60: {  	_ =	shalt  }
0x61: {  	_ =	shalt  }
0x62: {  	_ =	shalt  }
0x63: {  	_ =	shalt  }
0x64: {  	_ =	shalt  }
0x65: {  	_ =	shalt  }
0x66: {  	_ =	shalt  }
0x67: {  	_ =	shalt  }
0x68: {  	_ =	shalt  }
0x69: {  	_ =	shalt  }
0x6a: {  	_ =	shalt  }
0x6b: {  	_ =	shalt  }
0x6c: {  	_ =	shalt  }
0x6d: {  	_ =	shalt  }
0x6e: {  	_ =	shalt  }
0x6f: {  	_ =	shalt  }
0x70: {  	_ =	shalt  }
0x71: {  	_ =	shalt  }
0x72: {  	_ =	shalt  }
0x73: {  	_ =	shalt  }
0x74: {  	_ =	shalt  }
0x75: {  	_ =	shalt  }
0x76: {  	_ =	shalt  }
0x77: {  	_ =	shalt  }
0x78: {  	_ =	shalt  }
0x79: {  	_ =	shalt  }
0x7a: {  	_ =	shalt  }
0x7b: {  	_ =	shalt  }
0x7c: {  	_ =	shalt  }
0x7d: {  	_ =	shalt  }
0x7e: {  	_ =	shalt  }
0x7f: {  	_ =	shalt  }
0x80: {  	_ =	shalt  }
0x81: {  	_ =	shalt  }
0x82: {  	_ =	shalt  }
0x83: {  	_ =	shalt  }
0x84: {  	_ =	shalt  }
0x85: {  	_ =	shalt  }
0x86: {  	_ =	shalt  }
0x87: {  	_ =	shalt  }
.Lfunc_end0:
.L_simem_size_0:
called_computation.2_lowered:
.L_overlay_start_0:
0x88: {  	s2 =	sld [smem:$0x3FD9]  }
0x89: {  	s3 =	sld [smem:$0x3FFE];
	_ =	sdelay $0x1  }
0x8a: {  	s1 =	srdreg.scid  }
0x8b: {  	s0 =	sand.u32 $0x1, s1  }
0x8c: {  	s16 =	sshll.u32 s0, $0xA;
	s2 =	sadd.s32 s3, s2  }
0x8d: {  	s2 =	sadd.s32 s2, s16  }
0x8e: {  	[smem:$0x3FBD] =	sst s2  }
0x8f: {  	_ = 	snop  }
0x90: {  	(tm) =	ssettm $0x1  }
0x91: {  	s17 =	sld [smem:$0x3FFB];
	_ =	sdelay $0x3  }
0x92: {  	_ =	strace s17  }
0x93: {  	s2 =	sld [smem:$0x3FFC];
	_ =	sdelay $0x3  }
0x94: {  	_ =	strace s2  }
0x95: {  	s2 =	sld [smem:$0x3FFD];
	_ =	sdelay $0x3  }
0x96: {  	_ =	strace s2  }
0x97: {  	_ =	strace $0x8FFFFFFF  }
0x98: {  	s18 =	sld [smem:$0x3FDB];
	_ =	sdelay $0x1  }
0x99: {  	s19 =	simm.s32 $_scs_section_size  }
0x9a: {  	s4 =	simm.s32 $_size__tile_overlayer_lowered;
	s5 =	simm.s32 $_tile_overlayer_lowered  }
0x9b: {  	s22 =	simm.s32 $0x1BFF;
	s21 =	sshll.u32 s5, $0x1;
	s2 =	sadd.s32 s19, s18  }
0x9c: {  	s6 =	simm.s32 $0x0;
	s20 =	sshll.u32 s4, $0x1;
	s4 =	sadd.s32 s21, s2  }
0x9d: {  	[timem:s6], [sflag:s22] =	dma.local [hbm:s4], s20  }
0x9e: {  	_ =	swait.ge [sflag:s22], s20  }
0x9f: {  	s3 =	ssub.s32 $0x0, s20;
	[sflag:s22] =	ssyncset.done $0x0  }
0xa0: {  	[sflag:s22] =	ssyncadd.s32 s3;
	_ =	sdelay $0x1  }
0xa1: {  	s23 =	simm.s32 $0x1B8B  }
0xa2: {  	_ =	swait.ge [sflag:s23], $0x1  }
0xa3: {  	[sflag:s23] =	ssyncset.done $0x0  }
0xa4: {  	s25 =	simm.s32 $0x1B8E;
	s24 =	sld [smem:$0x3FFE];
	[sflag:s23] =	ssyncadd.s32 $0xFFFFFFFF  }
0xa5: {  	s26 =	simm.s32 $execute0_lowered;
	[smem:$0x3FD2] =	sst s25  }
0xa6: {  	s4 =	sshll.u32 s26, $0x1;
	_ =	strace $0x8000004C;
	[dreg:$0x1] =	wrdreg $0xFFFFFFFF  }
0xa7: {  	s28 =	simm.s32 $_size_execute0_lowered;
	s2 =	sadd.s32 s2, s4;
	[dreg:$0x0] =	wrdreg $0x0  }
0xa8: {  	s4 =	sshll.u32 s28, $0x1;
	[dreg:$0x2] =	wrdreg s2  }
0xa9: {  	[dreg:$0x3] =	wrdreg s4  }
0xaa: {  	[dreg:$0x4] =	wrdreg $0xC0  }
0xab: {  	_ =	task [dreg:s6], $0x5FFFF  }
0xac: {  	[dreg:$0x1] =	wrdreg $0xFFFFFFFF  }
0xad: {  	[dreg:$0x0] =	wrdreg $0x60  }
0xae: {  	[dreg:$0x2] =	wrdreg s24  }
0xaf: {  	[dreg:$0x3] =	wrdreg $0x11000  }
0xb0: {  	[dreg:$0x4] =	wrdreg $0x9  }
0xb1: {  	_ =	task.clear_ibuf [dreg:s6], $0x5FFFF;
	_ =	strace $0x9000004C  }
0xb2: {  	s29 =	simm.s32 $0x9;
	_ =	strace $0x8000004E  }
0xb3: {  	_ =	swait.ge [sflag:s29], $0x1  }
0xb4: {  	[sflag:s29] =	ssyncadd.s32 $0xFFFFFFFF  }
0xb5: {  	_ =	strace $0x9000004E  }
0xb6: {  	_ =	sfence  }
0xb7: {  	s30 =	sld [smem:$0x0];
	_ =	sdelay $0x2  }
0xb8: {  	s31 =	sshll.u32 s1, $0xD;
	s1 =	sshrl.u32 s1, $0x2  }
0xb9: {  	s3 =	sand.u32 $0x4000, s31;
	s1 =	sadd.s32 s1, s30  }
0xba: {  	s0 =	sor.u32 s3, s0;
	s1 =	sshll.u32 s1, $0x11  }
0xbb: {  	s0 =	sor.u32 s1, s0  }
0xbc: {  	s0 =	sadd.s32 $0x8F2B, s0  }
0xbd: {  	[sflag:s0] =	ssyncadd.remote.s32 $0x1  }
0xbe: {  	_ =	sfence.sel $0xFFFF  }
0xbf: {  	[dreg:$0x0] =	wrdreg $0xFFFFFFFF;
	(pc) =	sbr.abs _section_cstart, $3  }
0xc0: {  	[dreg:$0x1] =	wrdreg $0xFFFFFFFF  }
0xc1: {  	_ =	task.clear_ibuf [dreg:s6], $0x2FFFF;
	_ =	strace $0x9FFFFFFF  }
0xc2: {  	(tm) =	ssettm $0x7FFFFFFF  }
0xc3: {  	_ =	shalt  }
tec
execute0_lowered:
.L_overlay_start_1:
0x0: {  	(tag) =	ssettag $0x1  }
0x1: {  	s1 =	srdreg.scid  }
0x2: {  	s0 =	stileid.u32;
	s5 =	rddreg [dreg:$0x0]  }
0x3: {  	s2 =	rddreg [dreg:$0x1];
	s3 =	simm.s32 $0x0;
	s13 =	simm.s32 $0x80  }
0x4: {  	s14 =	simm.s32 $0x100;
	s15 =	simm.s32 $0x1;
	s4 =	smul.u32 $0x4F00, s0  }
0x5: {  	s6 =	sand.u32 $0x1, s1;
	s1 =	rddreg [dreg:$0x2];
	s8 =	smul.u32 $0x5000, s0  }
0x6: {  	s16 =	simm.s32 $0x0;
	[smem:$0x7FF] =	sst s3;
	s7 =	smul.u32 $0x2780, s6  }
0x7: {  	s31 =	sshll.u32 s0, $0x6;
	s28 =	smul.u32 $0x50000, s6;
	s6 =	ssub.s32 $0x2, s6  }
0x8: {  	_ =	strace $0x8000004D;
	s29 =	sshrl.u32 s8, $0x3;
	s30 =	sshrl.u32 s6, $0x1  }
0x9: {  	s12 =	sadd.s32 s8, s2;
	s4 =	sadd.s32 s7, s4;
	s7 =	sadd.s32 s8, s28  }
0xa: {  	s11 =	ssub.s32 s6, s30;
	s6 =	sor.u32 $0x1C02, s31;
	s9 =	sshrl.u32 s4, $0x3  }
0xb: {  	s4 =	sadd.s32 $0xEE00, s5;
	s7 =	sshrl.u32 s7, $0x3;
	s8 =	smax.u32 s11, $0x1  }
0xc: {  	s11 =	sshrl.u32 s12, $0x3;
	s10 =	sadd.s32 s9, s5;
	s9 =	sadd.s32 s29, s5  }
0xd: {  	s12 =	simm.s32 $0x2;
	s7 =	sadd.s32 s7, s5;
	s5 =	sadd.s32 $0x73A00, s9  }
0xe: {  	s7 =	sadd.s32 $0xA5A00, s7;
	s9 =	sadd.s32 $0x19C00, s10;
	s10 =	sadd.s32 $0x5000, s10  }
.LBB2_1:
0xf: {  	[spmem:s11], [sflag:s6] =	dma.local [hbm:s5], $0xA00  }
0x10: {  	_ =	swait.ge [sflag:s12], $0xA00  }
0x11: {  	[sflag:s12] =	ssyncset.done $0x0  }
0x12: {  	[sflag:s12] =	ssyncadd.s32 $0xFFFFF600  }
0x13: {  	s17 =	sadd.s32 $0x0, s10;
	[bflag:$0x0] =	sbarrier.arrive $0xFFFF  }
0x14: {  	[tilespmem:s3], [sflag:$0x2] =	stream.linear.gather [hbm4b:s17+s3], $0x80, $0x38;
	[tilespmem:$0x6100] =	vst v63  }
0x15: {  	_ =	swait.ge [sflag:s12], $0x80  }
0x16: {  	[sflag:s12] =	ssyncset.done $0x0  }
0x17: {  	s31 =	sadd.s32 $0x0, s9;
	[sflag:s12] =	ssyncadd.s32 $0xFFFFFF80  }
0x18: {  	[tilespmem:s13], [sflag:$0x2] =	stream.linear.gather [hbm4b:s31+s3], $0x80, $0x38;
	[tilespmem:$0x6100] =	vst v63  }
0x19: {  	_ =	swait.ge [sflag:s12], $0x80  }
0x1a: {  	[sflag:s12] =	ssyncset.done $0x0  }
0x1b: {  	[sflag:s12] =	ssyncadd.s32 $0xFFFFFF80  }
0x1c: {  	[tilespmem:s14], [sflag:$0x1] =	stream.indirect.gather [hbm4b:s4+s13], $0x20, s3, s13, $0xb8;
	[tilespmem:$0x6100] =	vst v63  }
0x1d: {  	_ =	swait.ge [sflag:s15], $0x1000  }
0x1e: {  	[sflag:s15] =	ssyncset.done $0x0  }
0x1f: {  	[sflag:s15] =	ssyncadd.s32 $0xFFFFF000  }
0x20: {  	[spmem:s2] =	stream.indirect.scatter.add.f32 [tilespmem:s14], [sflag:$0x2], $0x20, s13, s13, $0xb8;
	[tilespmem:$0x6100] =	vst v63  }
0x21: {  	_ =	swait.ge [sflag:s12], $0x1000  }
0x22: {  	s18 =	simm.s32 $0x20;
	s17 =	simm.s32 $0x10;
	[sflag:s12] =	ssyncset.done $0x0  }
.LBB2_2:
0x23: {  	s19 =	sadd.s32 s17, s10  }
0x24: {  	[sflag:s12] =	ssyncadd.s32 $0xFFFFF000;
	s20 =	smov.u32 s18;
	s21 =	sadd.s32 $0x10, s18  }
0x25: {  	[tilespmem:s3], [sflag:$0x2] =	stream.linear.gather [hbm4b:s19+s3], $0x80, $0x38;
	[tilespmem:$0x6100] =	vst v63  }
0x26: {  	p0 =	sne.s32 s18, $0x4E0;
	_ =	swait.ge [sflag:s12], $0x80  }
0x27: {  	[sflag:s12] =	ssyncset.done $0x0  }
0x28: {  	s18 =	sadd.s32 s17, s9;
	s17 =	smov.u32 s20;
	[sflag:s12] =	ssyncadd.s32 $0xFFFFFF80  }
0x29: {  	[tilespmem:s13], [sflag:$0x2] =	stream.linear.gather [hbm4b:s18+s3], $0x80, $0x38;
	[tilespmem:$0x6100] =	vst v63  }
0x2a: {  	_ =	swait.ge [sflag:s12], $0x80  }
0x2b: {  	[sflag:s12] =	ssyncset.done $0x0  }
0x2c: {  	[sflag:s12] =	ssyncadd.s32 $0xFFFFFF80  }
0x2d: {  	[tilespmem:s14], [sflag:$0x1] =	stream.indirect.gather [hbm4b:s4+s13], $0x20, s3, s13, $0xb8;
	[tilespmem:$0x6100] =	vst v63  }
0x2e: {  	_ =	swait.ge [sflag:s15], $0x1000  }
.Ltmp0:
0x2f: {  	[sflag:s15] =	ssyncset.done $0x0;
	(pc) =	sbr.rel @p0 .LBB2_2-.Ltmp0, $4  }
0x30: {  	[sflag:s15] =	ssyncadd.s32 $0xFFFFF000  }
0x31: {  	[spmem:s2] =	stream.indirect.scatter.add.f32 [tilespmem:s14], [sflag:$0x2], $0x20, s13, s13, $0xb8;
	[tilespmem:$0x6100] =	vst v63  }
0x32: {  	_ =	swait.ge [sflag:s12], $0x1000  }
0x33: {  	s18 =	smov.u32 s21;
	[sflag:s12] =	ssyncset.done $0x0  }
0x34: {  	s18 =	sadd.s32 s17, s10;
	[sflag:s12] =	ssyncadd.s32 $0xFFFFF000  }
0x35: {  	[tilespmem:s3], [sflag:$0x2] =	stream.linear.gather [hbm4b:s18+s3], $0x80, $0x38;
	[tilespmem:$0x6100] =	vst v63  }
0x36: {  	_ =	swait.ge [sflag:s12], $0x80  }
0x37: {  	[sflag:s12] =	ssyncset.done $0x0  }
0x38: {  	s31 =	sadd.s32 s17, s9;
	[sflag:s12] =	ssyncadd.s32 $0xFFFFFF80  }
0x39: {  	[tilespmem:s13], [sflag:$0x2] =	stream.linear.gather [hbm4b:s31+s3], $0x80, $0x38;
	[tilespmem:$0x6100] =	vst v63  }
0x3a: {  	_ =	swait.ge [sflag:s12], $0x80  }
0x3b: {  	[sflag:s12] =	ssyncset.done $0x0  }
0x3c: {  	[sflag:s12] =	ssyncadd.s32 $0xFFFFFF80  }
0x3d: {  	[tilespmem:s14], [sflag:$0x1] =	stream.indirect.gather [hbm4b:s4+s13], $0x20, s3, s13, $0xb8;
	[tilespmem:$0x6100] =	vst v63  }
0x3e: {  	_ =	swait.ge [sflag:s15], $0x1000  }
0x3f: {  	[sflag:s15] =	ssyncset.done $0x0  }
0x40: {  	[sflag:s15] =	ssyncadd.s32 $0xFFFFF000  }
0x41: {  	[spmem:s2] =	stream.indirect.scatter.add.f32 [tilespmem:s14], [sflag:$0x2], $0x20, s13, s13, $0xb8;
	[tilespmem:$0x6100] =	vst v63  }
0x42: {  	_ =	swait.ge [sflag:s12], $0x1000  }
0x43: {  	s16 =	sadd.s32 $0x1, s16;
	[sflag:s12] =	ssyncset.done $0x0  }
0x44: {  	p0 =	sne.s32 s16, s8;
	[sflag:s12] =	ssyncadd.s32 $0xFFFFF000  }
.Ltmp1:
0x45: {  	[bflag:$0x0] =	sbarrier.arrive $0xFFFF;
	(pc) =	sbr.rel @p0 .LBB2_1-.Ltmp1, $4  }
0x46: {  	[hbm:s7], [sflag:s6] =	dma.local [spmem:s11], $0xA00  }
0x47: {  	_ =	swait.ge [sflag:s12], $0xA00  }
0x48: {  	[sflag:s12] =	ssyncset.done $0x0  }
0x49: {  	[sflag:s12] =	ssyncadd.s32 $0xFFFFF600  }
0x4a: {  	_ =	sfence.sel $0x180000  }
0x4b: {  	[bflag:$0x0] =	sbarrier.arrive $0xFFFF  }
0x4c: {  	p0 =	sne.s32 s0, $0x0;
	_ =	strace $0x9000004D  }
0x4d: {  	s0 =	sadd.s32 @!p0 $0x100000, s1;
	[bflag:$0x2] =	sbarrier.arrive $0xFFFF  }
0x4e: {  	[sflag:s0] =	ssyncadd.tile.s32 @!p0 $0x1;
	_ =	shalt  }
.Lfunc_end2:
_tile_overlayer_lowered:
.L_overlay_start_2:
0x4f: {  	(tag) =	ssettag $0x2  }
0x50: {  	s0 =	rddreg [dreg:$0x0];
	s2 =	stileid.u32  }
0x51: {  	s1 =	rddreg [dreg:$0x1];
	p0 =	sne.s32 s2, $0x0  }
0x52: {  	s3 =	rddreg [dreg:$0x2];
	[bflag:$0x3] =	sbarrier.arrive $0xFFFF;
	s2 =	simm.s32 @!p0 $0x1C02  }
0x53: {  	[timem:s3], [sflag:s2] =	dma.local @!p0 [hbm:s0], s1  }
0x54: {  	s0 =	simm.s32 @!p0 $0x2  }
0x55: {  	_ =	swait.ge @!p0 [sflag:s0], s1  }
0x56: {  	s1 =	ssub.s32 @!p0 $0x0, s1;
	[sflag:s0] =	ssyncset.done @!p0 $0x0  }
0x57: {  	[sflag:s0] =	ssyncadd.s32 @!p0 s1  }
0x58: {  	[bflag:$0x3] =	sbarrier.arrive $0xFFFF  }
0x59: {  	_ =	shalt  }

// kernel: kernel.27.cloned.1.call-start
scs
__scs_entry_jumppad:
0x0: {  	(pc) =	sbr.rel $0x88, $3  }
0x1: {  	(tag) =	ssettag $0x0;
	lr =	simm.s32 $0x1  }
0x2: {  	[smem:$0x3F96] =	sst lr;
	_ =	strace $0xD0000000  }
0x3: {  	_ = 	snop  }
0x4: {  	_ = 	snop  }
0x5: {  	_ = 	snop  }
0x6: {  	_ = 	snop  }
0x7: {  	_ = 	snop  }
__scs_overlays_trampoline_lowered:
0x8: {  	[smem:$0x3FA5] =	sst s0  }
0x9: {  	[smem:$0x3FA6] =	sst s1  }
0xa: {  	[smem:$0x3FA7] =	sst s2  }
0xb: {  	[smem:$0x3FA8] =	sst s3  }
0xc: {  	[smem:$0x3FA9] =	sst s4  }
0xd: {  	[smem:$0x3FAA] =	sst s5  }
0xe: {  	[smem:$0x3FAB] =	sst s6  }
0xf: {  	[smem:$0x3FAC] =	sst s7  }
0x10: {  	[smem:$0x3FAD] =	sst s8  }
0x11: {  	[smem:$0x3FAE] =	sst s9;
	s0 =	simm.s32 @!p0 $0x0  }
0x12: {  	s1 =	sld [smem:$0x3F94];
	s0 =	simm.s32 @p0 $0x1  }
0x13: {  	[smem:$0x3FAF] =	sst s0;
	s0 =	simm.s32 @!p1 $0x0  }
0x14: {  	s2 =	sld [smem:$0x3F93];
	s0 =	simm.s32 @p1 $0x1  }
0x15: {  	[smem:$0x3FB0] =	sst s0;
	s0 =	simm.s32 @!p2 $0x0  }
0x16: {  	s3 =	sld [smem:$0x3FDB];
	s0 =	simm.s32 @p2 $0x1  }
0x17: {  	s4 =	simm.s32 $0x1BF5;
	[smem:$0x3FB2] =	sst s0  }
0x18: {  	s0 =	sld [smem:$0x3F95];
	_ =	swait.ge [sflag:s4], $0x0  }
0x19: {  	s7 =	sld [smem:$0x3F96]  }
0x1a: {  	s8 =	sadd.s32 $0xFFFFE003, lr  }
0x1b: {  	s9 =	sadd.s32 $0xFFFFFEF7, lr;
	s5 =	simm.s32 $0xFFFFFFFF;
	p2 =	slt.u32 s8, $0xFFFFF086  }
0x1c: {  	p1 =	slt.u32 s9, $0xF7A;
	s5 =	simm.s32 @!p2 $0x0  }
0x1d: {  	s5 =	simm.s32 @p1 $0x1;
	p0 =	seq.s32 s7, s2  }
0x1e: {  	s7 =	smul.u32 @!p0 $0xF7A, s2;
	p2 =	seq.s32 @!p0 s5, $0x0  }
0x1f: {  	s9 =	smul.u32 $0xF7A, s1;
	s8 =	simm.s32 @!p0 $0x1BF5;
	p2 =	por !p2, p0  }
0x20: {  	[sflag:s8] =	ssyncset.s32 @!p0 $0xFFFFF086;
	s6 =	sadd.s32 @!p0 s3, s7;
	s7 =	simm.s32 @!p0 $0x108  }
0x21: {  	s3 =	sadd.s32 s3, s9;
	s6 =	sadd.s32 @!p0 $0x88, s6;
	s7 =	simm.s32 @p2 $0x1082  }
0x22: {  	[simem:s7], [sflag:s8] =	dma.local @!p0 [hbm:s6], $0xF7A  }
0x23: {  	s9 =	sor.u32 $0xD0000000, s2;
	s6 =	simm.s32 $0x108;
	_ =	swait.ge @!p0 [sflag:s8], $0x0  }
0x24: {  	s3 =	sadd.s32 $0x88, s3;
	s6 =	simm.s32 @!p1 $0x1082;
	[sflag:s4] =	ssyncset.s32 $0xFFFFF086  }
0x25: {  	[simem:s6], [sflag:s4] =	dma.local [hbm:s3], $0xF7A  }
0x26: {  	[smem:$0x3F96] =	sst s1;
	(tag) =	ssettag s2;
	_ =	strace s9  }
0x27: {  	s1 =	sld [smem:$0x3FA6]  }
0x28: {  	s2 =	sld [smem:$0x3FA7]  }
0x29: {  	s4 =	sld [smem:$0x3FA9]  }
0x2a: {  	p0 =	seq.s32 s5, $0x0;
	s5 =	sld [smem:$0x3FAA]  }
0x2b: {  	s6 =	sld [smem:$0x3FAB]  }
0x2c: {  	s7 =	sld [smem:$0x3FAC]  }
0x2d: {  	s3 =	simm.s32 $0x108;
	s8 =	sld [smem:$0x3FAD]  }
0x2e: {  	s3 =	simm.s32 @!p0 $0x1082;
	s9 =	sld [smem:$0x3FAE]  }
0x2f: {  	lr =	sadd.s32 s0, s3;
	s0 =	sld [smem:$0x3FA5]  }
0x30: {  	s3 =	sld [smem:$0x3FA8]  }
0x31: {  	[smem:$0x3FB1] =	sst s10  }
0x32: {  	s10 =	sld [smem:$0x3FAF];
	_ =	sdelay $0x3  }
0x33: {  	p0 =	seq.s32 s10, $0x1;
	s10 =	sld [smem:$0x3FB1];
	_ =	sdelay $0x3  }
0x34: {  	[smem:$0x3FB1] =	sst s10  }
0x35: {  	s10 =	sld [smem:$0x3FB0];
	_ =	sdelay $0x3  }
0x36: {  	p1 =	seq.s32 s10, $0x1;
	s10 =	sld [smem:$0x3FB1];
	_ =	sdelay $0x3  }
0x37: {  	[smem:$0x3FB1] =	sst s10  }
0x38: {  	s10 =	sld [smem:$0x3FB2]  }
0x39: {  	_ = 	snop;
	(pc) =	sbr.ind lr, $3  }
0x3a: {  	_ = 	snop  }
0x3b: {  	_ = 	snop  }
0x3c: {  	p2 =	seq.s32 s10, $0x1;
	s10 =	sld [smem:$0x3FB1]  }
0x3d: {  	_ =	shalt  }
0x3e: {  	_ =	shalt  }
0x3f: {  	_ =	shalt  }
0x40: {  	_ =	shalt  }
0x41: {  	_ =	shalt  }
0x42: {  	_ =	shalt  }
0x43: {  	_ =	shalt  }
0x44: {  	_ =	shalt  }
0x45: {  	_ =	shalt  }
0x46: {  	_ =	shalt  }
0x47: {  	_ =	shalt  }
0x48: {  	_ =	shalt  }
0x49: {  	_ =	shalt  }
0x4a: {  	_ =	shalt  }
0x4b: {  	_ =	shalt  }
0x4c: {  	_ =	shalt  }
0x4d: {  	_ =	shalt  }
0x4e: {  	_ =	shalt  }
0x4f: {  	_ =	shalt  }
0x50: {  	_ =	shalt  }
0x51: {  	_ =	shalt  }
0x52: {  	_ =	shalt  }
0x53: {  	_ =	shalt  }
0x54: {  	_ =	shalt  }
0x55: {  	_ =	shalt  }
0x56: {  	_ =	shalt  }
0x57: {  	_ =	shalt  }
0x58: {  	_ =	shalt  }
0x59: {  	_ =	shalt  }
0x5a: {  	_ =	shalt  }
0x5b: {  	_ =	shalt  }
0x5c: {  	_ =	shalt  }
0x5d: {  	_ =	shalt  }
0x5e: {  	_ =	shalt  }
0x5f: {  	_ =	shalt  }
0x60: {  	_ =	shalt  }
0x61: {  	_ =	shalt  }
0x62: {  	_ =	shalt  }
0x63: {  	_ =	shalt  }
0x64: {  	_ =	shalt  }
0x65: {  	_ =	shalt  }
0x66: {  	_ =	shalt  }
0x67: {  	_ =	shalt  }
0x68: {  	_ =	shalt  }
0x69: {  	_ =	shalt  }
0x6a: {  	_ =	shalt  }
0x6b: {  	_ =	shalt  }
0x6c: {  	_ =	shalt  }
0x6d: {  	_ =	shalt  }
0x6e: {  	_ =	shalt  }
0x6f: {  	_ =	shalt  }
0x70: {  	_ =	shalt  }
0x71: {  	_ =	shalt  }
0x72: {  	_ =	shalt  }
0x73: {  	_ =	shalt  }
0x74: {  	_ =	shalt  }
0x75: {  	_ =	shalt  }
0x76: {  	_ =	shalt  }
0x77: {  	_ =	shalt  }
0x78: {  	_ =	shalt  }
0x79: {  	_ =	shalt  }
0x7a: {  	_ =	shalt  }
0x7b: {  	_ =	shalt  }
0x7c: {  	_ =	shalt  }
0x7d: {  	_ =	shalt  }
0x7e: {  	_ =	shalt  }
0x7f: {  	_ =	shalt  }
0x80: {  	_ =	shalt  }
0x81: {  	_ =	shalt  }
0x82: {  	_ =	shalt  }
0x83: {  	_ =	shalt  }
0x84: {  	_ =	shalt  }
0x85: {  	_ =	shalt  }
0x86: {  	_ =	shalt  }
0x87: {  	_ =	shalt  }
.Lfunc_end0:
.L_simem_size_0:
called_computation.3_lowered:
.L_overlay_start_0:
0x88: {  	s2 =	sld [smem:$0x3FD9]  }
0x89: {  	s3 =	sld [smem:$0x3FFE];
	_ =	sdelay $0x1  }
0x8a: {  	s1 =	srdreg.scid  }
0x8b: {  	s0 =	sand.u32 $0x1, s1  }
0x8c: {  	s16 =	sshll.u32 s0, $0xA;
	s2 =	sadd.s32 s3, s2  }
0x8d: {  	s2 =	sadd.s32 s2, s16  }
0x8e: {  	[smem:$0x3FBD] =	sst s2  }
0x8f: {  	_ = 	snop  }
0x90: {  	(tm) =	ssettm $0x1  }
0x91: {  	s17 =	sld [smem:$0x3FFB];
	_ =	sdelay $0x3  }
0x92: {  	_ =	strace s17  }
0x93: {  	s2 =	sld [smem:$0x3FFC];
	_ =	sdelay $0x3  }
0x94: {  	_ =	strace s2  }
0x95: {  	s2 =	sld [smem:$0x3FFD];
	_ =	sdelay $0x3  }
0x96: {  	_ =	strace s2  }
0x97: {  	_ =	strace $0x8FFFFFFF  }
0x98: {  	s18 =	sld [smem:$0x3FDB];
	_ =	sdelay $0x1  }
0x99: {  	s19 =	simm.s32 $_scs_section_size  }
0x9a: {  	s4 =	simm.s32 $_size__tile_overlayer_lowered;
	s5 =	simm.s32 $_tile_overlayer_lowered  }
0x9b: {  	s22 =	simm.s32 $0x1BFF;
	s21 =	sshll.u32 s5, $0x1;
	s2 =	sadd.s32 s19, s18  }
0x9c: {  	s6 =	simm.s32 $0x0;
	s20 =	sshll.u32 s4, $0x1;
	s4 =	sadd.s32 s21, s2  }
0x9d: {  	[timem:s6], [sflag:s22] =	dma.local [hbm:s4], s20  }
0x9e: {  	_ =	swait.ge [sflag:s22], s20  }
0x9f: {  	s3 =	ssub.s32 $0x0, s20;
	[sflag:s22] =	ssyncset.done $0x0  }
0xa0: {  	[sflag:s22] =	ssyncadd.s32 s3;
	_ =	sdelay $0x1  }
0xa1: {  	s23 =	simm.s32 $0x1B8B  }
0xa2: {  	_ =	swait.ge [sflag:s23], $0x1  }
0xa3: {  	[sflag:s23] =	ssyncset.done $0x0  }
0xa4: {  	s25 =	simm.s32 $0x1B8E;
	s24 =	sld [smem:$0x3FFE];
	[sflag:s23] =	ssyncadd.s32 $0xFFFFFFFF  }
0xa5: {  	s26 =	simm.s32 $execute0_lowered;
	[smem:$0x3FD2] =	sst s25  }
0xa6: {  	s4 =	sshll.u32 s26, $0x1;
	_ =	strace $0x8000004F;
	[dreg:$0x1] =	wrdreg $0xFFFFFFFF  }
0xa7: {  	s28 =	simm.s32 $_size_execute0_lowered;
	s2 =	sadd.s32 s2, s4;
	[dreg:$0x0] =	wrdreg $0x0  }
0xa8: {  	s4 =	sshll.u32 s28, $0x1;
	[dreg:$0x2] =	wrdreg s2  }
0xa9: {  	[dreg:$0x3] =	wrdreg s4  }
0xaa: {  	[dreg:$0x4] =	wrdreg $0xC0  }
0xab: {  	_ =	task [dreg:s6], $0x5FFFF  }
0xac: {  	[dreg:$0x1] =	wrdreg $0xFFFFFFFF  }
0xad: {  	[dreg:$0x0] =	wrdreg $0x60  }
0xae: {  	[dreg:$0x2] =	wrdreg s24  }
0xaf: {  	[dreg:$0x3] =	wrdreg $0x11000  }
0xb0: {  	[dreg:$0x4] =	wrdreg $0x9  }
0xb1: {  	_ =	task.clear_ibuf [dreg:s6], $0x5FFFF;
	_ =	strace $0x9000004F  }
0xb2: {  	s29 =	simm.s32 $0x9;
	_ =	strace $0x80000051  }
0xb3: {  	_ =	swait.ge [sflag:s29], $0x1  }
0xb4: {  	[sflag:s29] =	ssyncadd.s32 $0xFFFFFFFF  }
0xb5: {  	_ =	strace $0x90000051  }
0xb6: {  	_ =	sfence  }
0xb7: {  	s30 =	sld [smem:$0x0];
	_ =	sdelay $0x2  }
0xb8: {  	s31 =	sshll.u32 s1, $0xD;
	s1 =	sshrl.u32 s1, $0x2  }
0xb9: {  	s3 =	sand.u32 $0x4000, s31;
	s1 =	sadd.s32 s1, s30  }
0xba: {  	s0 =	sor.u32 s3, s0;
	s1 =	sshll.u32 s1, $0x11  }
0xbb: {  	s0 =	sor.u32 s1, s0  }
0xbc: {  	s0 =	sadd.s32 $0x8F2B, s0  }
0xbd: {  	[sflag:s0] =	ssyncadd.remote.s32 $0x1  }
0xbe: {  	_ =	sfence.sel $0xFFFF  }
0xbf: {  	[dreg:$0x0] =	wrdreg $0xFFFFFFFF;
	(pc) =	sbr.abs _section_cstart, $3  }
0xc0: {  	[dreg:$0x1] =	wrdreg $0xFFFFFFFF  }
0xc1: {  	_ =	task.clear_ibuf [dreg:s6], $0x2FFFF;
	_ =	strace $0x9FFFFFFF  }
0xc2: {  	(tm) =	ssettm $0x7FFFFFFF  }
0xc3: {  	_ =	shalt  }
tec
execute0_lowered:
.L_overlay_start_1:
0x0: {  	(tag) =	ssettag $0x1  }
0x1: {  	s1 =	srdreg.scid  }
0x2: {  	s0 =	stileid.u32;
	s5 =	rddreg [dreg:$0x0]  }
0x3: {  	s2 =	rddreg [dreg:$0x1];
	s3 =	simm.s32 $0x0;
	s13 =	simm.s32 $0x80  }
0x4: {  	s14 =	simm.s32 $0x100;
	s15 =	simm.s32 $0x1;
	s4 =	smul.u32 $0x4F00, s0  }
0x5: {  	s6 =	sand.u32 $0x1, s1;
	s1 =	rddreg [dreg:$0x2];
	s8 =	smul.u32 $0x5000, s0  }
0x6: {  	s16 =	simm.s32 $0x0;
	[smem:$0x7FF] =	sst s3;
	s7 =	smul.u32 $0x2780, s6  }
0x7: {  	s31 =	sshll.u32 s0, $0x6;
	s28 =	smul.u32 $0x50000, s6;
	s6 =	ssub.s32 $0x2, s6  }
0x8: {  	_ =	strace $0x80000050;
	s29 =	sshrl.u32 s8, $0x3;
	s30 =	sshrl.u32 s6, $0x1  }
0x9: {  	s12 =	sadd.s32 s8, s2;
	s4 =	sadd.s32 s7, s4;
	s7 =	sadd.s32 s8, s28  }
0xa: {  	s11 =	ssub.s32 s6, s30;
	s6 =	sor.u32 $0x1C02, s31;
	s9 =	sshrl.u32 s4, $0x3  }
0xb: {  	s4 =	sadd.s32 $0xEE00, s5;
	s7 =	sshrl.u32 s7, $0x3;
	s8 =	smax.u32 s11, $0x1  }
0xc: {  	s11 =	sshrl.u32 s12, $0x3;
	s10 =	sadd.s32 s9, s5;
	s9 =	sadd.s32 s29, s5  }
0xd: {  	s12 =	simm.s32 $0x2;
	s7 =	sadd.s32 s7, s5;
	s5 =	sadd.s32 $0x73A00, s9  }
0xe: {  	s7 =	sadd.s32 $0x7DA00, s7;
	s9 =	sadd.s32 $0x19C00, s10;
	s10 =	sadd.s32 $0x5000, s10  }
.LBB2_1:
0xf: {  	[spmem:s11], [sflag:s6] =	dma.local [hbm:s5], $0xA00  }
0x10: {  	_ =	swait.ge [sflag:s12], $0xA00  }
0x11: {  	[sflag:s12] =	ssyncset.done $0x0  }
0x12: {  	[sflag:s12] =	ssyncadd.s32 $0xFFFFF600  }
0x13: {  	s17 =	sadd.s32 $0x0, s10;
	[bflag:$0x0] =	sbarrier.arrive $0xFFFF  }
0x14: {  	[tilespmem:s3], [sflag:$0x2] =	stream.linear.gather [hbm4b:s17+s3], $0x80, $0x38;
	[tilespmem:$0x6100] =	vst v63  }
0x15: {  	_ =	swait.ge [sflag:s12], $0x80  }
0x16: {  	[sflag:s12] =	ssyncset.done $0x0  }
0x17: {  	s31 =	sadd.s32 $0x0, s9;
	[sflag:s12] =	ssyncadd.s32 $0xFFFFFF80  }
0x18: {  	[tilespmem:s13], [sflag:$0x2] =	stream.linear.gather [hbm4b:s31+s3], $0x80, $0x38;
	[tilespmem:$0x6100] =	vst v63  }
0x19: {  	_ =	swait.ge [sflag:s12], $0x80  }
0x1a: {  	[sflag:s12] =	ssyncset.done $0x0  }
0x1b: {  	[sflag:s12] =	ssyncadd.s32 $0xFFFFFF80  }
0x1c: {  	[tilespmem:s14], [sflag:$0x1] =	stream.indirect.gather [hbm4b:s4+s13], $0x20, s3, s13, $0xb8;
	[tilespmem:$0x6100] =	vst v63  }
0x1d: {  	_ =	swait.ge [sflag:s15], $0x1000  }
0x1e: {  	[sflag:s15] =	ssyncset.done $0x0  }
0x1f: {  	[sflag:s15] =	ssyncadd.s32 $0xFFFFF000  }
0x20: {  	[spmem:s2] =	stream.indirect.scatter.add.f32 [tilespmem:s14], [sflag:$0x2], $0x20, s13, s13, $0xb8;
	[tilespmem:$0x6100] =	vst v63  }
0x21: {  	_ =	swait.ge [sflag:s12], $0x1000  }
0x22: {  	s18 =	simm.s32 $0x20;
	s17 =	simm.s32 $0x10;
	[sflag:s12] =	ssyncset.done $0x0  }
.LBB2_2:
0x23: {  	s19 =	sadd.s32 s17, s10  }
0x24: {  	[sflag:s12] =	ssyncadd.s32 $0xFFFFF000;
	s20 =	smov.u32 s18;
	s21 =	sadd.s32 $0x10, s18  }
0x25: {  	[tilespmem:s3], [sflag:$0x2] =	stream.linear.gather [hbm4b:s19+s3], $0x80, $0x38;
	[tilespmem:$0x6100] =	vst v63  }
0x26: {  	p0 =	sne.s32 s18, $0x4E0;
	_ =	swait.ge [sflag:s12], $0x80  }
0x27: {  	[sflag:s12] =	ssyncset.done $0x0  }
0x28: {  	s18 =	sadd.s32 s17, s9;
	s17 =	smov.u32 s20;
	[sflag:s12] =	ssyncadd.s32 $0xFFFFFF80  }
0x29: {  	[tilespmem:s13], [sflag:$0x2] =	stream.linear.gather [hbm4b:s18+s3], $0x80, $0x38;
	[tilespmem:$0x6100] =	vst v63  }
0x2a: {  	_ =	swait.ge [sflag:s12], $0x80  }
0x2b: {  	[sflag:s12] =	ssyncset.done $0x0  }
0x2c: {  	[sflag:s12] =	ssyncadd.s32 $0xFFFFFF80  }
0x2d: {  	[tilespmem:s14], [sflag:$0x1] =	stream.indirect.gather [hbm4b:s4+s13], $0x20, s3, s13, $0xb8;
	[tilespmem:$0x6100] =	vst v63  }
0x2e: {  	_ =	swait.ge [sflag:s15], $0x1000  }
.Ltmp0:
0x2f: {  	[sflag:s15] =	ssyncset.done $0x0;
	(pc) =	sbr.rel @p0 .LBB2_2-.Ltmp0, $4  }
0x30: {  	[sflag:s15] =	ssyncadd.s32 $0xFFFFF000  }
0x31: {  	[spmem:s2] =	stream.indirect.scatter.add.f32 [tilespmem:s14], [sflag:$0x2], $0x20, s13, s13, $0xb8;
	[tilespmem:$0x6100] =	vst v63  }
0x32: {  	_ =	swait.ge [sflag:s12], $0x1000  }
0x33: {  	s18 =	smov.u32 s21;
	[sflag:s12] =	ssyncset.done $0x0  }
0x34: {  	s18 =	sadd.s32 s17, s10;
	[sflag:s12] =	ssyncadd.s32 $0xFFFFF000  }
0x35: {  	[tilespmem:s3], [sflag:$0x2] =	stream.linear.gather [hbm4b:s18+s3], $0x80, $0x38;
	[tilespmem:$0x6100] =	vst v63  }
0x36: {  	_ =	swait.ge [sflag:s12], $0x80  }
0x37: {  	[sflag:s12] =	ssyncset.done $0x0  }
0x38: {  	s31 =	sadd.s32 s17, s9;
	[sflag:s12] =	ssyncadd.s32 $0xFFFFFF80  }
0x39: {  	[tilespmem:s13], [sflag:$0x2] =	stream.linear.gather [hbm4b:s31+s3], $0x80, $0x38;
	[tilespmem:$0x6100] =	vst v63  }
0x3a: {  	_ =	swait.ge [sflag:s12], $0x80  }
0x3b: {  	[sflag:s12] =	ssyncset.done $0x0  }
0x3c: {  	[sflag:s12] =	ssyncadd.s32 $0xFFFFFF80  }
0x3d: {  	[tilespmem:s14], [sflag:$0x1] =	stream.indirect.gather [hbm4b:s4+s13], $0x20, s3, s13, $0xb8;
	[tilespmem:$0x6100] =	vst v63  }
0x3e: {  	_ =	swait.ge [sflag:s15], $0x1000  }
0x3f: {  	[sflag:s15] =	ssyncset.done $0x0  }
0x40: {  	[sflag:s15] =	ssyncadd.s32 $0xFFFFF000  }
0x41: {  	[spmem:s2] =	stream.indirect.scatter.add.f32 [tilespmem:s14], [sflag:$0x2], $0x20, s13, s13, $0xb8;
	[tilespmem:$0x6100] =	vst v63  }
0x42: {  	_ =	swait.ge [sflag:s12], $0x1000  }
0x43: {  	s16 =	sadd.s32 $0x1, s16;
	[sflag:s12] =	ssyncset.done $0x0  }
0x44: {  	p0 =	sne.s32 s16, s8;
	[sflag:s12] =	ssyncadd.s32 $0xFFFFF000  }
.Ltmp1:
0x45: {  	[bflag:$0x0] =	sbarrier.arrive $0xFFFF;
	(pc) =	sbr.rel @p0 .LBB2_1-.Ltmp1, $4  }
0x46: {  	[hbm:s7], [sflag:s6] =	dma.local [spmem:s11], $0xA00  }
0x47: {  	_ =	swait.ge [sflag:s12], $0xA00  }
0x48: {  	[sflag:s12] =	ssyncset.done $0x0  }
0x49: {  	[sflag:s12] =	ssyncadd.s32 $0xFFFFF600  }
0x4a: {  	_ =	sfence.sel $0x180000  }
0x4b: {  	[bflag:$0x0] =	sbarrier.arrive $0xFFFF  }
0x4c: {  	p0 =	sne.s32 s0, $0x0;
	_ =	strace $0x90000050  }
0x4d: {  	s0 =	sadd.s32 @!p0 $0x100000, s1;
	[bflag:$0x2] =	sbarrier.arrive $0xFFFF  }
0x4e: {  	[sflag:s0] =	ssyncadd.tile.s32 @!p0 $0x1;
	_ =	shalt  }
.Lfunc_end2:
_tile_overlayer_lowered:
.L_overlay_start_2:
0x4f: {  	(tag) =	ssettag $0x2  }
0x50: {  	s0 =	rddreg [dreg:$0x0];
	s2 =	stileid.u32  }
0x51: {  	s1 =	rddreg [dreg:$0x1];
	p0 =	sne.s32 s2, $0x0  }
0x52: {  	s3 =	rddreg [dreg:$0x2];
	[bflag:$0x3] =	sbarrier.arrive $0xFFFF;
	s2 =	simm.s32 @!p0 $0x1C02  }
0x53: {  	[timem:s3], [sflag:s2] =	dma.local @!p0 [hbm:s0], s1  }
0x54: {  	s0 =	simm.s32 @!p0 $0x2  }
0x55: {  	_ =	swait.ge @!p0 [sflag:s0], s1  }
0x56: {  	s1 =	ssub.s32 @!p0 $0x0, s1;
	[sflag:s0] =	ssyncset.done @!p0 $0x0  }
0x57: {  	[sflag:s0] =	ssyncadd.s32 @!p0 s1  }
0x58: {  	[bflag:$0x3] =	sbarrier.arrive $0xFFFF  }
0x59: {  	_ =	shalt  }

// kernel: kernel.30.cloned.1.call-start
scs
__scs_entry_jumppad:
0x0: {  	(pc) =	sbr.rel $0x88, $3  }
0x1: {  	(tag) =	ssettag $0x0;
	lr =	simm.s32 $0x1  }
0x2: {  	[smem:$0x3F96] =	sst lr;
	_ =	strace $0xD0000000  }
0x3: {  	_ = 	snop  }
0x4: {  	_ = 	snop  }
0x5: {  	_ = 	snop  }
0x6: {  	_ = 	snop  }
0x7: {  	_ = 	snop  }
__scs_overlays_trampoline_lowered:
0x8: {  	[smem:$0x3FA5] =	sst s0  }
0x9: {  	[smem:$0x3FA6] =	sst s1  }
0xa: {  	[smem:$0x3FA7] =	sst s2  }
0xb: {  	[smem:$0x3FA8] =	sst s3  }
0xc: {  	[smem:$0x3FA9] =	sst s4  }
0xd: {  	[smem:$0x3FAA] =	sst s5  }
0xe: {  	[smem:$0x3FAB] =	sst s6  }
0xf: {  	[smem:$0x3FAC] =	sst s7  }
0x10: {  	[smem:$0x3FAD] =	sst s8  }
0x11: {  	[smem:$0x3FAE] =	sst s9;
	s0 =	simm.s32 @!p0 $0x0  }
0x12: {  	s1 =	sld [smem:$0x3F94];
	s0 =	simm.s32 @p0 $0x1  }
0x13: {  	[smem:$0x3FAF] =	sst s0;
	s0 =	simm.s32 @!p1 $0x0  }
0x14: {  	s2 =	sld [smem:$0x3F93];
	s0 =	simm.s32 @p1 $0x1  }
0x15: {  	[smem:$0x3FB0] =	sst s0;
	s0 =	simm.s32 @!p2 $0x0  }
0x16: {  	s3 =	sld [smem:$0x3FDB];
	s0 =	simm.s32 @p2 $0x1  }
0x17: {  	s4 =	simm.s32 $0x1BF5;
	[smem:$0x3FB2] =	sst s0  }
0x18: {  	s0 =	sld [smem:$0x3F95];
	_ =	swait.ge [sflag:s4], $0x0  }
0x19: {  	s7 =	sld [smem:$0x3F96]  }
0x1a: {  	s8 =	sadd.s32 $0xFFFFE003, lr  }
0x1b: {  	s9 =	sadd.s32 $0xFFFFFEF7, lr;
	s5 =	simm.s32 $0xFFFFFFFF;
	p2 =	slt.u32 s8, $0xFFFFF086  }
0x1c: {  	p1 =	slt.u32 s9, $0xF7A;
	s5 =	simm.s32 @!p2 $0x0  }
0x1d: {  	s5 =	simm.s32 @p1 $0x1;
	p0 =	seq.s32 s7, s2  }
0x1e: {  	s7 =	smul.u32 @!p0 $0xF7A, s2;
	p2 =	seq.s32 @!p0 s5, $0x0  }
0x1f: {  	s9 =	smul.u32 $0xF7A, s1;
	s8 =	simm.s32 @!p0 $0x1BF5;
	p2 =	por !p2, p0  }
0x20: {  	[sflag:s8] =	ssyncset.s32 @!p0 $0xFFFFF086;
	s6 =	sadd.s32 @!p0 s3, s7;
	s7 =	simm.s32 @!p0 $0x108  }
0x21: {  	s3 =	sadd.s32 s3, s9;
	s6 =	sadd.s32 @!p0 $0x88, s6;
	s7 =	simm.s32 @p2 $0x1082  }
0x22: {  	[simem:s7], [sflag:s8] =	dma.local @!p0 [hbm:s6], $0xF7A  }
0x23: {  	s9 =	sor.u32 $0xD0000000, s2;
	s6 =	simm.s32 $0x108;
	_ =	swait.ge @!p0 [sflag:s8], $0x0  }
0x24: {  	s3 =	sadd.s32 $0x88, s3;
	s6 =	simm.s32 @!p1 $0x1082;
	[sflag:s4] =	ssyncset.s32 $0xFFFFF086  }
0x25: {  	[simem:s6], [sflag:s4] =	dma.local [hbm:s3], $0xF7A  }
0x26: {  	[smem:$0x3F96] =	sst s1;
	(tag) =	ssettag s2;
	_ =	strace s9  }
0x27: {  	s1 =	sld [smem:$0x3FA6]  }
0x28: {  	s2 =	sld [smem:$0x3FA7]  }
0x29: {  	s4 =	sld [smem:$0x3FA9]  }
0x2a: {  	p0 =	seq.s32 s5, $0x0;
	s5 =	sld [smem:$0x3FAA]  }
0x2b: {  	s6 =	sld [smem:$0x3FAB]  }
0x2c: {  	s7 =	sld [smem:$0x3FAC]  }
0x2d: {  	s3 =	simm.s32 $0x108;
	s8 =	sld [smem:$0x3FAD]  }
0x2e: {  	s3 =	simm.s32 @!p0 $0x1082;
	s9 =	sld [smem:$0x3FAE]  }
0x2f: {  	lr =	sadd.s32 s0, s3;
	s0 =	sld [smem:$0x3FA5]  }
0x30: {  	s3 =	sld [smem:$0x3FA8]  }
0x31: {  	[smem:$0x3FB1] =	sst s10  }
0x32: {  	s10 =	sld [smem:$0x3FAF];
	_ =	sdelay $0x3  }
0x33: {  	p0 =	seq.s32 s10, $0x1;
	s10 =	sld [smem:$0x3FB1];
	_ =	sdelay $0x3  }
0x34: {  	[smem:$0x3FB1] =	sst s10  }
0x35: {  	s10 =	sld [smem:$0x3FB0];
	_ =	sdelay $0x3  }
0x36: {  	p1 =	seq.s32 s10, $0x1;
	s10 =	sld [smem:$0x3FB1];
	_ =	sdelay $0x3  }
0x37: {  	[smem:$0x3FB1] =	sst s10  }
0x38: {  	s10 =	sld [smem:$0x3FB2]  }
0x39: {  	_ = 	snop;
	(pc) =	sbr.ind lr, $3  }
0x3a: {  	_ = 	snop  }
0x3b: {  	_ = 	snop  }
0x3c: {  	p2 =	seq.s32 s10, $0x1;
	s10 =	sld [smem:$0x3FB1]  }
0x3d: {  	_ =	shalt  }
0x3e: {  	_ =	shalt  }
0x3f: {  	_ =	shalt  }
0x40: {  	_ =	shalt  }
0x41: {  	_ =	shalt  }
0x42: {  	_ =	shalt  }
0x43: {  	_ =	shalt  }
0x44: {  	_ =	shalt  }
0x45: {  	_ =	shalt  }
0x46: {  	_ =	shalt  }
0x47: {  	_ =	shalt  }
0x48: {  	_ =	shalt  }
0x49: {  	_ =	shalt  }
0x4a: {  	_ =	shalt  }
0x4b: {  	_ =	shalt  }
0x4c: {  	_ =	shalt  }
0x4d: {  	_ =	shalt  }
0x4e: {  	_ =	shalt  }
0x4f: {  	_ =	shalt  }
0x50: {  	_ =	shalt  }
0x51: {  	_ =	shalt  }
0x52: {  	_ =	shalt  }
0x53: {  	_ =	shalt  }
0x54: {  	_ =	shalt  }
0x55: {  	_ =	shalt  }
0x56: {  	_ =	shalt  }
0x57: {  	_ =	shalt  }
0x58: {  	_ =	shalt  }
0x59: {  	_ =	shalt  }
0x5a: {  	_ =	shalt  }
0x5b: {  	_ =	shalt  }
0x5c: {  	_ =	shalt  }
0x5d: {  	_ =	shalt  }
0x5e: {  	_ =	shalt  }
0x5f: {  	_ =	shalt  }
0x60: {  	_ =	shalt  }
0x61: {  	_ =	shalt  }
0x62: {  	_ =	shalt  }
0x63: {  	_ =	shalt  }
0x64: {  	_ =	shalt  }
0x65: {  	_ =	shalt  }
0x66: {  	_ =	shalt  }
0x67: {  	_ =	shalt  }
0x68: {  	_ =	shalt  }
0x69: {  	_ =	shalt  }
0x6a: {  	_ =	shalt  }
0x6b: {  	_ =	shalt  }
0x6c: {  	_ =	shalt  }
0x6d: {  	_ =	shalt  }
0x6e: {  	_ =	shalt  }
0x6f: {  	_ =	shalt  }
0x70: {  	_ =	shalt  }
0x71: {  	_ =	shalt  }
0x72: {  	_ =	shalt  }
0x73: {  	_ =	shalt  }
0x74: {  	_ =	shalt  }
0x75: {  	_ =	shalt  }
0x76: {  	_ =	shalt  }
0x77: {  	_ =	shalt  }
0x78: {  	_ =	shalt  }
0x79: {  	_ =	shalt  }
0x7a: {  	_ =	shalt  }
0x7b: {  	_ =	shalt  }
0x7c: {  	_ =	shalt  }
0x7d: {  	_ =	shalt  }
0x7e: {  	_ =	shalt  }
0x7f: {  	_ =	shalt  }
0x80: {  	_ =	shalt  }
0x81: {  	_ =	shalt  }
0x82: {  	_ =	shalt  }
0x83: {  	_ =	shalt  }
0x84: {  	_ =	shalt  }
0x85: {  	_ =	shalt  }
0x86: {  	_ =	shalt  }
0x87: {  	_ =	shalt  }
.Lfunc_end0:
.L_simem_size_0:
called_computation.4_lowered:
.L_overlay_start_0:
0x88: {  	s2 =	sld [smem:$0x3FD9]  }
0x89: {  	s3 =	sld [smem:$0x3FFE];
	_ =	sdelay $0x1  }
0x8a: {  	s1 =	srdreg.scid  }
0x8b: {  	s0 =	sand.u32 $0x1, s1  }
0x8c: {  	s16 =	sshll.u32 s0, $0xA;
	s2 =	sadd.s32 s3, s2  }
0x8d: {  	s2 =	sadd.s32 s2, s16  }
0x8e: {  	[smem:$0x3FBD] =	sst s2  }
0x8f: {  	_ = 	snop  }
0x90: {  	(tm) =	ssettm $0x1  }
0x91: {  	s17 =	sld [smem:$0x3FFB];
	_ =	sdelay $0x3  }
0x92: {  	_ =	strace s17  }
0x93: {  	s2 =	sld [smem:$0x3FFC];
	_ =	sdelay $0x3  }
0x94: {  	_ =	strace s2  }
0x95: {  	s2 =	sld [smem:$0x3FFD];
	_ =	sdelay $0x3  }
0x96: {  	_ =	strace s2  }
0x97: {  	_ =	strace $0x8FFFFFFF  }
0x98: {  	s18 =	sld [smem:$0x3FDB];
	_ =	sdelay $0x1  }
0x99: {  	s19 =	simm.s32 $_scs_section_size  }
0x9a: {  	s4 =	simm.s32 $_size__tile_overlayer_lowered;
	s5 =	simm.s32 $_tile_overlayer_lowered  }
0x9b: {  	s22 =	simm.s32 $0x1BFF;
	s21 =	sshll.u32 s5, $0x1;
	s2 =	sadd.s32 s19, s18  }
0x9c: {  	s6 =	simm.s32 $0x0;
	s20 =	sshll.u32 s4, $0x1;
	s4 =	sadd.s32 s21, s2  }
0x9d: {  	[timem:s6], [sflag:s22] =	dma.local [hbm:s4], s20  }
0x9e: {  	_ =	swait.ge [sflag:s22], s20  }
0x9f: {  	s3 =	ssub.s32 $0x0, s20;
	[sflag:s22] =	ssyncset.done $0x0  }
0xa0: {  	[sflag:s22] =	ssyncadd.s32 s3;
	_ =	sdelay $0x1  }
0xa1: {  	s23 =	simm.s32 $0x1B8B  }
0xa2: {  	_ =	swait.ge [sflag:s23], $0x1  }
0xa3: {  	[sflag:s23] =	ssyncset.done $0x0  }
0xa4: {  	s25 =	simm.s32 $0x1B8E;
	s24 =	sld [smem:$0x3FFE];
	[sflag:s23] =	ssyncadd.s32 $0xFFFFFFFF  }
0xa5: {  	s26 =	simm.s32 $execute0_lowered;
	[smem:$0x3FD2] =	sst s25  }
0xa6: {  	s4 =	sshll.u32 s26, $0x1;
	_ =	strace $0x80000052;
	[dreg:$0x1] =	wrdreg $0xFFFFFFFF  }
0xa7: {  	s28 =	simm.s32 $_size_execute0_lowered;
	s2 =	sadd.s32 s2, s4;
	[dreg:$0x0] =	wrdreg $0x0  }
0xa8: {  	s4 =	sshll.u32 s28, $0x1;
	[dreg:$0x2] =	wrdreg s2  }
0xa9: {  	[dreg:$0x3] =	wrdreg s4  }
0xaa: {  	[dreg:$0x4] =	wrdreg $0xC0  }
0xab: {  	_ =	task [dreg:s6], $0x5FFFF  }
0xac: {  	[dreg:$0x1] =	wrdreg $0xFFFFFFFF  }
0xad: {  	[dreg:$0x0] =	wrdreg $0x60  }
0xae: {  	[dreg:$0x2] =	wrdreg s24  }
0xaf: {  	[dreg:$0x3] =	wrdreg $0xAA00  }
0xb0: {  	[dreg:$0x4] =	wrdreg $0x9  }
0xb1: {  	_ =	task.clear_ibuf [dreg:s6], $0x5FFFF;
	_ =	strace $0x90000052  }
0xb2: {  	s29 =	simm.s32 $0x9;
	_ =	strace $0x80000054  }
0xb3: {  	_ =	swait.ge [sflag:s29], $0x1  }
0xb4: {  	[sflag:s29] =	ssyncadd.s32 $0xFFFFFFFF  }
0xb5: {  	_ =	strace $0x90000054  }
0xb6: {  	_ =	sfence  }
0xb7: {  	s30 =	sld [smem:$0x0];
	_ =	sdelay $0x2  }
0xb8: {  	s31 =	sshll.u32 s1, $0xD;
	s1 =	sshrl.u32 s1, $0x2  }
0xb9: {  	s3 =	sand.u32 $0x4000, s31;
	s1 =	sadd.s32 s1, s30  }
0xba: {  	s0 =	sor.u32 s3, s0;
	s1 =	sshll.u32 s1, $0x11  }
0xbb: {  	s0 =	sor.u32 s1, s0  }
0xbc: {  	s0 =	sadd.s32 $0x8F2B, s0  }
0xbd: {  	[sflag:s0] =	ssyncadd.remote.s32 $0x1  }
0xbe: {  	_ =	sfence.sel $0xFFFF  }
0xbf: {  	[dreg:$0x0] =	wrdreg $0xFFFFFFFF;
	(pc) =	sbr.abs _section_cstart, $3  }
0xc0: {  	[dreg:$0x1] =	wrdreg $0xFFFFFFFF  }
0xc1: {  	_ =	task.clear_ibuf [dreg:s6], $0x2FFFF;
	_ =	strace $0x9FFFFFFF  }
0xc2: {  	(tm) =	ssettm $0x7FFFFFFF  }
0xc3: {  	_ =	shalt  }
tec
execute0_lowered:
.L_overlay_start_1:
0x0: {  	(tag) =	ssettag $0x1  }
0x1: {  	s4 =	rddreg [dreg:$0x0]  }
0x2: {  	s1 =	rddreg [dreg:$0x1]  }
0x3: {  	s3 =	simm.s32 $0x0;
	s2 =	stileid.u32;
	s5 =	srdreg.scid  }
0x4: {  	[smem:$0x7FF] =	sst s3;
	s21 =	sadd.s32 $0x4BA00, s4;
	s22 =	sadd.s32 $0x55A00, s4  }
0x5: {  	s24 =	smul.u32 $0x4B00, s2;
	s5 =	sand.u32 $0x1, s5;
	s23 =	sadd.s32 $0x5000, s4  }
0x6: {  	s13 =	sadd.s32 $0x18E00, s4;
	s14 =	sadd.s32 $0xF000, s4;
	s8 =	sshll.u32 s2, $0x1  }
0x7: {  	s6 =	smul.u32 $0x4B000, s5;
	s9 =	ssub.s32 $0x2, s5;
	s5 =	sor.u32 s5, s8  }
0x8: {  	_ =	strace $0x80000053;
	s7 =	sshrl.u32 s24, $0x3;
	s15 =	smul.u32 $0x140, s5  }
0x9: {  	s0 =	sshrl.u32 s9, $0x1;
	s12 =	smul.u32 $0x500, s5;
	s6 =	sadd.s32 s24, s6  }
0xa: {  	s7 =	sadd.s32 s7, s4;
	s26 =	ssub.s32 s9, s0;
	s6 =	sshrl.u32 s6, $0x3  }
0xb: {  	s10 =	sadd.s32 $0x73A00, s7;
	s11 =	sshrl.u32 s15, $0x3;
	s16 =	sadd.s32 $0x50, s15  }
0xc: {  	s7 =	sadd.s32 s22, s12;
	s8 =	sadd.s32 s23, s12;
	s17 =	sadd.s32 $0x80, s15  }
0xd: {  	s18 =	sadd.s32 $0x90, s15;
	s19 =	sadd.s32 $0xC0, s15;
	s28 =	sadd.s32 $0xF0, s15  }
0xe: {  	s25 =	sadd.s32 s6, s4;
	[dreg:$0x3] =	wrdreg s10;
	s4 =	sadd.s32 s13, s11  }
0xf: {  	s5 =	sadd.s32 s14, s11;
	s6 =	sadd.s32 s21, s12;
	s10 =	sshrl.u32 s16, $0x3  }
0x10: {  	s11 =	sadd.s32 $0x60, s15;
	s12 =	sadd.s32 $0x70, s15;
	p0 =	slt.u32 s17, $0x2710  }
0x11: {  	s17 =	sadd.s32 $0xA0, s15;
	p4 =	slt.u32 s18, $0x2710;
	s18 =	sadd.s32 $0xB0, s15  }
0x12: {  	s9 =	sadd.s32 s13, s10;
	s10 =	sadd.s32 s14, s10;
	s0 =	simm.s32 @!p0 $0x0  }
0x13: {  	p2 =	slt.u32 s11, $0x2710;
	s0 =	simm.s32 @p0 $0x1;
	p0 =	slt.u32 s18, $0x2710  }
0x14: {  	p3 =	slt.u32 s12, $0x2710;
	[smem:$0x7F7] =	sst s0;
	s0 =	simm.s32 @!p0 $0x0  }
0x15: {  	s12 =	sshrl.u32 s17, $0x3;
	s0 =	simm.s32 @p0 $0x1;
	p0 =	slt.u32 s19, $0x2710  }
0x16: {  	s11 =	sadd.s32 s13, s12;
	[smem:$0x7F8] =	sst s0;
	s0 =	simm.s32 @!p0 $0x0  }
0x17: {  	s12 =	sadd.s32 s14, s12;
	s19 =	sadd.s32 $0xE0, s15;
	s0 =	simm.s32 @p0 $0x1  }
0x18: {  	p0 =	slt.u32 s19, $0x2710;
	[smem:$0x7F9] =	sst s0;
	s0 =	sshrl.u32 s28, $0x3  }
0x19: {  	s13 =	sadd.s32 s13, s0;
	s14 =	sadd.s32 s14, s0;
	s0 =	simm.s32 @!p0 $0x0  }
0x1a: {  	s0 =	simm.s32 @p0 $0x1  }
0x1b: {  	s20 =	sadd.s32 $0xD0, s15;
	[smem:$0x7FA] =	sst s0;
	s0 =	sadd.s32 $0x110, s15  }
0x1c: {  	p6 =	slt.u32 s20, $0x2710;
	p0 =	slt.u32 s0, $0x2710  }
0x1d: {  	s20 =	sadd.s32 $0x100, s15;
	s18 =	sadd.s32 $0x120, s15;
	s0 =	simm.s32 @!p0 $0x0  }
0x1e: {  	p5 =	slt.u32 s20, $0x2710;
	s0 =	simm.s32 @p0 $0x1;
	p0 =	slt.u32 s18, $0x2710  }
0x1f: {  	s20 =	sadd.s32 $0x130, s15;
	[smem:$0x7FB] =	sst s0;
	s0 =	simm.s32 @!p0 $0x0  }
0x20: {  	s0 =	simm.s32 @p0 $0x1;
	p0 =	slt.u32 s20, $0x2710  }
0x21: {  	[smem:$0x7FC] =	sst s0;
	s0 =	simm.s32 @!p0 $0x0  }
0x22: {  	s0 =	simm.s32 @p0 $0x1  }
0x23: {  	[smem:$0x7FD] =	sst s0  }
0x24: {  	s0 =	sld [smem:$0x7F7]  }
0x25: {  	vm0 =	vmxor vm0, vm0  }
0x26: {  	vm2 =	vmmov vm0  }
0x27: {  	vm2 =	vmneg @p2 vm2;
	p2 =	seq.s32 s0, $0x1;
	s0 =	sld [smem:$0x7F8];
	_ =	sdelay $0x1  }
0x28: {  	vm6 =	vmmov vm0;
	p0 =	slt.u32 s17, $0x2710  }
0x29: {  	vm6 =	vmneg @p0 vm6;
	p0 =	seq.s32 s0, $0x1;
	s0 =	sld [smem:$0x7F9];
	_ =	sdelay $0x1  }
0x2a: {  	vm7 =	vmmov vm0  }
0x2b: {  	vm7 =	vmneg @p0 vm7;
	p0 =	seq.s32 s0, $0x1;
	s0 =	sld [smem:$0x7FA];
	_ =	sdelay $0x1  }
0x2c: {  	vm8 =	vmmov vm0  }
0x2d: {  	vm8 =	vmneg @p0 vm8;
	p0 =	seq.s32 s0, $0x1;
	s0 =	sld [smem:$0x7FB]  }
0x2e: {  	s30 =	simm.s32 $0x50  }
0x2f: {  	s31 =	simm.s32 $0xA0;
	s29 =	sshll.u32 s2, $0x6;
	vm10 =	vmmov vm0;
	s26 =	smax.u32 s26, $0x1  }
0x30: {  	vm1 =	vmmov vm0;
	p1 =	slt.u32 s16, $0x2710;
	vm10 =	vmneg @p0 vm10;
	p0 =	seq.s32 s0, $0x1;
	s0 =	sld [smem:$0x7FC]  }
0x31: {  	v0 =	vimm.s32 $0x0;
	vm1 =	vmneg @p1 vm1;
	p1 =	slt.u32 s28, $0x2710;
	s25 =	sadd.s32 $0x5FA00, s25;
	s19 =	sshll.u32 s16, $0x2  }
0x32: {  	vm3 =	vmmov vm0;
	vm4 =	vmmov vm0;
	vm13 =	vmmov vm0;
	s16 =	sadd.s32 s22, s19;
	s28 =	sshll.u32 s28, $0x2;
	s15 =	sadd.s32 s21, s19  }
0x33: {  	vm5 =	vmmov vm0;
	vm9 =	vmmov vm0;
	s20 =	sshll.u32 s17, $0x2;
	vm13 =	vmneg @p0 vm13;
	p0 =	seq.s32 s0, $0x1;
	s0 =	sld [smem:$0x7FD]  }
0x34: {  	vm11 =	vmmov vm0;
	vm12 =	vmmov vm0;
	vm14 =	vmmov vm0;
	s18 =	sadd.s32 s21, s20;
	s21 =	sadd.s32 s21, s28;
	s17 =	sadd.s32 s23, s19  }
0x35: {  	vm5 =	vmneg @p4 vm5;
	vm9 =	vmneg @p6 vm9;
	v0 =	vsel vm1, $0xFFFFFFFF, v0;
	s19 =	sadd.s32 s22, s20;
	s20 =	sadd.s32 s23, s20;
	s22 =	sadd.s32 s22, s28  }
0x36: {  	vm3 =	vmneg @p3 vm3;
	vm11 =	vmneg @p1 vm11;
	s23 =	sadd.s32 s23, s28;
	s28 =	sadd.s32 s24, s1;
	vm14 =	vmneg @p0 vm14;
	p0 =	seq.s32 s0, $0x1  }
0x37: {  	vm12 =	vmneg @p5 vm12;
	[tilespmem:$0x1FFF0] =	vst v0;
	s24 =	sor.u32 $0x1C01, s29;
	s29 =	simm.s32 $0x1;
	s28 =	sshrl.u32 s28, $0x3;
	vm4 =	vmneg @p2 vm4;
	vm0 =	vmneg @p0 vm0  }
.LBB2_1:
0x38: {  	s0 =	rddreg [dreg:$0x3]  }
0x39: {  	[spmem:s28], [sflag:s24] =	dma.local [hbm:s0], $0x960  }
0x3a: {  	_ =	swait.ge [sflag:s29], $0x960  }
0x3b: {  	[sflag:s29] =	ssyncset.done $0x0  }
0x3c: {  	[sflag:s29] =	ssyncadd.s32 $0xFFFFF6A0  }
0x3d: {  	[bflag:$0x0] =	sbarrier.arrive $0xFFFF  }
0x3e: {  	[tilespmem:s3], [sflag:$0x1] =	stream.linear.gather [hbm4b:s4+s3], $0x50, $0x38;
	[tilespmem:$0x55C0] =	vst v63  }
0x3f: {  	_ =	swait.ge [sflag:s29], $0x50  }
0x40: {  	[sflag:s29] =	ssyncset.done $0x0  }
0x41: {  	[sflag:s29] =	ssyncadd.s32 $0xFFFFFFB0  }
0x42: {  	[tilespmem:s30], [sflag:$0x1] =	stream.linear.gather [hbm4b:s5+s3], $0x50, $0x38;
	[tilespmem:$0x55C0] =	vst v63  }
0x43: {  	_ =	swait.ge [sflag:s29], $0x50  }
0x44: {  	[sflag:s29] =	ssyncset.done $0x0  }
0x45: {  	[sflag:s29] =	ssyncadd.s32 $0xFFFFFFB0  }
0x46: {  	v0 =	vld [tilespmem:$0x0]  }
0x47: {  	v1 =	vld [tilespmem:$0x50]  }
0x48: {  	v2 =	vld [tilespmem:$0x10]  }
0x49: {  	v3 =	vld [tilespmem:$0x60]  }
0x4a: {  	v4 =	vld [tilespmem:$0x20]  }
0x4b: {  	v5 =	vld [tilespmem:$0x70]  }
0x4c: {  	v9 =	vld [tilespmem:$0x90]  }
0x4d: {  	v8 =	vld [tilespmem:$0x80]  }
0x4e: {  	v40 =	vld [tilespmem:$0x40]  }
0x4f: {  	v6 =	vld [tilespmem:$0x30];
	v7 =	vshll.u32 v1, $0x6  }
0x50: {  	v39 =	vshll.u32 v3, $0x6;
	vm15 =	vlt.s32 v1, $0x32;
	v42 =	vshll.u32 v5, $0x6  }
0x51: {  	v44 =	vshll.u32 v9, $0x6;
	v0 =	vadd.s32 v0, v7;
	v2 =	vadd.s32 v2, v39  }
0x52: {  	v0 =	vmul.u32 $0x3, v0;
	v41 =	vmul.u32 $0x3, v2;
	v2 =	vadd.s32 v4, v42  }
0x53: {  	v43 =	vshll.u32 v8, $0x6;
	v46 =	vadd.s32 v40, v44;
	v2 =	vmul.u32 $0x3, v2  }
0x54: {  	v0 =	vnsel vm15, $0x2580, v0;
	vm15 =	vlt.s32 v3, $0x32;
	v3 =	vadd.s32 v6, v43  }
0x55: {  	v1 =	vnsel vm15, $0x2580, v41;
	[tilespmem:$0x50] =	vst v0;
	vm15 =	vlt.s32 v5, $0x32;
	v45 =	vmul.u32 $0x3, v3  }
0x56: {  	v48 =	vmul.u32 $0x3, v46;
	[tilespmem:$0x60] =	vst v1;
	v47 =	vnsel vm15, $0x2580, v2;
	vm15 =	vlt.s32 v8, $0x32  }
0x57: {  	[tilespmem:$0x70] =	vst v47;
	v0 =	vnsel vm15, $0x2580, v45;
	vm15 =	vlt.s32 v9, $0x32  }
0x58: {  	[tilespmem:$0x80] =	vst v0;
	v49 =	vnsel vm15, $0x2580, v48  }
0x59: {  	[tilespmem:$0x90] =	vst v49  }
0x5a: {  	[tilespmem:s31], [sflag:$0x1] =	stream.linear.gather [hbm4b:s6+s3], $0xA00, $0x38;
	[tilespmem:$0x55C0] =	vst v63  }
0x5b: {  	_ =	swait.ge [sflag:s29], $0xA00  }
0x5c: {  	[sflag:s29] =	ssyncset.done $0x0  }
0x5d: {  	[sflag:s29] =	ssyncadd.s32 $0xFFFFF600  }
0x5e: {  	[spmem:s1] =	stream.indirect.scatter.add.f32 [tilespmem:s31], [sflag:$0x1], $0x20, s30, s30, $0xb8;
	[tilespmem:$0x55C0] =	vst v63  }
0x5f: {  	_ =	swait.ge [sflag:s29], $0xA00  }
0x60: {  	[sflag:s29] =	ssyncset.done $0x0  }
0x61: {  	[sflag:s29] =	ssyncadd.s32 $0xFFFFF600  }
0x62: {  	[tilespmem:s31], [sflag:$0x1] =	stream.linear.gather [hbm4b:s7+s3], $0xA00, $0x38;
	[tilespmem:$0x55C0] =	vst v63  }
0x63: {  	_ =	swait.ge [sflag:s29], $0xA00  }
0x64: {  	[sflag:s29] =	ssyncset.done $0x0  }
0x65: {  	[sflag:s29] =	ssyncadd.s32 $0xFFFFF600  }
0x66: {  	v50 =	vld [tilespmem:$0x50]  }
0x67: {  	v51 =	vld [tilespmem:$0x60]  }
0x68: {  	v52 =	vld [tilespmem:$0x70]  }
0x69: {  	v53 =	vld [tilespmem:$0x80]  }
0x6a: {  	v54 =	vld [tilespmem:$0x90]  }
0x6b: {  	v0 =	vadd.s32 $0x1, v50  }
0x6c: {  	v55 =	vadd.s32 $0x1, v51;
	[tilespmem:$0x50] =	vst v0  }
0x6d: {  	v56 =	vadd.s32 $0x1, v52;
	[tilespmem:$0x60] =	vst v55  }
0x6e: {  	v57 =	vadd.s32 $0x1, v53;
	[tilespmem:$0x70] =	vst v56  }
0x6f: {  	v58 =	vadd.s32 $0x1, v54;
	[tilespmem:$0x80] =	vst v57  }
0x70: {  	[tilespmem:$0x90] =	vst v58  }
0x71: {  	[spmem:s1] =	stream.indirect.scatter.add.f32 [tilespmem:s31], [sflag:$0x1], $0x20, s30, s30, $0xb8;
	[tilespmem:$0x55C0] =	vst v63  }
0x72: {  	_ =	swait.ge [sflag:s29], $0xA00  }
0x73: {  	[sflag:s29] =	ssyncset.done $0x0  }
0x74: {  	[sflag:s29] =	ssyncadd.s32 $0xFFFFF600  }
0x75: {  	[tilespmem:s31], [sflag:$0x1] =	stream.linear.gather [hbm4b:s8+s3], $0xA00, $0x38;
	[tilespmem:$0x55C0] =	vst v63  }
0x76: {  	_ =	swait.ge [sflag:s29], $0xA00  }
0x77: {  	[sflag:s29] =	ssyncset.done $0x0  }
0x78: {  	[sflag:s29] =	ssyncadd.s32 $0xFFFFF600  }
0x79: {  	v59 =	vld [tilespmem:$0x50]  }
0x7a: {  	v60 =	vld [tilespmem:$0x60]  }
0x7b: {  	v61 =	vld [tilespmem:$0x70]  }
0x7c: {  	v62 =	vld [tilespmem:$0x80]  }
0x7d: {  	v63 =	vld [tilespmem:$0x90]  }
0x7e: {  	v0 =	vadd.s32 $0x1, v59  }
0x7f: {  	v8 =	vadd.s32 $0x1, v60;
	[tilespmem:$0x50] =	vst v0  }
0x80: {  	v9 =	vadd.s32 $0x1, v61;
	[tilespmem:$0x60] =	vst v8  }
0x81: {  	v10 =	vadd.s32 $0x1, v62;
	[tilespmem:$0x70] =	vst v9  }
0x82: {  	v11 =	vadd.s32 $0x1, v63;
	[tilespmem:$0x80] =	vst v10  }
0x83: {  	[tilespmem:$0x90] =	vst v11  }
0x84: {  	[spmem:s1] =	stream.indirect.scatter.add.f32 [tilespmem:s31], [sflag:$0x1], $0x20, s30, s30, $0xb8;
	[tilespmem:$0x55C0] =	vst v63  }
0x85: {  	_ =	swait.ge [sflag:s29], $0xA00  }
0x86: {  	[sflag:s29] =	ssyncset.done $0x0  }
0x87: {  	[sflag:s29] =	ssyncadd.s32 $0xFFFFF600  }
0x88: {  	[tilespmem:s3], [sflag:$0x1] =	stream.linear.gather [hbm4b:s9+s3], $0x50, $0x38;
	[tilespmem:$0x55C0] =	vst v63  }
0x89: {  	_ =	swait.ge [sflag:s29], $0x50  }
0x8a: {  	[sflag:s29] =	ssyncset.done $0x0  }
0x8b: {  	[sflag:s29] =	ssyncadd.s32 $0xFFFFFFB0  }
0x8c: {  	[tilespmem:s30], [sflag:$0x1] =	stream.linear.gather [hbm4b:s10+s3], $0x50, $0x38;
	[tilespmem:$0x55C0] =	vst v63  }
0x8d: {  	_ =	swait.ge [sflag:s29], $0x50  }
0x8e: {  	[sflag:s29] =	ssyncset.done $0x0  }
0x8f: {  	v21 =	vld [tilespmem:$0x1FFF0];
	[sflag:s29] =	ssyncadd.s32 $0xFFFFFFB0  }
0x90: {  	v12 =	vld [tilespmem:$0x0]  }
0x91: {  	v13 =	vld [tilespmem:$0x50]  }
0x92: {  	v15 =	vld [tilespmem:$0x60]  }
0x93: {  	v16 =	vld [tilespmem:$0x70]  }
0x94: {  	v20 =	vld [tilespmem:$0x80]  }
0x95: {  	v23 =	vld [tilespmem:$0x90]  }
0x96: {  	v14 =	vld [tilespmem:$0x10]  }
0x97: {  	v17 =	vld [tilespmem:$0x20]  }
0x98: {  	v19 =	vld [tilespmem:$0x30];
	vm1 =	vnez.u8 v21  }
0x99: {  	v18 =	vshll.u32 v13, $0x6;
	vm15 =	vlt.s32 v13, $0x32;
	v22 =	vshll.u32 v15, $0x6  }
0x9a: {  	v25 =	vld [tilespmem:$0x40];
	v24 =	vshll.u32 v16, $0x6;
	v26 =	vshll.u32 v20, $0x6;
	v27 =	vshll.u32 v23, $0x6  }
0x9b: {  	v0 =	vadd.s32 v12, v18;
	vm15 =	vmand vm1, vm15;
	vm1 =	vlt.s32 v15, $0x32  }
0x9c: {  	v2 =	vadd.s32 v14, v22;
	v3 =	vadd.s32 v17, v24;
	v0 =	vmul.u32 $0x3, v0  }
0x9d: {  	v4 =	vadd.s32 v19, v26;
	v2 =	vmul.u32 $0x3, v2;
	vm1 =	vmand vm2, vm1  }
0x9e: {  	v3 =	vmul.u32 $0x3, v3;
	v0 =	vnsel vm15, $0x2580, v0;
	vm15 =	vlt.s32 v16, $0x32  }
0x9f: {  	v29 =	vadd.s32 v25, v27;
	v2 =	vnsel vm1, $0x2580, v2;
	vm1 =	vmand vm3, vm15  }
0xa0: {  	v28 =	vmul.u32 $0x3, v4;
	[tilespmem:$0x50] =	vst v0;
	v3 =	vnsel vm1, $0x2580, v3;
	vm1 =	vlt.s32 v20, $0x32  }
0xa1: {  	v1 =	vmul.u32 $0x3, v29;
	[tilespmem:$0x60] =	vst v2;
	vm15 =	vlt.s32 v23, $0x32;
	vm1 =	vmand vm4, vm1  }
0xa2: {  	[tilespmem:$0x70] =	vst v3;
	v0 =	vnsel vm1, $0x2580, v28;
	vm1 =	vmand vm5, vm15  }
0xa3: {  	[tilespmem:$0x80] =	vst v0;
	v30 =	vnsel vm1, $0x2580, v1  }
0xa4: {  	[tilespmem:$0x90] =	vst v30  }
0xa5: {  	[tilespmem:s31], [sflag:$0x1] =	stream.linear.gather [hbm4b:s15+s3], $0xA00, $0x38;
	[tilespmem:$0x55C0] =	vst v63  }
0xa6: {  	_ =	swait.ge [sflag:s29], $0xA00  }
0xa7: {  	[sflag:s29] =	ssyncset.done $0x0  }
0xa8: {  	[sflag:s29] =	ssyncadd.s32 $0xFFFFF600  }
0xa9: {  	[spmem:s1] =	stream.indirect.scatter.add.f32 [tilespmem:s31], [sflag:$0x1], $0x20, s30, s30, $0xb8;
	[tilespmem:$0x55C0] =	vst v63  }
0xaa: {  	_ =	swait.ge [sflag:s29], $0xA00  }
0xab: {  	[sflag:s29] =	ssyncset.done $0x0  }
0xac: {  	[sflag:s29] =	ssyncadd.s32 $0xFFFFF600  }
0xad: {  	[tilespmem:s31], [sflag:$0x1] =	stream.linear.gather [hbm4b:s16+s3], $0xA00, $0x38;
	[tilespmem:$0x55C0] =	vst v63  }
0xae: {  	_ =	swait.ge [sflag:s29], $0xA00  }
0xaf: {  	[sflag:s29] =	ssyncset.done $0x0  }
0xb0: {  	[sflag:s29] =	ssyncadd.s32 $0xFFFFF600  }
0xb1: {  	v31 =	vld [tilespmem:$0x50]  }
0xb2: {  	v32 =	vld [tilespmem:$0x60]  }
0xb3: {  	v33 =	vld [tilespmem:$0x70]  }
0xb4: {  	v34 =	vld [tilespmem:$0x80]  }
0xb5: {  	v35 =	vld [tilespmem:$0x90]  }
0xb6: {  	v0 =	vadd.s32 $0x1, v31  }
0xb7: {  	v36 =	vadd.s32 $0x1, v32;
	[tilespmem:$0x50] =	vst v0  }
0xb8: {  	v37 =	vadd.s32 $0x1, v33;
	[tilespmem:$0x60] =	vst v36  }
0xb9: {  	v38 =	vadd.s32 $0x1, v34;
	[tilespmem:$0x70] =	vst v37  }
0xba: {  	v39 =	vadd.s32 $0x1, v35;
	[tilespmem:$0x80] =	vst v38  }
0xbb: {  	[tilespmem:$0x90] =	vst v39  }
0xbc: {  	[spmem:s1] =	stream.indirect.scatter.add.f32 [tilespmem:s31], [sflag:$0x1], $0x20, s30, s30, $0xb8;
	[tilespmem:$0x55C0] =	vst v63  }
0xbd: {  	_ =	swait.ge [sflag:s29], $0xA00  }
0xbe: {  	[sflag:s29] =	ssyncset.done $0x0  }
0xbf: {  	[sflag:s29] =	ssyncadd.s32 $0xFFFFF600  }
0xc0: {  	[tilespmem:s31], [sflag:$0x1] =	stream.linear.gather [hbm4b:s17+s3], $0xA00, $0x38;
	[tilespmem:$0x55C0] =	vst v63  }
0xc1: {  	_ =	swait.ge [sflag:s29], $0xA00  }
0xc2: {  	[sflag:s29] =	ssyncset.done $0x0  }
0xc3: {  	[sflag:s29] =	ssyncadd.s32 $0xFFFFF600  }
0xc4: {  	v40 =	vld [tilespmem:$0x50]  }
0xc5: {  	v41 =	vld [tilespmem:$0x60]  }
0xc6: {  	v42 =	vld [tilespmem:$0x70]  }
0xc7: {  	v43 =	vld [tilespmem:$0x80]  }
0xc8: {  	v44 =	vld [tilespmem:$0x90]  }
0xc9: {  	v0 =	vadd.s32 $0x1, v40  }
0xca: {  	v45 =	vadd.s32 $0x1, v41;
	[tilespmem:$0x50] =	vst v0  }
0xcb: {  	v46 =	vadd.s32 $0x1, v42;
	[tilespmem:$0x60] =	vst v45  }
0xcc: {  	v47 =	vadd.s32 $0x1, v43;
	[tilespmem:$0x70] =	vst v46  }
0xcd: {  	v48 =	vadd.s32 $0x1, v44;
	[tilespmem:$0x80] =	vst v47  }
0xce: {  	[tilespmem:$0x90] =	vst v48  }
0xcf: {  	[spmem:s1] =	stream.indirect.scatter.add.f32 [tilespmem:s31], [sflag:$0x1], $0x20, s30, s30, $0xb8;
	[tilespmem:$0x55C0] =	vst v63  }
0xd0: {  	_ =	swait.ge [sflag:s29], $0xA00  }
0xd1: {  	[sflag:s29] =	ssyncset.done $0x0  }
0xd2: {  	[sflag:s29] =	ssyncadd.s32 $0xFFFFF600  }
0xd3: {  	[tilespmem:s3], [sflag:$0x1] =	stream.linear.gather [hbm4b:s11+s3], $0x50, $0x38;
	[tilespmem:$0x55C0] =	vst v63  }
0xd4: {  	_ =	swait.ge [sflag:s29], $0x50  }
0xd5: {  	[sflag:s29] =	ssyncset.done $0x0  }
0xd6: {  	[sflag:s29] =	ssyncadd.s32 $0xFFFFFFB0  }
0xd7: {  	[tilespmem:s30], [sflag:$0x1] =	stream.linear.gather [hbm4b:s12+s3], $0x50, $0x38;
	[tilespmem:$0x55C0] =	vst v63  }
0xd8: {  	_ =	swait.ge [sflag:s29], $0x50  }
0xd9: {  	[sflag:s29] =	ssyncset.done $0x0  }
0xda: {  	[sflag:s29] =	ssyncadd.s32 $0xFFFFFFB0  }
0xdb: {  	v49 =	vld [tilespmem:$0x0]  }
0xdc: {  	v50 =	vld [tilespmem:$0x50]  }
0xdd: {  	v51 =	vld [tilespmem:$0x10]  }
0xde: {  	v52 =	vld [tilespmem:$0x60]  }
0xdf: {  	v53 =	vld [tilespmem:$0x70]  }
0xe0: {  	v57 =	vld [tilespmem:$0x80]  }
0xe1: {  	v59 =	vld [tilespmem:$0x90]  }
0xe2: {  	v54 =	vld [tilespmem:$0x20]  }
0xe3: {  	v56 =	vld [tilespmem:$0x30]  }
0xe4: {  	v55 =	vshll.u32 v50, $0x6;
	vm1 =	vlt.s32 v50, $0x32;
	v58 =	vshll.u32 v52, $0x6  }
0xe5: {  	v61 =	vld [tilespmem:$0x40];
	vm15 =	vlt.s32 v52, $0x32;
	v60 =	vshll.u32 v53, $0x6;
	v62 =	vshll.u32 v57, $0x6  }
0xe6: {  	v63 =	vshll.u32 v59, $0x6;
	v0 =	vadd.s32 v49, v55;
	vm1 =	vmand vm6, vm1  }
0xe7: {  	v2 =	vadd.s32 v51, v58;
	v3 =	vadd.s32 v54, v60;
	v0 =	vmul.u32 $0x3, v0  }
0xe8: {  	v4 =	vadd.s32 v56, v62;
	v2 =	vmul.u32 $0x3, v2;
	v3 =	vmul.u32 $0x3, v3  }
0xe9: {  	v0 =	vnsel vm1, $0x2580, v0;
	vm1 =	vmand vm7, vm15;
	vm15 =	vlt.s32 v53, $0x32  }
0xea: {  	v6 =	vadd.s32 v61, v63;
	v2 =	vnsel vm1, $0x2580, v2;
	vm1 =	vmand vm8, vm15  }
0xeb: {  	v4 =	vmul.u32 $0x3, v4;
	[tilespmem:$0x50] =	vst v0;
	v3 =	vnsel vm1, $0x2580, v3;
	vm1 =	vlt.s32 v57, $0x32  }
0xec: {  	v1 =	vmul.u32 $0x3, v6;
	vm15 =	vlt.s32 v59, $0x32;
	[tilespmem:$0x60] =	vst v2;
	vm1 =	vmand vm9, vm1  }
0xed: {  	[tilespmem:$0x70] =	vst v3;
	v0 =	vnsel vm1, $0x2580, v4;
	vm1 =	vmand vm10, vm15  }
0xee: {  	[tilespmem:$0x80] =	vst v0;
	v7 =	vnsel vm1, $0x2580, v1  }
0xef: {  	[tilespmem:$0x90] =	vst v7  }
0xf0: {  	[tilespmem:s31], [sflag:$0x1] =	stream.linear.gather [hbm4b:s18+s3], $0xA00, $0x38;
	[tilespmem:$0x55C0] =	vst v63  }
0xf1: {  	_ =	swait.ge [sflag:s29], $0xA00  }
0xf2: {  	[sflag:s29] =	ssyncset.done $0x0  }
0xf3: {  	[sflag:s29] =	ssyncadd.s32 $0xFFFFF600  }
0xf4: {  	[spmem:s1] =	stream.indirect.scatter.add.f32 [tilespmem:s31], [sflag:$0x1], $0x20, s30, s30, $0xb8;
	[tilespmem:$0x55C0] =	vst v63  }
0xf5: {  	_ =	swait.ge [sflag:s29], $0xA00  }
0xf6: {  	[sflag:s29] =	ssyncset.done $0x0  }
0xf7: {  	[sflag:s29] =	ssyncadd.s32 $0xFFFFF600  }
0xf8: {  	[tilespmem:s31], [sflag:$0x1] =	stream.linear.gather [hbm4b:s19+s3], $0xA00, $0x38;
	[tilespmem:$0x55C0] =	vst v63  }
0xf9: {  	_ =	swait.ge [sflag:s29], $0xA00  }
0xfa: {  	[sflag:s29] =	ssyncset.done $0x0  }
0xfb: {  	[sflag:s29] =	ssyncadd.s32 $0xFFFFF600  }
0xfc: {  	v8 =	vld [tilespmem:$0x50]  }
0xfd: {  	v9 =	vld [tilespmem:$0x60]  }
0xfe: {  	v10 =	vld [tilespmem:$0x70]  }
0xff: {  	v11 =	vld [tilespmem:$0x80]  }
0x100: {  	v12 =	vld [tilespmem:$0x90]  }
0x101: {  	v0 =	vadd.s32 $0x1, v8  }
0x102: {  	v13 =	vadd.s32 $0x1, v9;
	[tilespmem:$0x50] =	vst v0  }
0x103: {  	v14 =	vadd.s32 $0x1, v10;
	[tilespmem:$0x60] =	vst v13  }
0x104: {  	v15 =	vadd.s32 $0x1, v11;
	[tilespmem:$0x70] =	vst v14  }
0x105: {  	v16 =	vadd.s32 $0x1, v12;
	[tilespmem:$0x80] =	vst v15  }
0x106: {  	[tilespmem:$0x90] =	vst v16  }
0x107: {  	[spmem:s1] =	stream.indirect.scatter.add.f32 [tilespmem:s31], [sflag:$0x1], $0x20, s30, s30, $0xb8;
	[tilespmem:$0x55C0] =	vst v63  }
0x108: {  	_ =	swait.ge [sflag:s29], $0xA00  }
0x109: {  	[sflag:s29] =	ssyncset.done $0x0  }
0x10a: {  	[sflag:s29] =	ssyncadd.s32 $0xFFFFF600  }
0x10b: {  	[tilespmem:s31], [sflag:$0x1] =	stream.linear.gather [hbm4b:s20+s3], $0xA00, $0x38;
	[tilespmem:$0x55C0] =	vst v63  }
0x10c: {  	_ =	swait.ge [sflag:s29], $0xA00  }
0x10d: {  	[sflag:s29] =	ssyncset.done $0x0  }
0x10e: {  	[sflag:s29] =	ssyncadd.s32 $0xFFFFF600  }
0x10f: {  	v17 =	vld [tilespmem:$0x50]  }
0x110: {  	v18 =	vld [tilespmem:$0x60]  }
0x111: {  	v19 =	vld [tilespmem:$0x70]  }
0x112: {  	v20 =	vld [tilespmem:$0x80]  }
0x113: {  	v21 =	vld [tilespmem:$0x90]  }
0x114: {  	v0 =	vadd.s32 $0x1, v17  }
0x115: {  	v22 =	vadd.s32 $0x1, v18;
	[tilespmem:$0x50] =	vst v0  }
0x116: {  	v23 =	vadd.s32 $0x1, v19;
	[tilespmem:$0x60] =	vst v22  }
0x117: {  	v24 =	vadd.s32 $0x1, v20;
	[tilespmem:$0x70] =	vst v23  }
0x118: {  	v25 =	vadd.s32 $0x1, v21;
	[tilespmem:$0x80] =	vst v24  }
0x119: {  	[tilespmem:$0x90] =	vst v25  }
0x11a: {  	[spmem:s1] =	stream.indirect.scatter.add.f32 [tilespmem:s31], [sflag:$0x1], $0x20, s30, s30, $0xb8;
	[tilespmem:$0x55C0] =	vst v63  }
0x11b: {  	_ =	swait.ge [sflag:s29], $0xA00  }
0x11c: {  	[sflag:s29] =	ssyncset.done $0x0  }
0x11d: {  	[sflag:s29] =	ssyncadd.s32 $0xFFFFF600  }
0x11e: {  	[tilespmem:s3], [sflag:$0x1] =	stream.linear.gather [hbm4b:s13+s3], $0x50, $0x38;
	[tilespmem:$0x55C0] =	vst v63  }
0x11f: {  	_ =	swait.ge [sflag:s29], $0x50  }
0x120: {  	[sflag:s29] =	ssyncset.done $0x0  }
0x121: {  	[sflag:s29] =	ssyncadd.s32 $0xFFFFFFB0  }
0x122: {  	[tilespmem:s30], [sflag:$0x1] =	stream.linear.gather [hbm4b:s14+s3], $0x50, $0x38;
	[tilespmem:$0x55C0] =	vst v63  }
0x123: {  	_ =	swait.ge [sflag:s29], $0x50  }
0x124: {  	[sflag:s29] =	ssyncset.done $0x0  }
0x125: {  	[sflag:s29] =	ssyncadd.s32 $0xFFFFFFB0  }
0x126: {  	v26 =	vld [tilespmem:$0x0]  }
0x127: {  	v27 =	vld [tilespmem:$0x50]  }
0x128: {  	v28 =	vld [tilespmem:$0x60]  }
0x129: {  	v29 =	vld [tilespmem:$0x10]  }
0x12a: {  	v30 =	vld [tilespmem:$0x20]  }
0x12b: {  	v31 =	vld [tilespmem:$0x70]  }
0x12c: {  	v35 =	vld [tilespmem:$0x80]  }
0x12d: {  	v37 =	vld [tilespmem:$0x90]  }
0x12e: {  	v33 =	vld [tilespmem:$0x30]  }
0x12f: {  	v38 =	vld [tilespmem:$0x40]  }
0x130: {  	v32 =	vshll.u32 v27, $0x6;
	v34 =	vshll.u32 v28, $0x6;
	vm1 =	vlt.s32 v27, $0x32  }
0x131: {  	vm15 =	vlt.s32 v28, $0x32;
	v39 =	vshll.u32 v31, $0x6;
	v40 =	vshll.u32 v35, $0x6  }
0x132: {  	v41 =	vshll.u32 v37, $0x6;
	v0 =	vadd.s32 v26, v32;
	v36 =	vadd.s32 v29, v34  }
0x133: {  	vm1 =	vmand vm11, vm1;
	v4 =	vadd.s32 v30, v39;
	v0 =	vmul.u32 $0x3, v0  }
0x134: {  	v5 =	vadd.s32 v33, v40;
	v42 =	vadd.s32 v38, v41;
	v1 =	vmul.u32 $0x3, v36  }
0x135: {  	v4 =	vmul.u32 $0x3, v4;
	v0 =	vnsel vm1, $0x2580, v0;
	vm1 =	vmand vm12, vm15  }
0x136: {  	v44 =	vmul.u32 $0x3, v5;
	vm15 =	vlt.s32 v31, $0x32;
	v1 =	vnsel vm1, $0x2580, v1  }
0x137: {  	vm1 =	vlt.s32 v35, $0x32;
	vm15 =	vmand vm13, vm15;
	[tilespmem:$0x50] =	vst v0;
	v0 =	vmul.u32 $0x3, v42  }
0x138: {  	v43 =	vnsel vm15, $0x2580, v4;
	[tilespmem:$0x60] =	vst v1;
	vm1 =	vmand vm14, vm1;
	vm15 =	vlt.s32 v37, $0x32  }
0x139: {  	v45 =	vnsel vm1, $0x2580, v44;
	[tilespmem:$0x70] =	vst v43;
	vm1 =	vmand vm0, vm15  }
0x13a: {  	[tilespmem:$0x80] =	vst v45;
	v0 =	vnsel vm1, $0x2580, v0  }
0x13b: {  	[tilespmem:$0x90] =	vst v0  }
0x13c: {  	[tilespmem:s31], [sflag:$0x1] =	stream.linear.gather [hbm4b:s21+s3], $0xA00, $0x38;
	[tilespmem:$0x55C0] =	vst v63  }
0x13d: {  	_ =	swait.ge [sflag:s29], $0xA00  }
0x13e: {  	[sflag:s29] =	ssyncset.done $0x0  }
0x13f: {  	[sflag:s29] =	ssyncadd.s32 $0xFFFFF600  }
0x140: {  	[spmem:s1] =	stream.indirect.scatter.add.f32 [tilespmem:s31], [sflag:$0x1], $0x20, s30, s30, $0xb8;
	[tilespmem:$0x55C0] =	vst v63  }
0x141: {  	_ =	swait.ge [sflag:s29], $0xA00  }
0x142: {  	[sflag:s29] =	ssyncset.done $0x0  }
0x143: {  	[sflag:s29] =	ssyncadd.s32 $0xFFFFF600  }
0x144: {  	[tilespmem:s31], [sflag:$0x1] =	stream.linear.gather [hbm4b:s22+s3], $0xA00, $0x38;
	[tilespmem:$0x55C0] =	vst v63  }
0x145: {  	_ =	swait.ge [sflag:s29], $0xA00  }
0x146: {  	[sflag:s29] =	ssyncset.done $0x0  }
0x147: {  	[sflag:s29] =	ssyncadd.s32 $0xFFFFF600  }
0x148: {  	v46 =	vld [tilespmem:$0x50]  }
0x149: {  	v47 =	vld [tilespmem:$0x60]  }
0x14a: {  	v48 =	vld [tilespmem:$0x70]  }
0x14b: {  	v49 =	vld [tilespmem:$0x80]  }
0x14c: {  	v50 =	vld [tilespmem:$0x90]  }
0x14d: {  	v0 =	vadd.s32 $0x1, v46  }
0x14e: {  	v51 =	vadd.s32 $0x1, v47;
	[tilespmem:$0x50] =	vst v0  }
0x14f: {  	v52 =	vadd.s32 $0x1, v48;
	[tilespmem:$0x60] =	vst v51  }
0x150: {  	v53 =	vadd.s32 $0x1, v49;
	[tilespmem:$0x70] =	vst v52  }
0x151: {  	v54 =	vadd.s32 $0x1, v50;
	[tilespmem:$0x80] =	vst v53  }
0x152: {  	[tilespmem:$0x90] =	vst v54  }
0x153: {  	[spmem:s1] =	stream.indirect.scatter.add.f32 [tilespmem:s31], [sflag:$0x1], $0x20, s30, s30, $0xb8;
	[tilespmem:$0x55C0] =	vst v63  }
0x154: {  	_ =	swait.ge [sflag:s29], $0xA00  }
0x155: {  	[sflag:s29] =	ssyncset.done $0x0  }
0x156: {  	[sflag:s29] =	ssyncadd.s32 $0xFFFFF600  }
0x157: {  	[tilespmem:s31], [sflag:$0x1] =	stream.linear.gather [hbm4b:s23+s3], $0xA00, $0x38;
	[tilespmem:$0x55C0] =	vst v63  }
0x158: {  	_ =	swait.ge [sflag:s29], $0xA00  }
0x159: {  	[sflag:s29] =	ssyncset.done $0x0  }
0x15a: {  	[sflag:s29] =	ssyncadd.s32 $0xFFFFF600  }
0x15b: {  	v55 =	vld [tilespmem:$0x50]  }
0x15c: {  	v56 =	vld [tilespmem:$0x60]  }
0x15d: {  	v57 =	vld [tilespmem:$0x70]  }
0x15e: {  	v58 =	vld [tilespmem:$0x80]  }
0x15f: {  	v59 =	vld [tilespmem:$0x90]  }
0x160: {  	v0 =	vadd.s32 $0x1, v55  }
0x161: {  	v60 =	vadd.s32 $0x1, v56;
	[tilespmem:$0x50] =	vst v0  }
0x162: {  	v61 =	vadd.s32 $0x1, v57;
	[tilespmem:$0x60] =	vst v60  }
0x163: {  	v62 =	vadd.s32 $0x1, v58;
	[tilespmem:$0x70] =	vst v61  }
0x164: {  	v63 =	vadd.s32 $0x1, v59;
	[tilespmem:$0x80] =	vst v62  }
0x165: {  	[tilespmem:$0x90] =	vst v63  }
0x166: {  	[spmem:s1] =	stream.indirect.scatter.add.f32 [tilespmem:s31], [sflag:$0x1], $0x20, s30, s30, $0xb8;
	[tilespmem:$0x55C0] =	vst v63  }
0x167: {  	_ =	swait.ge [sflag:s29], $0xA00  }
0x168: {  	[sflag:s29] =	ssyncset.done $0x0  }
0x169: {  	p0 =	sne.s32 s26, $0x1;
	[sflag:s29] =	ssyncadd.s32 $0xFFFFF600  }
.Ltmp0:
0x16a: {  	[bflag:$0x0] =	sbarrier.arrive $0xFFFF;
	(pc) =	sbr.rel @p0 .LBB2_1-.Ltmp0, $4  }
0x16b: {  	[hbm:s25], [sflag:s24] =	dma.local [spmem:s28], $0x960  }
0x16c: {  	_ =	swait.ge [sflag:s29], $0x960  }
0x16d: {  	[sflag:s29] =	ssyncset.done $0x0  }
0x16e: {  	s26 =	sadd.s32 $0xFFFFFFFF, s26;
	[sflag:s29] =	ssyncadd.s32 $0xFFFFF6A0  }
0x16f: {  	_ =	sfence.sel $0x180000  }
0x170: {  	[bflag:$0x0] =	sbarrier.arrive $0xFFFF  }
0x171: {  	_ =	strace $0x90000053  }
0x172: {  	[bflag:$0x2] =	sbarrier.arrive $0xFFFF  }
0x173: {  	p0 =	sne.s32 s2, $0x0;
	s0 =	rddreg [dreg:$0x2]  }
0x174: {  	s0 =	sadd.s32 @!p0 $0x100000, s0  }
0x175: {  	[sflag:s0] =	ssyncadd.tile.s32 @!p0 $0x1;
	_ =	shalt  }
.Lfunc_end2:
_tile_overlayer_lowered:
.L_overlay_start_2:
0x176: {  	(tag) =	ssettag $0x2  }
0x177: {  	s0 =	rddreg [dreg:$0x0];
	s2 =	stileid.u32  }
0x178: {  	s1 =	rddreg [dreg:$0x1];
	p0 =	sne.s32 s2, $0x0  }
0x179: {  	s3 =	rddreg [dreg:$0x2];
	[bflag:$0x3] =	sbarrier.arrive $0xFFFF;
	s2 =	simm.s32 @!p0 $0x1C01  }
0x17a: {  	[timem:s3], [sflag:s2] =	dma.local @!p0 [hbm:s0], s1  }
0x17b: {  	s0 =	simm.s32 @!p0 $0x1  }
0x17c: {  	_ =	swait.ge @!p0 [sflag:s0], s1  }
0x17d: {  	s1 =	ssub.s32 @!p0 $0x0, s1;
	[sflag:s0] =	ssyncset.done @!p0 $0x0  }
0x17e: {  	[sflag:s0] =	ssyncadd.s32 @!p0 s1  }
0x17f: {  	[bflag:$0x3] =	sbarrier.arrive $0xFFFF  }
0x180: {  	_ =	shalt  }

</sc_bundles>
